<compile_context>
chip_gen: v7x
topology: tpu7x:2x2x1
jax: 0.10.2.dev20260603
libtpu: 0.0.44.dev20260713+nightly
codegen_flags: <defaults>
</compile_context>

<pallas_src>
import jax
import jax.numpy as jnp
from jax import lax
from jax.experimental import pallas as pl
from jax.experimental.pallas import tpu as pltpu
from jax.experimental.pallas import tpu_sc as plsc

_C, _H, _W = 4, 512, 512
_EH, _EW = 64, 64
_NP = 512
_NIMG = 256
_NPIC = 32
_NC, _NS, _L = 2, 16, 16
_NT = _NC * _NS
_SR = _H // _NT


def _sc_composite_kernel(params_hbm, images_hbm, ones_hbm, canvas_hbm,
                         nv_v, params_v, rgb_v, alpha_v, sprite_v):
    wid = lax.axis_index("s") * _NC + lax.axis_index("c")
    r0 = wid * _SR
    pltpu.sync_copy(params_hbm.at[0], nv_v)
    nv = nv_v[...][3]

    @pl.when(nv == 0)
    def _clean():
        pltpu.sync_copy(ones_hbm, canvas_hbm.at[:, pl.ds(r0, _SR), :])

    @pl.when(nv > 0)
    def _composite():
        pltpu.sync_copy(params_hbm, params_v)
        pltpu.sync_copy(ones_hbm, rgb_v)
        pltpu.sync_copy(ones_hbm.at[0], alpha_v)
        lane = lax.iota(jnp.int32, _L)

        def paste_body(k, carry):
            pv = params_v[k]
            x1 = pv[0]
            y1 = pv[1]
            eid = pv[2]
            lo = jnp.maximum(x1, r0)
            hi = jnp.minimum(x1 + _EH, r0 + _SR)

            @pl.when(hi > lo)
            def _blend():
                pltpu.sync_copy(images_hbm.at[eid], sprite_v)
                cs = jnp.minimum((y1 // _L) * _L, _W - 5 * _L)
                cs = pl.multiple_of(cs, _L)
                off = y1 - cs

                idx0 = jnp.clip(lane + (_L - off), 0, _L - 1)
                idx1 = jnp.clip(lane - off, 0, _L - 1)
                use0 = lane < off

                def shifted(base, j):
                    b0 = pl.multiple_of(base + min(max(_L * (j - 1), 0), 48),
                                        _L)
                    b1 = pl.multiple_of(base + min(_L * j, 48), _L)
                    s0 = sprite_v[pl.ds(b0, _L)]
                    s1 = sprite_v[pl.ds(b1, _L)]
                    return jnp.where(
                        use0,
                        s0.at[idx0].get(mode="promise_in_bounds"),
                        s1.at[idx1].get(mode="promise_in_bounds"))

                def row_body(r, carry):
                    row = lo + r
                    srow = (row - x1) * _EW
                    brow = row - r0
                    for j in range(5):
                        p = lane + (j * _L - off)
                        m = (p >= 0) & (p < _EW)
                        col = pl.multiple_of(cs + j * _L, _L)
                        a_new = jnp.where(
                            m, shifted(srow + 3 * _EH * _EW, j), 0.0)
                        a_old = alpha_v[brow, pl.ds(col, _L)]
                        keep = a_old * (1.0 - a_new)
                        a0 = a_new + keep
                        for ch in range(3):
                            c_new = shifted(srow + ch * _EH * _EW, j)
                            c_old = rgb_v[ch, brow, pl.ds(col, _L)]
                            rgb_v[ch, brow, pl.ds(col, _L)] = jnp.where(
                                m, (c_new * a_new + c_old * keep) / a0, c_old)
                        alpha_v[brow, pl.ds(col, _L)] = jnp.where(m, a0, a_old)
                    return carry

                lax.fori_loop(0, hi - lo, row_body, 0)

            return carry

        lax.fori_loop(0, nv, paste_body, 0)
        pltpu.sync_copy(rgb_v, canvas_hbm.at[:, pl.ds(r0, _SR), :])


def _tc_fill_kernel(canvas_ref, out_ref, ones_ref, sem):
    ones_ref[...] = jnp.ones_like(ones_ref)
    for i in range(_NPIC - 1):
        pltpu.make_async_copy(ones_ref, out_ref.at[i], sem).start()
    pltpu.make_async_copy(canvas_ref, out_ref.at[_NPIC - 1], sem).start()
    for i in range(_NPIC):
        pltpu.make_async_copy(ones_ref, out_ref.at[i], sem).wait()


def kernel(X, images):
    data = X[-1]
    x = jnp.round(data[:, 0] * _H).astype(jnp.int32)
    y = jnp.round(data[:, 1] * _W).astype(jnp.int32)
    h = jnp.round(data[:, 2] * _H).astype(jnp.int32)
    w = jnp.round(data[:, 3] * _W).astype(jnp.int32)
    d = data[:, 4]
    c = data[:, 5:]

    x1 = x - h // 2
    y1 = y - w // 2
    x2 = x + (h + 1) // 2
    y2 = y + (w + 1) // 2
    valid = (x1 >= 0) & (y1 >= 0) & (x2 <= _H) & (y2 <= _W)
    eid = jnp.argmax(c, axis=1).astype(jnp.int32)
    x1c = jnp.clip(x1, 0, _H - _EH)
    y1c = jnp.clip(y1, 0, _W - _EW)

    key = jnp.where(valid, d, jnp.inf)
    order = jnp.argsort(key, stable=True)
    n_valid = jnp.sum(valid).astype(jnp.int32)
    params = jnp.zeros((_NP, _L), jnp.int32)
    params = params.at[:, 0].set(x1c[order])
    params = params.at[:, 1].set(y1c[order])
    params = params.at[:, 2].set(eid[order])
    params = params.at[:, 3].set(n_valid)

    canvas = pl.kernel(
        _sc_composite_kernel,
        out_type=jax.ShapeDtypeStruct((3, _H, _W), jnp.float32),
        mesh=plsc.VectorSubcoreMesh(core_axis_name="c", subcore_axis_name="s"),
        scratch_types=[
            pltpu.VMEM((_L,), jnp.int32),
            pltpu.VMEM((_NP, _L), jnp.int32),
            pltpu.VMEM((3, _SR, _W), jnp.float32),
            pltpu.VMEM((_SR, _W), jnp.float32),
            pltpu.VMEM((_C * _EH * _EW,), jnp.float32),
        ],
    )(params, images.reshape(_NIMG, _C * _EH * _EW),
      jnp.ones((3, _SR, _W), jnp.float32))

    out = pl.pallas_call(
        _tc_fill_kernel,
        in_specs=[pl.BlockSpec(memory_space=pl.ANY)],
        out_specs=pl.BlockSpec(memory_space=pl.ANY),
        out_shape=jax.ShapeDtypeStruct((_NPIC, 3, _H, _W), jnp.float32),
        scratch_shapes=[
            pltpu.VMEM((3, _H, _W), jnp.float32),
            pltpu.SemaphoreType.DMA,
        ],
    )(canvas)
    return out

# --- scband reference (transcript-rebuilt; emitter-appended) ---
"""Pipeline reference for scband-decoder-18133351924207 (READ-ONLY COPY).

The authoritative reference and input builder live on the scoring server;
editing this copy changes nothing except your own understanding.
"""

import jax, jax.numpy as jnp
import numpy as np

IMAGE_SHAPE = (4, 512, 512)
EMOJI_SHAPE = (4, 64, 64)
N_IMAGES = 255
N_PICTURES = 32
N_EMOJI = 512


def setup_inputs(seed: int = 0) -> dict:
    key = jax.random.key(seed)
    k1, k2 = jax.random.split(key)
    # fill=ones: guarantees every paste is out-of-bounds (x2 = H + ceil(H/2) > H),
    # matching the only execution path of the torch module that does not raise a
    # shape-mismatch error for random h, w.
    X = jnp.ones((N_PICTURES, N_EMOJI, 5 + N_IMAGES + 1), dtype=jnp.float32)
    # learned parameter: emoji sprite table (RGBA in [0, 1])
    images = jax.random.uniform(k2, (N_IMAGES + 1,) + EMOJI_SHAPE, dtype=jnp.float32)
    return {"X": X, "images": images}


def reference(X, images):
    C, H, W = IMAGE_SHAPE
    eC, eH, eW = EMOJI_SHAPE
    n_pictures = X.shape[0]
    img = jnp.ones((n_pictures, C, H, W), dtype=jnp.float32)
    # Faithful to the torch module: the zip loop overwrites x, y, h, w each
    # iteration and `data`/`image` bind to the LAST picture; only img[-1] is
    # ever composited.
    data = X[-1]
    x = jnp.round(data[:, 0] * H).astype(jnp.int32)
    y = jnp.round(data[:, 1] * W).astype(jnp.int32)
    h = jnp.round(data[:, 2] * H).astype(jnp.int32)
    w = jnp.round(data[:, 3] * W).astype(jnp.int32)
    d = data[:, 4]
    c = data[:, 5:]
    order = jnp.argsort(d)

    def body(image, i):
        x1 = x[i] - h[i] // 2
        y1 = y[i] - w[i] // 2
        x2 = x[i] + (h[i] + 1) // 2
        y2 = y[i] + (w[i] + 1) // 2
        valid = (x1 >= 0) & (y1 >= 0) & (x2 <= H) & (y2 <= W)
        new_image = images[jnp.argmax(c[i])]
        c_new = new_image[:3]
        alpha_new = jnp.broadcast_to(new_image[3][None], (3, eH, eW))
        patch = jax.lax.dynamic_slice(image, (0, x1, y1), (C, eH, eW))
        c_old = patch[:3]
        alpha_old = jnp.broadcast_to(patch[3][None], (3, eH, eW))
        alpha_0 = alpha_new + alpha_old * (1.0 - alpha_new)
        new_rgb = (c_new * alpha_new + c_old * alpha_old * (1.0 - alpha_new)) / alpha_0
        new_patch = jnp.concatenate([new_rgb, alpha_0[:1]], axis=0)
        updated = jax.lax.dynamic_update_slice(image, new_patch, (0, x1, y1))
        image = jnp.where(valid, updated, image)
        return image, None

    image_last, _ = jax.lax.scan(body, img[-1], order)
    img = img.at[-1].set(image_last)
    return img[:, :3]

if __name__ == "__main__":
    import jax
    _d = setup_inputs()
    print(jax.jit(kernel)(*tuple(_d.values())))

</pallas_src>

<mosaic_0001>
#map = affine_map<(d0, d1) -> (0, 0)>
#map1 = affine_map<(d0, d1) -> (0, 0, 0)>
module attributes {stable_mosaic.version = 14 : i64} {
  func.func @_sc_composite_kernel(%arg0: i32, %arg1: i32, %arg2: memref<512x16xi32, #tpu.memory_space<hbm>>, %arg3: memref<256x16384xf32, #tpu.memory_space<hbm>>, %arg4: memref<3x16x512xf32, #tpu.memory_space<hbm>>, %arg5: memref<3x512x512xf32, #tpu.memory_space<hbm>>, %arg6: memref<16xi32, #tpu.memory_space<vmem>>, %arg7: memref<512x16xi32, #tpu.memory_space<vmem>>, %arg8: memref<3x16x512xf32, #tpu.memory_space<vmem>>, %arg9: memref<16x512xf32, #tpu.memory_space<vmem>>, %arg10: memref<16384xf32, #tpu.memory_space<vmem>>) attributes {dimension_semantics = [#tpu.dimension_semantics<core_parallel>, #tpu.dimension_semantics<subcore_parallel>], iteration_bounds = array<i64: 2, 16>, scalar_prefetch = 0 : i64, scratch_operands = 5 : i64, tpu.core_type = #tpu.core_type<sc_vector_subcore>, window_params = [{transform_indices = #map}, {transform_indices = #map}, {transform_indices = #map1}, {transform_indices = #map1}]} {
    %mul3A = arith.constant 2 : i32
    %mul3A_0 = arith.muli %arg1, %mul3A : i32
    %add3A = arith.addi %mul3A_0, %arg0 : i32
    %mul3A_1 = arith.constant 16 : i32
    %mul3A_2 = arith.muli %add3A, %mul3A_1 : i32
    %run_scoped3A = arith.constant 0 : i32
    "tpu.region"() ({
      %run_scoped3A_11 = tpu.sem_alloc : memref<!tpu.dma_semaphore, #tpu.memory_space<semaphore_mem>>
      %dma_start3A = arith.constant 0 : i32
      %dma_start3A_12 = tpu.memref_slice %arg2[%run_scoped3A, %dma_start3A] : memref<512x16xi32, #tpu.memory_space<hbm>> -> memref<1x16xi32, #tpu.memory_space<hbm>>
      %dma_start3A_13 = tpu.memref_squeeze %dma_start3A_12 : memref<1x16xi32, #tpu.memory_space<hbm>> -> memref<16xi32, #tpu.memory_space<hbm>>
      %dma_start3A_14 = arith.constant 0 : i32
      %dma_start3A_15 = tpu.memref_slice %arg2[%run_scoped3A, %dma_start3A_14] : memref<512x16xi32, #tpu.memory_space<hbm>> -> memref<1x16xi32, #tpu.memory_space<hbm>>
      %dma_start3A_16 = tpu.memref_squeeze %dma_start3A_15 : memref<1x16xi32, #tpu.memory_space<hbm>> -> memref<16xi32, #tpu.memory_space<hbm>>
      tpu.enqueue_dma source(%dma_start3A_16 : memref<16xi32, #tpu.memory_space<hbm>>) target(%arg6 : memref<16xi32, #tpu.memory_space<vmem>>) target_semaphore(%run_scoped3A_11 : memref<!tpu.dma_semaphore, #tpu.memory_space<semaphore_mem>>)
      %dma_wait3A = arith.constant 0 : i32
      %dma_wait3A_17 = tpu.memref_slice %arg2[%run_scoped3A, %dma_wait3A] : memref<512x16xi32, #tpu.memory_space<hbm>> -> memref<1x16xi32, #tpu.memory_space<hbm>>
      %dma_wait3A_18 = tpu.memref_squeeze %dma_wait3A_17 : memref<1x16xi32, #tpu.memory_space<hbm>> -> memref<16xi32, #tpu.memory_space<hbm>>
      %dma_wait3A_19 = arith.constant 0 : i32
      %dma_wait3A_20 = tpu.memref_slice %arg2[%run_scoped3A, %dma_wait3A_19] : memref<512x16xi32, #tpu.memory_space<hbm>> -> memref<1x16xi32, #tpu.memory_space<hbm>>
      %dma_wait3A_21 = tpu.memref_squeeze %dma_wait3A_20 : memref<1x16xi32, #tpu.memory_space<hbm>> -> memref<16xi32, #tpu.memory_space<hbm>>
      tpu.wait_dma2 semaphore(%run_scoped3A_11 : memref<!tpu.dma_semaphore, #tpu.memory_space<semaphore_mem>>) src(%dma_wait3A_21 : memref<16xi32, #tpu.memory_space<hbm>>) dst(%arg6 : memref<16xi32, #tpu.memory_space<vmem>>)
      tpu.yield
    }) : () -> ()
    %get3A = arith.constant 0 : index
    %get3A_3 = tpu.vector_load %arg6[%get3A] {strides = array<i32>} : memref<16xi32, #tpu.memory_space<vmem>>, vector<16xi32>,
    %get3A_4 = vector.shape_cast %get3A_3 : vector<16xi32> to vector<16xi32>
    %slice3A = vector.extract_strided_slice %get3A_4 {offsets = [3], sizes = [1], strides = [1]} : vector<16xi32> to vector<1xi32>
    %squeeze3A = vector.extract %slice3A[0] : i32 from vector<1xi32>
    %eq3A = arith.constant 0 : i32
    %eq3A_5 = arith.cmpi eq, %squeeze3A, %eq3A : i32
    %convert_element_type3A = arith.extui %eq3A_5 : i1 to i32
    %cond3A = arith.constant 0 : i32
    %cond3A_6 = arith.cmpi ne, %convert_element_type3A, %cond3A : i32
    scf.if %cond3A_6 {
      "tpu.region"() ({
        %run_scoped3A_11 = tpu.sem_alloc : memref<!tpu.dma_semaphore, #tpu.memory_space<semaphore_mem>>
        %dma_start3A = arith.constant 0 : i32
        %dma_start3A_12 = arith.constant 0 : i32
        %dma_start3A_13 = tpu.memref_slice %arg5[%dma_start3A, %mul3A_2, %dma_start3A_12] : memref<3x512x512xf32, #tpu.memory_space<hbm>> -> memref<3x16x512xf32, #tpu.memory_space<hbm>>
        tpu.enqueue_dma source(%arg4 : memref<3x16x512xf32, #tpu.memory_space<hbm>>) target(%dma_start3A_13 : memref<3x16x512xf32, #tpu.memory_space<hbm>>) target_semaphore(%run_scoped3A_11 : memref<!tpu.dma_semaphore, #tpu.memory_space<semaphore_mem>>)
        %dma_wait3A = arith.constant 0 : i32
        %dma_wait3A_14 = arith.constant 0 : i32
        %dma_wait3A_15 = tpu.memref_slice %arg5[%dma_wait3A, %mul3A_2, %dma_wait3A_14] : memref<3x512x512xf32, #tpu.memory_space<hbm>> -> memref<3x16x512xf32, #tpu.memory_space<hbm>>
        tpu.wait_dma2 semaphore(%run_scoped3A_11 : memref<!tpu.dma_semaphore, #tpu.memory_space<semaphore_mem>>) src(%arg4 : memref<3x16x512xf32, #tpu.memory_space<hbm>>) dst(%dma_wait3A_15 : memref<3x16x512xf32, #tpu.memory_space<hbm>>)
        tpu.yield
      }) : () -> ()
    } else {
    }
    %gt3A = arith.constant 0 : i32
    %gt3A_7 = arith.cmpi sgt, %squeeze3A, %gt3A : i32
    %convert_element_type3A_8 = arith.extui %gt3A_7 : i1 to i32
    %cond3A_9 = arith.constant 0 : i32
    %cond3A_10 = arith.cmpi ne, %convert_element_type3A_8, %cond3A_9 : i32
    scf.if %cond3A_10 {
      "tpu.region"() ({
        %run_scoped3A_21 = tpu.sem_alloc : memref<!tpu.dma_semaphore, #tpu.memory_space<semaphore_mem>>
        tpu.enqueue_dma source(%arg2 : memref<512x16xi32, #tpu.memory_space<hbm>>) target(%arg7 : memref<512x16xi32, #tpu.memory_space<vmem>>) target_semaphore(%run_scoped3A_21 : memref<!tpu.dma_semaphore, #tpu.memory_space<semaphore_mem>>)
        tpu.wait_dma2 semaphore(%run_scoped3A_21 : memref<!tpu.dma_semaphore, #tpu.memory_space<semaphore_mem>>) src(%arg2 : memref<512x16xi32, #tpu.memory_space<hbm>>) dst(%arg7 : memref<512x16xi32, #tpu.memory_space<vmem>>)
        tpu.yield
      }) : () -> ()
      "tpu.region"() ({
        %run_scoped3A_21 = tpu.sem_alloc : memref<!tpu.dma_semaphore, #tpu.memory_space<semaphore_mem>>
        tpu.enqueue_dma source(%arg4 : memref<3x16x512xf32, #tpu.memory_space<hbm>>) target(%arg8 : memref<3x16x512xf32, #tpu.memory_space<vmem>>) target_semaphore(%run_scoped3A_21 : memref<!tpu.dma_semaphore, #tpu.memory_space<semaphore_mem>>)
        tpu.wait_dma2 semaphore(%run_scoped3A_21 : memref<!tpu.dma_semaphore, #tpu.memory_space<semaphore_mem>>) src(%arg4 : memref<3x16x512xf32, #tpu.memory_space<hbm>>) dst(%arg8 : memref<3x16x512xf32, #tpu.memory_space<vmem>>)
        tpu.yield
      }) : () -> ()
      %run_scoped3A_11 = arith.constant 0 : i32
      "tpu.region"() ({
        %run_scoped3A_21 = tpu.sem_alloc : memref<!tpu.dma_semaphore, #tpu.memory_space<semaphore_mem>>
        %dma_start3A = arith.constant 0 : i32
        %dma_start3A_22 = arith.constant 0 : i32
        %dma_start3A_23 = tpu.memref_slice %arg4[%run_scoped3A_11, %dma_start3A, %dma_start3A_22] : memref<3x16x512xf32, #tpu.memory_space<hbm>> -> memref<1x16x512xf32, #tpu.memory_space<hbm>>
        %dma_start3A_24 = tpu.memref_squeeze %dma_start3A_23 : memref<1x16x512xf32, #tpu.memory_space<hbm>> -> memref<16x512xf32, #tpu.memory_space<hbm>>
        %dma_start3A_25 = arith.constant 0 : i32
        %dma_start3A_26 = arith.constant 0 : i32
        %dma_start3A_27 = tpu.memref_slice %arg4[%run_scoped3A_11, %dma_start3A_25, %dma_start3A_26] : memref<3x16x512xf32, #tpu.memory_space<hbm>> -> memref<1x16x512xf32, #tpu.memory_space<hbm>>
        %dma_start3A_28 = tpu.memref_squeeze %dma_start3A_27 : memref<1x16x512xf32, #tpu.memory_space<hbm>> -> memref<16x512xf32, #tpu.memory_space<hbm>>
        tpu.enqueue_dma source(%dma_start3A_28 : memref<16x512xf32, #tpu.memory_space<hbm>>) target(%arg9 : memref<16x512xf32, #tpu.memory_space<vmem>>) target_semaphore(%run_scoped3A_21 : memref<!tpu.dma_semaphore, #tpu.memory_space<semaphore_mem>>)
        %dma_wait3A = arith.constant 0 : i32
        %dma_wait3A_29 = arith.constant 0 : i32
        %dma_wait3A_30 = tpu.memref_slice %arg4[%run_scoped3A_11, %dma_wait3A, %dma_wait3A_29] : memref<3x16x512xf32, #tpu.memory_space<hbm>> -> memref<1x16x512xf32, #tpu.memory_space<hbm>>
        %dma_wait3A_31 = tpu.memref_squeeze %dma_wait3A_30 : memref<1x16x512xf32, #tpu.memory_space<hbm>> -> memref<16x512xf32, #tpu.memory_space<hbm>>
        %dma_wait3A_32 = arith.constant 0 : i32
        %dma_wait3A_33 = arith.constant 0 : i32
        %dma_wait3A_34 = tpu.memref_slice %arg4[%run_scoped3A_11, %dma_wait3A_32, %dma_wait3A_33] : memref<3x16x512xf32, #tpu.memory_space<hbm>> -> memref<1x16x512xf32, #tpu.memory_space<hbm>>
        %dma_wait3A_35 = tpu.memref_squeeze %dma_wait3A_34 : memref<1x16x512xf32, #tpu.memory_space<hbm>> -> memref<16x512xf32, #tpu.memory_space<hbm>>
        tpu.wait_dma2 semaphore(%run_scoped3A_21 : memref<!tpu.dma_semaphore, #tpu.memory_space<semaphore_mem>>) src(%dma_wait3A_35 : memref<16x512xf32, #tpu.memory_space<hbm>>) dst(%arg9 : memref<16x512xf32, #tpu.memory_space<vmem>>)
        tpu.yield
      }) : () -> ()
      %iota3A = tpu.iota {dimensions = array<i32: 0>} : vector<16xi32>
      %while3A = arith.constant 0 : i32
      %while3A_12 = arith.constant 0 : i32
      %while3A_13 = arith.subi %squeeze3A, %while3A_12 : i32
      %while3A_14 = arith.addi %while3A_12, %while3A_13 : i32
      %while3A_15 = arith.constant 1 : i32
      %while3A_16 = arith.divsi %while3A_13, %while3A_15 : i32
      %while3A_17 = arith.muli %while3A_16, %while3A_15 : i32
      %while3A_18 = arith.addi %while3A_12, %while3A_17 : i32
      %while3A_19 = arith.constant 1 : i32
      scf.for %while3A_21 = %while3A_12 to %while3A_18 step %while3A_19  : i32 {
        %get3A_22 = arith.index_cast %while3A_21 : i32 to index
        %get3A_23 = arith.constant 0 : index
        %get3A_24 = tpu.vector_load %arg7[%get3A_22, %get3A_23] {strides = array<i32>} : memref<512x16xi32, #tpu.memory_space<vmem>>, vector<1x16xi32>,
        %get3A_25 = vector.shape_cast %get3A_24 : vector<1x16xi32> to vector<16xi32>
        %slice3A_26 = vector.extract_strided_slice %get3A_25 {offsets = [0], sizes = [1], strides = [1]} : vector<16xi32> to vector<1xi32>
        %squeeze3A_27 = vector.extract %slice3A_26[0] : i32 from vector<1xi32>
        %slice3A_28 = vector.extract_strided_slice %get3A_25 {offsets = [1], sizes = [1], strides = [1]} : vector<16xi32> to vector<1xi32>
        %squeeze3A_29 = vector.extract %slice3A_28[0] : i32 from vector<1xi32>
        %slice3A_30 = vector.extract_strided_slice %get3A_25 {offsets = [2], sizes = [1], strides = [1]} : vector<16xi32> to vector<1xi32>
        %squeeze3A_31 = vector.extract %slice3A_30[0] : i32 from vector<1xi32>
        %max3A = arith.maxsi %squeeze3A_27, %mul3A_2 : i32
        %add3A_32 = arith.constant 64 : i32
        %add3A_33 = arith.addi %squeeze3A_27, %add3A_32 : i32
        %add3A_34 = arith.constant 16 : i32
        %add3A_35 = arith.addi %mul3A_2, %add3A_34 : i32
        %min3A = arith.minsi %add3A_33, %add3A_35 : i32
        %gt3A_36 = arith.cmpi sgt, %min3A, %max3A : i32
        %convert_element_type3A_37 = arith.extui %gt3A_36 : i1 to i32
        %cond3A_38 = arith.constant 0 : i32
        %cond3A_39 = arith.cmpi ne, %convert_element_type3A_37, %cond3A_38 : i32
        scf.if %cond3A_39 {
          "tpu.region"() ({
            %run_scoped3A_91 = tpu.sem_alloc : memref<!tpu.dma_semaphore, #tpu.memory_space<semaphore_mem>>
            %dma_start3A = arith.constant 0 : i32
            %dma_start3A_92 = tpu.memref_slice %arg3[%squeeze3A_31, %dma_start3A] : memref<256x16384xf32, #tpu.memory_space<hbm>> -> memref<1x16384xf32, #tpu.memory_space<hbm>>
            %dma_start3A_93 = tpu.memref_squeeze %dma_start3A_92 : memref<1x16384xf32, #tpu.memory_space<hbm>> -> memref<16384xf32, #tpu.memory_space<hbm>>
            %dma_start3A_94 = arith.constant 0 : i32
            %dma_start3A_95 = tpu.memref_slice %arg3[%squeeze3A_31, %dma_start3A_94] : memref<256x16384xf32, #tpu.memory_space<hbm>> -> memref<1x16384xf32, #tpu.memory_space<hbm>>
            %dma_start3A_96 = tpu.memref_squeeze %dma_start3A_95 : memref<1x16384xf32, #tpu.memory_space<hbm>> -> memref<16384xf32, #tpu.memory_space<hbm>>
            tpu.enqueue_dma source(%dma_start3A_96 : memref<16384xf32, #tpu.memory_space<hbm>>) target(%arg10 : memref<16384xf32, #tpu.memory_space<vmem>>) target_semaphore(%run_scoped3A_91 : memref<!tpu.dma_semaphore, #tpu.memory_space<semaphore_mem>>)
            %dma_wait3A = arith.constant 0 : i32
            %dma_wait3A_97 = tpu.memref_slice %arg3[%squeeze3A_31, %dma_wait3A] : memref<256x16384xf32, #tpu.memory_space<hbm>> -> memref<1x16384xf32, #tpu.memory_space<hbm>>
            %dma_wait3A_98 = tpu.memref_squeeze %dma_wait3A_97 : memref<1x16384xf32, #tpu.memory_space<hbm>> -> memref<16384xf32, #tpu.memory_space<hbm>>
            %dma_wait3A_99 = arith.constant 0 : i32
            %dma_wait3A_100 = tpu.memref_slice %arg3[%squeeze3A_31, %dma_wait3A_99] : memref<256x16384xf32, #tpu.memory_space<hbm>> -> memref<1x16384xf32, #tpu.memory_space<hbm>>
            %dma_wait3A_101 = tpu.memref_squeeze %dma_wait3A_100 : memref<1x16384xf32, #tpu.memory_space<hbm>> -> memref<16384xf32, #tpu.memory_space<hbm>>
            tpu.wait_dma2 semaphore(%run_scoped3A_91 : memref<!tpu.dma_semaphore, #tpu.memory_space<semaphore_mem>>) src(%dma_wait3A_101 : memref<16384xf32, #tpu.memory_space<hbm>>) dst(%arg10 : memref<16384xf32, #tpu.memory_space<vmem>>)
            tpu.yield
          }) : () -> ()
          %jit3A = arith.constant 16 : i32
          %div3A = arith.divsi %squeeze3A_29, %jit3A : i32
          %sign3A = arith.constant 0 : i32
          %sign3A_40 = arith.cmpi sgt, %squeeze3A_29, %sign3A : i32
          %sign3A_41 = arith.extui %sign3A_40 : i1 to i32
          %sign3A_42 = arith.constant 0 : i32
          %sign3A_43 = arith.cmpi slt, %squeeze3A_29, %sign3A_42 : i32
          %sign3A_44 = arith.extui %sign3A_43 : i1 to i32
          %sign3A_45 = arith.subi %sign3A_41, %sign3A_44 : i32
          %sign3A_46 = arith.constant 0 : i32
          %sign3A_47 = arith.cmpi sgt, %jit3A, %sign3A_46 : i32
          %sign3A_48 = arith.extui %sign3A_47 : i1 to i32
          %sign3A_49 = arith.constant 0 : i32
          %sign3A_50 = arith.cmpi slt, %jit3A, %sign3A_49 : i32
          %sign3A_51 = arith.extui %sign3A_50 : i1 to i32
          %sign3A_52 = arith.subi %sign3A_48, %sign3A_51 : i32
          %ne3A = arith.cmpi ne, %sign3A_45, %sign3A_52 : i32
          %rem3A = arith.remsi %squeeze3A_29, %jit3A : i32
          %ne3A_53 = arith.constant 0 : i32
          %ne3A_54 = arith.cmpi ne, %rem3A, %ne3A_53 : i32
          %and3A = arith.andi %ne3A, %ne3A_54 : i1
          %sub3A = arith.constant 1 : i32
          %sub3A_55 = arith.subi %div3A, %sub3A : i32
          %select_n3A = arith.select %and3A, %sub3A_55, %div3A : i32
          %mul3A_56 = arith.constant 16 : i32
          %mul3A_57 = arith.muli %select_n3A, %mul3A_56 : i32
          %min3A_58 = arith.constant 432 : i32
          %min3A_59 = arith.minsi %mul3A_57, %min3A_58 : i32
          %multiple_of3A = tpu.assume_multiple %min3A_59, 16 : i32
          %sub3A_60 = arith.subi %squeeze3A_29, %multiple_of3A : i32
          %sub3A_61 = arith.constant 16 : i32
          %sub3A_62 = arith.subi %sub3A_61, %sub3A_60 : i32
          %add3A_63 = vector.broadcast %sub3A_62 : i32 to vector<16xi32>
          %add3A_64 = arith.addi %iota3A, %add3A_63 : vector<16xi32>
          %jit3A_65 = arith.constant 0 : i32
          %jit3A_66 = arith.constant 15 : i32
          %max3A_67 = vector.broadcast %jit3A_65 : i32 to vector<16xi32>
          %max3A_68 = arith.maxsi %max3A_67, %add3A_64 : vector<16xi32>
          %min3A_69 = vector.broadcast %jit3A_66 : i32 to vector<16xi32>
          %min3A_70 = arith.minsi %min3A_69, %max3A_68 : vector<16xi32>
          %sub3A_71 = vector.broadcast %sub3A_60 : i32 to vector<16xi32>
          %sub3A_72 = arith.subi %iota3A, %sub3A_71 : vector<16xi32>
          %jit3A_73 = arith.constant 0 : i32
          %jit3A_74 = arith.constant 15 : i32
          %max3A_75 = vector.broadcast %jit3A_73 : i32 to vector<16xi32>
          %max3A_76 = arith.maxsi %max3A_75, %sub3A_72 : vector<16xi32>
          %min3A_77 = vector.broadcast %jit3A_74 : i32 to vector<16xi32>
          %min3A_78 = arith.minsi %min3A_77, %max3A_76 : vector<16xi32>
          %lt3A = vector.broadcast %sub3A_60 : i32 to vector<16xi32>
          %lt3A_79 = arith.cmpi slt, %iota3A, %lt3A : vector<16xi32>
          %sub3A_80 = arith.subi %min3A, %max3A : i32
          %while3A_81 = arith.constant 0 : i32
          %while3A_82 = arith.constant 0 : i32
          %while3A_83 = arith.subi %sub3A_80, %while3A_82 : i32
          %while3A_84 = arith.addi %while3A_82, %while3A_83 : i32
          %while3A_85 = arith.constant 1 : i32
          %while3A_86 = arith.divsi %while3A_83, %while3A_85 : i32
          %while3A_87 = arith.muli %while3A_86, %while3A_85 : i32
          %while3A_88 = arith.addi %while3A_82, %while3A_87 : i32
          %while3A_89 = arith.constant 1 : i32
          scf.for %while3A_91 = %while3A_82 to %while3A_88 step %while3A_89  : i32 {
            %add3A_92 = arith.addi %max3A, %while3A_91 : i32
            %sub3A_93 = arith.subi %add3A_92, %squeeze3A_27 : i32
            %mul3A_94 = arith.constant 64 : i32
            %mul3A_95 = arith.muli %sub3A_93, %mul3A_94 : i32
            %sub3A_96 = arith.subi %add3A_92, %mul3A_2 : i32
            %sub3A_97 = arith.constant 0 : i32
            %sub3A_98 = arith.subi %sub3A_97, %sub3A_60 : i32
            %add3A_99 = vector.broadcast %sub3A_98 : i32 to vector<16xi32>
            %add3A_100 = arith.addi %iota3A, %add3A_99 : vector<16xi32>
            %ge3A = arith.constant 0 : i32
            %ge3A_101 = vector.broadcast %ge3A : i32 to vector<16xi32>
            %ge3A_102 = arith.cmpi sge, %add3A_100, %ge3A_101 : vector<16xi32>
            %lt3A_103 = arith.constant 64 : i32
            %lt3A_104 = vector.broadcast %lt3A_103 : i32 to vector<16xi32>
            %lt3A_105 = arith.cmpi slt, %add3A_100, %lt3A_104 : vector<16xi32>
            %and3A_106 = arith.andi %ge3A_102, %lt3A_105 : vector<16xi1>
            %add3A_107 = arith.constant 0 : i32
            %add3A_108 = arith.addi %multiple_of3A, %add3A_107 : i32
            %multiple_of3A_109 = tpu.assume_multiple %add3A_108, 16 : i32
            %add3A_110 = arith.constant 12288 : i32
            %add3A_111 = arith.addi %mul3A_95, %add3A_110 : i32
            %add3A_112 = arith.constant 0 : i32
            %add3A_113 = arith.addi %add3A_111, %add3A_112 : i32
            %multiple_of3A_114 = tpu.assume_multiple %add3A_113, 16 : i32
            %add3A_115 = arith.constant 0 : i32
            %add3A_116 = arith.addi %add3A_111, %add3A_115 : i32
            %multiple_of3A_117 = tpu.assume_multiple %add3A_116, 16 : i32
            %get3A_118 = arith.index_cast %multiple_of3A_114 : i32 to index
            %get3A_119 = tpu.vector_load %arg10[%get3A_118] {strides = array<i32>} : memref<16384xf32, #tpu.memory_space<vmem>>, vector<16xf32>,
            %get3A_120 = vector.shape_cast %get3A_119 : vector<16xf32> to vector<16xf32>
            %get3A_121 = arith.index_cast %multiple_of3A_117 : i32 to index
            %get3A_122 = tpu.vector_load %arg10[%get3A_121] {strides = array<i32>} : memref<16384xf32, #tpu.memory_space<vmem>>, vector<16xf32>,
            %get3A_123 = vector.shape_cast %get3A_122 : vector<16xf32> to vector<16xf32>
            %lt3A_124 = arith.constant 0 : i32
            %lt3A_125 = vector.broadcast %lt3A_124 : i32 to vector<16xi32>
            %lt3A_126 = arith.cmpi slt, %min3A_70, %lt3A_125 : vector<16xi32>
            %add3A_127 = arith.constant 16 : i32
            %add3A_128 = vector.broadcast %add3A_127 : i32 to vector<16xi32>
            %add3A_129 = arith.addi %min3A_70, %add3A_128 : vector<16xi32>
            %select_n3A_130 = arith.select %lt3A_126, %add3A_129, %min3A_70 : vector<16xi1>, vector<16xi32>
            %broadcast_in_dim3A = vector.shape_cast %select_n3A_130 : vector<16xi32> to vector<16x1xi32>
            %gather3A = vector.shape_cast %broadcast_in_dim3A : vector<16x1xi32> to vector<16xi32>
            %gather3A_131 = tpu.dynamic_gather %get3A_120[%gather3A] in [0] : vector<16xf32>, vector<16xi32> -> vector<16xf32>
            %lt3A_132 = arith.constant 0 : i32
            %lt3A_133 = vector.broadcast %lt3A_132 : i32 to vector<16xi32>
            %lt3A_134 = arith.cmpi slt, %min3A_78, %lt3A_133 : vector<16xi32>
            %add3A_135 = arith.constant 16 : i32
            %add3A_136 = vector.broadcast %add3A_135 : i32 to vector<16xi32>
            %add3A_137 = arith.addi %min3A_78, %add3A_136 : vector<16xi32>
            %select_n3A_138 = arith.select %lt3A_134, %add3A_137, %min3A_78 : vector<16xi1>, vector<16xi32>
            %broadcast_in_dim3A_139 = vector.shape_cast %select_n3A_138 : vector<16xi32> to vector<16x1xi32>
            %gather3A_140 = vector.shape_cast %broadcast_in_dim3A_139 : vector<16x1xi32> to vector<16xi32>
            %gather3A_141 = tpu.dynamic_gather %get3A_123[%gather3A_140] in [0] : vector<16xf32>, vector<16xi32> -> vector<16xf32>
            %select_n3A_142 = arith.select %lt3A_79, %gather3A_131, %gather3A_141 : vector<16xi1>, vector<16xf32>
            %jit3A_143 = arith.constant 0.000000e+00 : f32
            %broadcast_in_dim3A_144 = vector.broadcast %jit3A_143 : f32 to vector<16xf32>
            %select_n3A_145 = arith.select %and3A_106, %select_n3A_142, %broadcast_in_dim3A_144 : vector<16xi1>, vector<16xf32>
            %get3A_146 = arith.index_cast %sub3A_96 : i32 to index
            %get3A_147 = arith.index_cast %multiple_of3A_109 : i32 to index
            %get3A_148 = tpu.vector_load %arg9[%get3A_146, %get3A_147] {strides = array<i32>} : memref<16x512xf32, #tpu.memory_space<vmem>>, vector<1x16xf32>,
            %get3A_149 = vector.shape_cast %get3A_148 : vector<1x16xf32> to vector<16xf32>
            %sub3A_150 = arith.constant 1.000000e+00 : f32
            %sub3A_151 = vector.broadcast %sub3A_150 : f32 to vector<16xf32>
            %sub3A_152 = arith.subf %sub3A_151, %select_n3A_145 : vector<16xf32>
            %mul3A_153 = arith.mulf %get3A_149, %sub3A_152 : vector<16xf32>
            %add3A_154 = arith.addf %select_n3A_145, %mul3A_153 : vector<16xf32>
            %add3A_155 = arith.constant 0 : i32
            %add3A_156 = arith.addi %mul3A_95, %add3A_155 : i32
            %add3A_157 = arith.constant 0 : i32
            %add3A_158 = arith.addi %add3A_156, %add3A_157 : i32
            %multiple_of3A_159 = tpu.assume_multiple %add3A_158, 16 : i32
            %add3A_160 = arith.constant 0 : i32
            %add3A_161 = arith.addi %add3A_156, %add3A_160 : i32
            %multiple_of3A_162 = tpu.assume_multiple %add3A_161, 16 : i32
            %get3A_163 = arith.index_cast %multiple_of3A_159 : i32 to index
            %get3A_164 = tpu.vector_load %arg10[%get3A_163] {strides = array<i32>} : memref<16384xf32, #tpu.memory_space<vmem>>, vector<16xf32>,
            %get3A_165 = vector.shape_cast %get3A_164 : vector<16xf32> to vector<16xf32>
            %get3A_166 = arith.index_cast %multiple_of3A_162 : i32 to index
            %get3A_167 = tpu.vector_load %arg10[%get3A_166] {strides = array<i32>} : memref<16384xf32, #tpu.memory_space<vmem>>, vector<16xf32>,
            %get3A_168 = vector.shape_cast %get3A_167 : vector<16xf32> to vector<16xf32>
            %lt3A_169 = arith.constant 0 : i32
            %lt3A_170 = vector.broadcast %lt3A_169 : i32 to vector<16xi32>
            %lt3A_171 = arith.cmpi slt, %min3A_70, %lt3A_170 : vector<16xi32>
            %add3A_172 = arith.constant 16 : i32
            %add3A_173 = vector.broadcast %add3A_172 : i32 to vector<16xi32>
            %add3A_174 = arith.addi %min3A_70, %add3A_173 : vector<16xi32>
            %select_n3A_175 = arith.select %lt3A_171, %add3A_174, %min3A_70 : vector<16xi1>, vector<16xi32>
            %broadcast_in_dim3A_176 = vector.shape_cast %select_n3A_175 : vector<16xi32> to vector<16x1xi32>
            %gather3A_177 = vector.shape_cast %broadcast_in_dim3A_176 : vector<16x1xi32> to vector<16xi32>
            %gather3A_178 = tpu.dynamic_gather %get3A_165[%gather3A_177] in [0] : vector<16xf32>, vector<16xi32> -> vector<16xf32>
            %lt3A_179 = arith.constant 0 : i32
            %lt3A_180 = vector.broadcast %lt3A_179 : i32 to vector<16xi32>
            %lt3A_181 = arith.cmpi slt, %min3A_78, %lt3A_180 : vector<16xi32>
            %add3A_182 = arith.constant 16 : i32
            %add3A_183 = vector.broadcast %add3A_182 : i32 to vector<16xi32>
            %add3A_184 = arith.addi %min3A_78, %add3A_183 : vector<16xi32>
            %select_n3A_185 = arith.select %lt3A_181, %add3A_184, %min3A_78 : vector<16xi1>, vector<16xi32>
            %broadcast_in_dim3A_186 = vector.shape_cast %select_n3A_185 : vector<16xi32> to vector<16x1xi32>
            %gather3A_187 = vector.shape_cast %broadcast_in_dim3A_186 : vector<16x1xi32> to vector<16xi32>
            %gather3A_188 = tpu.dynamic_gather %get3A_168[%gather3A_187] in [0] : vector<16xf32>, vector<16xi32> -> vector<16xf32>
            %select_n3A_189 = arith.select %lt3A_79, %gather3A_178, %gather3A_188 : vector<16xi1>, vector<16xf32>
            %get3A_190 = arith.constant 0 : i32
            %get3A_191 = arith.index_cast %get3A_190 : i32 to index
            %get3A_192 = arith.index_cast %sub3A_96 : i32 to index
            %get3A_193 = arith.index_cast %multiple_of3A_109 : i32 to index
            %get3A_194 = tpu.vector_load %arg8[%get3A_191, %get3A_192, %get3A_193] {strides = array<i32>} : memref<3x16x512xf32, #tpu.memory_space<vmem>>, vector<1x1x16xf32>,
            %get3A_195 = vector.shape_cast %get3A_194 : vector<1x1x16xf32> to vector<16xf32>
            %mul3A_196 = arith.mulf %select_n3A_189, %select_n3A_145 : vector<16xf32>
            %mul3A_197 = arith.mulf %get3A_195, %mul3A_153 : vector<16xf32>
            %add3A_198 = arith.addf %mul3A_196, %mul3A_197 : vector<16xf32>
            %div3A_199 = arith.divf %add3A_198, %add3A_154 : vector<16xf32>
            %select_n3A_200 = arith.select %and3A_106, %div3A_199, %get3A_195 : vector<16xi1>, vector<16xf32>
            %swap3A = arith.constant 0 : i32
            %swap3A_201 = arith.index_cast %swap3A : i32 to index
            %swap3A_202 = arith.index_cast %sub3A_96 : i32 to index
            %swap3A_203 = arith.index_cast %multiple_of3A_109 : i32 to index
            %swap3A_204 = tpu.vector_load %arg8[%swap3A_201, %swap3A_202, %swap3A_203] {strides = array<i32>} : memref<3x16x512xf32, #tpu.memory_space<vmem>>, vector<1x1x16xf32>,
            %swap3A_205 = vector.shape_cast %swap3A_204 : vector<1x1x16xf32> to vector<16xf32>
            %swap3A_206 = vector.shape_cast %select_n3A_200 : vector<16xf32> to vector<1x1x16xf32>
            tpu.vector_store %arg8[%swap3A_201, %swap3A_202, %swap3A_203], %swap3A_206 {strides = array<i32>} : memref<3x16x512xf32, #tpu.memory_space<vmem>>, vector<1x1x16xf32>,
            %add3A_207 = arith.constant 4096 : i32
            %add3A_208 = arith.addi %mul3A_95, %add3A_207 : i32
            %add3A_209 = arith.constant 0 : i32
            %add3A_210 = arith.addi %add3A_208, %add3A_209 : i32
            %multiple_of3A_211 = tpu.assume_multiple %add3A_210, 16 : i32
            %add3A_212 = arith.constant 0 : i32
            %add3A_213 = arith.addi %add3A_208, %add3A_212 : i32
            %multiple_of3A_214 = tpu.assume_multiple %add3A_213, 16 : i32
            %get3A_215 = arith.index_cast %multiple_of3A_211 : i32 to index
            %get3A_216 = tpu.vector_load %arg10[%get3A_215] {strides = array<i32>} : memref<16384xf32, #tpu.memory_space<vmem>>, vector<16xf32>,
            %get3A_217 = vector.shape_cast %get3A_216 : vector<16xf32> to vector<16xf32>
            %get3A_218 = arith.index_cast %multiple_of3A_214 : i32 to index
            %get3A_219 = tpu.vector_load %arg10[%get3A_218] {strides = array<i32>} : memref<16384xf32, #tpu.memory_space<vmem>>, vector<16xf32>,
            %get3A_220 = vector.shape_cast %get3A_219 : vector<16xf32> to vector<16xf32>
            %lt3A_221 = arith.constant 0 : i32
            %lt3A_222 = vector.broadcast %lt3A_221 : i32 to vector<16xi32>
            %lt3A_223 = arith.cmpi slt, %min3A_70, %lt3A_222 : vector<16xi32>
            %add3A_224 = arith.constant 16 : i32
            %add3A_225 = vector.broadcast %add3A_224 : i32 to vector<16xi32>
            %add3A_226 = arith.addi %min3A_70, %add3A_225 : vector<16xi32>
            %select_n3A_227 = arith.select %lt3A_223, %add3A_226, %min3A_70 : vector<16xi1>, vector<16xi32>
            %broadcast_in_dim3A_228 = vector.shape_cast %select_n3A_227 : vector<16xi32> to vector<16x1xi32>
            %gather3A_229 = vector.shape_cast %broadcast_in_dim3A_228 : vector<16x1xi32> to vector<16xi32>
            %gather3A_230 = tpu.dynamic_gather %get3A_217[%gather3A_229] in [0] : vector<16xf32>, vector<16xi32> -> vector<16xf32>
            %lt3A_231 = arith.constant 0 : i32
            %lt3A_232 = vector.broadcast %lt3A_231 : i32 to vector<16xi32>
            %lt3A_233 = arith.cmpi slt, %min3A_78, %lt3A_232 : vector<16xi32>
            %add3A_234 = arith.constant 16 : i32
            %add3A_235 = vector.broadcast %add3A_234 : i32 to vector<16xi32>
            %add3A_236 = arith.addi %min3A_78, %add3A_235 : vector<16xi32>
            %select_n3A_237 = arith.select %lt3A_233, %add3A_236, %min3A_78 : vector<16xi1>, vector<16xi32>
            %broadcast_in_dim3A_238 = vector.shape_cast %select_n3A_237 : vector<16xi32> to vector<16x1xi32>
            %gather3A_239 = vector.shape_cast %broadcast_in_dim3A_238 : vector<16x1xi32> to vector<16xi32>
            %gather3A_240 = tpu.dynamic_gather %get3A_220[%gather3A_239] in [0] : vector<16xf32>, vector<16xi32> -> vector<16xf32>
            %select_n3A_241 = arith.select %lt3A_79, %gather3A_230, %gather3A_240 : vector<16xi1>, vector<16xf32>
            %get3A_242 = arith.constant 1 : i32
            %get3A_243 = arith.index_cast %get3A_242 : i32 to index
            %get3A_244 = arith.index_cast %sub3A_96 : i32 to index
            %get3A_245 = arith.index_cast %multiple_of3A_109 : i32 to index
            %get3A_246 = tpu.vector_load %arg8[%get3A_243, %get3A_244, %get3A_245] {strides = array<i32>} : memref<3x16x512xf32, #tpu.memory_space<vmem>>, vector<1x1x16xf32>,
            %get3A_247 = vector.shape_cast %get3A_246 : vector<1x1x16xf32> to vector<16xf32>
            %mul3A_248 = arith.mulf %select_n3A_241, %select_n3A_145 : vector<16xf32>
            %mul3A_249 = arith.mulf %get3A_247, %mul3A_153 : vector<16xf32>
            %add3A_250 = arith.addf %mul3A_248, %mul3A_249 : vector<16xf32>
            %div3A_251 = arith.divf %add3A_250, %add3A_154 : vector<16xf32>
            %select_n3A_252 = arith.select %and3A_106, %div3A_251, %get3A_247 : vector<16xi1>, vector<16xf32>
            %swap3A_253 = arith.constant 1 : i32
            %swap3A_254 = arith.index_cast %swap3A_253 : i32 to index
            %swap3A_255 = arith.index_cast %sub3A_96 : i32 to index
            %swap3A_256 = arith.index_cast %multiple_of3A_109 : i32 to index
            %swap3A_257 = tpu.vector_load %arg8[%swap3A_254, %swap3A_255, %swap3A_256] {strides = array<i32>} : memref<3x16x512xf32, #tpu.memory_space<vmem>>, vector<1x1x16xf32>,
            %swap3A_258 = vector.shape_cast %swap3A_257 : vector<1x1x16xf32> to vector<16xf32>
            %swap3A_259 = vector.shape_cast %select_n3A_252 : vector<16xf32> to vector<1x1x16xf32>
            tpu.vector_store %arg8[%swap3A_254, %swap3A_255, %swap3A_256], %swap3A_259 {strides = array<i32>} : memref<3x16x512xf32, #tpu.memory_space<vmem>>, vector<1x1x16xf32>,
            %add3A_260 = arith.constant 8192 : i32
            %add3A_261 = arith.addi %mul3A_95, %add3A_260 : i32
            %add3A_262 = arith.constant 0 : i32
            %add3A_263 = arith.addi %add3A_261, %add3A_262 : i32
            %multiple_of3A_264 = tpu.assume_multiple %add3A_263, 16 : i32
            %add3A_265 = arith.constant 0 : i32
            %add3A_266 = arith.addi %add3A_261, %add3A_265 : i32
            %multiple_of3A_267 = tpu.assume_multiple %add3A_266, 16 : i32
            %get3A_268 = arith.index_cast %multiple_of3A_264 : i32 to index
            %get3A_269 = tpu.vector_load %arg10[%get3A_268] {strides = array<i32>} : memref<16384xf32, #tpu.memory_space<vmem>>, vector<16xf32>,
            %get3A_270 = vector.shape_cast %get3A_269 : vector<16xf32> to vector<16xf32>
            %get3A_271 = arith.index_cast %multiple_of3A_267 : i32 to index
            %get3A_272 = tpu.vector_load %arg10[%get3A_271] {strides = array<i32>} : memref<16384xf32, #tpu.memory_space<vmem>>, vector<16xf32>,
            %get3A_273 = vector.shape_cast %get3A_272 : vector<16xf32> to vector<16xf32>
            %lt3A_274 = arith.constant 0 : i32
            %lt3A_275 = vector.broadcast %lt3A_274 : i32 to vector<16xi32>
            %lt3A_276 = arith.cmpi slt, %min3A_70, %lt3A_275 : vector<16xi32>
            %add3A_277 = arith.constant 16 : i32
            %add3A_278 = vector.broadcast %add3A_277 : i32 to vector<16xi32>
            %add3A_279 = arith.addi %min3A_70, %add3A_278 : vector<16xi32>
            %select_n3A_280 = arith.select %lt3A_276, %add3A_279, %min3A_70 : vector<16xi1>, vector<16xi32>
            %broadcast_in_dim3A_281 = vector.shape_cast %select_n3A_280 : vector<16xi32> to vector<16x1xi32>
            %gather3A_282 = vector.shape_cast %broadcast_in_dim3A_281 : vector<16x1xi32> to vector<16xi32>
            %gather3A_283 = tpu.dynamic_gather %get3A_270[%gather3A_282] in [0] : vector<16xf32>, vector<16xi32> -> vector<16xf32>
            %lt3A_284 = arith.constant 0 : i32
            %lt3A_285 = vector.broadcast %lt3A_284 : i32 to vector<16xi32>
            %lt3A_286 = arith.cmpi slt, %min3A_78, %lt3A_285 : vector<16xi32>
            %add3A_287 = arith.constant 16 : i32
            %add3A_288 = vector.broadcast %add3A_287 : i32 to vector<16xi32>
            %add3A_289 = arith.addi %min3A_78, %add3A_288 : vector<16xi32>
            %select_n3A_290 = arith.select %lt3A_286, %add3A_289, %min3A_78 : vector<16xi1>, vector<16xi32>
            %broadcast_in_dim3A_291 = vector.shape_cast %select_n3A_290 : vector<16xi32> to vector<16x1xi32>
            %gather3A_292 = vector.shape_cast %broadcast_in_dim3A_291 : vector<16x1xi32> to vector<16xi32>
            %gather3A_293 = tpu.dynamic_gather %get3A_273[%gather3A_292] in [0] : vector<16xf32>, vector<16xi32> -> vector<16xf32>
            %select_n3A_294 = arith.select %lt3A_79, %gather3A_283, %gather3A_293 : vector<16xi1>, vector<16xf32>
            %get3A_295 = arith.constant 2 : i32
            %get3A_296 = arith.index_cast %get3A_295 : i32 to index
            %get3A_297 = arith.index_cast %sub3A_96 : i32 to index
            %get3A_298 = arith.index_cast %multiple_of3A_109 : i32 to index
            %get3A_299 = tpu.vector_load %arg8[%get3A_296, %get3A_297, %get3A_298] {strides = array<i32>} : memref<3x16x512xf32, #tpu.memory_space<vmem>>, vector<1x1x16xf32>,
            %get3A_300 = vector.shape_cast %get3A_299 : vector<1x1x16xf32> to vector<16xf32>
            %mul3A_301 = arith.mulf %select_n3A_294, %select_n3A_145 : vector<16xf32>
            %mul3A_302 = arith.mulf %get3A_300, %mul3A_153 : vector<16xf32>
            %add3A_303 = arith.addf %mul3A_301, %mul3A_302 : vector<16xf32>
            %div3A_304 = arith.divf %add3A_303, %add3A_154 : vector<16xf32>
            %select_n3A_305 = arith.select %and3A_106, %div3A_304, %get3A_300 : vector<16xi1>, vector<16xf32>
            %swap3A_306 = arith.constant 2 : i32
            %swap3A_307 = arith.index_cast %swap3A_306 : i32 to index
            %swap3A_308 = arith.index_cast %sub3A_96 : i32 to index
            %swap3A_309 = arith.index_cast %multiple_of3A_109 : i32 to index
            %swap3A_310 = tpu.vector_load %arg8[%swap3A_307, %swap3A_308, %swap3A_309] {strides = array<i32>} : memref<3x16x512xf32, #tpu.memory_space<vmem>>, vector<1x1x16xf32>,
            %swap3A_311 = vector.shape_cast %swap3A_310 : vector<1x1x16xf32> to vector<16xf32>
            %swap3A_312 = vector.shape_cast %select_n3A_305 : vector<16xf32> to vector<1x1x16xf32>
            tpu.vector_store %arg8[%swap3A_307, %swap3A_308, %swap3A_309], %swap3A_312 {strides = array<i32>} : memref<3x16x512xf32, #tpu.memory_space<vmem>>, vector<1x1x16xf32>,
            %select_n3A_313 = arith.select %and3A_106, %add3A_154, %get3A_149 : vector<16xi1>, vector<16xf32>
            %swap3A_314 = arith.index_cast %sub3A_96 : i32 to index
            %swap3A_315 = arith.index_cast %multiple_of3A_109 : i32 to index
            %swap3A_316 = tpu.vector_load %arg9[%swap3A_314, %swap3A_315] {strides = array<i32>} : memref<16x512xf32, #tpu.memory_space<vmem>>, vector<1x16xf32>,
            %swap3A_317 = vector.shape_cast %swap3A_316 : vector<1x16xf32> to vector<16xf32>
            %swap3A_318 = vector.shape_cast %select_n3A_313 : vector<16xf32> to vector<1x16xf32>
            tpu.vector_store %arg9[%swap3A_314, %swap3A_315], %swap3A_318 {strides = array<i32>} : memref<16x512xf32, #tpu.memory_space<vmem>>, vector<1x16xf32>,
            %sub3A_319 = arith.constant 16 : i32
            %sub3A_320 = arith.subi %sub3A_319, %sub3A_60 : i32
            %add3A_321 = vector.broadcast %sub3A_320 : i32 to vector<16xi32>
            %add3A_322 = arith.addi %iota3A, %add3A_321 : vector<16xi32>
            %ge3A_323 = arith.constant 0 : i32
            %ge3A_324 = vector.broadcast %ge3A_323 : i32 to vector<16xi32>
            %ge3A_325 = arith.cmpi sge, %add3A_322, %ge3A_324 : vector<16xi32>
            %lt3A_326 = arith.constant 64 : i32
            %lt3A_327 = vector.broadcast %lt3A_326 : i32 to vector<16xi32>
            %lt3A_328 = arith.cmpi slt, %add3A_322, %lt3A_327 : vector<16xi32>
            %and3A_329 = arith.andi %ge3A_325, %lt3A_328 : vector<16xi1>
            %add3A_330 = arith.constant 16 : i32
            %add3A_331 = arith.addi %multiple_of3A, %add3A_330 : i32
            %multiple_of3A_332 = tpu.assume_multiple %add3A_331, 16 : i32
            %add3A_333 = arith.constant 12288 : i32
            %add3A_334 = arith.addi %mul3A_95, %add3A_333 : i32
            %add3A_335 = arith.constant 0 : i32
            %add3A_336 = arith.addi %add3A_334, %add3A_335 : i32
            %multiple_of3A_337 = tpu.assume_multiple %add3A_336, 16 : i32
            %add3A_338 = arith.constant 16 : i32
            %add3A_339 = arith.addi %add3A_334, %add3A_338 : i32
            %multiple_of3A_340 = tpu.assume_multiple %add3A_339, 16 : i32
            %get3A_341 = arith.index_cast %multiple_of3A_337 : i32 to index
            %get3A_342 = tpu.vector_load %arg10[%get3A_341] {strides = array<i32>} : memref<16384xf32, #tpu.memory_space<vmem>>, vector<16xf32>,
            %get3A_343 = vector.shape_cast %get3A_342 : vector<16xf32> to vector<16xf32>
            %get3A_344 = arith.index_cast %multiple_of3A_340 : i32 to index
            %get3A_345 = tpu.vector_load %arg10[%get3A_344] {strides = array<i32>} : memref<16384xf32, #tpu.memory_space<vmem>>, vector<16xf32>,
            %get3A_346 = vector.shape_cast %get3A_345 : vector<16xf32> to vector<16xf32>
            %lt3A_347 = arith.constant 0 : i32
            %lt3A_348 = vector.broadcast %lt3A_347 : i32 to vector<16xi32>
            %lt3A_349 = arith.cmpi slt, %min3A_70, %lt3A_348 : vector<16xi32>
            %add3A_350 = arith.constant 16 : i32
            %add3A_351 = vector.broadcast %add3A_350 : i32 to vector<16xi32>
            %add3A_352 = arith.addi %min3A_70, %add3A_351 : vector<16xi32>
            %select_n3A_353 = arith.select %lt3A_349, %add3A_352, %min3A_70 : vector<16xi1>, vector<16xi32>
            %broadcast_in_dim3A_354 = vector.shape_cast %select_n3A_353 : vector<16xi32> to vector<16x1xi32>
            %gather3A_355 = vector.shape_cast %broadcast_in_dim3A_354 : vector<16x1xi32> to vector<16xi32>
            %gather3A_356 = tpu.dynamic_gather %get3A_343[%gather3A_355] in [0] : vector<16xf32>, vector<16xi32> -> vector<16xf32>
            %lt3A_357 = arith.constant 0 : i32
            %lt3A_358 = vector.broadcast %lt3A_357 : i32 to vector<16xi32>
            %lt3A_359 = arith.cmpi slt, %min3A_78, %lt3A_358 : vector<16xi32>
            %add3A_360 = arith.constant 16 : i32
            %add3A_361 = vector.broadcast %add3A_360 : i32 to vector<16xi32>
            %add3A_362 = arith.addi %min3A_78, %add3A_361 : vector<16xi32>
            %select_n3A_363 = arith.select %lt3A_359, %add3A_362, %min3A_78 : vector<16xi1>, vector<16xi32>
            %broadcast_in_dim3A_364 = vector.shape_cast %select_n3A_363 : vector<16xi32> to vector<16x1xi32>
            %gather3A_365 = vector.shape_cast %broadcast_in_dim3A_364 : vector<16x1xi32> to vector<16xi32>
            %gather3A_366 = tpu.dynamic_gather %get3A_346[%gather3A_365] in [0] : vector<16xf32>, vector<16xi32> -> vector<16xf32>
            %select_n3A_367 = arith.select %lt3A_79, %gather3A_356, %gather3A_366 : vector<16xi1>, vector<16xf32>
            %jit3A_368 = arith.constant 0.000000e+00 : f32
            %broadcast_in_dim3A_369 = vector.broadcast %jit3A_368 : f32 to vector<16xf32>
            %select_n3A_370 = arith.select %and3A_329, %select_n3A_367, %broadcast_in_dim3A_369 : vector<16xi1>, vector<16xf32>
            %get3A_371 = arith.index_cast %sub3A_96 : i32 to index
            %get3A_372 = arith.index_cast %multiple_of3A_332 : i32 to index
            %get3A_373 = tpu.vector_load %arg9[%get3A_371, %get3A_372] {strides = array<i32>} : memref<16x512xf32, #tpu.memory_space<vmem>>, vector<1x16xf32>,
            %get3A_374 = vector.shape_cast %get3A_373 : vector<1x16xf32> to vector<16xf32>
            %sub3A_375 = arith.constant 1.000000e+00 : f32
            %sub3A_376 = vector.broadcast %sub3A_375 : f32 to vector<16xf32>
            %sub3A_377 = arith.subf %sub3A_376, %select_n3A_370 : vector<16xf32>
            %mul3A_378 = arith.mulf %get3A_374, %sub3A_377 : vector<16xf32>
            %add3A_379 = arith.addf %select_n3A_370, %mul3A_378 : vector<16xf32>
            %add3A_380 = arith.constant 0 : i32
            %add3A_381 = arith.addi %mul3A_95, %add3A_380 : i32
            %add3A_382 = arith.constant 0 : i32
            %add3A_383 = arith.addi %add3A_381, %add3A_382 : i32
            %multiple_of3A_384 = tpu.assume_multiple %add3A_383, 16 : i32
            %add3A_385 = arith.constant 16 : i32
            %add3A_386 = arith.addi %add3A_381, %add3A_385 : i32
            %multiple_of3A_387 = tpu.assume_multiple %add3A_386, 16 : i32
            %get3A_388 = arith.index_cast %multiple_of3A_384 : i32 to index
            %get3A_389 = tpu.vector_load %arg10[%get3A_388] {strides = array<i32>} : memref<16384xf32, #tpu.memory_space<vmem>>, vector<16xf32>,
            %get3A_390 = vector.shape_cast %get3A_389 : vector<16xf32> to vector<16xf32>
            %get3A_391 = arith.index_cast %multiple_of3A_387 : i32 to index
            %get3A_392 = tpu.vector_load %arg10[%get3A_391] {strides = array<i32>} : memref<16384xf32, #tpu.memory_space<vmem>>, vector<16xf32>,
            %get3A_393 = vector.shape_cast %get3A_392 : vector<16xf32> to vector<16xf32>
            %lt3A_394 = arith.constant 0 : i32
            %lt3A_395 = vector.broadcast %lt3A_394 : i32 to vector<16xi32>
            %lt3A_396 = arith.cmpi slt, %min3A_70, %lt3A_395 : vector<16xi32>
            %add3A_397 = arith.constant 16 : i32
            %add3A_398 = vector.broadcast %add3A_397 : i32 to vector<16xi32>
            %add3A_399 = arith.addi %min3A_70, %add3A_398 : vector<16xi32>
            %select_n3A_400 = arith.select %lt3A_396, %add3A_399, %min3A_70 : vector<16xi1>, vector<16xi32>
            %broadcast_in_dim3A_401 = vector.shape_cast %select_n3A_400 : vector<16xi32> to vector<16x1xi32>
            %gather3A_402 = vector.shape_cast %broadcast_in_dim3A_401 : vector<16x1xi32> to vector<16xi32>
            %gather3A_403 = tpu.dynamic_gather %get3A_390[%gather3A_402] in [0] : vector<16xf32>, vector<16xi32> -> vector<16xf32>
            %lt3A_404 = arith.constant 0 : i32
            %lt3A_405 = vector.broadcast %lt3A_404 : i32 to vector<16xi32>
            %lt3A_406 = arith.cmpi slt, %min3A_78, %lt3A_405 : vector<16xi32>
            %add3A_407 = arith.constant 16 : i32
            %add3A_408 = vector.broadcast %add3A_407 : i32 to vector<16xi32>
            %add3A_409 = arith.addi %min3A_78, %add3A_408 : vector<16xi32>
            %select_n3A_410 = arith.select %lt3A_406, %add3A_409, %min3A_78 : vector<16xi1>, vector<16xi32>
            %broadcast_in_dim3A_411 = vector.shape_cast %select_n3A_410 : vector<16xi32> to vector<16x1xi32>
            %gather3A_412 = vector.shape_cast %broadcast_in_dim3A_411 : vector<16x1xi32> to vector<16xi32>
            %gather3A_413 = tpu.dynamic_gather %get3A_393[%gather3A_412] in [0] : vector<16xf32>, vector<16xi32> -> vector<16xf32>
            %select_n3A_414 = arith.select %lt3A_79, %gather3A_403, %gather3A_413 : vector<16xi1>, vector<16xf32>
            %get3A_415 = arith.constant 0 : i32
            %get3A_416 = arith.index_cast %get3A_415 : i32 to index
            %get3A_417 = arith.index_cast %sub3A_96 : i32 to index
            %get3A_418 = arith.index_cast %multiple_of3A_332 : i32 to index
            %get3A_419 = tpu.vector_load %arg8[%get3A_416, %get3A_417, %get3A_418] {strides = array<i32>} : memref<3x16x512xf32, #tpu.memory_space<vmem>>, vector<1x1x16xf32>,
            %get3A_420 = vector.shape_cast %get3A_419 : vector<1x1x16xf32> to vector<16xf32>
            %mul3A_421 = arith.mulf %select_n3A_414, %select_n3A_370 : vector<16xf32>
            %mul3A_422 = arith.mulf %get3A_420, %mul3A_378 : vector<16xf32>
            %add3A_423 = arith.addf %mul3A_421, %mul3A_422 : vector<16xf32>
            %div3A_424 = arith.divf %add3A_423, %add3A_379 : vector<16xf32>
            %select_n3A_425 = arith.select %and3A_329, %div3A_424, %get3A_420 : vector<16xi1>, vector<16xf32>
            %swap3A_426 = arith.constant 0 : i32
            %swap3A_427 = arith.index_cast %swap3A_426 : i32 to index
            %swap3A_428 = arith.index_cast %sub3A_96 : i32 to index
            %swap3A_429 = arith.index_cast %multiple_of3A_332 : i32 to index
            %swap3A_430 = tpu.vector_load %arg8[%swap3A_427, %swap3A_428, %swap3A_429] {strides = array<i32>} : memref<3x16x512xf32, #tpu.memory_space<vmem>>, vector<1x1x16xf32>,
            %swap3A_431 = vector.shape_cast %swap3A_430 : vector<1x1x16xf32> to vector<16xf32>
            %swap3A_432 = vector.shape_cast %select_n3A_425 : vector<16xf32> to vector<1x1x16xf32>
            tpu.vector_store %arg8[%swap3A_427, %swap3A_428, %swap3A_429], %swap3A_432 {strides = array<i32>} : memref<3x16x512xf32, #tpu.memory_space<vmem>>, vector<1x1x16xf32>,
            %add3A_433 = arith.constant 4096 : i32
            %add3A_434 = arith.addi %mul3A_95, %add3A_433 : i32
            %add3A_435 = arith.constant 0 : i32
            %add3A_436 = arith.addi %add3A_434, %add3A_435 : i32
            %multiple_of3A_437 = tpu.assume_multiple %add3A_436, 16 : i32
            %add3A_438 = arith.constant 16 : i32
            %add3A_439 = arith.addi %add3A_434, %add3A_438 : i32
            %multiple_of3A_440 = tpu.assume_multiple %add3A_439, 16 : i32
            %get3A_441 = arith.index_cast %multiple_of3A_437 : i32 to index
            %get3A_442 = tpu.vector_load %arg10[%get3A_441] {strides = array<i32>} : memref<16384xf32, #tpu.memory_space<vmem>>, vector<16xf32>,
            %get3A_443 = vector.shape_cast %get3A_442 : vector<16xf32> to vector<16xf32>
            %get3A_444 = arith.index_cast %multiple_of3A_440 : i32 to index
            %get3A_445 = tpu.vector_load %arg10[%get3A_444] {strides = array<i32>} : memref<16384xf32, #tpu.memory_space<vmem>>, vector<16xf32>,
            %get3A_446 = vector.shape_cast %get3A_445 : vector<16xf32> to vector<16xf32>
            %lt3A_447 = arith.constant 0 : i32
            %lt3A_448 = vector.broadcast %lt3A_447 : i32 to vector<16xi32>
            %lt3A_449 = arith.cmpi slt, %min3A_70, %lt3A_448 : vector<16xi32>
            %add3A_450 = arith.constant 16 : i32
            %add3A_451 = vector.broadcast %add3A_450 : i32 to vector<16xi32>
            %add3A_452 = arith.addi %min3A_70, %add3A_451 : vector<16xi32>
            %select_n3A_453 = arith.select %lt3A_449, %add3A_452, %min3A_70 : vector<16xi1>, vector<16xi32>
            %broadcast_in_dim3A_454 = vector.shape_cast %select_n3A_453 : vector<16xi32> to vector<16x1xi32>
            %gather3A_455 = vector.shape_cast %broadcast_in_dim3A_454 : vector<16x1xi32> to vector<16xi32>
            %gather3A_456 = tpu.dynamic_gather %get3A_443[%gather3A_455] in [0] : vector<16xf32>, vector<16xi32> -> vector<16xf32>
            %lt3A_457 = arith.constant 0 : i32
            %lt3A_458 = vector.broadcast %lt3A_457 : i32 to vector<16xi32>
            %lt3A_459 = arith.cmpi slt, %min3A_78, %lt3A_458 : vector<16xi32>
            %add3A_460 = arith.constant 16 : i32
            %add3A_461 = vector.broadcast %add3A_460 : i32 to vector<16xi32>
            %add3A_462 = arith.addi %min3A_78, %add3A_461 : vector<16xi32>
            %select_n3A_463 = arith.select %lt3A_459, %add3A_462, %min3A_78 : vector<16xi1>, vector<16xi32>
            %broadcast_in_dim3A_464 = vector.shape_cast %select_n3A_463 : vector<16xi32> to vector<16x1xi32>
            %gather3A_465 = vector.shape_cast %broadcast_in_dim3A_464 : vector<16x1xi32> to vector<16xi32>
            %gather3A_466 = tpu.dynamic_gather %get3A_446[%gather3A_465] in [0] : vector<16xf32>, vector<16xi32> -> vector<16xf32>
            %select_n3A_467 = arith.select %lt3A_79, %gather3A_456, %gather3A_466 : vector<16xi1>, vector<16xf32>
            %get3A_468 = arith.constant 1 : i32
            %get3A_469 = arith.index_cast %get3A_468 : i32 to index
            %get3A_470 = arith.index_cast %sub3A_96 : i32 to index
            %get3A_471 = arith.index_cast %multiple_of3A_332 : i32 to index
            %get3A_472 = tpu.vector_load %arg8[%get3A_469, %get3A_470, %get3A_471] {strides = array<i32>} : memref<3x16x512xf32, #tpu.memory_space<vmem>>, vector<1x1x16xf32>,
            %get3A_473 = vector.shape_cast %get3A_472 : vector<1x1x16xf32> to vector<16xf32>
            %mul3A_474 = arith.mulf %select_n3A_467, %select_n3A_370 : vector<16xf32>
            %mul3A_475 = arith.mulf %get3A_473, %mul3A_378 : vector<16xf32>
            %add3A_476 = arith.addf %mul3A_474, %mul3A_475 : vector<16xf32>
            %div3A_477 = arith.divf %add3A_476, %add3A_379 : vector<16xf32>
            %select_n3A_478 = arith.select %and3A_329, %div3A_477, %get3A_473 : vector<16xi1>, vector<16xf32>
            %swap3A_479 = arith.constant 1 : i32
            %swap3A_480 = arith.index_cast %swap3A_479 : i32 to index
            %swap3A_481 = arith.index_cast %sub3A_96 : i32 to index
            %swap3A_482 = arith.index_cast %multiple_of3A_332 : i32 to index
            %swap3A_483 = tpu.vector_load %arg8[%swap3A_480, %swap3A_481, %swap3A_482] {strides = array<i32>} : memref<3x16x512xf32, #tpu.memory_space<vmem>>, vector<1x1x16xf32>,
            %swap3A_484 = vector.shape_cast %swap3A_483 : vector<1x1x16xf32> to vector<16xf32>
            %swap3A_485 = vector.shape_cast %select_n3A_478 : vector<16xf32> to vector<1x1x16xf32>
            tpu.vector_store %arg8[%swap3A_480, %swap3A_481, %swap3A_482], %swap3A_485 {strides = array<i32>} : memref<3x16x512xf32, #tpu.memory_space<vmem>>, vector<1x1x16xf32>,
            %add3A_486 = arith.constant 8192 : i32
            %add3A_487 = arith.addi %mul3A_95, %add3A_486 : i32
            %add3A_488 = arith.constant 0 : i32
            %add3A_489 = arith.addi %add3A_487, %add3A_488 : i32
            %multiple_of3A_490 = tpu.assume_multiple %add3A_489, 16 : i32
            %add3A_491 = arith.constant 16 : i32
            %add3A_492 = arith.addi %add3A_487, %add3A_491 : i32
            %multiple_of3A_493 = tpu.assume_multiple %add3A_492, 16 : i32
            %get3A_494 = arith.index_cast %multiple_of3A_490 : i32 to index
            %get3A_495 = tpu.vector_load %arg10[%get3A_494] {strides = array<i32>} : memref<16384xf32, #tpu.memory_space<vmem>>, vector<16xf32>,
            %get3A_496 = vector.shape_cast %get3A_495 : vector<16xf32> to vector<16xf32>
            %get3A_497 = arith.index_cast %multiple_of3A_493 : i32 to index
            %get3A_498 = tpu.vector_load %arg10[%get3A_497] {strides = array<i32>} : memref<16384xf32, #tpu.memory_space<vmem>>, vector<16xf32>,
            %get3A_499 = vector.shape_cast %get3A_498 : vector<16xf32> to vector<16xf32>
            %lt3A_500 = arith.constant 0 : i32
            %lt3A_501 = vector.broadcast %lt3A_500 : i32 to vector<16xi32>
            %lt3A_502 = arith.cmpi slt, %min3A_70, %lt3A_501 : vector<16xi32>
            %add3A_503 = arith.constant 16 : i32
            %add3A_504 = vector.broadcast %add3A_503 : i32 to vector<16xi32>
            %add3A_505 = arith.addi %min3A_70, %add3A_504 : vector<16xi32>
            %select_n3A_506 = arith.select %lt3A_502, %add3A_505, %min3A_70 : vector<16xi1>, vector<16xi32>
            %broadcast_in_dim3A_507 = vector.shape_cast %select_n3A_506 : vector<16xi32> to vector<16x1xi32>
            %gather3A_508 = vector.shape_cast %broadcast_in_dim3A_507 : vector<16x1xi32> to vector<16xi32>
            %gather3A_509 = tpu.dynamic_gather %get3A_496[%gather3A_508] in [0] : vector<16xf32>, vector<16xi32> -> vector<16xf32>
            %lt3A_510 = arith.constant 0 : i32
            %lt3A_511 = vector.broadcast %lt3A_510 : i32 to vector<16xi32>
            %lt3A_512 = arith.cmpi slt, %min3A_78, %lt3A_511 : vector<16xi32>
            %add3A_513 = arith.constant 16 : i32
            %add3A_514 = vector.broadcast %add3A_513 : i32 to vector<16xi32>
            %add3A_515 = arith.addi %min3A_78, %add3A_514 : vector<16xi32>
            %select_n3A_516 = arith.select %lt3A_512, %add3A_515, %min3A_78 : vector<16xi1>, vector<16xi32>
            %broadcast_in_dim3A_517 = vector.shape_cast %select_n3A_516 : vector<16xi32> to vector<16x1xi32>
            %gather3A_518 = vector.shape_cast %broadcast_in_dim3A_517 : vector<16x1xi32> to vector<16xi32>
            %gather3A_519 = tpu.dynamic_gather %get3A_499[%gather3A_518] in [0] : vector<16xf32>, vector<16xi32> -> vector<16xf32>
            %select_n3A_520 = arith.select %lt3A_79, %gather3A_509, %gather3A_519 : vector<16xi1>, vector<16xf32>
            %get3A_521 = arith.constant 2 : i32
            %get3A_522 = arith.index_cast %get3A_521 : i32 to index
            %get3A_523 = arith.index_cast %sub3A_96 : i32 to index
            %get3A_524 = arith.index_cast %multiple_of3A_332 : i32 to index
            %get3A_525 = tpu.vector_load %arg8[%get3A_522, %get3A_523, %get3A_524] {strides = array<i32>} : memref<3x16x512xf32, #tpu.memory_space<vmem>>, vector<1x1x16xf32>,
            %get3A_526 = vector.shape_cast %get3A_525 : vector<1x1x16xf32> to vector<16xf32>
            %mul3A_527 = arith.mulf %select_n3A_520, %select_n3A_370 : vector<16xf32>
            %mul3A_528 = arith.mulf %get3A_526, %mul3A_378 : vector<16xf32>
            %add3A_529 = arith.addf %mul3A_527, %mul3A_528 : vector<16xf32>
            %div3A_530 = arith.divf %add3A_529, %add3A_379 : vector<16xf32>
            %select_n3A_531 = arith.select %and3A_329, %div3A_530, %get3A_526 : vector<16xi1>, vector<16xf32>
            %swap3A_532 = arith.constant 2 : i32
            %swap3A_533 = arith.index_cast %swap3A_532 : i32 to index
            %swap3A_534 = arith.index_cast %sub3A_96 : i32 to index
            %swap3A_535 = arith.index_cast %multiple_of3A_332 : i32 to index
            %swap3A_536 = tpu.vector_load %arg8[%swap3A_533, %swap3A_534, %swap3A_535] {strides = array<i32>} : memref<3x16x512xf32, #tpu.memory_space<vmem>>, vector<1x1x16xf32>,
            %swap3A_537 = vector.shape_cast %swap3A_536 : vector<1x1x16xf32> to vector<16xf32>
            %swap3A_538 = vector.shape_cast %select_n3A_531 : vector<16xf32> to vector<1x1x16xf32>
            tpu.vector_store %arg8[%swap3A_533, %swap3A_534, %swap3A_535], %swap3A_538 {strides = array<i32>} : memref<3x16x512xf32, #tpu.memory_space<vmem>>, vector<1x1x16xf32>,
            %select_n3A_539 = arith.select %and3A_329, %add3A_379, %get3A_374 : vector<16xi1>, vector<16xf32>
            %swap3A_540 = arith.index_cast %sub3A_96 : i32 to index
            %swap3A_541 = arith.index_cast %multiple_of3A_332 : i32 to index
            %swap3A_542 = tpu.vector_load %arg9[%swap3A_540, %swap3A_541] {strides = array<i32>} : memref<16x512xf32, #tpu.memory_space<vmem>>, vector<1x16xf32>,
            %swap3A_543 = vector.shape_cast %swap3A_542 : vector<1x16xf32> to vector<16xf32>
            %swap3A_544 = vector.shape_cast %select_n3A_539 : vector<16xf32> to vector<1x16xf32>
            tpu.vector_store %arg9[%swap3A_540, %swap3A_541], %swap3A_544 {strides = array<i32>} : memref<16x512xf32, #tpu.memory_space<vmem>>, vector<1x16xf32>,
            %sub3A_545 = arith.constant 32 : i32
            %sub3A_546 = arith.subi %sub3A_545, %sub3A_60 : i32
            %add3A_547 = vector.broadcast %sub3A_546 : i32 to vector<16xi32>
            %add3A_548 = arith.addi %iota3A, %add3A_547 : vector<16xi32>
            %ge3A_549 = arith.constant 0 : i32
            %ge3A_550 = vector.broadcast %ge3A_549 : i32 to vector<16xi32>
            %ge3A_551 = arith.cmpi sge, %add3A_548, %ge3A_550 : vector<16xi32>
            %lt3A_552 = arith.constant 64 : i32
            %lt3A_553 = vector.broadcast %lt3A_552 : i32 to vector<16xi32>
            %lt3A_554 = arith.cmpi slt, %add3A_548, %lt3A_553 : vector<16xi32>
            %and3A_555 = arith.andi %ge3A_551, %lt3A_554 : vector<16xi1>
            %add3A_556 = arith.constant 32 : i32
            %add3A_557 = arith.addi %multiple_of3A, %add3A_556 : i32
            %multiple_of3A_558 = tpu.assume_multiple %add3A_557, 16 : i32
            %add3A_559 = arith.constant 12288 : i32
            %add3A_560 = arith.addi %mul3A_95, %add3A_559 : i32
            %add3A_561 = arith.constant 16 : i32
            %add3A_562 = arith.addi %add3A_560, %add3A_561 : i32
            %multiple_of3A_563 = tpu.assume_multiple %add3A_562, 16 : i32
            %add3A_564 = arith.constant 32 : i32
            %add3A_565 = arith.addi %add3A_560, %add3A_564 : i32
            %multiple_of3A_566 = tpu.assume_multiple %add3A_565, 16 : i32
            %get3A_567 = arith.index_cast %multiple_of3A_563 : i32 to index
            %get3A_568 = tpu.vector_load %arg10[%get3A_567] {strides = array<i32>} : memref<16384xf32, #tpu.memory_space<vmem>>, vector<16xf32>,
            %get3A_569 = vector.shape_cast %get3A_568 : vector<16xf32> to vector<16xf32>
            %get3A_570 = arith.index_cast %multiple_of3A_566 : i32 to index
            %get3A_571 = tpu.vector_load %arg10[%get3A_570] {strides = array<i32>} : memref<16384xf32, #tpu.memory_space<vmem>>, vector<16xf32>,
            %get3A_572 = vector.shape_cast %get3A_571 : vector<16xf32> to vector<16xf32>
            %lt3A_573 = arith.constant 0 : i32
            %lt3A_574 = vector.broadcast %lt3A_573 : i32 to vector<16xi32>
            %lt3A_575 = arith.cmpi slt, %min3A_70, %lt3A_574 : vector<16xi32>
            %add3A_576 = arith.constant 16 : i32
            %add3A_577 = vector.broadcast %add3A_576 : i32 to vector<16xi32>
            %add3A_578 = arith.addi %min3A_70, %add3A_577 : vector<16xi32>
            %select_n3A_579 = arith.select %lt3A_575, %add3A_578, %min3A_70 : vector<16xi1>, vector<16xi32>
            %broadcast_in_dim3A_580 = vector.shape_cast %select_n3A_579 : vector<16xi32> to vector<16x1xi32>
            %gather3A_581 = vector.shape_cast %broadcast_in_dim3A_580 : vector<16x1xi32> to vector<16xi32>
            %gather3A_582 = tpu.dynamic_gather %get3A_569[%gather3A_581] in [0] : vector<16xf32>, vector<16xi32> -> vector<16xf32>
            %lt3A_583 = arith.constant 0 : i32
            %lt3A_584 = vector.broadcast %lt3A_583 : i32 to vector<16xi32>
            %lt3A_585 = arith.cmpi slt, %min3A_78, %lt3A_584 : vector<16xi32>
            %add3A_586 = arith.constant 16 : i32
            %add3A_587 = vector.broadcast %add3A_586 : i32 to vector<16xi32>
            %add3A_588 = arith.addi %min3A_78, %add3A_587 : vector<16xi32>
            %select_n3A_589 = arith.select %lt3A_585, %add3A_588, %min3A_78 : vector<16xi1>, vector<16xi32>
            %broadcast_in_dim3A_590 = vector.shape_cast %select_n3A_589 : vector<16xi32> to vector<16x1xi32>
            %gather3A_591 = vector.shape_cast %broadcast_in_dim3A_590 : vector<16x1xi32> to vector<16xi32>
            %gather3A_592 = tpu.dynamic_gather %get3A_572[%gather3A_591] in [0] : vector<16xf32>, vector<16xi32> -> vector<16xf32>
            %select_n3A_593 = arith.select %lt3A_79, %gather3A_582, %gather3A_592 : vector<16xi1>, vector<16xf32>
            %jit3A_594 = arith.constant 0.000000e+00 : f32
            %broadcast_in_dim3A_595 = vector.broadcast %jit3A_594 : f32 to vector<16xf32>
            %select_n3A_596 = arith.select %and3A_555, %select_n3A_593, %broadcast_in_dim3A_595 : vector<16xi1>, vector<16xf32>
            %get3A_597 = arith.index_cast %sub3A_96 : i32 to index
            %get3A_598 = arith.index_cast %multiple_of3A_558 : i32 to index
            %get3A_599 = tpu.vector_load %arg9[%get3A_597, %get3A_598] {strides = array<i32>} : memref<16x512xf32, #tpu.memory_space<vmem>>, vector<1x16xf32>,
            %get3A_600 = vector.shape_cast %get3A_599 : vector<1x16xf32> to vector<16xf32>
            %sub3A_601 = arith.constant 1.000000e+00 : f32
            %sub3A_602 = vector.broadcast %sub3A_601 : f32 to vector<16xf32>
            %sub3A_603 = arith.subf %sub3A_602, %select_n3A_596 : vector<16xf32>
            %mul3A_604 = arith.mulf %get3A_600, %sub3A_603 : vector<16xf32>
            %add3A_605 = arith.addf %select_n3A_596, %mul3A_604 : vector<16xf32>
            %add3A_606 = arith.constant 0 : i32
            %add3A_607 = arith.addi %mul3A_95, %add3A_606 : i32
            %add3A_608 = arith.constant 16 : i32
            %add3A_609 = arith.addi %add3A_607, %add3A_608 : i32
            %multiple_of3A_610 = tpu.assume_multiple %add3A_609, 16 : i32
            %add3A_611 = arith.constant 32 : i32
            %add3A_612 = arith.addi %add3A_607, %add3A_611 : i32
            %multiple_of3A_613 = tpu.assume_multiple %add3A_612, 16 : i32
            %get3A_614 = arith.index_cast %multiple_of3A_610 : i32 to index
            %get3A_615 = tpu.vector_load %arg10[%get3A_614] {strides = array<i32>} : memref<16384xf32, #tpu.memory_space<vmem>>, vector<16xf32>,
            %get3A_616 = vector.shape_cast %get3A_615 : vector<16xf32> to vector<16xf32>
            %get3A_617 = arith.index_cast %multiple_of3A_613 : i32 to index
            %get3A_618 = tpu.vector_load %arg10[%get3A_617] {strides = array<i32>} : memref<16384xf32, #tpu.memory_space<vmem>>, vector<16xf32>,
            %get3A_619 = vector.shape_cast %get3A_618 : vector<16xf32> to vector<16xf32>
            %lt3A_620 = arith.constant 0 : i32
            %lt3A_621 = vector.broadcast %lt3A_620 : i32 to vector<16xi32>
            %lt3A_622 = arith.cmpi slt, %min3A_70, %lt3A_621 : vector<16xi32>
            %add3A_623 = arith.constant 16 : i32
            %add3A_624 = vector.broadcast %add3A_623 : i32 to vector<16xi32>
            %add3A_625 = arith.addi %min3A_70, %add3A_624 : vector<16xi32>
            %select_n3A_626 = arith.select %lt3A_622, %add3A_625, %min3A_70 : vector<16xi1>, vector<16xi32>
            %broadcast_in_dim3A_627 = vector.shape_cast %select_n3A_626 : vector<16xi32> to vector<16x1xi32>
            %gather3A_628 = vector.shape_cast %broadcast_in_dim3A_627 : vector<16x1xi32> to vector<16xi32>
            %gather3A_629 = tpu.dynamic_gather %get3A_616[%gather3A_628] in [0] : vector<16xf32>, vector<16xi32> -> vector<16xf32>
            %lt3A_630 = arith.constant 0 : i32
            %lt3A_631 = vector.broadcast %lt3A_630 : i32 to vector<16xi32>
            %lt3A_632 = arith.cmpi slt, %min3A_78, %lt3A_631 : vector<16xi32>
            %add3A_633 = arith.constant 16 : i32
            %add3A_634 = vector.broadcast %add3A_633 : i32 to vector<16xi32>
            %add3A_635 = arith.addi %min3A_78, %add3A_634 : vector<16xi32>
            %select_n3A_636 = arith.select %lt3A_632, %add3A_635, %min3A_78 : vector<16xi1>, vector<16xi32>
            %broadcast_in_dim3A_637 = vector.shape_cast %select_n3A_636 : vector<16xi32> to vector<16x1xi32>
            %gather3A_638 = vector.shape_cast %broadcast_in_dim3A_637 : vector<16x1xi32> to vector<16xi32>
            %gather3A_639 = tpu.dynamic_gather %get3A_619[%gather3A_638] in [0] : vector<16xf32>, vector<16xi32> -> vector<16xf32>
            %select_n3A_640 = arith.select %lt3A_79, %gather3A_629, %gather3A_639 : vector<16xi1>, vector<16xf32>
            %get3A_641 = arith.constant 0 : i32
            %get3A_642 = arith.index_cast %get3A_641 : i32 to index
            %get3A_643 = arith.index_cast %sub3A_96 : i32 to index
            %get3A_644 = arith.index_cast %multiple_of3A_558 : i32 to index
            %get3A_645 = tpu.vector_load %arg8[%get3A_642, %get3A_643, %get3A_644] {strides = array<i32>} : memref<3x16x512xf32, #tpu.memory_space<vmem>>, vector<1x1x16xf32>,
            %get3A_646 = vector.shape_cast %get3A_645 : vector<1x1x16xf32> to vector<16xf32>
            %mul3A_647 = arith.mulf %select_n3A_640, %select_n3A_596 : vector<16xf32>
            %mul3A_648 = arith.mulf %get3A_646, %mul3A_604 : vector<16xf32>
            %add3A_649 = arith.addf %mul3A_647, %mul3A_648 : vector<16xf32>
            %div3A_650 = arith.divf %add3A_649, %add3A_605 : vector<16xf32>
            %select_n3A_651 = arith.select %and3A_555, %div3A_650, %get3A_646 : vector<16xi1>, vector<16xf32>
            %swap3A_652 = arith.constant 0 : i32
            %swap3A_653 = arith.index_cast %swap3A_652 : i32 to index
            %swap3A_654 = arith.index_cast %sub3A_96 : i32 to index
            %swap3A_655 = arith.index_cast %multiple_of3A_558 : i32 to index
            %swap3A_656 = tpu.vector_load %arg8[%swap3A_653, %swap3A_654, %swap3A_655] {strides = array<i32>} : memref<3x16x512xf32, #tpu.memory_space<vmem>>, vector<1x1x16xf32>,
            %swap3A_657 = vector.shape_cast %swap3A_656 : vector<1x1x16xf32> to vector<16xf32>
            %swap3A_658 = vector.shape_cast %select_n3A_651 : vector<16xf32> to vector<1x1x16xf32>
            tpu.vector_store %arg8[%swap3A_653, %swap3A_654, %swap3A_655], %swap3A_658 {strides = array<i32>} : memref<3x16x512xf32, #tpu.memory_space<vmem>>, vector<1x1x16xf32>,
            %add3A_659 = arith.constant 4096 : i32
            %add3A_660 = arith.addi %mul3A_95, %add3A_659 : i32
            %add3A_661 = arith.constant 16 : i32
            %add3A_662 = arith.addi %add3A_660, %add3A_661 : i32
            %multiple_of3A_663 = tpu.assume_multiple %add3A_662, 16 : i32
            %add3A_664 = arith.constant 32 : i32
            %add3A_665 = arith.addi %add3A_660, %add3A_664 : i32
            %multiple_of3A_666 = tpu.assume_multiple %add3A_665, 16 : i32
            %get3A_667 = arith.index_cast %multiple_of3A_663 : i32 to index
            %get3A_668 = tpu.vector_load %arg10[%get3A_667] {strides = array<i32>} : memref<16384xf32, #tpu.memory_space<vmem>>, vector<16xf32>,
            %get3A_669 = vector.shape_cast %get3A_668 : vector<16xf32> to vector<16xf32>
            %get3A_670 = arith.index_cast %multiple_of3A_666 : i32 to index
            %get3A_671 = tpu.vector_load %arg10[%get3A_670] {strides = array<i32>} : memref<16384xf32, #tpu.memory_space<vmem>>, vector<16xf32>,
            %get3A_672 = vector.shape_cast %get3A_671 : vector<16xf32> to vector<16xf32>
            %lt3A_673 = arith.constant 0 : i32
            %lt3A_674 = vector.broadcast %lt3A_673 : i32 to vector<16xi32>
            %lt3A_675 = arith.cmpi slt, %min3A_70, %lt3A_674 : vector<16xi32>
            %add3A_676 = arith.constant 16 : i32
            %add3A_677 = vector.broadcast %add3A_676 : i32 to vector<16xi32>
            %add3A_678 = arith.addi %min3A_70, %add3A_677 : vector<16xi32>
            %select_n3A_679 = arith.select %lt3A_675, %add3A_678, %min3A_70 : vector<16xi1>, vector<16xi32>
            %broadcast_in_dim3A_680 = vector.shape_cast %select_n3A_679 : vector<16xi32> to vector<16x1xi32>
            %gather3A_681 = vector.shape_cast %broadcast_in_dim3A_680 : vector<16x1xi32> to vector<16xi32>
            %gather3A_682 = tpu.dynamic_gather %get3A_669[%gather3A_681] in [0] : vector<16xf32>, vector<16xi32> -> vector<16xf32>
            %lt3A_683 = arith.constant 0 : i32
            %lt3A_684 = vector.broadcast %lt3A_683 : i32 to vector<16xi32>
            %lt3A_685 = arith.cmpi slt, %min3A_78, %lt3A_684 : vector<16xi32>
            %add3A_686 = arith.constant 16 : i32
            %add3A_687 = vector.broadcast %add3A_686 : i32 to vector<16xi32>
            %add3A_688 = arith.addi %min3A_78, %add3A_687 : vector<16xi32>
            %select_n3A_689 = arith.select %lt3A_685, %add3A_688, %min3A_78 : vector<16xi1>, vector<16xi32>
            %broadcast_in_dim3A_690 = vector.shape_cast %select_n3A_689 : vector<16xi32> to vector<16x1xi32>
            %gather3A_691 = vector.shape_cast %broadcast_in_dim3A_690 : vector<16x1xi32> to vector<16xi32>
            %gather3A_692 = tpu.dynamic_gather %get3A_672[%gather3A_691] in [0] : vector<16xf32>, vector<16xi32> -> vector<16xf32>
            %select_n3A_693 = arith.select %lt3A_79, %gather3A_682, %gather3A_692 : vector<16xi1>, vector<16xf32>
            %get3A_694 = arith.constant 1 : i32
            %get3A_695 = arith.index_cast %get3A_694 : i32 to index
            %get3A_696 = arith.index_cast %sub3A_96 : i32 to index
            %get3A_697 = arith.index_cast %multiple_of3A_558 : i32 to index
            %get3A_698 = tpu.vector_load %arg8[%get3A_695, %get3A_696, %get3A_697] {strides = array<i32>} : memref<3x16x512xf32, #tpu.memory_space<vmem>>, vector<1x1x16xf32>,
            %get3A_699 = vector.shape_cast %get3A_698 : vector<1x1x16xf32> to vector<16xf32>
            %mul3A_700 = arith.mulf %select_n3A_693, %select_n3A_596 : vector<16xf32>
            %mul3A_701 = arith.mulf %get3A_699, %mul3A_604 : vector<16xf32>
            %add3A_702 = arith.addf %mul3A_700, %mul3A_701 : vector<16xf32>
            %div3A_703 = arith.divf %add3A_702, %add3A_605 : vector<16xf32>
            %select_n3A_704 = arith.select %and3A_555, %div3A_703, %get3A_699 : vector<16xi1>, vector<16xf32>
            %swap3A_705 = arith.constant 1 : i32
            %swap3A_706 = arith.index_cast %swap3A_705 : i32 to index
            %swap3A_707 = arith.index_cast %sub3A_96 : i32 to index
            %swap3A_708 = arith.index_cast %multiple_of3A_558 : i32 to index
            %swap3A_709 = tpu.vector_load %arg8[%swap3A_706, %swap3A_707, %swap3A_708] {strides = array<i32>} : memref<3x16x512xf32, #tpu.memory_space<vmem>>, vector<1x1x16xf32>,
            %swap3A_710 = vector.shape_cast %swap3A_709 : vector<1x1x16xf32> to vector<16xf32>
            %swap3A_711 = vector.shape_cast %select_n3A_704 : vector<16xf32> to vector<1x1x16xf32>
            tpu.vector_store %arg8[%swap3A_706, %swap3A_707, %swap3A_708], %swap3A_711 {strides = array<i32>} : memref<3x16x512xf32, #tpu.memory_space<vmem>>, vector<1x1x16xf32>,
            %add3A_712 = arith.constant 8192 : i32
            %add3A_713 = arith.addi %mul3A_95, %add3A_712 : i32
            %add3A_714 = arith.constant 16 : i32
            %add3A_715 = arith.addi %add3A_713, %add3A_714 : i32
            %multiple_of3A_716 = tpu.assume_multiple %add3A_715, 16 : i32
            %add3A_717 = arith.constant 32 : i32
            %add3A_718 = arith.addi %add3A_713, %add3A_717 : i32
            %multiple_of3A_719 = tpu.assume_multiple %add3A_718, 16 : i32
            %get3A_720 = arith.index_cast %multiple_of3A_716 : i32 to index
            %get3A_721 = tpu.vector_load %arg10[%get3A_720] {strides = array<i32>} : memref<16384xf32, #tpu.memory_space<vmem>>, vector<16xf32>,
            %get3A_722 = vector.shape_cast %get3A_721 : vector<16xf32> to vector<16xf32>
            %get3A_723 = arith.index_cast %multiple_of3A_719 : i32 to index
            %get3A_724 = tpu.vector_load %arg10[%get3A_723] {strides = array<i32>} : memref<16384xf32, #tpu.memory_space<vmem>>, vector<16xf32>,
            %get3A_725 = vector.shape_cast %get3A_724 : vector<16xf32> to vector<16xf32>
            %lt3A_726 = arith.constant 0 : i32
            %lt3A_727 = vector.broadcast %lt3A_726 : i32 to vector<16xi32>
            %lt3A_728 = arith.cmpi slt, %min3A_70, %lt3A_727 : vector<16xi32>
            %add3A_729 = arith.constant 16 : i32
            %add3A_730 = vector.broadcast %add3A_729 : i32 to vector<16xi32>
            %add3A_731 = arith.addi %min3A_70, %add3A_730 : vector<16xi32>
            %select_n3A_732 = arith.select %lt3A_728, %add3A_731, %min3A_70 : vector<16xi1>, vector<16xi32>
            %broadcast_in_dim3A_733 = vector.shape_cast %select_n3A_732 : vector<16xi32> to vector<16x1xi32>
            %gather3A_734 = vector.shape_cast %broadcast_in_dim3A_733 : vector<16x1xi32> to vector<16xi32>
            %gather3A_735 = tpu.dynamic_gather %get3A_722[%gather3A_734] in [0] : vector<16xf32>, vector<16xi32> -> vector<16xf32>
            %lt3A_736 = arith.constant 0 : i32
            %lt3A_737 = vector.broadcast %lt3A_736 : i32 to vector<16xi32>
            %lt3A_738 = arith.cmpi slt, %min3A_78, %lt3A_737 : vector<16xi32>
            %add3A_739 = arith.constant 16 : i32
            %add3A_740 = vector.broadcast %add3A_739 : i32 to vector<16xi32>
            %add3A_741 = arith.addi %min3A_78, %add3A_740 : vector<16xi32>
            %select_n3A_742 = arith.select %lt3A_738, %add3A_741, %min3A_78 : vector<16xi1>, vector<16xi32>
            %broadcast_in_dim3A_743 = vector.shape_cast %select_n3A_742 : vector<16xi32> to vector<16x1xi32>
            %gather3A_744 = vector.shape_cast %broadcast_in_dim3A_743 : vector<16x1xi32> to vector<16xi32>
            %gather3A_745 = tpu.dynamic_gather %get3A_725[%gather3A_744] in [0] : vector<16xf32>, vector<16xi32> -> vector<16xf32>
            %select_n3A_746 = arith.select %lt3A_79, %gather3A_735, %gather3A_745 : vector<16xi1>, vector<16xf32>
            %get3A_747 = arith.constant 2 : i32
            %get3A_748 = arith.index_cast %get3A_747 : i32 to index
            %get3A_749 = arith.index_cast %sub3A_96 : i32 to index
            %get3A_750 = arith.index_cast %multiple_of3A_558 : i32 to index
            %get3A_751 = tpu.vector_load %arg8[%get3A_748, %get3A_749, %get3A_750] {strides = array<i32>} : memref<3x16x512xf32, #tpu.memory_space<vmem>>, vector<1x1x16xf32>,
            %get3A_752 = vector.shape_cast %get3A_751 : vector<1x1x16xf32> to vector<16xf32>
            %mul3A_753 = arith.mulf %select_n3A_746, %select_n3A_596 : vector<16xf32>
            %mul3A_754 = arith.mulf %get3A_752, %mul3A_604 : vector<16xf32>
            %add3A_755 = arith.addf %mul3A_753, %mul3A_754 : vector<16xf32>
            %div3A_756 = arith.divf %add3A_755, %add3A_605 : vector<16xf32>
            %select_n3A_757 = arith.select %and3A_555, %div3A_756, %get3A_752 : vector<16xi1>, vector<16xf32>
            %swap3A_758 = arith.constant 2 : i32
            %swap3A_759 = arith.index_cast %swap3A_758 : i32 to index
            %swap3A_760 = arith.index_cast %sub3A_96 : i32 to index
            %swap3A_761 = arith.index_cast %multiple_of3A_558 : i32 to index
            %swap3A_762 = tpu.vector_load %arg8[%swap3A_759, %swap3A_760, %swap3A_761] {strides = array<i32>} : memref<3x16x512xf32, #tpu.memory_space<vmem>>, vector<1x1x16xf32>,
            %swap3A_763 = vector.shape_cast %swap3A_762 : vector<1x1x16xf32> to vector<16xf32>
            %swap3A_764 = vector.shape_cast %select_n3A_757 : vector<16xf32> to vector<1x1x16xf32>
            tpu.vector_store %arg8[%swap3A_759, %swap3A_760, %swap3A_761], %swap3A_764 {strides = array<i32>} : memref<3x16x512xf32, #tpu.memory_space<vmem>>, vector<1x1x16xf32>,
            %select_n3A_765 = arith.select %and3A_555, %add3A_605, %get3A_600 : vector<16xi1>, vector<16xf32>
            %swap3A_766 = arith.index_cast %sub3A_96 : i32 to index
            %swap3A_767 = arith.index_cast %multiple_of3A_558 : i32 to index
            %swap3A_768 = tpu.vector_load %arg9[%swap3A_766, %swap3A_767] {strides = array<i32>} : memref<16x512xf32, #tpu.memory_space<vmem>>, vector<1x16xf32>,
            %swap3A_769 = vector.shape_cast %swap3A_768 : vector<1x16xf32> to vector<16xf32>
            %swap3A_770 = vector.shape_cast %select_n3A_765 : vector<16xf32> to vector<1x16xf32>
            tpu.vector_store %arg9[%swap3A_766, %swap3A_767], %swap3A_770 {strides = array<i32>} : memref<16x512xf32, #tpu.memory_space<vmem>>, vector<1x16xf32>,
            %sub3A_771 = arith.constant 48 : i32
            %sub3A_772 = arith.subi %sub3A_771, %sub3A_60 : i32
            %add3A_773 = vector.broadcast %sub3A_772 : i32 to vector<16xi32>
            %add3A_774 = arith.addi %iota3A, %add3A_773 : vector<16xi32>
            %ge3A_775 = arith.constant 0 : i32
            %ge3A_776 = vector.broadcast %ge3A_775 : i32 to vector<16xi32>
            %ge3A_777 = arith.cmpi sge, %add3A_774, %ge3A_776 : vector<16xi32>
            %lt3A_778 = arith.constant 64 : i32
            %lt3A_779 = vector.broadcast %lt3A_778 : i32 to vector<16xi32>
            %lt3A_780 = arith.cmpi slt, %add3A_774, %lt3A_779 : vector<16xi32>
            %and3A_781 = arith.andi %ge3A_777, %lt3A_780 : vector<16xi1>
            %add3A_782 = arith.constant 48 : i32
            %add3A_783 = arith.addi %multiple_of3A, %add3A_782 : i32
            %multiple_of3A_784 = tpu.assume_multiple %add3A_783, 16 : i32
            %add3A_785 = arith.constant 12288 : i32
            %add3A_786 = arith.addi %mul3A_95, %add3A_785 : i32
            %add3A_787 = arith.constant 32 : i32
            %add3A_788 = arith.addi %add3A_786, %add3A_787 : i32
            %multiple_of3A_789 = tpu.assume_multiple %add3A_788, 16 : i32
            %add3A_790 = arith.constant 48 : i32
            %add3A_791 = arith.addi %add3A_786, %add3A_790 : i32
            %multiple_of3A_792 = tpu.assume_multiple %add3A_791, 16 : i32
            %get3A_793 = arith.index_cast %multiple_of3A_789 : i32 to index
            %get3A_794 = tpu.vector_load %arg10[%get3A_793] {strides = array<i32>} : memref<16384xf32, #tpu.memory_space<vmem>>, vector<16xf32>,
            %get3A_795 = vector.shape_cast %get3A_794 : vector<16xf32> to vector<16xf32>
            %get3A_796 = arith.index_cast %multiple_of3A_792 : i32 to index
            %get3A_797 = tpu.vector_load %arg10[%get3A_796] {strides = array<i32>} : memref<16384xf32, #tpu.memory_space<vmem>>, vector<16xf32>,
            %get3A_798 = vector.shape_cast %get3A_797 : vector<16xf32> to vector<16xf32>
            %lt3A_799 = arith.constant 0 : i32
            %lt3A_800 = vector.broadcast %lt3A_799 : i32 to vector<16xi32>
            %lt3A_801 = arith.cmpi slt, %min3A_70, %lt3A_800 : vector<16xi32>
            %add3A_802 = arith.constant 16 : i32
            %add3A_803 = vector.broadcast %add3A_802 : i32 to vector<16xi32>
            %add3A_804 = arith.addi %min3A_70, %add3A_803 : vector<16xi32>
            %select_n3A_805 = arith.select %lt3A_801, %add3A_804, %min3A_70 : vector<16xi1>, vector<16xi32>
            %broadcast_in_dim3A_806 = vector.shape_cast %select_n3A_805 : vector<16xi32> to vector<16x1xi32>
            %gather3A_807 = vector.shape_cast %broadcast_in_dim3A_806 : vector<16x1xi32> to vector<16xi32>
            %gather3A_808 = tpu.dynamic_gather %get3A_795[%gather3A_807] in [0] : vector<16xf32>, vector<16xi32> -> vector<16xf32>
            %lt3A_809 = arith.constant 0 : i32
            %lt3A_810 = vector.broadcast %lt3A_809 : i32 to vector<16xi32>
            %lt3A_811 = arith.cmpi slt, %min3A_78, %lt3A_810 : vector<16xi32>
            %add3A_812 = arith.constant 16 : i32
            %add3A_813 = vector.broadcast %add3A_812 : i32 to vector<16xi32>
            %add3A_814 = arith.addi %min3A_78, %add3A_813 : vector<16xi32>
            %select_n3A_815 = arith.select %lt3A_811, %add3A_814, %min3A_78 : vector<16xi1>, vector<16xi32>
            %broadcast_in_dim3A_816 = vector.shape_cast %select_n3A_815 : vector<16xi32> to vector<16x1xi32>
            %gather3A_817 = vector.shape_cast %broadcast_in_dim3A_816 : vector<16x1xi32> to vector<16xi32>
            %gather3A_818 = tpu.dynamic_gather %get3A_798[%gather3A_817] in [0] : vector<16xf32>, vector<16xi32> -> vector<16xf32>
            %select_n3A_819 = arith.select %lt3A_79, %gather3A_808, %gather3A_818 : vector<16xi1>, vector<16xf32>
            %jit3A_820 = arith.constant 0.000000e+00 : f32
            %broadcast_in_dim3A_821 = vector.broadcast %jit3A_820 : f32 to vector<16xf32>
            %select_n3A_822 = arith.select %and3A_781, %select_n3A_819, %broadcast_in_dim3A_821 : vector<16xi1>, vector<16xf32>
            %get3A_823 = arith.index_cast %sub3A_96 : i32 to index
            %get3A_824 = arith.index_cast %multiple_of3A_784 : i32 to index
            %get3A_825 = tpu.vector_load %arg9[%get3A_823, %get3A_824] {strides = array<i32>} : memref<16x512xf32, #tpu.memory_space<vmem>>, vector<1x16xf32>,
            %get3A_826 = vector.shape_cast %get3A_825 : vector<1x16xf32> to vector<16xf32>
            %sub3A_827 = arith.constant 1.000000e+00 : f32
            %sub3A_828 = vector.broadcast %sub3A_827 : f32 to vector<16xf32>
            %sub3A_829 = arith.subf %sub3A_828, %select_n3A_822 : vector<16xf32>
            %mul3A_830 = arith.mulf %get3A_826, %sub3A_829 : vector<16xf32>
            %add3A_831 = arith.addf %select_n3A_822, %mul3A_830 : vector<16xf32>
            %add3A_832 = arith.constant 0 : i32
            %add3A_833 = arith.addi %mul3A_95, %add3A_832 : i32
            %add3A_834 = arith.constant 32 : i32
            %add3A_835 = arith.addi %add3A_833, %add3A_834 : i32
            %multiple_of3A_836 = tpu.assume_multiple %add3A_835, 16 : i32
            %add3A_837 = arith.constant 48 : i32
            %add3A_838 = arith.addi %add3A_833, %add3A_837 : i32
            %multiple_of3A_839 = tpu.assume_multiple %add3A_838, 16 : i32
            %get3A_840 = arith.index_cast %multiple_of3A_836 : i32 to index
            %get3A_841 = tpu.vector_load %arg10[%get3A_840] {strides = array<i32>} : memref<16384xf32, #tpu.memory_space<vmem>>, vector<16xf32>,
            %get3A_842 = vector.shape_cast %get3A_841 : vector<16xf32> to vector<16xf32>
            %get3A_843 = arith.index_cast %multiple_of3A_839 : i32 to index
            %get3A_844 = tpu.vector_load %arg10[%get3A_843] {strides = array<i32>} : memref<16384xf32, #tpu.memory_space<vmem>>, vector<16xf32>,
            %get3A_845 = vector.shape_cast %get3A_844 : vector<16xf32> to vector<16xf32>
            %lt3A_846 = arith.constant 0 : i32
            %lt3A_847 = vector.broadcast %lt3A_846 : i32 to vector<16xi32>
            %lt3A_848 = arith.cmpi slt, %min3A_70, %lt3A_847 : vector<16xi32>
            %add3A_849 = arith.constant 16 : i32
            %add3A_850 = vector.broadcast %add3A_849 : i32 to vector<16xi32>
            %add3A_851 = arith.addi %min3A_70, %add3A_850 : vector<16xi32>
            %select_n3A_852 = arith.select %lt3A_848, %add3A_851, %min3A_70 : vector<16xi1>, vector<16xi32>
            %broadcast_in_dim3A_853 = vector.shape_cast %select_n3A_852 : vector<16xi32> to vector<16x1xi32>
            %gather3A_854 = vector.shape_cast %broadcast_in_dim3A_853 : vector<16x1xi32> to vector<16xi32>
            %gather3A_855 = tpu.dynamic_gather %get3A_842[%gather3A_854] in [0] : vector<16xf32>, vector<16xi32> -> vector<16xf32>
            %lt3A_856 = arith.constant 0 : i32
            %lt3A_857 = vector.broadcast %lt3A_856 : i32 to vector<16xi32>
            %lt3A_858 = arith.cmpi slt, %min3A_78, %lt3A_857 : vector<16xi32>
            %add3A_859 = arith.constant 16 : i32
            %add3A_860 = vector.broadcast %add3A_859 : i32 to vector<16xi32>
            %add3A_861 = arith.addi %min3A_78, %add3A_860 : vector<16xi32>
            %select_n3A_862 = arith.select %lt3A_858, %add3A_861, %min3A_78 : vector<16xi1>, vector<16xi32>
            %broadcast_in_dim3A_863 = vector.shape_cast %select_n3A_862 : vector<16xi32> to vector<16x1xi32>
            %gather3A_864 = vector.shape_cast %broadcast_in_dim3A_863 : vector<16x1xi32> to vector<16xi32>
            %gather3A_865 = tpu.dynamic_gather %get3A_845[%gather3A_864] in [0] : vector<16xf32>, vector<16xi32> -> vector<16xf32>
            %select_n3A_866 = arith.select %lt3A_79, %gather3A_855, %gather3A_865 : vector<16xi1>, vector<16xf32>
            %get3A_867 = arith.constant 0 : i32
            %get3A_868 = arith.index_cast %get3A_867 : i32 to index
            %get3A_869 = arith.index_cast %sub3A_96 : i32 to index
            %get3A_870 = arith.index_cast %multiple_of3A_784 : i32 to index
            %get3A_871 = tpu.vector_load %arg8[%get3A_868, %get3A_869, %get3A_870] {strides = array<i32>} : memref<3x16x512xf32, #tpu.memory_space<vmem>>, vector<1x1x16xf32>,
            %get3A_872 = vector.shape_cast %get3A_871 : vector<1x1x16xf32> to vector<16xf32>
            %mul3A_873 = arith.mulf %select_n3A_866, %select_n3A_822 : vector<16xf32>
            %mul3A_874 = arith.mulf %get3A_872, %mul3A_830 : vector<16xf32>
            %add3A_875 = arith.addf %mul3A_873, %mul3A_874 : vector<16xf32>
            %div3A_876 = arith.divf %add3A_875, %add3A_831 : vector<16xf32>
            %select_n3A_877 = arith.select %and3A_781, %div3A_876, %get3A_872 : vector<16xi1>, vector<16xf32>
            %swap3A_878 = arith.constant 0 : i32
            %swap3A_879 = arith.index_cast %swap3A_878 : i32 to index
            %swap3A_880 = arith.index_cast %sub3A_96 : i32 to index
            %swap3A_881 = arith.index_cast %multiple_of3A_784 : i32 to index
            %swap3A_882 = tpu.vector_load %arg8[%swap3A_879, %swap3A_880, %swap3A_881] {strides = array<i32>} : memref<3x16x512xf32, #tpu.memory_space<vmem>>, vector<1x1x16xf32>,
            %swap3A_883 = vector.shape_cast %swap3A_882 : vector<1x1x16xf32> to vector<16xf32>
            %swap3A_884 = vector.shape_cast %select_n3A_877 : vector<16xf32> to vector<1x1x16xf32>
            tpu.vector_store %arg8[%swap3A_879, %swap3A_880, %swap3A_881], %swap3A_884 {strides = array<i32>} : memref<3x16x512xf32, #tpu.memory_space<vmem>>, vector<1x1x16xf32>,
            %add3A_885 = arith.constant 4096 : i32
            %add3A_886 = arith.addi %mul3A_95, %add3A_885 : i32
            %add3A_887 = arith.constant 32 : i32
            %add3A_888 = arith.addi %add3A_886, %add3A_887 : i32
            %multiple_of3A_889 = tpu.assume_multiple %add3A_888, 16 : i32
            %add3A_890 = arith.constant 48 : i32
            %add3A_891 = arith.addi %add3A_886, %add3A_890 : i32
            %multiple_of3A_892 = tpu.assume_multiple %add3A_891, 16 : i32
            %get3A_893 = arith.index_cast %multiple_of3A_889 : i32 to index
            %get3A_894 = tpu.vector_load %arg10[%get3A_893] {strides = array<i32>} : memref<16384xf32, #tpu.memory_space<vmem>>, vector<16xf32>,
            %get3A_895 = vector.shape_cast %get3A_894 : vector<16xf32> to vector<16xf32>
            %get3A_896 = arith.index_cast %multiple_of3A_892 : i32 to index
            %get3A_897 = tpu.vector_load %arg10[%get3A_896] {strides = array<i32>} : memref<16384xf32, #tpu.memory_space<vmem>>, vector<16xf32>,
            %get3A_898 = vector.shape_cast %get3A_897 : vector<16xf32> to vector<16xf32>
            %lt3A_899 = arith.constant 0 : i32
            %lt3A_900 = vector.broadcast %lt3A_899 : i32 to vector<16xi32>
            %lt3A_901 = arith.cmpi slt, %min3A_70, %lt3A_900 : vector<16xi32>
            %add3A_902 = arith.constant 16 : i32
            %add3A_903 = vector.broadcast %add3A_902 : i32 to vector<16xi32>
            %add3A_904 = arith.addi %min3A_70, %add3A_903 : vector<16xi32>
            %select_n3A_905 = arith.select %lt3A_901, %add3A_904, %min3A_70 : vector<16xi1>, vector<16xi32>
            %broadcast_in_dim3A_906 = vector.shape_cast %select_n3A_905 : vector<16xi32> to vector<16x1xi32>
            %gather3A_907 = vector.shape_cast %broadcast_in_dim3A_906 : vector<16x1xi32> to vector<16xi32>
            %gather3A_908 = tpu.dynamic_gather %get3A_895[%gather3A_907] in [0] : vector<16xf32>, vector<16xi32> -> vector<16xf32>
            %lt3A_909 = arith.constant 0 : i32
            %lt3A_910 = vector.broadcast %lt3A_909 : i32 to vector<16xi32>
            %lt3A_911 = arith.cmpi slt, %min3A_78, %lt3A_910 : vector<16xi32>
            %add3A_912 = arith.constant 16 : i32
            %add3A_913 = vector.broadcast %add3A_912 : i32 to vector<16xi32>
            %add3A_914 = arith.addi %min3A_78, %add3A_913 : vector<16xi32>
            %select_n3A_915 = arith.select %lt3A_911, %add3A_914, %min3A_78 : vector<16xi1>, vector<16xi32>
            %broadcast_in_dim3A_916 = vector.shape_cast %select_n3A_915 : vector<16xi32> to vector<16x1xi32>
            %gather3A_917 = vector.shape_cast %broadcast_in_dim3A_916 : vector<16x1xi32> to vector<16xi32>
            %gather3A_918 = tpu.dynamic_gather %get3A_898[%gather3A_917] in [0] : vector<16xf32>, vector<16xi32> -> vector<16xf32>
            %select_n3A_919 = arith.select %lt3A_79, %gather3A_908, %gather3A_918 : vector<16xi1>, vector<16xf32>
            %get3A_920 = arith.constant 1 : i32
            %get3A_921 = arith.index_cast %get3A_920 : i32 to index
            %get3A_922 = arith.index_cast %sub3A_96 : i32 to index
            %get3A_923 = arith.index_cast %multiple_of3A_784 : i32 to index
            %get3A_924 = tpu.vector_load %arg8[%get3A_921, %get3A_922, %get3A_923] {strides = array<i32>} : memref<3x16x512xf32, #tpu.memory_space<vmem>>, vector<1x1x16xf32>,
            %get3A_925 = vector.shape_cast %get3A_924 : vector<1x1x16xf32> to vector<16xf32>
            %mul3A_926 = arith.mulf %select_n3A_919, %select_n3A_822 : vector<16xf32>
            %mul3A_927 = arith.mulf %get3A_925, %mul3A_830 : vector<16xf32>
            %add3A_928 = arith.addf %mul3A_926, %mul3A_927 : vector<16xf32>
            %div3A_929 = arith.divf %add3A_928, %add3A_831 : vector<16xf32>
            %select_n3A_930 = arith.select %and3A_781, %div3A_929, %get3A_925 : vector<16xi1>, vector<16xf32>
            %swap3A_931 = arith.constant 1 : i32
            %swap3A_932 = arith.index_cast %swap3A_931 : i32 to index
            %swap3A_933 = arith.index_cast %sub3A_96 : i32 to index
            %swap3A_934 = arith.index_cast %multiple_of3A_784 : i32 to index
            %swap3A_935 = tpu.vector_load %arg8[%swap3A_932, %swap3A_933, %swap3A_934] {strides = array<i32>} : memref<3x16x512xf32, #tpu.memory_space<vmem>>, vector<1x1x16xf32>,
            %swap3A_936 = vector.shape_cast %swap3A_935 : vector<1x1x16xf32> to vector<16xf32>
            %swap3A_937 = vector.shape_cast %select_n3A_930 : vector<16xf32> to vector<1x1x16xf32>
            tpu.vector_store %arg8[%swap3A_932, %swap3A_933, %swap3A_934], %swap3A_937 {strides = array<i32>} : memref<3x16x512xf32, #tpu.memory_space<vmem>>, vector<1x1x16xf32>,
            %add3A_938 = arith.constant 8192 : i32
            %add3A_939 = arith.addi %mul3A_95, %add3A_938 : i32
            %add3A_940 = arith.constant 32 : i32
            %add3A_941 = arith.addi %add3A_939, %add3A_940 : i32
            %multiple_of3A_942 = tpu.assume_multiple %add3A_941, 16 : i32
            %add3A_943 = arith.constant 48 : i32
            %add3A_944 = arith.addi %add3A_939, %add3A_943 : i32
            %multiple_of3A_945 = tpu.assume_multiple %add3A_944, 16 : i32
            %get3A_946 = arith.index_cast %multiple_of3A_942 : i32 to index
            %get3A_947 = tpu.vector_load %arg10[%get3A_946] {strides = array<i32>} : memref<16384xf32, #tpu.memory_space<vmem>>, vector<16xf32>,
            %get3A_948 = vector.shape_cast %get3A_947 : vector<16xf32> to vector<16xf32>
            %get3A_949 = arith.index_cast %multiple_of3A_945 : i32 to index
            %get3A_950 = tpu.vector_load %arg10[%get3A_949] {strides = array<i32>} : memref<16384xf32, #tpu.memory_space<vmem>>, vector<16xf32>,
            %get3A_951 = vector.shape_cast %get3A_950 : vector<16xf32> to vector<16xf32>
            %lt3A_952 = arith.constant 0 : i32
            %lt3A_953 = vector.broadcast %lt3A_952 : i32 to vector<16xi32>
            %lt3A_954 = arith.cmpi slt, %min3A_70, %lt3A_953 : vector<16xi32>
            %add3A_955 = arith.constant 16 : i32
            %add3A_956 = vector.broadcast %add3A_955 : i32 to vector<16xi32>
            %add3A_957 = arith.addi %min3A_70, %add3A_956 : vector<16xi32>
            %select_n3A_958 = arith.select %lt3A_954, %add3A_957, %min3A_70 : vector<16xi1>, vector<16xi32>
            %broadcast_in_dim3A_959 = vector.shape_cast %select_n3A_958 : vector<16xi32> to vector<16x1xi32>
            %gather3A_960 = vector.shape_cast %broadcast_in_dim3A_959 : vector<16x1xi32> to vector<16xi32>
            %gather3A_961 = tpu.dynamic_gather %get3A_948[%gather3A_960] in [0] : vector<16xf32>, vector<16xi32> -> vector<16xf32>
            %lt3A_962 = arith.constant 0 : i32
            %lt3A_963 = vector.broadcast %lt3A_962 : i32 to vector<16xi32>
            %lt3A_964 = arith.cmpi slt, %min3A_78, %lt3A_963 : vector<16xi32>
            %add3A_965 = arith.constant 16 : i32
            %add3A_966 = vector.broadcast %add3A_965 : i32 to vector<16xi32>
            %add3A_967 = arith.addi %min3A_78, %add3A_966 : vector<16xi32>
            %select_n3A_968 = arith.select %lt3A_964, %add3A_967, %min3A_78 : vector<16xi1>, vector<16xi32>
            %broadcast_in_dim3A_969 = vector.shape_cast %select_n3A_968 : vector<16xi32> to vector<16x1xi32>
            %gather3A_970 = vector.shape_cast %broadcast_in_dim3A_969 : vector<16x1xi32> to vector<16xi32>
            %gather3A_971 = tpu.dynamic_gather %get3A_951[%gather3A_970] in [0] : vector<16xf32>, vector<16xi32> -> vector<16xf32>
            %select_n3A_972 = arith.select %lt3A_79, %gather3A_961, %gather3A_971 : vector<16xi1>, vector<16xf32>
            %get3A_973 = arith.constant 2 : i32
            %get3A_974 = arith.index_cast %get3A_973 : i32 to index
            %get3A_975 = arith.index_cast %sub3A_96 : i32 to index
            %get3A_976 = arith.index_cast %multiple_of3A_784 : i32 to index
            %get3A_977 = tpu.vector_load %arg8[%get3A_974, %get3A_975, %get3A_976] {strides = array<i32>} : memref<3x16x512xf32, #tpu.memory_space<vmem>>, vector<1x1x16xf32>,
            %get3A_978 = vector.shape_cast %get3A_977 : vector<1x1x16xf32> to vector<16xf32>
            %mul3A_979 = arith.mulf %select_n3A_972, %select_n3A_822 : vector<16xf32>
            %mul3A_980 = arith.mulf %get3A_978, %mul3A_830 : vector<16xf32>
            %add3A_981 = arith.addf %mul3A_979, %mul3A_980 : vector<16xf32>
            %div3A_982 = arith.divf %add3A_981, %add3A_831 : vector<16xf32>
            %select_n3A_983 = arith.select %and3A_781, %div3A_982, %get3A_978 : vector<16xi1>, vector<16xf32>
            %swap3A_984 = arith.constant 2 : i32
            %swap3A_985 = arith.index_cast %swap3A_984 : i32 to index
            %swap3A_986 = arith.index_cast %sub3A_96 : i32 to index
            %swap3A_987 = arith.index_cast %multiple_of3A_784 : i32 to index
            %swap3A_988 = tpu.vector_load %arg8[%swap3A_985, %swap3A_986, %swap3A_987] {strides = array<i32>} : memref<3x16x512xf32, #tpu.memory_space<vmem>>, vector<1x1x16xf32>,
            %swap3A_989 = vector.shape_cast %swap3A_988 : vector<1x1x16xf32> to vector<16xf32>
            %swap3A_990 = vector.shape_cast %select_n3A_983 : vector<16xf32> to vector<1x1x16xf32>
            tpu.vector_store %arg8[%swap3A_985, %swap3A_986, %swap3A_987], %swap3A_990 {strides = array<i32>} : memref<3x16x512xf32, #tpu.memory_space<vmem>>, vector<1x1x16xf32>,
            %select_n3A_991 = arith.select %and3A_781, %add3A_831, %get3A_826 : vector<16xi1>, vector<16xf32>
            %swap3A_992 = arith.index_cast %sub3A_96 : i32 to index
            %swap3A_993 = arith.index_cast %multiple_of3A_784 : i32 to index
            %swap3A_994 = tpu.vector_load %arg9[%swap3A_992, %swap3A_993] {strides = array<i32>} : memref<16x512xf32, #tpu.memory_space<vmem>>, vector<1x16xf32>,
            %swap3A_995 = vector.shape_cast %swap3A_994 : vector<1x16xf32> to vector<16xf32>
            %swap3A_996 = vector.shape_cast %select_n3A_991 : vector<16xf32> to vector<1x16xf32>
            tpu.vector_store %arg9[%swap3A_992, %swap3A_993], %swap3A_996 {strides = array<i32>} : memref<16x512xf32, #tpu.memory_space<vmem>>, vector<1x16xf32>,
            %sub3A_997 = arith.constant 64 : i32
            %sub3A_998 = arith.subi %sub3A_997, %sub3A_60 : i32
            %add3A_999 = vector.broadcast %sub3A_998 : i32 to vector<16xi32>
            %add3A_1000 = arith.addi %iota3A, %add3A_999 : vector<16xi32>
            %ge3A_1001 = arith.constant 0 : i32
            %ge3A_1002 = vector.broadcast %ge3A_1001 : i32 to vector<16xi32>
            %ge3A_1003 = arith.cmpi sge, %add3A_1000, %ge3A_1002 : vector<16xi32>
            %lt3A_1004 = arith.constant 64 : i32
            %lt3A_1005 = vector.broadcast %lt3A_1004 : i32 to vector<16xi32>
            %lt3A_1006 = arith.cmpi slt, %add3A_1000, %lt3A_1005 : vector<16xi32>
            %and3A_1007 = arith.andi %ge3A_1003, %lt3A_1006 : vector<16xi1>
            %add3A_1008 = arith.constant 64 : i32
            %add3A_1009 = arith.addi %multiple_of3A, %add3A_1008 : i32
            %multiple_of3A_1010 = tpu.assume_multiple %add3A_1009, 16 : i32
            %add3A_1011 = arith.constant 12288 : i32
            %add3A_1012 = arith.addi %mul3A_95, %add3A_1011 : i32
            %add3A_1013 = arith.constant 48 : i32
            %add3A_1014 = arith.addi %add3A_1012, %add3A_1013 : i32
            %multiple_of3A_1015 = tpu.assume_multiple %add3A_1014, 16 : i32
            %add3A_1016 = arith.constant 48 : i32
            %add3A_1017 = arith.addi %add3A_1012, %add3A_1016 : i32
            %multiple_of3A_1018 = tpu.assume_multiple %add3A_1017, 16 : i32
            %get3A_1019 = arith.index_cast %multiple_of3A_1015 : i32 to index
            %get3A_1020 = tpu.vector_load %arg10[%get3A_1019] {strides = array<i32>} : memref<16384xf32, #tpu.memory_space<vmem>>, vector<16xf32>,
            %get3A_1021 = vector.shape_cast %get3A_1020 : vector<16xf32> to vector<16xf32>
            %get3A_1022 = arith.index_cast %multiple_of3A_1018 : i32 to index
            %get3A_1023 = tpu.vector_load %arg10[%get3A_1022] {strides = array<i32>} : memref<16384xf32, #tpu.memory_space<vmem>>, vector<16xf32>,
            %get3A_1024 = vector.shape_cast %get3A_1023 : vector<16xf32> to vector<16xf32>
            %lt3A_1025 = arith.constant 0 : i32
            %lt3A_1026 = vector.broadcast %lt3A_1025 : i32 to vector<16xi32>
            %lt3A_1027 = arith.cmpi slt, %min3A_70, %lt3A_1026 : vector<16xi32>
            %add3A_1028 = arith.constant 16 : i32
            %add3A_1029 = vector.broadcast %add3A_1028 : i32 to vector<16xi32>
            %add3A_1030 = arith.addi %min3A_70, %add3A_1029 : vector<16xi32>
            %select_n3A_1031 = arith.select %lt3A_1027, %add3A_1030, %min3A_70 : vector<16xi1>, vector<16xi32>
            %broadcast_in_dim3A_1032 = vector.shape_cast %select_n3A_1031 : vector<16xi32> to vector<16x1xi32>
            %gather3A_1033 = vector.shape_cast %broadcast_in_dim3A_1032 : vector<16x1xi32> to vector<16xi32>
            %gather3A_1034 = tpu.dynamic_gather %get3A_1021[%gather3A_1033] in [0] : vector<16xf32>, vector<16xi32> -> vector<16xf32>
            %lt3A_1035 = arith.constant 0 : i32
            %lt3A_1036 = vector.broadcast %lt3A_1035 : i32 to vector<16xi32>
            %lt3A_1037 = arith.cmpi slt, %min3A_78, %lt3A_1036 : vector<16xi32>
            %add3A_1038 = arith.constant 16 : i32
            %add3A_1039 = vector.broadcast %add3A_1038 : i32 to vector<16xi32>
            %add3A_1040 = arith.addi %min3A_78, %add3A_1039 : vector<16xi32>
            %select_n3A_1041 = arith.select %lt3A_1037, %add3A_1040, %min3A_78 : vector<16xi1>, vector<16xi32>
            %broadcast_in_dim3A_1042 = vector.shape_cast %select_n3A_1041 : vector<16xi32> to vector<16x1xi32>
            %gather3A_1043 = vector.shape_cast %broadcast_in_dim3A_1042 : vector<16x1xi32> to vector<16xi32>
            %gather3A_1044 = tpu.dynamic_gather %get3A_1024[%gather3A_1043] in [0] : vector<16xf32>, vector<16xi32> -> vector<16xf32>
            %select_n3A_1045 = arith.select %lt3A_79, %gather3A_1034, %gather3A_1044 : vector<16xi1>, vector<16xf32>
            %jit3A_1046 = arith.constant 0.000000e+00 : f32
            %broadcast_in_dim3A_1047 = vector.broadcast %jit3A_1046 : f32 to vector<16xf32>
            %select_n3A_1048 = arith.select %and3A_1007, %select_n3A_1045, %broadcast_in_dim3A_1047 : vector<16xi1>, vector<16xf32>
            %get3A_1049 = arith.index_cast %sub3A_96 : i32 to index
            %get3A_1050 = arith.index_cast %multiple_of3A_1010 : i32 to index
            %get3A_1051 = tpu.vector_load %arg9[%get3A_1049, %get3A_1050] {strides = array<i32>} : memref<16x512xf32, #tpu.memory_space<vmem>>, vector<1x16xf32>,
            %get3A_1052 = vector.shape_cast %get3A_1051 : vector<1x16xf32> to vector<16xf32>
            %sub3A_1053 = arith.constant 1.000000e+00 : f32
            %sub3A_1054 = vector.broadcast %sub3A_1053 : f32 to vector<16xf32>
            %sub3A_1055 = arith.subf %sub3A_1054, %select_n3A_1048 : vector<16xf32>
            %mul3A_1056 = arith.mulf %get3A_1052, %sub3A_1055 : vector<16xf32>
            %add3A_1057 = arith.addf %select_n3A_1048, %mul3A_1056 : vector<16xf32>
            %add3A_1058 = arith.constant 0 : i32
            %add3A_1059 = arith.addi %mul3A_95, %add3A_1058 : i32
            %add3A_1060 = arith.constant 48 : i32
            %add3A_1061 = arith.addi %add3A_1059, %add3A_1060 : i32
            %multiple_of3A_1062 = tpu.assume_multiple %add3A_1061, 16 : i32
            %add3A_1063 = arith.constant 48 : i32
            %add3A_1064 = arith.addi %add3A_1059, %add3A_1063 : i32
            %multiple_of3A_1065 = tpu.assume_multiple %add3A_1064, 16 : i32
            %get3A_1066 = arith.index_cast %multiple_of3A_1062 : i32 to index
            %get3A_1067 = tpu.vector_load %arg10[%get3A_1066] {strides = array<i32>} : memref<16384xf32, #tpu.memory_space<vmem>>, vector<16xf32>,
            %get3A_1068 = vector.shape_cast %get3A_1067 : vector<16xf32> to vector<16xf32>
            %get3A_1069 = arith.index_cast %multiple_of3A_1065 : i32 to index
            %get3A_1070 = tpu.vector_load %arg10[%get3A_1069] {strides = array<i32>} : memref<16384xf32, #tpu.memory_space<vmem>>, vector<16xf32>,
            %get3A_1071 = vector.shape_cast %get3A_1070 : vector<16xf32> to vector<16xf32>
            %lt3A_1072 = arith.constant 0 : i32
            %lt3A_1073 = vector.broadcast %lt3A_1072 : i32 to vector<16xi32>
            %lt3A_1074 = arith.cmpi slt, %min3A_70, %lt3A_1073 : vector<16xi32>
            %add3A_1075 = arith.constant 16 : i32
            %add3A_1076 = vector.broadcast %add3A_1075 : i32 to vector<16xi32>
            %add3A_1077 = arith.addi %min3A_70, %add3A_1076 : vector<16xi32>
            %select_n3A_1078 = arith.select %lt3A_1074, %add3A_1077, %min3A_70 : vector<16xi1>, vector<16xi32>
            %broadcast_in_dim3A_1079 = vector.shape_cast %select_n3A_1078 : vector<16xi32> to vector<16x1xi32>
            %gather3A_1080 = vector.shape_cast %broadcast_in_dim3A_1079 : vector<16x1xi32> to vector<16xi32>
            %gather3A_1081 = tpu.dynamic_gather %get3A_1068[%gather3A_1080] in [0] : vector<16xf32>, vector<16xi32> -> vector<16xf32>
            %lt3A_1082 = arith.constant 0 : i32
            %lt3A_1083 = vector.broadcast %lt3A_1082 : i32 to vector<16xi32>
            %lt3A_1084 = arith.cmpi slt, %min3A_78, %lt3A_1083 : vector<16xi32>
            %add3A_1085 = arith.constant 16 : i32
            %add3A_1086 = vector.broadcast %add3A_1085 : i32 to vector<16xi32>
            %add3A_1087 = arith.addi %min3A_78, %add3A_1086 : vector<16xi32>
            %select_n3A_1088 = arith.select %lt3A_1084, %add3A_1087, %min3A_78 : vector<16xi1>, vector<16xi32>
            %broadcast_in_dim3A_1089 = vector.shape_cast %select_n3A_1088 : vector<16xi32> to vector<16x1xi32>
            %gather3A_1090 = vector.shape_cast %broadcast_in_dim3A_1089 : vector<16x1xi32> to vector<16xi32>
            %gather3A_1091 = tpu.dynamic_gather %get3A_1071[%gather3A_1090] in [0] : vector<16xf32>, vector<16xi32> -> vector<16xf32>
            %select_n3A_1092 = arith.select %lt3A_79, %gather3A_1081, %gather3A_1091 : vector<16xi1>, vector<16xf32>
            %get3A_1093 = arith.constant 0 : i32
            %get3A_1094 = arith.index_cast %get3A_1093 : i32 to index
            %get3A_1095 = arith.index_cast %sub3A_96 : i32 to index
            %get3A_1096 = arith.index_cast %multiple_of3A_1010 : i32 to index
            %get3A_1097 = tpu.vector_load %arg8[%get3A_1094, %get3A_1095, %get3A_1096] {strides = array<i32>} : memref<3x16x512xf32, #tpu.memory_space<vmem>>, vector<1x1x16xf32>,
            %get3A_1098 = vector.shape_cast %get3A_1097 : vector<1x1x16xf32> to vector<16xf32>
            %mul3A_1099 = arith.mulf %select_n3A_1092, %select_n3A_1048 : vector<16xf32>
            %mul3A_1100 = arith.mulf %get3A_1098, %mul3A_1056 : vector<16xf32>
            %add3A_1101 = arith.addf %mul3A_1099, %mul3A_1100 : vector<16xf32>
            %div3A_1102 = arith.divf %add3A_1101, %add3A_1057 : vector<16xf32>
            %select_n3A_1103 = arith.select %and3A_1007, %div3A_1102, %get3A_1098 : vector<16xi1>, vector<16xf32>
            %swap3A_1104 = arith.constant 0 : i32
            %swap3A_1105 = arith.index_cast %swap3A_1104 : i32 to index
            %swap3A_1106 = arith.index_cast %sub3A_96 : i32 to index
            %swap3A_1107 = arith.index_cast %multiple_of3A_1010 : i32 to index
            %swap3A_1108 = tpu.vector_load %arg8[%swap3A_1105, %swap3A_1106, %swap3A_1107] {strides = array<i32>} : memref<3x16x512xf32, #tpu.memory_space<vmem>>, vector<1x1x16xf32>,
            %swap3A_1109 = vector.shape_cast %swap3A_1108 : vector<1x1x16xf32> to vector<16xf32>
            %swap3A_1110 = vector.shape_cast %select_n3A_1103 : vector<16xf32> to vector<1x1x16xf32>
            tpu.vector_store %arg8[%swap3A_1105, %swap3A_1106, %swap3A_1107], %swap3A_1110 {strides = array<i32>} : memref<3x16x512xf32, #tpu.memory_space<vmem>>, vector<1x1x16xf32>,
            %add3A_1111 = arith.constant 4096 : i32
            %add3A_1112 = arith.addi %mul3A_95, %add3A_1111 : i32
            %add3A_1113 = arith.constant 48 : i32
            %add3A_1114 = arith.addi %add3A_1112, %add3A_1113 : i32
            %multiple_of3A_1115 = tpu.assume_multiple %add3A_1114, 16 : i32
            %add3A_1116 = arith.constant 48 : i32
            %add3A_1117 = arith.addi %add3A_1112, %add3A_1116 : i32
            %multiple_of3A_1118 = tpu.assume_multiple %add3A_1117, 16 : i32
            %get3A_1119 = arith.index_cast %multiple_of3A_1115 : i32 to index
            %get3A_1120 = tpu.vector_load %arg10[%get3A_1119] {strides = array<i32>} : memref<16384xf32, #tpu.memory_space<vmem>>, vector<16xf32>,
            %get3A_1121 = vector.shape_cast %get3A_1120 : vector<16xf32> to vector<16xf32>
            %get3A_1122 = arith.index_cast %multiple_of3A_1118 : i32 to index
            %get3A_1123 = tpu.vector_load %arg10[%get3A_1122] {strides = array<i32>} : memref<16384xf32, #tpu.memory_space<vmem>>, vector<16xf32>,
            %get3A_1124 = vector.shape_cast %get3A_1123 : vector<16xf32> to vector<16xf32>
            %lt3A_1125 = arith.constant 0 : i32
            %lt3A_1126 = vector.broadcast %lt3A_1125 : i32 to vector<16xi32>
            %lt3A_1127 = arith.cmpi slt, %min3A_70, %lt3A_1126 : vector<16xi32>
            %add3A_1128 = arith.constant 16 : i32
            %add3A_1129 = vector.broadcast %add3A_1128 : i32 to vector<16xi32>
            %add3A_1130 = arith.addi %min3A_70, %add3A_1129 : vector<16xi32>
            %select_n3A_1131 = arith.select %lt3A_1127, %add3A_1130, %min3A_70 : vector<16xi1>, vector<16xi32>
            %broadcast_in_dim3A_1132 = vector.shape_cast %select_n3A_1131 : vector<16xi32> to vector<16x1xi32>
            %gather3A_1133 = vector.shape_cast %broadcast_in_dim3A_1132 : vector<16x1xi32> to vector<16xi32>
            %gather3A_1134 = tpu.dynamic_gather %get3A_1121[%gather3A_1133] in [0] : vector<16xf32>, vector<16xi32> -> vector<16xf32>
            %lt3A_1135 = arith.constant 0 : i32
            %lt3A_1136 = vector.broadcast %lt3A_1135 : i32 to vector<16xi32>
            %lt3A_1137 = arith.cmpi slt, %min3A_78, %lt3A_1136 : vector<16xi32>
            %add3A_1138 = arith.constant 16 : i32
            %add3A_1139 = vector.broadcast %add3A_1138 : i32 to vector<16xi32>
            %add3A_1140 = arith.addi %min3A_78, %add3A_1139 : vector<16xi32>
            %select_n3A_1141 = arith.select %lt3A_1137, %add3A_1140, %min3A_78 : vector<16xi1>, vector<16xi32>
            %broadcast_in_dim3A_1142 = vector.shape_cast %select_n3A_1141 : vector<16xi32> to vector<16x1xi32>
            %gather3A_1143 = vector.shape_cast %broadcast_in_dim3A_1142 : vector<16x1xi32> to vector<16xi32>
            %gather3A_1144 = tpu.dynamic_gather %get3A_1124[%gather3A_1143] in [0] : vector<16xf32>, vector<16xi32> -> vector<16xf32>
            %select_n3A_1145 = arith.select %lt3A_79, %gather3A_1134, %gather3A_1144 : vector<16xi1>, vector<16xf32>
            %get3A_1146 = arith.constant 1 : i32
            %get3A_1147 = arith.index_cast %get3A_1146 : i32 to index
            %get3A_1148 = arith.index_cast %sub3A_96 : i32 to index
            %get3A_1149 = arith.index_cast %multiple_of3A_1010 : i32 to index
            %get3A_1150 = tpu.vector_load %arg8[%get3A_1147, %get3A_1148, %get3A_1149] {strides = array<i32>} : memref<3x16x512xf32, #tpu.memory_space<vmem>>, vector<1x1x16xf32>,
            %get3A_1151 = vector.shape_cast %get3A_1150 : vector<1x1x16xf32> to vector<16xf32>
            %mul3A_1152 = arith.mulf %select_n3A_1145, %select_n3A_1048 : vector<16xf32>
            %mul3A_1153 = arith.mulf %get3A_1151, %mul3A_1056 : vector<16xf32>
            %add3A_1154 = arith.addf %mul3A_1152, %mul3A_1153 : vector<16xf32>
            %div3A_1155 = arith.divf %add3A_1154, %add3A_1057 : vector<16xf32>
            %select_n3A_1156 = arith.select %and3A_1007, %div3A_1155, %get3A_1151 : vector<16xi1>, vector<16xf32>
            %swap3A_1157 = arith.constant 1 : i32
            %swap3A_1158 = arith.index_cast %swap3A_1157 : i32 to index
            %swap3A_1159 = arith.index_cast %sub3A_96 : i32 to index
            %swap3A_1160 = arith.index_cast %multiple_of3A_1010 : i32 to index
            %swap3A_1161 = tpu.vector_load %arg8[%swap3A_1158, %swap3A_1159, %swap3A_1160] {strides = array<i32>} : memref<3x16x512xf32, #tpu.memory_space<vmem>>, vector<1x1x16xf32>,
            %swap3A_1162 = vector.shape_cast %swap3A_1161 : vector<1x1x16xf32> to vector<16xf32>
            %swap3A_1163 = vector.shape_cast %select_n3A_1156 : vector<16xf32> to vector<1x1x16xf32>
            tpu.vector_store %arg8[%swap3A_1158, %swap3A_1159, %swap3A_1160], %swap3A_1163 {strides = array<i32>} : memref<3x16x512xf32, #tpu.memory_space<vmem>>, vector<1x1x16xf32>,
            %add3A_1164 = arith.constant 8192 : i32
            %add3A_1165 = arith.addi %mul3A_95, %add3A_1164 : i32
            %add3A_1166 = arith.constant 48 : i32
            %add3A_1167 = arith.addi %add3A_1165, %add3A_1166 : i32
            %multiple_of3A_1168 = tpu.assume_multiple %add3A_1167, 16 : i32
            %add3A_1169 = arith.constant 48 : i32
            %add3A_1170 = arith.addi %add3A_1165, %add3A_1169 : i32
            %multiple_of3A_1171 = tpu.assume_multiple %add3A_1170, 16 : i32
            %get3A_1172 = arith.index_cast %multiple_of3A_1168 : i32 to index
            %get3A_1173 = tpu.vector_load %arg10[%get3A_1172] {strides = array<i32>} : memref<16384xf32, #tpu.memory_space<vmem>>, vector<16xf32>,
            %get3A_1174 = vector.shape_cast %get3A_1173 : vector<16xf32> to vector<16xf32>
            %get3A_1175 = arith.index_cast %multiple_of3A_1171 : i32 to index
            %get3A_1176 = tpu.vector_load %arg10[%get3A_1175] {strides = array<i32>} : memref<16384xf32, #tpu.memory_space<vmem>>, vector<16xf32>,
            %get3A_1177 = vector.shape_cast %get3A_1176 : vector<16xf32> to vector<16xf32>
            %lt3A_1178 = arith.constant 0 : i32
            %lt3A_1179 = vector.broadcast %lt3A_1178 : i32 to vector<16xi32>
            %lt3A_1180 = arith.cmpi slt, %min3A_70, %lt3A_1179 : vector<16xi32>
            %add3A_1181 = arith.constant 16 : i32
            %add3A_1182 = vector.broadcast %add3A_1181 : i32 to vector<16xi32>
            %add3A_1183 = arith.addi %min3A_70, %add3A_1182 : vector<16xi32>
            %select_n3A_1184 = arith.select %lt3A_1180, %add3A_1183, %min3A_70 : vector<16xi1>, vector<16xi32>
            %broadcast_in_dim3A_1185 = vector.shape_cast %select_n3A_1184 : vector<16xi32> to vector<16x1xi32>
            %gather3A_1186 = vector.shape_cast %broadcast_in_dim3A_1185 : vector<16x1xi32> to vector<16xi32>
            %gather3A_1187 = tpu.dynamic_gather %get3A_1174[%gather3A_1186] in [0] : vector<16xf32>, vector<16xi32> -> vector<16xf32>
            %lt3A_1188 = arith.constant 0 : i32
            %lt3A_1189 = vector.broadcast %lt3A_1188 : i32 to vector<16xi32>
            %lt3A_1190 = arith.cmpi slt, %min3A_78, %lt3A_1189 : vector<16xi32>
            %add3A_1191 = arith.constant 16 : i32
            %add3A_1192 = vector.broadcast %add3A_1191 : i32 to vector<16xi32>
            %add3A_1193 = arith.addi %min3A_78, %add3A_1192 : vector<16xi32>
            %select_n3A_1194 = arith.select %lt3A_1190, %add3A_1193, %min3A_78 : vector<16xi1>, vector<16xi32>
            %broadcast_in_dim3A_1195 = vector.shape_cast %select_n3A_1194 : vector<16xi32> to vector<16x1xi32>
            %gather3A_1196 = vector.shape_cast %broadcast_in_dim3A_1195 : vector<16x1xi32> to vector<16xi32>
            %gather3A_1197 = tpu.dynamic_gather %get3A_1177[%gather3A_1196] in [0] : vector<16xf32>, vector<16xi32> -> vector<16xf32>
            %select_n3A_1198 = arith.select %lt3A_79, %gather3A_1187, %gather3A_1197 : vector<16xi1>, vector<16xf32>
            %get3A_1199 = arith.constant 2 : i32
            %get3A_1200 = arith.index_cast %get3A_1199 : i32 to index
            %get3A_1201 = arith.index_cast %sub3A_96 : i32 to index
            %get3A_1202 = arith.index_cast %multiple_of3A_1010 : i32 to index
            %get3A_1203 = tpu.vector_load %arg8[%get3A_1200, %get3A_1201, %get3A_1202] {strides = array<i32>} : memref<3x16x512xf32, #tpu.memory_space<vmem>>, vector<1x1x16xf32>,
            %get3A_1204 = vector.shape_cast %get3A_1203 : vector<1x1x16xf32> to vector<16xf32>
            %mul3A_1205 = arith.mulf %select_n3A_1198, %select_n3A_1048 : vector<16xf32>
            %mul3A_1206 = arith.mulf %get3A_1204, %mul3A_1056 : vector<16xf32>
            %add3A_1207 = arith.addf %mul3A_1205, %mul3A_1206 : vector<16xf32>
            %div3A_1208 = arith.divf %add3A_1207, %add3A_1057 : vector<16xf32>
            %select_n3A_1209 = arith.select %and3A_1007, %div3A_1208, %get3A_1204 : vector<16xi1>, vector<16xf32>
            %swap3A_1210 = arith.constant 2 : i32
            %swap3A_1211 = arith.index_cast %swap3A_1210 : i32 to index
            %swap3A_1212 = arith.index_cast %sub3A_96 : i32 to index
            %swap3A_1213 = arith.index_cast %multiple_of3A_1010 : i32 to index
            %swap3A_1214 = tpu.vector_load %arg8[%swap3A_1211, %swap3A_1212, %swap3A_1213] {strides = array<i32>} : memref<3x16x512xf32, #tpu.memory_space<vmem>>, vector<1x1x16xf32>,
            %swap3A_1215 = vector.shape_cast %swap3A_1214 : vector<1x1x16xf32> to vector<16xf32>
            %swap3A_1216 = vector.shape_cast %select_n3A_1209 : vector<16xf32> to vector<1x1x16xf32>
            tpu.vector_store %arg8[%swap3A_1211, %swap3A_1212, %swap3A_1213], %swap3A_1216 {strides = array<i32>} : memref<3x16x512xf32, #tpu.memory_space<vmem>>, vector<1x1x16xf32>,
            %select_n3A_1217 = arith.select %and3A_1007, %add3A_1057, %get3A_1052 : vector<16xi1>, vector<16xf32>
            %swap3A_1218 = arith.index_cast %sub3A_96 : i32 to index
            %swap3A_1219 = arith.index_cast %multiple_of3A_1010 : i32 to index
            %swap3A_1220 = tpu.vector_load %arg9[%swap3A_1218, %swap3A_1219] {strides = array<i32>} : memref<16x512xf32, #tpu.memory_space<vmem>>, vector<1x16xf32>,
            %swap3A_1221 = vector.shape_cast %swap3A_1220 : vector<1x16xf32> to vector<16xf32>
            %swap3A_1222 = vector.shape_cast %select_n3A_1217 : vector<16xf32> to vector<1x16xf32>
            tpu.vector_store %arg9[%swap3A_1218, %swap3A_1219], %swap3A_1222 {strides = array<i32>} : memref<16x512xf32, #tpu.memory_space<vmem>>, vector<1x16xf32>,
          }
          %while3A_90 = arith.constant 1 : i32
          scf.for %while3A_91 = %while3A_88 to %while3A_84 step %while3A_90  : i32 {
            %add3A_92 = arith.addi %max3A, %while3A_91 : i32
            %sub3A_93 = arith.subi %add3A_92, %squeeze3A_27 : i32
            %mul3A_94 = arith.constant 64 : i32
            %mul3A_95 = arith.muli %sub3A_93, %mul3A_94 : i32
            %sub3A_96 = arith.subi %add3A_92, %mul3A_2 : i32
            %sub3A_97 = arith.constant 0 : i32
            %sub3A_98 = arith.subi %sub3A_97, %sub3A_60 : i32
            %add3A_99 = vector.broadcast %sub3A_98 : i32 to vector<16xi32>
            %add3A_100 = arith.addi %iota3A, %add3A_99 : vector<16xi32>
            %ge3A = arith.constant 0 : i32
            %ge3A_101 = vector.broadcast %ge3A : i32 to vector<16xi32>
            %ge3A_102 = arith.cmpi sge, %add3A_100, %ge3A_101 : vector<16xi32>
            %lt3A_103 = arith.constant 64 : i32
            %lt3A_104 = vector.broadcast %lt3A_103 : i32 to vector<16xi32>
            %lt3A_105 = arith.cmpi slt, %add3A_100, %lt3A_104 : vector<16xi32>
            %and3A_106 = arith.andi %ge3A_102, %lt3A_105 : vector<16xi1>
            %add3A_107 = arith.constant 0 : i32
            %add3A_108 = arith.addi %multiple_of3A, %add3A_107 : i32
            %multiple_of3A_109 = tpu.assume_multiple %add3A_108, 16 : i32
            %add3A_110 = arith.constant 12288 : i32
            %add3A_111 = arith.addi %mul3A_95, %add3A_110 : i32
            %add3A_112 = arith.constant 0 : i32
            %add3A_113 = arith.addi %add3A_111, %add3A_112 : i32
            %multiple_of3A_114 = tpu.assume_multiple %add3A_113, 16 : i32
            %add3A_115 = arith.constant 0 : i32
            %add3A_116 = arith.addi %add3A_111, %add3A_115 : i32
            %multiple_of3A_117 = tpu.assume_multiple %add3A_116, 16 : i32
            %get3A_118 = arith.index_cast %multiple_of3A_114 : i32 to index
            %get3A_119 = tpu.vector_load %arg10[%get3A_118] {strides = array<i32>} : memref<16384xf32, #tpu.memory_space<vmem>>, vector<16xf32>,
            %get3A_120 = vector.shape_cast %get3A_119 : vector<16xf32> to vector<16xf32>
            %get3A_121 = arith.index_cast %multiple_of3A_117 : i32 to index
            %get3A_122 = tpu.vector_load %arg10[%get3A_121] {strides = array<i32>} : memref<16384xf32, #tpu.memory_space<vmem>>, vector<16xf32>,
            %get3A_123 = vector.shape_cast %get3A_122 : vector<16xf32> to vector<16xf32>
            %lt3A_124 = arith.constant 0 : i32
            %lt3A_125 = vector.broadcast %lt3A_124 : i32 to vector<16xi32>
            %lt3A_126 = arith.cmpi slt, %min3A_70, %lt3A_125 : vector<16xi32>
            %add3A_127 = arith.constant 16 : i32
            %add3A_128 = vector.broadcast %add3A_127 : i32 to vector<16xi32>
            %add3A_129 = arith.addi %min3A_70, %add3A_128 : vector<16xi32>
            %select_n3A_130 = arith.select %lt3A_126, %add3A_129, %min3A_70 : vector<16xi1>, vector<16xi32>
            %broadcast_in_dim3A = vector.shape_cast %select_n3A_130 : vector<16xi32> to vector<16x1xi32>
            %gather3A = vector.shape_cast %broadcast_in_dim3A : vector<16x1xi32> to vector<16xi32>
            %gather3A_131 = tpu.dynamic_gather %get3A_120[%gather3A] in [0] : vector<16xf32>, vector<16xi32> -> vector<16xf32>
            %lt3A_132 = arith.constant 0 : i32
            %lt3A_133 = vector.broadcast %lt3A_132 : i32 to vector<16xi32>
            %lt3A_134 = arith.cmpi slt, %min3A_78, %lt3A_133 : vector<16xi32>
            %add3A_135 = arith.constant 16 : i32
            %add3A_136 = vector.broadcast %add3A_135 : i32 to vector<16xi32>
            %add3A_137 = arith.addi %min3A_78, %add3A_136 : vector<16xi32>
            %select_n3A_138 = arith.select %lt3A_134, %add3A_137, %min3A_78 : vector<16xi1>, vector<16xi32>
            %broadcast_in_dim3A_139 = vector.shape_cast %select_n3A_138 : vector<16xi32> to vector<16x1xi32>
            %gather3A_140 = vector.shape_cast %broadcast_in_dim3A_139 : vector<16x1xi32> to vector<16xi32>
            %gather3A_141 = tpu.dynamic_gather %get3A_123[%gather3A_140] in [0] : vector<16xf32>, vector<16xi32> -> vector<16xf32>
            %select_n3A_142 = arith.select %lt3A_79, %gather3A_131, %gather3A_141 : vector<16xi1>, vector<16xf32>
            %jit3A_143 = arith.constant 0.000000e+00 : f32
            %broadcast_in_dim3A_144 = vector.broadcast %jit3A_143 : f32 to vector<16xf32>
            %select_n3A_145 = arith.select %and3A_106, %select_n3A_142, %broadcast_in_dim3A_144 : vector<16xi1>, vector<16xf32>
            %get3A_146 = arith.index_cast %sub3A_96 : i32 to index
            %get3A_147 = arith.index_cast %multiple_of3A_109 : i32 to index
            %get3A_148 = tpu.vector_load %arg9[%get3A_146, %get3A_147] {strides = array<i32>} : memref<16x512xf32, #tpu.memory_space<vmem>>, vector<1x16xf32>,
            %get3A_149 = vector.shape_cast %get3A_148 : vector<1x16xf32> to vector<16xf32>
            %sub3A_150 = arith.constant 1.000000e+00 : f32
            %sub3A_151 = vector.broadcast %sub3A_150 : f32 to vector<16xf32>
            %sub3A_152 = arith.subf %sub3A_151, %select_n3A_145 : vector<16xf32>
            %mul3A_153 = arith.mulf %get3A_149, %sub3A_152 : vector<16xf32>
            %add3A_154 = arith.addf %select_n3A_145, %mul3A_153 : vector<16xf32>
            %add3A_155 = arith.constant 0 : i32
            %add3A_156 = arith.addi %mul3A_95, %add3A_155 : i32
            %add3A_157 = arith.constant 0 : i32
            %add3A_158 = arith.addi %add3A_156, %add3A_157 : i32
            %multiple_of3A_159 = tpu.assume_multiple %add3A_158, 16 : i32
            %add3A_160 = arith.constant 0 : i32
            %add3A_161 = arith.addi %add3A_156, %add3A_160 : i32
            %multiple_of3A_162 = tpu.assume_multiple %add3A_161, 16 : i32
            %get3A_163 = arith.index_cast %multiple_of3A_159 : i32 to index
            %get3A_164 = tpu.vector_load %arg10[%get3A_163] {strides = array<i32>} : memref<16384xf32, #tpu.memory_space<vmem>>, vector<16xf32>,
            %get3A_165 = vector.shape_cast %get3A_164 : vector<16xf32> to vector<16xf32>
            %get3A_166 = arith.index_cast %multiple_of3A_162 : i32 to index
            %get3A_167 = tpu.vector_load %arg10[%get3A_166] {strides = array<i32>} : memref<16384xf32, #tpu.memory_space<vmem>>, vector<16xf32>,
            %get3A_168 = vector.shape_cast %get3A_167 : vector<16xf32> to vector<16xf32>
            %lt3A_169 = arith.constant 0 : i32
            %lt3A_170 = vector.broadcast %lt3A_169 : i32 to vector<16xi32>
            %lt3A_171 = arith.cmpi slt, %min3A_70, %lt3A_170 : vector<16xi32>
            %add3A_172 = arith.constant 16 : i32
            %add3A_173 = vector.broadcast %add3A_172 : i32 to vector<16xi32>
            %add3A_174 = arith.addi %min3A_70, %add3A_173 : vector<16xi32>
            %select_n3A_175 = arith.select %lt3A_171, %add3A_174, %min3A_70 : vector<16xi1>, vector<16xi32>
            %broadcast_in_dim3A_176 = vector.shape_cast %select_n3A_175 : vector<16xi32> to vector<16x1xi32>
            %gather3A_177 = vector.shape_cast %broadcast_in_dim3A_176 : vector<16x1xi32> to vector<16xi32>
            %gather3A_178 = tpu.dynamic_gather %get3A_165[%gather3A_177] in [0] : vector<16xf32>, vector<16xi32> -> vector<16xf32>
            %lt3A_179 = arith.constant 0 : i32
            %lt3A_180 = vector.broadcast %lt3A_179 : i32 to vector<16xi32>
            %lt3A_181 = arith.cmpi slt, %min3A_78, %lt3A_180 : vector<16xi32>
            %add3A_182 = arith.constant 16 : i32
            %add3A_183 = vector.broadcast %add3A_182 : i32 to vector<16xi32>
            %add3A_184 = arith.addi %min3A_78, %add3A_183 : vector<16xi32>
            %select_n3A_185 = arith.select %lt3A_181, %add3A_184, %min3A_78 : vector<16xi1>, vector<16xi32>
            %broadcast_in_dim3A_186 = vector.shape_cast %select_n3A_185 : vector<16xi32> to vector<16x1xi32>
            %gather3A_187 = vector.shape_cast %broadcast_in_dim3A_186 : vector<16x1xi32> to vector<16xi32>
            %gather3A_188 = tpu.dynamic_gather %get3A_168[%gather3A_187] in [0] : vector<16xf32>, vector<16xi32> -> vector<16xf32>
            %select_n3A_189 = arith.select %lt3A_79, %gather3A_178, %gather3A_188 : vector<16xi1>, vector<16xf32>
            %get3A_190 = arith.constant 0 : i32
            %get3A_191 = arith.index_cast %get3A_190 : i32 to index
            %get3A_192 = arith.index_cast %sub3A_96 : i32 to index
            %get3A_193 = arith.index_cast %multiple_of3A_109 : i32 to index
            %get3A_194 = tpu.vector_load %arg8[%get3A_191, %get3A_192, %get3A_193] {strides = array<i32>} : memref<3x16x512xf32, #tpu.memory_space<vmem>>, vector<1x1x16xf32>,
            %get3A_195 = vector.shape_cast %get3A_194 : vector<1x1x16xf32> to vector<16xf32>
            %mul3A_196 = arith.mulf %select_n3A_189, %select_n3A_145 : vector<16xf32>
            %mul3A_197 = arith.mulf %get3A_195, %mul3A_153 : vector<16xf32>
            %add3A_198 = arith.addf %mul3A_196, %mul3A_197 : vector<16xf32>
            %div3A_199 = arith.divf %add3A_198, %add3A_154 : vector<16xf32>
            %select_n3A_200 = arith.select %and3A_106, %div3A_199, %get3A_195 : vector<16xi1>, vector<16xf32>
            %swap3A = arith.constant 0 : i32
            %swap3A_201 = arith.index_cast %swap3A : i32 to index
            %swap3A_202 = arith.index_cast %sub3A_96 : i32 to index
            %swap3A_203 = arith.index_cast %multiple_of3A_109 : i32 to index
            %swap3A_204 = tpu.vector_load %arg8[%swap3A_201, %swap3A_202, %swap3A_203] {strides = array<i32>} : memref<3x16x512xf32, #tpu.memory_space<vmem>>, vector<1x1x16xf32>,
            %swap3A_205 = vector.shape_cast %swap3A_204 : vector<1x1x16xf32> to vector<16xf32>
            %swap3A_206 = vector.shape_cast %select_n3A_200 : vector<16xf32> to vector<1x1x16xf32>
            tpu.vector_store %arg8[%swap3A_201, %swap3A_202, %swap3A_203], %swap3A_206 {strides = array<i32>} : memref<3x16x512xf32, #tpu.memory_space<vmem>>, vector<1x1x16xf32>,
            %add3A_207 = arith.constant 4096 : i32
            %add3A_208 = arith.addi %mul3A_95, %add3A_207 : i32
            %add3A_209 = arith.constant 0 : i32
            %add3A_210 = arith.addi %add3A_208, %add3A_209 : i32
            %multiple_of3A_211 = tpu.assume_multiple %add3A_210, 16 : i32
            %add3A_212 = arith.constant 0 : i32
            %add3A_213 = arith.addi %add3A_208, %add3A_212 : i32
            %multiple_of3A_214 = tpu.assume_multiple %add3A_213, 16 : i32
            %get3A_215 = arith.index_cast %multiple_of3A_211 : i32 to index
            %get3A_216 = tpu.vector_load %arg10[%get3A_215] {strides = array<i32>} : memref<16384xf32, #tpu.memory_space<vmem>>, vector<16xf32>,
            %get3A_217 = vector.shape_cast %get3A_216 : vector<16xf32> to vector<16xf32>
            %get3A_218 = arith.index_cast %multiple_of3A_214 : i32 to index
            %get3A_219 = tpu.vector_load %arg10[%get3A_218] {strides = array<i32>} : memref<16384xf32, #tpu.memory_space<vmem>>, vector<16xf32>,
            %get3A_220 = vector.shape_cast %get3A_219 : vector<16xf32> to vector<16xf32>
            %lt3A_221 = arith.constant 0 : i32
            %lt3A_222 = vector.broadcast %lt3A_221 : i32 to vector<16xi32>
            %lt3A_223 = arith.cmpi slt, %min3A_70, %lt3A_222 : vector<16xi32>
            %add3A_224 = arith.constant 16 : i32
            %add3A_225 = vector.broadcast %add3A_224 : i32 to vector<16xi32>
            %add3A_226 = arith.addi %min3A_70, %add3A_225 : vector<16xi32>
            %select_n3A_227 = arith.select %lt3A_223, %add3A_226, %min3A_70 : vector<16xi1>, vector<16xi32>
            %broadcast_in_dim3A_228 = vector.shape_cast %select_n3A_227 : vector<16xi32> to vector<16x1xi32>
            %gather3A_229 = vector.shape_cast %broadcast_in_dim3A_228 : vector<16x1xi32> to vector<16xi32>
            %gather3A_230 = tpu.dynamic_gather %get3A_217[%gather3A_229] in [0] : vector<16xf32>, vector<16xi32> -> vector<16xf32>
            %lt3A_231 = arith.constant 0 : i32
            %lt3A_232 = vector.broadcast %lt3A_231 : i32 to vector<16xi32>
            %lt3A_233 = arith.cmpi slt, %min3A_78, %lt3A_232 : vector<16xi32>
            %add3A_234 = arith.constant 16 : i32
            %add3A_235 = vector.broadcast %add3A_234 : i32 to vector<16xi32>
            %add3A_236 = arith.addi %min3A_78, %add3A_235 : vector<16xi32>
            %select_n3A_237 = arith.select %lt3A_233, %add3A_236, %min3A_78 : vector<16xi1>, vector<16xi32>
            %broadcast_in_dim3A_238 = vector.shape_cast %select_n3A_237 : vector<16xi32> to vector<16x1xi32>
            %gather3A_239 = vector.shape_cast %broadcast_in_dim3A_238 : vector<16x1xi32> to vector<16xi32>
            %gather3A_240 = tpu.dynamic_gather %get3A_220[%gather3A_239] in [0] : vector<16xf32>, vector<16xi32> -> vector<16xf32>
            %select_n3A_241 = arith.select %lt3A_79, %gather3A_230, %gather3A_240 : vector<16xi1>, vector<16xf32>
            %get3A_242 = arith.constant 1 : i32
            %get3A_243 = arith.index_cast %get3A_242 : i32 to index
            %get3A_244 = arith.index_cast %sub3A_96 : i32 to index
            %get3A_245 = arith.index_cast %multiple_of3A_109 : i32 to index
            %get3A_246 = tpu.vector_load %arg8[%get3A_243, %get3A_244, %get3A_245] {strides = array<i32>} : memref<3x16x512xf32, #tpu.memory_space<vmem>>, vector<1x1x16xf32>,
            %get3A_247 = vector.shape_cast %get3A_246 : vector<1x1x16xf32> to vector<16xf32>
            %mul3A_248 = arith.mulf %select_n3A_241, %select_n3A_145 : vector<16xf32>
            %mul3A_249 = arith.mulf %get3A_247, %mul3A_153 : vector<16xf32>
            %add3A_250 = arith.addf %mul3A_248, %mul3A_249 : vector<16xf32>
            %div3A_251 = arith.divf %add3A_250, %add3A_154 : vector<16xf32>
            %select_n3A_252 = arith.select %and3A_106, %div3A_251, %get3A_247 : vector<16xi1>, vector<16xf32>
            %swap3A_253 = arith.constant 1 : i32
            %swap3A_254 = arith.index_cast %swap3A_253 : i32 to index
            %swap3A_255 = arith.index_cast %sub3A_96 : i32 to index
            %swap3A_256 = arith.index_cast %multiple_of3A_109 : i32 to index
            %swap3A_257 = tpu.vector_load %arg8[%swap3A_254, %swap3A_255, %swap3A_256] {strides = array<i32>} : memref<3x16x512xf32, #tpu.memory_space<vmem>>, vector<1x1x16xf32>,
            %swap3A_258 = vector.shape_cast %swap3A_257 : vector<1x1x16xf32> to vector<16xf32>
            %swap3A_259 = vector.shape_cast %select_n3A_252 : vector<16xf32> to vector<1x1x16xf32>
            tpu.vector_store %arg8[%swap3A_254, %swap3A_255, %swap3A_256], %swap3A_259 {strides = array<i32>} : memref<3x16x512xf32, #tpu.memory_space<vmem>>, vector<1x1x16xf32>,
            %add3A_260 = arith.constant 8192 : i32
            %add3A_261 = arith.addi %mul3A_95, %add3A_260 : i32
            %add3A_262 = arith.constant 0 : i32
            %add3A_263 = arith.addi %add3A_261, %add3A_262 : i32
            %multiple_of3A_264 = tpu.assume_multiple %add3A_263, 16 : i32
            %add3A_265 = arith.constant 0 : i32
            %add3A_266 = arith.addi %add3A_261, %add3A_265 : i32
            %multiple_of3A_267 = tpu.assume_multiple %add3A_266, 16 : i32
            %get3A_268 = arith.index_cast %multiple_of3A_264 : i32 to index
            %get3A_269 = tpu.vector_load %arg10[%get3A_268] {strides = array<i32>} : memref<16384xf32, #tpu.memory_space<vmem>>, vector<16xf32>,
            %get3A_270 = vector.shape_cast %get3A_269 : vector<16xf32> to vector<16xf32>
            %get3A_271 = arith.index_cast %multiple_of3A_267 : i32 to index
            %get3A_272 = tpu.vector_load %arg10[%get3A_271] {strides = array<i32>} : memref<16384xf32, #tpu.memory_space<vmem>>, vector<16xf32>,
            %get3A_273 = vector.shape_cast %get3A_272 : vector<16xf32> to vector<16xf32>
            %lt3A_274 = arith.constant 0 : i32
            %lt3A_275 = vector.broadcast %lt3A_274 : i32 to vector<16xi32>
            %lt3A_276 = arith.cmpi slt, %min3A_70, %lt3A_275 : vector<16xi32>
            %add3A_277 = arith.constant 16 : i32
            %add3A_278 = vector.broadcast %add3A_277 : i32 to vector<16xi32>
            %add3A_279 = arith.addi %min3A_70, %add3A_278 : vector<16xi32>
            %select_n3A_280 = arith.select %lt3A_276, %add3A_279, %min3A_70 : vector<16xi1>, vector<16xi32>
            %broadcast_in_dim3A_281 = vector.shape_cast %select_n3A_280 : vector<16xi32> to vector<16x1xi32>
            %gather3A_282 = vector.shape_cast %broadcast_in_dim3A_281 : vector<16x1xi32> to vector<16xi32>
            %gather3A_283 = tpu.dynamic_gather %get3A_270[%gather3A_282] in [0] : vector<16xf32>, vector<16xi32> -> vector<16xf32>
            %lt3A_284 = arith.constant 0 : i32
            %lt3A_285 = vector.broadcast %lt3A_284 : i32 to vector<16xi32>
            %lt3A_286 = arith.cmpi slt, %min3A_78, %lt3A_285 : vector<16xi32>
            %add3A_287 = arith.constant 16 : i32
            %add3A_288 = vector.broadcast %add3A_287 : i32 to vector<16xi32>
            %add3A_289 = arith.addi %min3A_78, %add3A_288 : vector<16xi32>
            %select_n3A_290 = arith.select %lt3A_286, %add3A_289, %min3A_78 : vector<16xi1>, vector<16xi32>
            %broadcast_in_dim3A_291 = vector.shape_cast %select_n3A_290 : vector<16xi32> to vector<16x1xi32>
            %gather3A_292 = vector.shape_cast %broadcast_in_dim3A_291 : vector<16x1xi32> to vector<16xi32>
            %gather3A_293 = tpu.dynamic_gather %get3A_273[%gather3A_292] in [0] : vector<16xf32>, vector<16xi32> -> vector<16xf32>
            %select_n3A_294 = arith.select %lt3A_79, %gather3A_283, %gather3A_293 : vector<16xi1>, vector<16xf32>
            %get3A_295 = arith.constant 2 : i32
            %get3A_296 = arith.index_cast %get3A_295 : i32 to index
            %get3A_297 = arith.index_cast %sub3A_96 : i32 to index
            %get3A_298 = arith.index_cast %multiple_of3A_109 : i32 to index
            %get3A_299 = tpu.vector_load %arg8[%get3A_296, %get3A_297, %get3A_298] {strides = array<i32>} : memref<3x16x512xf32, #tpu.memory_space<vmem>>, vector<1x1x16xf32>,
            %get3A_300 = vector.shape_cast %get3A_299 : vector<1x1x16xf32> to vector<16xf32>
            %mul3A_301 = arith.mulf %select_n3A_294, %select_n3A_145 : vector<16xf32>
            %mul3A_302 = arith.mulf %get3A_300, %mul3A_153 : vector<16xf32>
            %add3A_303 = arith.addf %mul3A_301, %mul3A_302 : vector<16xf32>
            %div3A_304 = arith.divf %add3A_303, %add3A_154 : vector<16xf32>
            %select_n3A_305 = arith.select %and3A_106, %div3A_304, %get3A_300 : vector<16xi1>, vector<16xf32>
            %swap3A_306 = arith.constant 2 : i32
            %swap3A_307 = arith.index_cast %swap3A_306 : i32 to index
            %swap3A_308 = arith.index_cast %sub3A_96 : i32 to index
            %swap3A_309 = arith.index_cast %multiple_of3A_109 : i32 to index
            %swap3A_310 = tpu.vector_load %arg8[%swap3A_307, %swap3A_308, %swap3A_309] {strides = array<i32>} : memref<3x16x512xf32, #tpu.memory_space<vmem>>, vector<1x1x16xf32>,
            %swap3A_311 = vector.shape_cast %swap3A_310 : vector<1x1x16xf32> to vector<16xf32>
            %swap3A_312 = vector.shape_cast %select_n3A_305 : vector<16xf32> to vector<1x1x16xf32>
            tpu.vector_store %arg8[%swap3A_307, %swap3A_308, %swap3A_309], %swap3A_312 {strides = array<i32>} : memref<3x16x512xf32, #tpu.memory_space<vmem>>, vector<1x1x16xf32>,
            %select_n3A_313 = arith.select %and3A_106, %add3A_154, %get3A_149 : vector<16xi1>, vector<16xf32>
            %swap3A_314 = arith.index_cast %sub3A_96 : i32 to index
            %swap3A_315 = arith.index_cast %multiple_of3A_109 : i32 to index
            %swap3A_316 = tpu.vector_load %arg9[%swap3A_314, %swap3A_315] {strides = array<i32>} : memref<16x512xf32, #tpu.memory_space<vmem>>, vector<1x16xf32>,
            %swap3A_317 = vector.shape_cast %swap3A_316 : vector<1x16xf32> to vector<16xf32>
            %swap3A_318 = vector.shape_cast %select_n3A_313 : vector<16xf32> to vector<1x16xf32>
            tpu.vector_store %arg9[%swap3A_314, %swap3A_315], %swap3A_318 {strides = array<i32>} : memref<16x512xf32, #tpu.memory_space<vmem>>, vector<1x16xf32>,
            %sub3A_319 = arith.constant 16 : i32
            %sub3A_320 = arith.subi %sub3A_319, %sub3A_60 : i32
            %add3A_321 = vector.broadcast %sub3A_320 : i32 to vector<16xi32>
            %add3A_322 = arith.addi %iota3A, %add3A_321 : vector<16xi32>
            %ge3A_323 = arith.constant 0 : i32
            %ge3A_324 = vector.broadcast %ge3A_323 : i32 to vector<16xi32>
            %ge3A_325 = arith.cmpi sge, %add3A_322, %ge3A_324 : vector<16xi32>
            %lt3A_326 = arith.constant 64 : i32
            %lt3A_327 = vector.broadcast %lt3A_326 : i32 to vector<16xi32>
            %lt3A_328 = arith.cmpi slt, %add3A_322, %lt3A_327 : vector<16xi32>
            %and3A_329 = arith.andi %ge3A_325, %lt3A_328 : vector<16xi1>
            %add3A_330 = arith.constant 16 : i32
            %add3A_331 = arith.addi %multiple_of3A, %add3A_330 : i32
            %multiple_of3A_332 = tpu.assume_multiple %add3A_331, 16 : i32
            %add3A_333 = arith.constant 12288 : i32
            %add3A_334 = arith.addi %mul3A_95, %add3A_333 : i32
            %add3A_335 = arith.constant 0 : i32
            %add3A_336 = arith.addi %add3A_334, %add3A_335 : i32
            %multiple_of3A_337 = tpu.assume_multiple %add3A_336, 16 : i32
            %add3A_338 = arith.constant 16 : i32
            %add3A_339 = arith.addi %add3A_334, %add3A_338 : i32
            %multiple_of3A_340 = tpu.assume_multiple %add3A_339, 16 : i32
            %get3A_341 = arith.index_cast %multiple_of3A_337 : i32 to index
            %get3A_342 = tpu.vector_load %arg10[%get3A_341] {strides = array<i32>} : memref<16384xf32, #tpu.memory_space<vmem>>, vector<16xf32>,
            %get3A_343 = vector.shape_cast %get3A_342 : vector<16xf32> to vector<16xf32>
            %get3A_344 = arith.index_cast %multiple_of3A_340 : i32 to index
            %get3A_345 = tpu.vector_load %arg10[%get3A_344] {strides = array<i32>} : memref<16384xf32, #tpu.memory_space<vmem>>, vector<16xf32>,
            %get3A_346 = vector.shape_cast %get3A_345 : vector<16xf32> to vector<16xf32>
            %lt3A_347 = arith.constant 0 : i32
            %lt3A_348 = vector.broadcast %lt3A_347 : i32 to vector<16xi32>
            %lt3A_349 = arith.cmpi slt, %min3A_70, %lt3A_348 : vector<16xi32>
            %add3A_350 = arith.constant 16 : i32
            %add3A_351 = vector.broadcast %add3A_350 : i32 to vector<16xi32>
            %add3A_352 = arith.addi %min3A_70, %add3A_351 : vector<16xi32>
            %select_n3A_353 = arith.select %lt3A_349, %add3A_352, %min3A_70 : vector<16xi1>, vector<16xi32>
            %broadcast_in_dim3A_354 = vector.shape_cast %select_n3A_353 : vector<16xi32> to vector<16x1xi32>
            %gather3A_355 = vector.shape_cast %broadcast_in_dim3A_354 : vector<16x1xi32> to vector<16xi32>
            %gather3A_356 = tpu.dynamic_gather %get3A_343[%gather3A_355] in [0] : vector<16xf32>, vector<16xi32> -> vector<16xf32>
            %lt3A_357 = arith.constant 0 : i32
            %lt3A_358 = vector.broadcast %lt3A_357 : i32 to vector<16xi32>
            %lt3A_359 = arith.cmpi slt, %min3A_78, %lt3A_358 : vector<16xi32>
            %add3A_360 = arith.constant 16 : i32
            %add3A_361 = vector.broadcast %add3A_360 : i32 to vector<16xi32>
            %add3A_362 = arith.addi %min3A_78, %add3A_361 : vector<16xi32>
            %select_n3A_363 = arith.select %lt3A_359, %add3A_362, %min3A_78 : vector<16xi1>, vector<16xi32>
            %broadcast_in_dim3A_364 = vector.shape_cast %select_n3A_363 : vector<16xi32> to vector<16x1xi32>
            %gather3A_365 = vector.shape_cast %broadcast_in_dim3A_364 : vector<16x1xi32> to vector<16xi32>
            %gather3A_366 = tpu.dynamic_gather %get3A_346[%gather3A_365] in [0] : vector<16xf32>, vector<16xi32> -> vector<16xf32>
            %select_n3A_367 = arith.select %lt3A_79, %gather3A_356, %gather3A_366 : vector<16xi1>, vector<16xf32>
            %jit3A_368 = arith.constant 0.000000e+00 : f32
            %broadcast_in_dim3A_369 = vector.broadcast %jit3A_368 : f32 to vector<16xf32>
            %select_n3A_370 = arith.select %and3A_329, %select_n3A_367, %broadcast_in_dim3A_369 : vector<16xi1>, vector<16xf32>
            %get3A_371 = arith.index_cast %sub3A_96 : i32 to index
            %get3A_372 = arith.index_cast %multiple_of3A_332 : i32 to index
            %get3A_373 = tpu.vector_load %arg9[%get3A_371, %get3A_372] {strides = array<i32>} : memref<16x512xf32, #tpu.memory_space<vmem>>, vector<1x16xf32>,
            %get3A_374 = vector.shape_cast %get3A_373 : vector<1x16xf32> to vector<16xf32>
            %sub3A_375 = arith.constant 1.000000e+00 : f32
            %sub3A_376 = vector.broadcast %sub3A_375 : f32 to vector<16xf32>
            %sub3A_377 = arith.subf %sub3A_376, %select_n3A_370 : vector<16xf32>
            %mul3A_378 = arith.mulf %get3A_374, %sub3A_377 : vector<16xf32>
            %add3A_379 = arith.addf %select_n3A_370, %mul3A_378 : vector<16xf32>
            %add3A_380 = arith.constant 0 : i32
            %add3A_381 = arith.addi %mul3A_95, %add3A_380 : i32
            %add3A_382 = arith.constant 0 : i32
            %add3A_383 = arith.addi %add3A_381, %add3A_382 : i32
            %multiple_of3A_384 = tpu.assume_multiple %add3A_383, 16 : i32
            %add3A_385 = arith.constant 16 : i32
            %add3A_386 = arith.addi %add3A_381, %add3A_385 : i32
            %multiple_of3A_387 = tpu.assume_multiple %add3A_386, 16 : i32
            %get3A_388 = arith.index_cast %multiple_of3A_384 : i32 to index
            %get3A_389 = tpu.vector_load %arg10[%get3A_388] {strides = array<i32>} : memref<16384xf32, #tpu.memory_space<vmem>>, vector<16xf32>,
            %get3A_390 = vector.shape_cast %get3A_389 : vector<16xf32> to vector<16xf32>
            %get3A_391 = arith.index_cast %multiple_of3A_387 : i32 to index
            %get3A_392 = tpu.vector_load %arg10[%get3A_391] {strides = array<i32>} : memref<16384xf32, #tpu.memory_space<vmem>>, vector<16xf32>,
            %get3A_393 = vector.shape_cast %get3A_392 : vector<16xf32> to vector<16xf32>
            %lt3A_394 = arith.constant 0 : i32
            %lt3A_395 = vector.broadcast %lt3A_394 : i32 to vector<16xi32>
            %lt3A_396 = arith.cmpi slt, %min3A_70, %lt3A_395 : vector<16xi32>
            %add3A_397 = arith.constant 16 : i32
            %add3A_398 = vector.broadcast %add3A_397 : i32 to vector<16xi32>
            %add3A_399 = arith.addi %min3A_70, %add3A_398 : vector<16xi32>
            %select_n3A_400 = arith.select %lt3A_396, %add3A_399, %min3A_70 : vector<16xi1>, vector<16xi32>
            %broadcast_in_dim3A_401 = vector.shape_cast %select_n3A_400 : vector<16xi32> to vector<16x1xi32>
            %gather3A_402 = vector.shape_cast %broadcast_in_dim3A_401 : vector<16x1xi32> to vector<16xi32>
            %gather3A_403 = tpu.dynamic_gather %get3A_390[%gather3A_402] in [0] : vector<16xf32>, vector<16xi32> -> vector<16xf32>
            %lt3A_404 = arith.constant 0 : i32
            %lt3A_405 = vector.broadcast %lt3A_404 : i32 to vector<16xi32>
            %lt3A_406 = arith.cmpi slt, %min3A_78, %lt3A_405 : vector<16xi32>
            %add3A_407 = arith.constant 16 : i32
            %add3A_408 = vector.broadcast %add3A_407 : i32 to vector<16xi32>
            %add3A_409 = arith.addi %min3A_78, %add3A_408 : vector<16xi32>
            %select_n3A_410 = arith.select %lt3A_406, %add3A_409, %min3A_78 : vector<16xi1>, vector<16xi32>
            %broadcast_in_dim3A_411 = vector.shape_cast %select_n3A_410 : vector<16xi32> to vector<16x1xi32>
            %gather3A_412 = vector.shape_cast %broadcast_in_dim3A_411 : vector<16x1xi32> to vector<16xi32>
            %gather3A_413 = tpu.dynamic_gather %get3A_393[%gather3A_412] in [0] : vector<16xf32>, vector<16xi32> -> vector<16xf32>
            %select_n3A_414 = arith.select %lt3A_79, %gather3A_403, %gather3A_413 : vector<16xi1>, vector<16xf32>
            %get3A_415 = arith.constant 0 : i32
            %get3A_416 = arith.index_cast %get3A_415 : i32 to index
            %get3A_417 = arith.index_cast %sub3A_96 : i32 to index
            %get3A_418 = arith.index_cast %multiple_of3A_332 : i32 to index
            %get3A_419 = tpu.vector_load %arg8[%get3A_416, %get3A_417, %get3A_418] {strides = array<i32>} : memref<3x16x512xf32, #tpu.memory_space<vmem>>, vector<1x1x16xf32>,
            %get3A_420 = vector.shape_cast %get3A_419 : vector<1x1x16xf32> to vector<16xf32>
            %mul3A_421 = arith.mulf %select_n3A_414, %select_n3A_370 : vector<16xf32>
            %mul3A_422 = arith.mulf %get3A_420, %mul3A_378 : vector<16xf32>
            %add3A_423 = arith.addf %mul3A_421, %mul3A_422 : vector<16xf32>
            %div3A_424 = arith.divf %add3A_423, %add3A_379 : vector<16xf32>
            %select_n3A_425 = arith.select %and3A_329, %div3A_424, %get3A_420 : vector<16xi1>, vector<16xf32>
            %swap3A_426 = arith.constant 0 : i32
            %swap3A_427 = arith.index_cast %swap3A_426 : i32 to index
            %swap3A_428 = arith.index_cast %sub3A_96 : i32 to index
            %swap3A_429 = arith.index_cast %multiple_of3A_332 : i32 to index
            %swap3A_430 = tpu.vector_load %arg8[%swap3A_427, %swap3A_428, %swap3A_429] {strides = array<i32>} : memref<3x16x512xf32, #tpu.memory_space<vmem>>, vector<1x1x16xf32>,
            %swap3A_431 = vector.shape_cast %swap3A_430 : vector<1x1x16xf32> to vector<16xf32>
            %swap3A_432 = vector.shape_cast %select_n3A_425 : vector<16xf32> to vector<1x1x16xf32>
            tpu.vector_store %arg8[%swap3A_427, %swap3A_428, %swap3A_429], %swap3A_432 {strides = array<i32>} : memref<3x16x512xf32, #tpu.memory_space<vmem>>, vector<1x1x16xf32>,
            %add3A_433 = arith.constant 4096 : i32
            %add3A_434 = arith.addi %mul3A_95, %add3A_433 : i32
            %add3A_435 = arith.constant 0 : i32
            %add3A_436 = arith.addi %add3A_434, %add3A_435 : i32
            %multiple_of3A_437 = tpu.assume_multiple %add3A_436, 16 : i32
            %add3A_438 = arith.constant 16 : i32
            %add3A_439 = arith.addi %add3A_434, %add3A_438 : i32
            %multiple_of3A_440 = tpu.assume_multiple %add3A_439, 16 : i32
            %get3A_441 = arith.index_cast %multiple_of3A_437 : i32 to index
            %get3A_442 = tpu.vector_load %arg10[%get3A_441] {strides = array<i32>} : memref<16384xf32, #tpu.memory_space<vmem>>, vector<16xf32>,
            %get3A_443 = vector.shape_cast %get3A_442 : vector<16xf32> to vector<16xf32>
            %get3A_444 = arith.index_cast %multiple_of3A_440 : i32 to index
            %get3A_445 = tpu.vector_load %arg10[%get3A_444] {strides = array<i32>} : memref<16384xf32, #tpu.memory_space<vmem>>, vector<16xf32>,
            %get3A_446 = vector.shape_cast %get3A_445 : vector<16xf32> to vector<16xf32>
            %lt3A_447 = arith.constant 0 : i32
            %lt3A_448 = vector.broadcast %lt3A_447 : i32 to vector<16xi32>
            %lt3A_449 = arith.cmpi slt, %min3A_70, %lt3A_448 : vector<16xi32>
            %add3A_450 = arith.constant 16 : i32
            %add3A_451 = vector.broadcast %add3A_450 : i32 to vector<16xi32>
            %add3A_452 = arith.addi %min3A_70, %add3A_451 : vector<16xi32>
            %select_n3A_453 = arith.select %lt3A_449, %add3A_452, %min3A_70 : vector<16xi1>, vector<16xi32>
            %broadcast_in_dim3A_454 = vector.shape_cast %select_n3A_453 : vector<16xi32> to vector<16x1xi32>
            %gather3A_455 = vector.shape_cast %broadcast_in_dim3A_454 : vector<16x1xi32> to vector<16xi32>
            %gather3A_456 = tpu.dynamic_gather %get3A_443[%gather3A_455] in [0] : vector<16xf32>, vector<16xi32> -> vector<16xf32>
            %lt3A_457 = arith.constant 0 : i32
            %lt3A_458 = vector.broadcast %lt3A_457 : i32 to vector<16xi32>
            %lt3A_459 = arith.cmpi slt, %min3A_78, %lt3A_458 : vector<16xi32>
            %add3A_460 = arith.constant 16 : i32
            %add3A_461 = vector.broadcast %add3A_460 : i32 to vector<16xi32>
            %add3A_462 = arith.addi %min3A_78, %add3A_461 : vector<16xi32>
            %select_n3A_463 = arith.select %lt3A_459, %add3A_462, %min3A_78 : vector<16xi1>, vector<16xi32>
            %broadcast_in_dim3A_464 = vector.shape_cast %select_n3A_463 : vector<16xi32> to vector<16x1xi32>
            %gather3A_465 = vector.shape_cast %broadcast_in_dim3A_464 : vector<16x1xi32> to vector<16xi32>
            %gather3A_466 = tpu.dynamic_gather %get3A_446[%gather3A_465] in [0] : vector<16xf32>, vector<16xi32> -> vector<16xf32>
            %select_n3A_467 = arith.select %lt3A_79, %gather3A_456, %gather3A_466 : vector<16xi1>, vector<16xf32>
            %get3A_468 = arith.constant 1 : i32
            %get3A_469 = arith.index_cast %get3A_468 : i32 to index
            %get3A_470 = arith.index_cast %sub3A_96 : i32 to index
            %get3A_471 = arith.index_cast %multiple_of3A_332 : i32 to index
            %get3A_472 = tpu.vector_load %arg8[%get3A_469, %get3A_470, %get3A_471] {strides = array<i32>} : memref<3x16x512xf32, #tpu.memory_space<vmem>>, vector<1x1x16xf32>,
            %get3A_473 = vector.shape_cast %get3A_472 : vector<1x1x16xf32> to vector<16xf32>
            %mul3A_474 = arith.mulf %select_n3A_467, %select_n3A_370 : vector<16xf32>
            %mul3A_475 = arith.mulf %get3A_473, %mul3A_378 : vector<16xf32>
            %add3A_476 = arith.addf %mul3A_474, %mul3A_475 : vector<16xf32>
            %div3A_477 = arith.divf %add3A_476, %add3A_379 : vector<16xf32>
            %select_n3A_478 = arith.select %and3A_329, %div3A_477, %get3A_473 : vector<16xi1>, vector<16xf32>
            %swap3A_479 = arith.constant 1 : i32
            %swap3A_480 = arith.index_cast %swap3A_479 : i32 to index
            %swap3A_481 = arith.index_cast %sub3A_96 : i32 to index
            %swap3A_482 = arith.index_cast %multiple_of3A_332 : i32 to index
            %swap3A_483 = tpu.vector_load %arg8[%swap3A_480, %swap3A_481, %swap3A_482] {strides = array<i32>} : memref<3x16x512xf32, #tpu.memory_space<vmem>>, vector<1x1x16xf32>,
            %swap3A_484 = vector.shape_cast %swap3A_483 : vector<1x1x16xf32> to vector<16xf32>
            %swap3A_485 = vector.shape_cast %select_n3A_478 : vector<16xf32> to vector<1x1x16xf32>
            tpu.vector_store %arg8[%swap3A_480, %swap3A_481, %swap3A_482], %swap3A_485 {strides = array<i32>} : memref<3x16x512xf32, #tpu.memory_space<vmem>>, vector<1x1x16xf32>,
            %add3A_486 = arith.constant 8192 : i32
            %add3A_487 = arith.addi %mul3A_95, %add3A_486 : i32
            %add3A_488 = arith.constant 0 : i32
            %add3A_489 = arith.addi %add3A_487, %add3A_488 : i32
            %multiple_of3A_490 = tpu.assume_multiple %add3A_489, 16 : i32
            %add3A_491 = arith.constant 16 : i32
            %add3A_492 = arith.addi %add3A_487, %add3A_491 : i32
            %multiple_of3A_493 = tpu.assume_multiple %add3A_492, 16 : i32
            %get3A_494 = arith.index_cast %multiple_of3A_490 : i32 to index
            %get3A_495 = tpu.vector_load %arg10[%get3A_494] {strides = array<i32>} : memref<16384xf32, #tpu.memory_space<vmem>>, vector<16xf32>,
            %get3A_496 = vector.shape_cast %get3A_495 : vector<16xf32> to vector<16xf32>
            %get3A_497 = arith.index_cast %multiple_of3A_493 : i32 to index
            %get3A_498 = tpu.vector_load %arg10[%get3A_497] {strides = array<i32>} : memref<16384xf32, #tpu.memory_space<vmem>>, vector<16xf32>,
            %get3A_499 = vector.shape_cast %get3A_498 : vector<16xf32> to vector<16xf32>
            %lt3A_500 = arith.constant 0 : i32
            %lt3A_501 = vector.broadcast %lt3A_500 : i32 to vector<16xi32>
            %lt3A_502 = arith.cmpi slt, %min3A_70, %lt3A_501 : vector<16xi32>
            %add3A_503 = arith.constant 16 : i32
            %add3A_504 = vector.broadcast %add3A_503 : i32 to vector<16xi32>
            %add3A_505 = arith.addi %min3A_70, %add3A_504 : vector<16xi32>
            %select_n3A_506 = arith.select %lt3A_502, %add3A_505, %min3A_70 : vector<16xi1>, vector<16xi32>
            %broadcast_in_dim3A_507 = vector.shape_cast %select_n3A_506 : vector<16xi32> to vector<16x1xi32>
            %gather3A_508 = vector.shape_cast %broadcast_in_dim3A_507 : vector<16x1xi32> to vector<16xi32>
            %gather3A_509 = tpu.dynamic_gather %get3A_496[%gather3A_508] in [0] : vector<16xf32>, vector<16xi32> -> vector<16xf32>
            %lt3A_510 = arith.constant 0 : i32
            %lt3A_511 = vector.broadcast %lt3A_510 : i32 to vector<16xi32>
            %lt3A_512 = arith.cmpi slt, %min3A_78, %lt3A_511 : vector<16xi32>
            %add3A_513 = arith.constant 16 : i32
            %add3A_514 = vector.broadcast %add3A_513 : i32 to vector<16xi32>
            %add3A_515 = arith.addi %min3A_78, %add3A_514 : vector<16xi32>
            %select_n3A_516 = arith.select %lt3A_512, %add3A_515, %min3A_78 : vector<16xi1>, vector<16xi32>
            %broadcast_in_dim3A_517 = vector.shape_cast %select_n3A_516 : vector<16xi32> to vector<16x1xi32>
            %gather3A_518 = vector.shape_cast %broadcast_in_dim3A_517 : vector<16x1xi32> to vector<16xi32>
            %gather3A_519 = tpu.dynamic_gather %get3A_499[%gather3A_518] in [0] : vector<16xf32>, vector<16xi32> -> vector<16xf32>
            %select_n3A_520 = arith.select %lt3A_79, %gather3A_509, %gather3A_519 : vector<16xi1>, vector<16xf32>
            %get3A_521 = arith.constant 2 : i32
            %get3A_522 = arith.index_cast %get3A_521 : i32 to index
            %get3A_523 = arith.index_cast %sub3A_96 : i32 to index
            %get3A_524 = arith.index_cast %multiple_of3A_332 : i32 to index
            %get3A_525 = tpu.vector_load %arg8[%get3A_522, %get3A_523, %get3A_524] {strides = array<i32>} : memref<3x16x512xf32, #tpu.memory_space<vmem>>, vector<1x1x16xf32>,
            %get3A_526 = vector.shape_cast %get3A_525 : vector<1x1x16xf32> to vector<16xf32>
            %mul3A_527 = arith.mulf %select_n3A_520, %select_n3A_370 : vector<16xf32>
            %mul3A_528 = arith.mulf %get3A_526, %mul3A_378 : vector<16xf32>
            %add3A_529 = arith.addf %mul3A_527, %mul3A_528 : vector<16xf32>
            %div3A_530 = arith.divf %add3A_529, %add3A_379 : vector<16xf32>
            %select_n3A_531 = arith.select %and3A_329, %div3A_530, %get3A_526 : vector<16xi1>, vector<16xf32>
            %swap3A_532 = arith.constant 2 : i32
            %swap3A_533 = arith.index_cast %swap3A_532 : i32 to index
            %swap3A_534 = arith.index_cast %sub3A_96 : i32 to index
            %swap3A_535 = arith.index_cast %multiple_of3A_332 : i32 to index
            %swap3A_536 = tpu.vector_load %arg8[%swap3A_533, %swap3A_534, %swap3A_535] {strides = array<i32>} : memref<3x16x512xf32, #tpu.memory_space<vmem>>, vector<1x1x16xf32>,
            %swap3A_537 = vector.shape_cast %swap3A_536 : vector<1x1x16xf32> to vector<16xf32>
            %swap3A_538 = vector.shape_cast %select_n3A_531 : vector<16xf32> to vector<1x1x16xf32>
            tpu.vector_store %arg8[%swap3A_533, %swap3A_534, %swap3A_535], %swap3A_538 {strides = array<i32>} : memref<3x16x512xf32, #tpu.memory_space<vmem>>, vector<1x1x16xf32>,
            %select_n3A_539 = arith.select %and3A_329, %add3A_379, %get3A_374 : vector<16xi1>, vector<16xf32>
            %swap3A_540 = arith.index_cast %sub3A_96 : i32 to index
            %swap3A_541 = arith.index_cast %multiple_of3A_332 : i32 to index
            %swap3A_542 = tpu.vector_load %arg9[%swap3A_540, %swap3A_541] {strides = array<i32>} : memref<16x512xf32, #tpu.memory_space<vmem>>, vector<1x16xf32>,
            %swap3A_543 = vector.shape_cast %swap3A_542 : vector<1x16xf32> to vector<16xf32>
            %swap3A_544 = vector.shape_cast %select_n3A_539 : vector<16xf32> to vector<1x16xf32>
            tpu.vector_store %arg9[%swap3A_540, %swap3A_541], %swap3A_544 {strides = array<i32>} : memref<16x512xf32, #tpu.memory_space<vmem>>, vector<1x16xf32>,
            %sub3A_545 = arith.constant 32 : i32
            %sub3A_546 = arith.subi %sub3A_545, %sub3A_60 : i32
            %add3A_547 = vector.broadcast %sub3A_546 : i32 to vector<16xi32>
            %add3A_548 = arith.addi %iota3A, %add3A_547 : vector<16xi32>
            %ge3A_549 = arith.constant 0 : i32
            %ge3A_550 = vector.broadcast %ge3A_549 : i32 to vector<16xi32>
            %ge3A_551 = arith.cmpi sge, %add3A_548, %ge3A_550 : vector<16xi32>
            %lt3A_552 = arith.constant 64 : i32
            %lt3A_553 = vector.broadcast %lt3A_552 : i32 to vector<16xi32>
            %lt3A_554 = arith.cmpi slt, %add3A_548, %lt3A_553 : vector<16xi32>
            %and3A_555 = arith.andi %ge3A_551, %lt3A_554 : vector<16xi1>
            %add3A_556 = arith.constant 32 : i32
            %add3A_557 = arith.addi %multiple_of3A, %add3A_556 : i32
            %multiple_of3A_558 = tpu.assume_multiple %add3A_557, 16 : i32
            %add3A_559 = arith.constant 12288 : i32
            %add3A_560 = arith.addi %mul3A_95, %add3A_559 : i32
            %add3A_561 = arith.constant 16 : i32
            %add3A_562 = arith.addi %add3A_560, %add3A_561 : i32
            %multiple_of3A_563 = tpu.assume_multiple %add3A_562, 16 : i32
            %add3A_564 = arith.constant 32 : i32
            %add3A_565 = arith.addi %add3A_560, %add3A_564 : i32
            %multiple_of3A_566 = tpu.assume_multiple %add3A_565, 16 : i32
            %get3A_567 = arith.index_cast %multiple_of3A_563 : i32 to index
            %get3A_568 = tpu.vector_load %arg10[%get3A_567] {strides = array<i32>} : memref<16384xf32, #tpu.memory_space<vmem>>, vector<16xf32>,
            %get3A_569 = vector.shape_cast %get3A_568 : vector<16xf32> to vector<16xf32>
            %get3A_570 = arith.index_cast %multiple_of3A_566 : i32 to index
            %get3A_571 = tpu.vector_load %arg10[%get3A_570] {strides = array<i32>} : memref<16384xf32, #tpu.memory_space<vmem>>, vector<16xf32>,
            %get3A_572 = vector.shape_cast %get3A_571 : vector<16xf32> to vector<16xf32>
            %lt3A_573 = arith.constant 0 : i32
            %lt3A_574 = vector.broadcast %lt3A_573 : i32 to vector<16xi32>
            %lt3A_575 = arith.cmpi slt, %min3A_70, %lt3A_574 : vector<16xi32>
            %add3A_576 = arith.constant 16 : i32
            %add3A_577 = vector.broadcast %add3A_576 : i32 to vector<16xi32>
            %add3A_578 = arith.addi %min3A_70, %add3A_577 : vector<16xi32>
            %select_n3A_579 = arith.select %lt3A_575, %add3A_578, %min3A_70 : vector<16xi1>, vector<16xi32>
            %broadcast_in_dim3A_580 = vector.shape_cast %select_n3A_579 : vector<16xi32> to vector<16x1xi32>
            %gather3A_581 = vector.shape_cast %broadcast_in_dim3A_580 : vector<16x1xi32> to vector<16xi32>
            %gather3A_582 = tpu.dynamic_gather %get3A_569[%gather3A_581] in [0] : vector<16xf32>, vector<16xi32> -> vector<16xf32>
            %lt3A_583 = arith.constant 0 : i32
            %lt3A_584 = vector.broadcast %lt3A_583 : i32 to vector<16xi32>
            %lt3A_585 = arith.cmpi slt, %min3A_78, %lt3A_584 : vector<16xi32>
            %add3A_586 = arith.constant 16 : i32
            %add3A_587 = vector.broadcast %add3A_586 : i32 to vector<16xi32>
            %add3A_588 = arith.addi %min3A_78, %add3A_587 : vector<16xi32>
            %select_n3A_589 = arith.select %lt3A_585, %add3A_588, %min3A_78 : vector<16xi1>, vector<16xi32>
            %broadcast_in_dim3A_590 = vector.shape_cast %select_n3A_589 : vector<16xi32> to vector<16x1xi32>
            %gather3A_591 = vector.shape_cast %broadcast_in_dim3A_590 : vector<16x1xi32> to vector<16xi32>
            %gather3A_592 = tpu.dynamic_gather %get3A_572[%gather3A_591] in [0] : vector<16xf32>, vector<16xi32> -> vector<16xf32>
            %select_n3A_593 = arith.select %lt3A_79, %gather3A_582, %gather3A_592 : vector<16xi1>, vector<16xf32>
            %jit3A_594 = arith.constant 0.000000e+00 : f32
            %broadcast_in_dim3A_595 = vector.broadcast %jit3A_594 : f32 to vector<16xf32>
            %select_n3A_596 = arith.select %and3A_555, %select_n3A_593, %broadcast_in_dim3A_595 : vector<16xi1>, vector<16xf32>
            %get3A_597 = arith.index_cast %sub3A_96 : i32 to index
            %get3A_598 = arith.index_cast %multiple_of3A_558 : i32 to index
            %get3A_599 = tpu.vector_load %arg9[%get3A_597, %get3A_598] {strides = array<i32>} : memref<16x512xf32, #tpu.memory_space<vmem>>, vector<1x16xf32>,
            %get3A_600 = vector.shape_cast %get3A_599 : vector<1x16xf32> to vector<16xf32>
            %sub3A_601 = arith.constant 1.000000e+00 : f32
            %sub3A_602 = vector.broadcast %sub3A_601 : f32 to vector<16xf32>
            %sub3A_603 = arith.subf %sub3A_602, %select_n3A_596 : vector<16xf32>
            %mul3A_604 = arith.mulf %get3A_600, %sub3A_603 : vector<16xf32>
            %add3A_605 = arith.addf %select_n3A_596, %mul3A_604 : vector<16xf32>
            %add3A_606 = arith.constant 0 : i32
            %add3A_607 = arith.addi %mul3A_95, %add3A_606 : i32
            %add3A_608 = arith.constant 16 : i32
            %add3A_609 = arith.addi %add3A_607, %add3A_608 : i32
            %multiple_of3A_610 = tpu.assume_multiple %add3A_609, 16 : i32
            %add3A_611 = arith.constant 32 : i32
            %add3A_612 = arith.addi %add3A_607, %add3A_611 : i32
            %multiple_of3A_613 = tpu.assume_multiple %add3A_612, 16 : i32
            %get3A_614 = arith.index_cast %multiple_of3A_610 : i32 to index
            %get3A_615 = tpu.vector_load %arg10[%get3A_614] {strides = array<i32>} : memref<16384xf32, #tpu.memory_space<vmem>>, vector<16xf32>,
            %get3A_616 = vector.shape_cast %get3A_615 : vector<16xf32> to vector<16xf32>
            %get3A_617 = arith.index_cast %multiple_of3A_613 : i32 to index
            %get3A_618 = tpu.vector_load %arg10[%get3A_617] {strides = array<i32>} : memref<16384xf32, #tpu.memory_space<vmem>>, vector<16xf32>,
            %get3A_619 = vector.shape_cast %get3A_618 : vector<16xf32> to vector<16xf32>
            %lt3A_620 = arith.constant 0 : i32
            %lt3A_621 = vector.broadcast %lt3A_620 : i32 to vector<16xi32>
            %lt3A_622 = arith.cmpi slt, %min3A_70, %lt3A_621 : vector<16xi32>
            %add3A_623 = arith.constant 16 : i32
            %add3A_624 = vector.broadcast %add3A_623 : i32 to vector<16xi32>
            %add3A_625 = arith.addi %min3A_70, %add3A_624 : vector<16xi32>
            %select_n3A_626 = arith.select %lt3A_622, %add3A_625, %min3A_70 : vector<16xi1>, vector<16xi32>
            %broadcast_in_dim3A_627 = vector.shape_cast %select_n3A_626 : vector<16xi32> to vector<16x1xi32>
            %gather3A_628 = vector.shape_cast %broadcast_in_dim3A_627 : vector<16x1xi32> to vector<16xi32>
            %gather3A_629 = tpu.dynamic_gather %get3A_616[%gather3A_628] in [0] : vector<16xf32>, vector<16xi32> -> vector<16xf32>
            %lt3A_630 = arith.constant 0 : i32
            %lt3A_631 = vector.broadcast %lt3A_630 : i32 to vector<16xi32>
            %lt3A_632 = arith.cmpi slt, %min3A_78, %lt3A_631 : vector<16xi32>
            %add3A_633 = arith.constant 16 : i32
            %add3A_634 = vector.broadcast %add3A_633 : i32 to vector<16xi32>
            %add3A_635 = arith.addi %min3A_78, %add3A_634 : vector<16xi32>
            %select_n3A_636 = arith.select %lt3A_632, %add3A_635, %min3A_78 : vector<16xi1>, vector<16xi32>
            %broadcast_in_dim3A_637 = vector.shape_cast %select_n3A_636 : vector<16xi32> to vector<16x1xi32>
            %gather3A_638 = vector.shape_cast %broadcast_in_dim3A_637 : vector<16x1xi32> to vector<16xi32>
            %gather3A_639 = tpu.dynamic_gather %get3A_619[%gather3A_638] in [0] : vector<16xf32>, vector<16xi32> -> vector<16xf32>
            %select_n3A_640 = arith.select %lt3A_79, %gather3A_629, %gather3A_639 : vector<16xi1>, vector<16xf32>
            %get3A_641 = arith.constant 0 : i32
            %get3A_642 = arith.index_cast %get3A_641 : i32 to index
            %get3A_643 = arith.index_cast %sub3A_96 : i32 to index
            %get3A_644 = arith.index_cast %multiple_of3A_558 : i32 to index
            %get3A_645 = tpu.vector_load %arg8[%get3A_642, %get3A_643, %get3A_644] {strides = array<i32>} : memref<3x16x512xf32, #tpu.memory_space<vmem>>, vector<1x1x16xf32>,
            %get3A_646 = vector.shape_cast %get3A_645 : vector<1x1x16xf32> to vector<16xf32>
            %mul3A_647 = arith.mulf %select_n3A_640, %select_n3A_596 : vector<16xf32>
            %mul3A_648 = arith.mulf %get3A_646, %mul3A_604 : vector<16xf32>
            %add3A_649 = arith.addf %mul3A_647, %mul3A_648 : vector<16xf32>
            %div3A_650 = arith.divf %add3A_649, %add3A_605 : vector<16xf32>
            %select_n3A_651 = arith.select %and3A_555, %div3A_650, %get3A_646 : vector<16xi1>, vector<16xf32>
            %swap3A_652 = arith.constant 0 : i32
            %swap3A_653 = arith.index_cast %swap3A_652 : i32 to index
            %swap3A_654 = arith.index_cast %sub3A_96 : i32 to index
            %swap3A_655 = arith.index_cast %multiple_of3A_558 : i32 to index
            %swap3A_656 = tpu.vector_load %arg8[%swap3A_653, %swap3A_654, %swap3A_655] {strides = array<i32>} : memref<3x16x512xf32, #tpu.memory_space<vmem>>, vector<1x1x16xf32>,
            %swap3A_657 = vector.shape_cast %swap3A_656 : vector<1x1x16xf32> to vector<16xf32>
            %swap3A_658 = vector.shape_cast %select_n3A_651 : vector<16xf32> to vector<1x1x16xf32>
            tpu.vector_store %arg8[%swap3A_653, %swap3A_654, %swap3A_655], %swap3A_658 {strides = array<i32>} : memref<3x16x512xf32, #tpu.memory_space<vmem>>, vector<1x1x16xf32>,
            %add3A_659 = arith.constant 4096 : i32
            %add3A_660 = arith.addi %mul3A_95, %add3A_659 : i32
            %add3A_661 = arith.constant 16 : i32
            %add3A_662 = arith.addi %add3A_660, %add3A_661 : i32
            %multiple_of3A_663 = tpu.assume_multiple %add3A_662, 16 : i32
            %add3A_664 = arith.constant 32 : i32
            %add3A_665 = arith.addi %add3A_660, %add3A_664 : i32
            %multiple_of3A_666 = tpu.assume_multiple %add3A_665, 16 : i32
            %get3A_667 = arith.index_cast %multiple_of3A_663 : i32 to index
            %get3A_668 = tpu.vector_load %arg10[%get3A_667] {strides = array<i32>} : memref<16384xf32, #tpu.memory_space<vmem>>, vector<16xf32>,
            %get3A_669 = vector.shape_cast %get3A_668 : vector<16xf32> to vector<16xf32>
            %get3A_670 = arith.index_cast %multiple_of3A_666 : i32 to index
            %get3A_671 = tpu.vector_load %arg10[%get3A_670] {strides = array<i32>} : memref<16384xf32, #tpu.memory_space<vmem>>, vector<16xf32>,
            %get3A_672 = vector.shape_cast %get3A_671 : vector<16xf32> to vector<16xf32>
            %lt3A_673 = arith.constant 0 : i32
            %lt3A_674 = vector.broadcast %lt3A_673 : i32 to vector<16xi32>
            %lt3A_675 = arith.cmpi slt, %min3A_70, %lt3A_674 : vector<16xi32>
            %add3A_676 = arith.constant 16 : i32
            %add3A_677 = vector.broadcast %add3A_676 : i32 to vector<16xi32>
            %add3A_678 = arith.addi %min3A_70, %add3A_677 : vector<16xi32>
            %select_n3A_679 = arith.select %lt3A_675, %add3A_678, %min3A_70 : vector<16xi1>, vector<16xi32>
            %broadcast_in_dim3A_680 = vector.shape_cast %select_n3A_679 : vector<16xi32> to vector<16x1xi32>
            %gather3A_681 = vector.shape_cast %broadcast_in_dim3A_680 : vector<16x1xi32> to vector<16xi32>
            %gather3A_682 = tpu.dynamic_gather %get3A_669[%gather3A_681] in [0] : vector<16xf32>, vector<16xi32> -> vector<16xf32>
            %lt3A_683 = arith.constant 0 : i32
            %lt3A_684 = vector.broadcast %lt3A_683 : i32 to vector<16xi32>
            %lt3A_685 = arith.cmpi slt, %min3A_78, %lt3A_684 : vector<16xi32>
            %add3A_686 = arith.constant 16 : i32
            %add3A_687 = vector.broadcast %add3A_686 : i32 to vector<16xi32>
            %add3A_688 = arith.addi %min3A_78, %add3A_687 : vector<16xi32>
            %select_n3A_689 = arith.select %lt3A_685, %add3A_688, %min3A_78 : vector<16xi1>, vector<16xi32>
            %broadcast_in_dim3A_690 = vector.shape_cast %select_n3A_689 : vector<16xi32> to vector<16x1xi32>
            %gather3A_691 = vector.shape_cast %broadcast_in_dim3A_690 : vector<16x1xi32> to vector<16xi32>
            %gather3A_692 = tpu.dynamic_gather %get3A_672[%gather3A_691] in [0] : vector<16xf32>, vector<16xi32> -> vector<16xf32>
            %select_n3A_693 = arith.select %lt3A_79, %gather3A_682, %gather3A_692 : vector<16xi1>, vector<16xf32>
            %get3A_694 = arith.constant 1 : i32
            %get3A_695 = arith.index_cast %get3A_694 : i32 to index
            %get3A_696 = arith.index_cast %sub3A_96 : i32 to index
            %get3A_697 = arith.index_cast %multiple_of3A_558 : i32 to index
            %get3A_698 = tpu.vector_load %arg8[%get3A_695, %get3A_696, %get3A_697] {strides = array<i32>} : memref<3x16x512xf32, #tpu.memory_space<vmem>>, vector<1x1x16xf32>,
            %get3A_699 = vector.shape_cast %get3A_698 : vector<1x1x16xf32> to vector<16xf32>
            %mul3A_700 = arith.mulf %select_n3A_693, %select_n3A_596 : vector<16xf32>
            %mul3A_701 = arith.mulf %get3A_699, %mul3A_604 : vector<16xf32>
            %add3A_702 = arith.addf %mul3A_700, %mul3A_701 : vector<16xf32>
            %div3A_703 = arith.divf %add3A_702, %add3A_605 : vector<16xf32>
            %select_n3A_704 = arith.select %and3A_555, %div3A_703, %get3A_699 : vector<16xi1>, vector<16xf32>
            %swap3A_705 = arith.constant 1 : i32
            %swap3A_706 = arith.index_cast %swap3A_705 : i32 to index
            %swap3A_707 = arith.index_cast %sub3A_96 : i32 to index
            %swap3A_708 = arith.index_cast %multiple_of3A_558 : i32 to index
            %swap3A_709 = tpu.vector_load %arg8[%swap3A_706, %swap3A_707, %swap3A_708] {strides = array<i32>} : memref<3x16x512xf32, #tpu.memory_space<vmem>>, vector<1x1x16xf32>,
            %swap3A_710 = vector.shape_cast %swap3A_709 : vector<1x1x16xf32> to vector<16xf32>
            %swap3A_711 = vector.shape_cast %select_n3A_704 : vector<16xf32> to vector<1x1x16xf32>
            tpu.vector_store %arg8[%swap3A_706, %swap3A_707, %swap3A_708], %swap3A_711 {strides = array<i32>} : memref<3x16x512xf32, #tpu.memory_space<vmem>>, vector<1x1x16xf32>,
            %add3A_712 = arith.constant 8192 : i32
            %add3A_713 = arith.addi %mul3A_95, %add3A_712 : i32
            %add3A_714 = arith.constant 16 : i32
            %add3A_715 = arith.addi %add3A_713, %add3A_714 : i32
            %multiple_of3A_716 = tpu.assume_multiple %add3A_715, 16 : i32
            %add3A_717 = arith.constant 32 : i32
            %add3A_718 = arith.addi %add3A_713, %add3A_717 : i32
            %multiple_of3A_719 = tpu.assume_multiple %add3A_718, 16 : i32
            %get3A_720 = arith.index_cast %multiple_of3A_716 : i32 to index
            %get3A_721 = tpu.vector_load %arg10[%get3A_720] {strides = array<i32>} : memref<16384xf32, #tpu.memory_space<vmem>>, vector<16xf32>,
            %get3A_722 = vector.shape_cast %get3A_721 : vector<16xf32> to vector<16xf32>
            %get3A_723 = arith.index_cast %multiple_of3A_719 : i32 to index
            %get3A_724 = tpu.vector_load %arg10[%get3A_723] {strides = array<i32>} : memref<16384xf32, #tpu.memory_space<vmem>>, vector<16xf32>,
            %get3A_725 = vector.shape_cast %get3A_724 : vector<16xf32> to vector<16xf32>
            %lt3A_726 = arith.constant 0 : i32
            %lt3A_727 = vector.broadcast %lt3A_726 : i32 to vector<16xi32>
            %lt3A_728 = arith.cmpi slt, %min3A_70, %lt3A_727 : vector<16xi32>
            %add3A_729 = arith.constant 16 : i32
            %add3A_730 = vector.broadcast %add3A_729 : i32 to vector<16xi32>
            %add3A_731 = arith.addi %min3A_70, %add3A_730 : vector<16xi32>
            %select_n3A_732 = arith.select %lt3A_728, %add3A_731, %min3A_70 : vector<16xi1>, vector<16xi32>
            %broadcast_in_dim3A_733 = vector.shape_cast %select_n3A_732 : vector<16xi32> to vector<16x1xi32>
            %gather3A_734 = vector.shape_cast %broadcast_in_dim3A_733 : vector<16x1xi32> to vector<16xi32>
            %gather3A_735 = tpu.dynamic_gather %get3A_722[%gather3A_734] in [0] : vector<16xf32>, vector<16xi32> -> vector<16xf32>
            %lt3A_736 = arith.constant 0 : i32
            %lt3A_737 = vector.broadcast %lt3A_736 : i32 to vector<16xi32>
            %lt3A_738 = arith.cmpi slt, %min3A_78, %lt3A_737 : vector<16xi32>
            %add3A_739 = arith.constant 16 : i32
            %add3A_740 = vector.broadcast %add3A_739 : i32 to vector<16xi32>
            %add3A_741 = arith.addi %min3A_78, %add3A_740 : vector<16xi32>
            %select_n3A_742 = arith.select %lt3A_738, %add3A_741, %min3A_78 : vector<16xi1>, vector<16xi32>
            %broadcast_in_dim3A_743 = vector.shape_cast %select_n3A_742 : vector<16xi32> to vector<16x1xi32>
            %gather3A_744 = vector.shape_cast %broadcast_in_dim3A_743 : vector<16x1xi32> to vector<16xi32>
            %gather3A_745 = tpu.dynamic_gather %get3A_725[%gather3A_744] in [0] : vector<16xf32>, vector<16xi32> -> vector<16xf32>
            %select_n3A_746 = arith.select %lt3A_79, %gather3A_735, %gather3A_745 : vector<16xi1>, vector<16xf32>
            %get3A_747 = arith.constant 2 : i32
            %get3A_748 = arith.index_cast %get3A_747 : i32 to index
            %get3A_749 = arith.index_cast %sub3A_96 : i32 to index
            %get3A_750 = arith.index_cast %multiple_of3A_558 : i32 to index
            %get3A_751 = tpu.vector_load %arg8[%get3A_748, %get3A_749, %get3A_750] {strides = array<i32>} : memref<3x16x512xf32, #tpu.memory_space<vmem>>, vector<1x1x16xf32>,
            %get3A_752 = vector.shape_cast %get3A_751 : vector<1x1x16xf32> to vector<16xf32>
            %mul3A_753 = arith.mulf %select_n3A_746, %select_n3A_596 : vector<16xf32>
            %mul3A_754 = arith.mulf %get3A_752, %mul3A_604 : vector<16xf32>
            %add3A_755 = arith.addf %mul3A_753, %mul3A_754 : vector<16xf32>
            %div3A_756 = arith.divf %add3A_755, %add3A_605 : vector<16xf32>
            %select_n3A_757 = arith.select %and3A_555, %div3A_756, %get3A_752 : vector<16xi1>, vector<16xf32>
            %swap3A_758 = arith.constant 2 : i32
            %swap3A_759 = arith.index_cast %swap3A_758 : i32 to index
            %swap3A_760 = arith.index_cast %sub3A_96 : i32 to index
            %swap3A_761 = arith.index_cast %multiple_of3A_558 : i32 to index
            %swap3A_762 = tpu.vector_load %arg8[%swap3A_759, %swap3A_760, %swap3A_761] {strides = array<i32>} : memref<3x16x512xf32, #tpu.memory_space<vmem>>, vector<1x1x16xf32>,
            %swap3A_763 = vector.shape_cast %swap3A_762 : vector<1x1x16xf32> to vector<16xf32>
            %swap3A_764 = vector.shape_cast %select_n3A_757 : vector<16xf32> to vector<1x1x16xf32>
            tpu.vector_store %arg8[%swap3A_759, %swap3A_760, %swap3A_761], %swap3A_764 {strides = array<i32>} : memref<3x16x512xf32, #tpu.memory_space<vmem>>, vector<1x1x16xf32>,
            %select_n3A_765 = arith.select %and3A_555, %add3A_605, %get3A_600 : vector<16xi1>, vector<16xf32>
            %swap3A_766 = arith.index_cast %sub3A_96 : i32 to index
            %swap3A_767 = arith.index_cast %multiple_of3A_558 : i32 to index
            %swap3A_768 = tpu.vector_load %arg9[%swap3A_766, %swap3A_767] {strides = array<i32>} : memref<16x512xf32, #tpu.memory_space<vmem>>, vector<1x16xf32>,
            %swap3A_769 = vector.shape_cast %swap3A_768 : vector<1x16xf32> to vector<16xf32>
            %swap3A_770 = vector.shape_cast %select_n3A_765 : vector<16xf32> to vector<1x16xf32>
            tpu.vector_store %arg9[%swap3A_766, %swap3A_767], %swap3A_770 {strides = array<i32>} : memref<16x512xf32, #tpu.memory_space<vmem>>, vector<1x16xf32>,
            %sub3A_771 = arith.constant 48 : i32
            %sub3A_772 = arith.subi %sub3A_771, %sub3A_60 : i32
            %add3A_773 = vector.broadcast %sub3A_772 : i32 to vector<16xi32>
            %add3A_774 = arith.addi %iota3A, %add3A_773 : vector<16xi32>
            %ge3A_775 = arith.constant 0 : i32
            %ge3A_776 = vector.broadcast %ge3A_775 : i32 to vector<16xi32>
            %ge3A_777 = arith.cmpi sge, %add3A_774, %ge3A_776 : vector<16xi32>
            %lt3A_778 = arith.constant 64 : i32
            %lt3A_779 = vector.broadcast %lt3A_778 : i32 to vector<16xi32>
            %lt3A_780 = arith.cmpi slt, %add3A_774, %lt3A_779 : vector<16xi32>
            %and3A_781 = arith.andi %ge3A_777, %lt3A_780 : vector<16xi1>
            %add3A_782 = arith.constant 48 : i32
            %add3A_783 = arith.addi %multiple_of3A, %add3A_782 : i32
            %multiple_of3A_784 = tpu.assume_multiple %add3A_783, 16 : i32
            %add3A_785 = arith.constant 12288 : i32
            %add3A_786 = arith.addi %mul3A_95, %add3A_785 : i32
            %add3A_787 = arith.constant 32 : i32
            %add3A_788 = arith.addi %add3A_786, %add3A_787 : i32
            %multiple_of3A_789 = tpu.assume_multiple %add3A_788, 16 : i32
            %add3A_790 = arith.constant 48 : i32
            %add3A_791 = arith.addi %add3A_786, %add3A_790 : i32
            %multiple_of3A_792 = tpu.assume_multiple %add3A_791, 16 : i32
            %get3A_793 = arith.index_cast %multiple_of3A_789 : i32 to index
            %get3A_794 = tpu.vector_load %arg10[%get3A_793] {strides = array<i32>} : memref<16384xf32, #tpu.memory_space<vmem>>, vector<16xf32>,
            %get3A_795 = vector.shape_cast %get3A_794 : vector<16xf32> to vector<16xf32>
            %get3A_796 = arith.index_cast %multiple_of3A_792 : i32 to index
            %get3A_797 = tpu.vector_load %arg10[%get3A_796] {strides = array<i32>} : memref<16384xf32, #tpu.memory_space<vmem>>, vector<16xf32>,
            %get3A_798 = vector.shape_cast %get3A_797 : vector<16xf32> to vector<16xf32>
            %lt3A_799 = arith.constant 0 : i32
            %lt3A_800 = vector.broadcast %lt3A_799 : i32 to vector<16xi32>
            %lt3A_801 = arith.cmpi slt, %min3A_70, %lt3A_800 : vector<16xi32>
            %add3A_802 = arith.constant 16 : i32
            %add3A_803 = vector.broadcast %add3A_802 : i32 to vector<16xi32>
            %add3A_804 = arith.addi %min3A_70, %add3A_803 : vector<16xi32>
            %select_n3A_805 = arith.select %lt3A_801, %add3A_804, %min3A_70 : vector<16xi1>, vector<16xi32>
            %broadcast_in_dim3A_806 = vector.shape_cast %select_n3A_805 : vector<16xi32> to vector<16x1xi32>
            %gather3A_807 = vector.shape_cast %broadcast_in_dim3A_806 : vector<16x1xi32> to vector<16xi32>
            %gather3A_808 = tpu.dynamic_gather %get3A_795[%gather3A_807] in [0] : vector<16xf32>, vector<16xi32> -> vector<16xf32>
            %lt3A_809 = arith.constant 0 : i32
            %lt3A_810 = vector.broadcast %lt3A_809 : i32 to vector<16xi32>
            %lt3A_811 = arith.cmpi slt, %min3A_78, %lt3A_810 : vector<16xi32>
            %add3A_812 = arith.constant 16 : i32
            %add3A_813 = vector.broadcast %add3A_812 : i32 to vector<16xi32>
            %add3A_814 = arith.addi %min3A_78, %add3A_813 : vector<16xi32>
            %select_n3A_815 = arith.select %lt3A_811, %add3A_814, %min3A_78 : vector<16xi1>, vector<16xi32>
            %broadcast_in_dim3A_816 = vector.shape_cast %select_n3A_815 : vector<16xi32> to vector<16x1xi32>
            %gather3A_817 = vector.shape_cast %broadcast_in_dim3A_816 : vector<16x1xi32> to vector<16xi32>
            %gather3A_818 = tpu.dynamic_gather %get3A_798[%gather3A_817] in [0] : vector<16xf32>, vector<16xi32> -> vector<16xf32>
            %select_n3A_819 = arith.select %lt3A_79, %gather3A_808, %gather3A_818 : vector<16xi1>, vector<16xf32>
            %jit3A_820 = arith.constant 0.000000e+00 : f32
            %broadcast_in_dim3A_821 = vector.broadcast %jit3A_820 : f32 to vector<16xf32>
            %select_n3A_822 = arith.select %and3A_781, %select_n3A_819, %broadcast_in_dim3A_821 : vector<16xi1>, vector<16xf32>
            %get3A_823 = arith.index_cast %sub3A_96 : i32 to index
            %get3A_824 = arith.index_cast %multiple_of3A_784 : i32 to index
            %get3A_825 = tpu.vector_load %arg9[%get3A_823, %get3A_824] {strides = array<i32>} : memref<16x512xf32, #tpu.memory_space<vmem>>, vector<1x16xf32>,
            %get3A_826 = vector.shape_cast %get3A_825 : vector<1x16xf32> to vector<16xf32>
            %sub3A_827 = arith.constant 1.000000e+00 : f32
            %sub3A_828 = vector.broadcast %sub3A_827 : f32 to vector<16xf32>
            %sub3A_829 = arith.subf %sub3A_828, %select_n3A_822 : vector<16xf32>
            %mul3A_830 = arith.mulf %get3A_826, %sub3A_829 : vector<16xf32>
            %add3A_831 = arith.addf %select_n3A_822, %mul3A_830 : vector<16xf32>
            %add3A_832 = arith.constant 0 : i32
            %add3A_833 = arith.addi %mul3A_95, %add3A_832 : i32
            %add3A_834 = arith.constant 32 : i32
            %add3A_835 = arith.addi %add3A_833, %add3A_834 : i32
            %multiple_of3A_836 = tpu.assume_multiple %add3A_835, 16 : i32
            %add3A_837 = arith.constant 48 : i32
            %add3A_838 = arith.addi %add3A_833, %add3A_837 : i32
            %multiple_of3A_839 = tpu.assume_multiple %add3A_838, 16 : i32
            %get3A_840 = arith.index_cast %multiple_of3A_836 : i32 to index
            %get3A_841 = tpu.vector_load %arg10[%get3A_840] {strides = array<i32>} : memref<16384xf32, #tpu.memory_space<vmem>>, vector<16xf32>,
            %get3A_842 = vector.shape_cast %get3A_841 : vector<16xf32> to vector<16xf32>
            %get3A_843 = arith.index_cast %multiple_of3A_839 : i32 to index
            %get3A_844 = tpu.vector_load %arg10[%get3A_843] {strides = array<i32>} : memref<16384xf32, #tpu.memory_space<vmem>>, vector<16xf32>,
            %get3A_845 = vector.shape_cast %get3A_844 : vector<16xf32> to vector<16xf32>
            %lt3A_846 = arith.constant 0 : i32
            %lt3A_847 = vector.broadcast %lt3A_846 : i32 to vector<16xi32>
            %lt3A_848 = arith.cmpi slt, %min3A_70, %lt3A_847 : vector<16xi32>
            %add3A_849 = arith.constant 16 : i32
            %add3A_850 = vector.broadcast %add3A_849 : i32 to vector<16xi32>
            %add3A_851 = arith.addi %min3A_70, %add3A_850 : vector<16xi32>
            %select_n3A_852 = arith.select %lt3A_848, %add3A_851, %min3A_70 : vector<16xi1>, vector<16xi32>
            %broadcast_in_dim3A_853 = vector.shape_cast %select_n3A_852 : vector<16xi32> to vector<16x1xi32>
            %gather3A_854 = vector.shape_cast %broadcast_in_dim3A_853 : vector<16x1xi32> to vector<16xi32>
            %gather3A_855 = tpu.dynamic_gather %get3A_842[%gather3A_854] in [0] : vector<16xf32>, vector<16xi32> -> vector<16xf32>
            %lt3A_856 = arith.constant 0 : i32
            %lt3A_857 = vector.broadcast %lt3A_856 : i32 to vector<16xi32>
            %lt3A_858 = arith.cmpi slt, %min3A_78, %lt3A_857 : vector<16xi32>
            %add3A_859 = arith.constant 16 : i32
            %add3A_860 = vector.broadcast %add3A_859 : i32 to vector<16xi32>
            %add3A_861 = arith.addi %min3A_78, %add3A_860 : vector<16xi32>
            %select_n3A_862 = arith.select %lt3A_858, %add3A_861, %min3A_78 : vector<16xi1>, vector<16xi32>
            %broadcast_in_dim3A_863 = vector.shape_cast %select_n3A_862 : vector<16xi32> to vector<16x1xi32>
            %gather3A_864 = vector.shape_cast %broadcast_in_dim3A_863 : vector<16x1xi32> to vector<16xi32>
            %gather3A_865 = tpu.dynamic_gather %get3A_845[%gather3A_864] in [0] : vector<16xf32>, vector<16xi32> -> vector<16xf32>
            %select_n3A_866 = arith.select %lt3A_79, %gather3A_855, %gather3A_865 : vector<16xi1>, vector<16xf32>
            %get3A_867 = arith.constant 0 : i32
            %get3A_868 = arith.index_cast %get3A_867 : i32 to index
            %get3A_869 = arith.index_cast %sub3A_96 : i32 to index
            %get3A_870 = arith.index_cast %multiple_of3A_784 : i32 to index
            %get3A_871 = tpu.vector_load %arg8[%get3A_868, %get3A_869, %get3A_870] {strides = array<i32>} : memref<3x16x512xf32, #tpu.memory_space<vmem>>, vector<1x1x16xf32>,
            %get3A_872 = vector.shape_cast %get3A_871 : vector<1x1x16xf32> to vector<16xf32>
            %mul3A_873 = arith.mulf %select_n3A_866, %select_n3A_822 : vector<16xf32>
            %mul3A_874 = arith.mulf %get3A_872, %mul3A_830 : vector<16xf32>
            %add3A_875 = arith.addf %mul3A_873, %mul3A_874 : vector<16xf32>
            %div3A_876 = arith.divf %add3A_875, %add3A_831 : vector<16xf32>
            %select_n3A_877 = arith.select %and3A_781, %div3A_876, %get3A_872 : vector<16xi1>, vector<16xf32>
            %swap3A_878 = arith.constant 0 : i32
            %swap3A_879 = arith.index_cast %swap3A_878 : i32 to index
            %swap3A_880 = arith.index_cast %sub3A_96 : i32 to index
            %swap3A_881 = arith.index_cast %multiple_of3A_784 : i32 to index
            %swap3A_882 = tpu.vector_load %arg8[%swap3A_879, %swap3A_880, %swap3A_881] {strides = array<i32>} : memref<3x16x512xf32, #tpu.memory_space<vmem>>, vector<1x1x16xf32>,
            %swap3A_883 = vector.shape_cast %swap3A_882 : vector<1x1x16xf32> to vector<16xf32>
            %swap3A_884 = vector.shape_cast %select_n3A_877 : vector<16xf32> to vector<1x1x16xf32>
            tpu.vector_store %arg8[%swap3A_879, %swap3A_880, %swap3A_881], %swap3A_884 {strides = array<i32>} : memref<3x16x512xf32, #tpu.memory_space<vmem>>, vector<1x1x16xf32>,
            %add3A_885 = arith.constant 4096 : i32
            %add3A_886 = arith.addi %mul3A_95, %add3A_885 : i32
            %add3A_887 = arith.constant 32 : i32
            %add3A_888 = arith.addi %add3A_886, %add3A_887 : i32
            %multiple_of3A_889 = tpu.assume_multiple %add3A_888, 16 : i32
            %add3A_890 = arith.constant 48 : i32
            %add3A_891 = arith.addi %add3A_886, %add3A_890 : i32
            %multiple_of3A_892 = tpu.assume_multiple %add3A_891, 16 : i32
            %get3A_893 = arith.index_cast %multiple_of3A_889 : i32 to index
            %get3A_894 = tpu.vector_load %arg10[%get3A_893] {strides = array<i32>} : memref<16384xf32, #tpu.memory_space<vmem>>, vector<16xf32>,
            %get3A_895 = vector.shape_cast %get3A_894 : vector<16xf32> to vector<16xf32>
            %get3A_896 = arith.index_cast %multiple_of3A_892 : i32 to index
            %get3A_897 = tpu.vector_load %arg10[%get3A_896] {strides = array<i32>} : memref<16384xf32, #tpu.memory_space<vmem>>, vector<16xf32>,
            %get3A_898 = vector.shape_cast %get3A_897 : vector<16xf32> to vector<16xf32>
            %lt3A_899 = arith.constant 0 : i32
            %lt3A_900 = vector.broadcast %lt3A_899 : i32 to vector<16xi32>
            %lt3A_901 = arith.cmpi slt, %min3A_70, %lt3A_900 : vector<16xi32>
            %add3A_902 = arith.constant 16 : i32
            %add3A_903 = vector.broadcast %add3A_902 : i32 to vector<16xi32>
            %add3A_904 = arith.addi %min3A_70, %add3A_903 : vector<16xi32>
            %select_n3A_905 = arith.select %lt3A_901, %add3A_904, %min3A_70 : vector<16xi1>, vector<16xi32>
            %broadcast_in_dim3A_906 = vector.shape_cast %select_n3A_905 : vector<16xi32> to vector<16x1xi32>
            %gather3A_907 = vector.shape_cast %broadcast_in_dim3A_906 : vector<16x1xi32> to vector<16xi32>
            %gather3A_908 = tpu.dynamic_gather %get3A_895[%gather3A_907] in [0] : vector<16xf32>, vector<16xi32> -> vector<16xf32>
            %lt3A_909 = arith.constant 0 : i32
            %lt3A_910 = vector.broadcast %lt3A_909 : i32 to vector<16xi32>
            %lt3A_911 = arith.cmpi slt, %min3A_78, %lt3A_910 : vector<16xi32>
            %add3A_912 = arith.constant 16 : i32
            %add3A_913 = vector.broadcast %add3A_912 : i32 to vector<16xi32>
            %add3A_914 = arith.addi %min3A_78, %add3A_913 : vector<16xi32>
            %select_n3A_915 = arith.select %lt3A_911, %add3A_914, %min3A_78 : vector<16xi1>, vector<16xi32>
            %broadcast_in_dim3A_916 = vector.shape_cast %select_n3A_915 : vector<16xi32> to vector<16x1xi32>
            %gather3A_917 = vector.shape_cast %broadcast_in_dim3A_916 : vector<16x1xi32> to vector<16xi32>
            %gather3A_918 = tpu.dynamic_gather %get3A_898[%gather3A_917] in [0] : vector<16xf32>, vector<16xi32> -> vector<16xf32>
            %select_n3A_919 = arith.select %lt3A_79, %gather3A_908, %gather3A_918 : vector<16xi1>, vector<16xf32>
            %get3A_920 = arith.constant 1 : i32
            %get3A_921 = arith.index_cast %get3A_920 : i32 to index
            %get3A_922 = arith.index_cast %sub3A_96 : i32 to index
            %get3A_923 = arith.index_cast %multiple_of3A_784 : i32 to index
            %get3A_924 = tpu.vector_load %arg8[%get3A_921, %get3A_922, %get3A_923] {strides = array<i32>} : memref<3x16x512xf32, #tpu.memory_space<vmem>>, vector<1x1x16xf32>,
            %get3A_925 = vector.shape_cast %get3A_924 : vector<1x1x16xf32> to vector<16xf32>
            %mul3A_926 = arith.mulf %select_n3A_919, %select_n3A_822 : vector<16xf32>
            %mul3A_927 = arith.mulf %get3A_925, %mul3A_830 : vector<16xf32>
            %add3A_928 = arith.addf %mul3A_926, %mul3A_927 : vector<16xf32>
            %div3A_929 = arith.divf %add3A_928, %add3A_831 : vector<16xf32>
            %select_n3A_930 = arith.select %and3A_781, %div3A_929, %get3A_925 : vector<16xi1>, vector<16xf32>
            %swap3A_931 = arith.constant 1 : i32
            %swap3A_932 = arith.index_cast %swap3A_931 : i32 to index
            %swap3A_933 = arith.index_cast %sub3A_96 : i32 to index
            %swap3A_934 = arith.index_cast %multiple_of3A_784 : i32 to index
            %swap3A_935 = tpu.vector_load %arg8[%swap3A_932, %swap3A_933, %swap3A_934] {strides = array<i32>} : memref<3x16x512xf32, #tpu.memory_space<vmem>>, vector<1x1x16xf32>,
            %swap3A_936 = vector.shape_cast %swap3A_935 : vector<1x1x16xf32> to vector<16xf32>
            %swap3A_937 = vector.shape_cast %select_n3A_930 : vector<16xf32> to vector<1x1x16xf32>
            tpu.vector_store %arg8[%swap3A_932, %swap3A_933, %swap3A_934], %swap3A_937 {strides = array<i32>} : memref<3x16x512xf32, #tpu.memory_space<vmem>>, vector<1x1x16xf32>,
            %add3A_938 = arith.constant 8192 : i32
            %add3A_939 = arith.addi %mul3A_95, %add3A_938 : i32
            %add3A_940 = arith.constant 32 : i32
            %add3A_941 = arith.addi %add3A_939, %add3A_940 : i32
            %multiple_of3A_942 = tpu.assume_multiple %add3A_941, 16 : i32
            %add3A_943 = arith.constant 48 : i32
            %add3A_944 = arith.addi %add3A_939, %add3A_943 : i32
            %multiple_of3A_945 = tpu.assume_multiple %add3A_944, 16 : i32
            %get3A_946 = arith.index_cast %multiple_of3A_942 : i32 to index
            %get3A_947 = tpu.vector_load %arg10[%get3A_946] {strides = array<i32>} : memref<16384xf32, #tpu.memory_space<vmem>>, vector<16xf32>,
            %get3A_948 = vector.shape_cast %get3A_947 : vector<16xf32> to vector<16xf32>
            %get3A_949 = arith.index_cast %multiple_of3A_945 : i32 to index
            %get3A_950 = tpu.vector_load %arg10[%get3A_949] {strides = array<i32>} : memref<16384xf32, #tpu.memory_space<vmem>>, vector<16xf32>,
            %get3A_951 = vector.shape_cast %get3A_950 : vector<16xf32> to vector<16xf32>
            %lt3A_952 = arith.constant 0 : i32
            %lt3A_953 = vector.broadcast %lt3A_952 : i32 to vector<16xi32>
            %lt3A_954 = arith.cmpi slt, %min3A_70, %lt3A_953 : vector<16xi32>
            %add3A_955 = arith.constant 16 : i32
            %add3A_956 = vector.broadcast %add3A_955 : i32 to vector<16xi32>
            %add3A_957 = arith.addi %min3A_70, %add3A_956 : vector<16xi32>
            %select_n3A_958 = arith.select %lt3A_954, %add3A_957, %min3A_70 : vector<16xi1>, vector<16xi32>
            %broadcast_in_dim3A_959 = vector.shape_cast %select_n3A_958 : vector<16xi32> to vector<16x1xi32>
            %gather3A_960 = vector.shape_cast %broadcast_in_dim3A_959 : vector<16x1xi32> to vector<16xi32>
            %gather3A_961 = tpu.dynamic_gather %get3A_948[%gather3A_960] in [0] : vector<16xf32>, vector<16xi32> -> vector<16xf32>
            %lt3A_962 = arith.constant 0 : i32
            %lt3A_963 = vector.broadcast %lt3A_962 : i32 to vector<16xi32>
            %lt3A_964 = arith.cmpi slt, %min3A_78, %lt3A_963 : vector<16xi32>
            %add3A_965 = arith.constant 16 : i32
            %add3A_966 = vector.broadcast %add3A_965 : i32 to vector<16xi32>
            %add3A_967 = arith.addi %min3A_78, %add3A_966 : vector<16xi32>
            %select_n3A_968 = arith.select %lt3A_964, %add3A_967, %min3A_78 : vector<16xi1>, vector<16xi32>
            %broadcast_in_dim3A_969 = vector.shape_cast %select_n3A_968 : vector<16xi32> to vector<16x1xi32>
            %gather3A_970 = vector.shape_cast %broadcast_in_dim3A_969 : vector<16x1xi32> to vector<16xi32>
            %gather3A_971 = tpu.dynamic_gather %get3A_951[%gather3A_970] in [0] : vector<16xf32>, vector<16xi32> -> vector<16xf32>
            %select_n3A_972 = arith.select %lt3A_79, %gather3A_961, %gather3A_971 : vector<16xi1>, vector<16xf32>
            %get3A_973 = arith.constant 2 : i32
            %get3A_974 = arith.index_cast %get3A_973 : i32 to index
            %get3A_975 = arith.index_cast %sub3A_96 : i32 to index
            %get3A_976 = arith.index_cast %multiple_of3A_784 : i32 to index
            %get3A_977 = tpu.vector_load %arg8[%get3A_974, %get3A_975, %get3A_976] {strides = array<i32>} : memref<3x16x512xf32, #tpu.memory_space<vmem>>, vector<1x1x16xf32>,
            %get3A_978 = vector.shape_cast %get3A_977 : vector<1x1x16xf32> to vector<16xf32>
            %mul3A_979 = arith.mulf %select_n3A_972, %select_n3A_822 : vector<16xf32>
            %mul3A_980 = arith.mulf %get3A_978, %mul3A_830 : vector<16xf32>
            %add3A_981 = arith.addf %mul3A_979, %mul3A_980 : vector<16xf32>
            %div3A_982 = arith.divf %add3A_981, %add3A_831 : vector<16xf32>
            %select_n3A_983 = arith.select %and3A_781, %div3A_982, %get3A_978 : vector<16xi1>, vector<16xf32>
            %swap3A_984 = arith.constant 2 : i32
            %swap3A_985 = arith.index_cast %swap3A_984 : i32 to index
            %swap3A_986 = arith.index_cast %sub3A_96 : i32 to index
            %swap3A_987 = arith.index_cast %multiple_of3A_784 : i32 to index
            %swap3A_988 = tpu.vector_load %arg8[%swap3A_985, %swap3A_986, %swap3A_987] {strides = array<i32>} : memref<3x16x512xf32, #tpu.memory_space<vmem>>, vector<1x1x16xf32>,
            %swap3A_989 = vector.shape_cast %swap3A_988 : vector<1x1x16xf32> to vector<16xf32>
            %swap3A_990 = vector.shape_cast %select_n3A_983 : vector<16xf32> to vector<1x1x16xf32>
            tpu.vector_store %arg8[%swap3A_985, %swap3A_986, %swap3A_987], %swap3A_990 {strides = array<i32>} : memref<3x16x512xf32, #tpu.memory_space<vmem>>, vector<1x1x16xf32>,
            %select_n3A_991 = arith.select %and3A_781, %add3A_831, %get3A_826 : vector<16xi1>, vector<16xf32>
            %swap3A_992 = arith.index_cast %sub3A_96 : i32 to index
            %swap3A_993 = arith.index_cast %multiple_of3A_784 : i32 to index
            %swap3A_994 = tpu.vector_load %arg9[%swap3A_992, %swap3A_993] {strides = array<i32>} : memref<16x512xf32, #tpu.memory_space<vmem>>, vector<1x16xf32>,
            %swap3A_995 = vector.shape_cast %swap3A_994 : vector<1x16xf32> to vector<16xf32>
            %swap3A_996 = vector.shape_cast %select_n3A_991 : vector<16xf32> to vector<1x16xf32>
            tpu.vector_store %arg9[%swap3A_992, %swap3A_993], %swap3A_996 {strides = array<i32>} : memref<16x512xf32, #tpu.memory_space<vmem>>, vector<1x16xf32>,
            %sub3A_997 = arith.constant 64 : i32
            %sub3A_998 = arith.subi %sub3A_997, %sub3A_60 : i32
            %add3A_999 = vector.broadcast %sub3A_998 : i32 to vector<16xi32>
            %add3A_1000 = arith.addi %iota3A, %add3A_999 : vector<16xi32>
            %ge3A_1001 = arith.constant 0 : i32
            %ge3A_1002 = vector.broadcast %ge3A_1001 : i32 to vector<16xi32>
            %ge3A_1003 = arith.cmpi sge, %add3A_1000, %ge3A_1002 : vector<16xi32>
            %lt3A_1004 = arith.constant 64 : i32
            %lt3A_1005 = vector.broadcast %lt3A_1004 : i32 to vector<16xi32>
            %lt3A_1006 = arith.cmpi slt, %add3A_1000, %lt3A_1005 : vector<16xi32>
            %and3A_1007 = arith.andi %ge3A_1003, %lt3A_1006 : vector<16xi1>
            %add3A_1008 = arith.constant 64 : i32
            %add3A_1009 = arith.addi %multiple_of3A, %add3A_1008 : i32
            %multiple_of3A_1010 = tpu.assume_multiple %add3A_1009, 16 : i32
            %add3A_1011 = arith.constant 12288 : i32
            %add3A_1012 = arith.addi %mul3A_95, %add3A_1011 : i32
            %add3A_1013 = arith.constant 48 : i32
            %add3A_1014 = arith.addi %add3A_1012, %add3A_1013 : i32
            %multiple_of3A_1015 = tpu.assume_multiple %add3A_1014, 16 : i32
            %add3A_1016 = arith.constant 48 : i32
            %add3A_1017 = arith.addi %add3A_1012, %add3A_1016 : i32
            %multiple_of3A_1018 = tpu.assume_multiple %add3A_1017, 16 : i32
            %get3A_1019 = arith.index_cast %multiple_of3A_1015 : i32 to index
            %get3A_1020 = tpu.vector_load %arg10[%get3A_1019] {strides = array<i32>} : memref<16384xf32, #tpu.memory_space<vmem>>, vector<16xf32>,
            %get3A_1021 = vector.shape_cast %get3A_1020 : vector<16xf32> to vector<16xf32>
            %get3A_1022 = arith.index_cast %multiple_of3A_1018 : i32 to index
            %get3A_1023 = tpu.vector_load %arg10[%get3A_1022] {strides = array<i32>} : memref<16384xf32, #tpu.memory_space<vmem>>, vector<16xf32>,
            %get3A_1024 = vector.shape_cast %get3A_1023 : vector<16xf32> to vector<16xf32>
            %lt3A_1025 = arith.constant 0 : i32
            %lt3A_1026 = vector.broadcast %lt3A_1025 : i32 to vector<16xi32>
            %lt3A_1027 = arith.cmpi slt, %min3A_70, %lt3A_1026 : vector<16xi32>
            %add3A_1028 = arith.constant 16 : i32
            %add3A_1029 = vector.broadcast %add3A_1028 : i32 to vector<16xi32>
            %add3A_1030 = arith.addi %min3A_70, %add3A_1029 : vector<16xi32>
            %select_n3A_1031 = arith.select %lt3A_1027, %add3A_1030, %min3A_70 : vector<16xi1>, vector<16xi32>
            %broadcast_in_dim3A_1032 = vector.shape_cast %select_n3A_1031 : vector<16xi32> to vector<16x1xi32>
            %gather3A_1033 = vector.shape_cast %broadcast_in_dim3A_1032 : vector<16x1xi32> to vector<16xi32>
            %gather3A_1034 = tpu.dynamic_gather %get3A_1021[%gather3A_1033] in [0] : vector<16xf32>, vector<16xi32> -> vector<16xf32>
            %lt3A_1035 = arith.constant 0 : i32
            %lt3A_1036 = vector.broadcast %lt3A_1035 : i32 to vector<16xi32>
            %lt3A_1037 = arith.cmpi slt, %min3A_78, %lt3A_1036 : vector<16xi32>
            %add3A_1038 = arith.constant 16 : i32
            %add3A_1039 = vector.broadcast %add3A_1038 : i32 to vector<16xi32>
            %add3A_1040 = arith.addi %min3A_78, %add3A_1039 : vector<16xi32>
            %select_n3A_1041 = arith.select %lt3A_1037, %add3A_1040, %min3A_78 : vector<16xi1>, vector<16xi32>
            %broadcast_in_dim3A_1042 = vector.shape_cast %select_n3A_1041 : vector<16xi32> to vector<16x1xi32>
            %gather3A_1043 = vector.shape_cast %broadcast_in_dim3A_1042 : vector<16x1xi32> to vector<16xi32>
            %gather3A_1044 = tpu.dynamic_gather %get3A_1024[%gather3A_1043] in [0] : vector<16xf32>, vector<16xi32> -> vector<16xf32>
            %select_n3A_1045 = arith.select %lt3A_79, %gather3A_1034, %gather3A_1044 : vector<16xi1>, vector<16xf32>
            %jit3A_1046 = arith.constant 0.000000e+00 : f32
            %broadcast_in_dim3A_1047 = vector.broadcast %jit3A_1046 : f32 to vector<16xf32>
            %select_n3A_1048 = arith.select %and3A_1007, %select_n3A_1045, %broadcast_in_dim3A_1047 : vector<16xi1>, vector<16xf32>
            %get3A_1049 = arith.index_cast %sub3A_96 : i32 to index
            %get3A_1050 = arith.index_cast %multiple_of3A_1010 : i32 to index
            %get3A_1051 = tpu.vector_load %arg9[%get3A_1049, %get3A_1050] {strides = array<i32>} : memref<16x512xf32, #tpu.memory_space<vmem>>, vector<1x16xf32>,
            %get3A_1052 = vector.shape_cast %get3A_1051 : vector<1x16xf32> to vector<16xf32>
            %sub3A_1053 = arith.constant 1.000000e+00 : f32
            %sub3A_1054 = vector.broadcast %sub3A_1053 : f32 to vector<16xf32>
            %sub3A_1055 = arith.subf %sub3A_1054, %select_n3A_1048 : vector<16xf32>
            %mul3A_1056 = arith.mulf %get3A_1052, %sub3A_1055 : vector<16xf32>
            %add3A_1057 = arith.addf %select_n3A_1048, %mul3A_1056 : vector<16xf32>
            %add3A_1058 = arith.constant 0 : i32
            %add3A_1059 = arith.addi %mul3A_95, %add3A_1058 : i32
            %add3A_1060 = arith.constant 48 : i32
            %add3A_1061 = arith.addi %add3A_1059, %add3A_1060 : i32
            %multiple_of3A_1062 = tpu.assume_multiple %add3A_1061, 16 : i32
            %add3A_1063 = arith.constant 48 : i32
            %add3A_1064 = arith.addi %add3A_1059, %add3A_1063 : i32
            %multiple_of3A_1065 = tpu.assume_multiple %add3A_1064, 16 : i32
            %get3A_1066 = arith.index_cast %multiple_of3A_1062 : i32 to index
            %get3A_1067 = tpu.vector_load %arg10[%get3A_1066] {strides = array<i32>} : memref<16384xf32, #tpu.memory_space<vmem>>, vector<16xf32>,
            %get3A_1068 = vector.shape_cast %get3A_1067 : vector<16xf32> to vector<16xf32>
            %get3A_1069 = arith.index_cast %multiple_of3A_1065 : i32 to index
            %get3A_1070 = tpu.vector_load %arg10[%get3A_1069] {strides = array<i32>} : memref<16384xf32, #tpu.memory_space<vmem>>, vector<16xf32>,
            %get3A_1071 = vector.shape_cast %get3A_1070 : vector<16xf32> to vector<16xf32>
            %lt3A_1072 = arith.constant 0 : i32
            %lt3A_1073 = vector.broadcast %lt3A_1072 : i32 to vector<16xi32>
            %lt3A_1074 = arith.cmpi slt, %min3A_70, %lt3A_1073 : vector<16xi32>
            %add3A_1075 = arith.constant 16 : i32
            %add3A_1076 = vector.broadcast %add3A_1075 : i32 to vector<16xi32>
            %add3A_1077 = arith.addi %min3A_70, %add3A_1076 : vector<16xi32>
            %select_n3A_1078 = arith.select %lt3A_1074, %add3A_1077, %min3A_70 : vector<16xi1>, vector<16xi32>
            %broadcast_in_dim3A_1079 = vector.shape_cast %select_n3A_1078 : vector<16xi32> to vector<16x1xi32>
            %gather3A_1080 = vector.shape_cast %broadcast_in_dim3A_1079 : vector<16x1xi32> to vector<16xi32>
            %gather3A_1081 = tpu.dynamic_gather %get3A_1068[%gather3A_1080] in [0] : vector<16xf32>, vector<16xi32> -> vector<16xf32>
            %lt3A_1082 = arith.constant 0 : i32
            %lt3A_1083 = vector.broadcast %lt3A_1082 : i32 to vector<16xi32>
            %lt3A_1084 = arith.cmpi slt, %min3A_78, %lt3A_1083 : vector<16xi32>
            %add3A_1085 = arith.constant 16 : i32
            %add3A_1086 = vector.broadcast %add3A_1085 : i32 to vector<16xi32>
            %add3A_1087 = arith.addi %min3A_78, %add3A_1086 : vector<16xi32>
            %select_n3A_1088 = arith.select %lt3A_1084, %add3A_1087, %min3A_78 : vector<16xi1>, vector<16xi32>
            %broadcast_in_dim3A_1089 = vector.shape_cast %select_n3A_1088 : vector<16xi32> to vector<16x1xi32>
            %gather3A_1090 = vector.shape_cast %broadcast_in_dim3A_1089 : vector<16x1xi32> to vector<16xi32>
            %gather3A_1091 = tpu.dynamic_gather %get3A_1071[%gather3A_1090] in [0] : vector<16xf32>, vector<16xi32> -> vector<16xf32>
            %select_n3A_1092 = arith.select %lt3A_79, %gather3A_1081, %gather3A_1091 : vector<16xi1>, vector<16xf32>
            %get3A_1093 = arith.constant 0 : i32
            %get3A_1094 = arith.index_cast %get3A_1093 : i32 to index
            %get3A_1095 = arith.index_cast %sub3A_96 : i32 to index
            %get3A_1096 = arith.index_cast %multiple_of3A_1010 : i32 to index
            %get3A_1097 = tpu.vector_load %arg8[%get3A_1094, %get3A_1095, %get3A_1096] {strides = array<i32>} : memref<3x16x512xf32, #tpu.memory_space<vmem>>, vector<1x1x16xf32>,
            %get3A_1098 = vector.shape_cast %get3A_1097 : vector<1x1x16xf32> to vector<16xf32>
            %mul3A_1099 = arith.mulf %select_n3A_1092, %select_n3A_1048 : vector<16xf32>
            %mul3A_1100 = arith.mulf %get3A_1098, %mul3A_1056 : vector<16xf32>
            %add3A_1101 = arith.addf %mul3A_1099, %mul3A_1100 : vector<16xf32>
            %div3A_1102 = arith.divf %add3A_1101, %add3A_1057 : vector<16xf32>
            %select_n3A_1103 = arith.select %and3A_1007, %div3A_1102, %get3A_1098 : vector<16xi1>, vector<16xf32>
            %swap3A_1104 = arith.constant 0 : i32
            %swap3A_1105 = arith.index_cast %swap3A_1104 : i32 to index
            %swap3A_1106 = arith.index_cast %sub3A_96 : i32 to index
            %swap3A_1107 = arith.index_cast %multiple_of3A_1010 : i32 to index
            %swap3A_1108 = tpu.vector_load %arg8[%swap3A_1105, %swap3A_1106, %swap3A_1107] {strides = array<i32>} : memref<3x16x512xf32, #tpu.memory_space<vmem>>, vector<1x1x16xf32>,
            %swap3A_1109 = vector.shape_cast %swap3A_1108 : vector<1x1x16xf32> to vector<16xf32>
            %swap3A_1110 = vector.shape_cast %select_n3A_1103 : vector<16xf32> to vector<1x1x16xf32>
            tpu.vector_store %arg8[%swap3A_1105, %swap3A_1106, %swap3A_1107], %swap3A_1110 {strides = array<i32>} : memref<3x16x512xf32, #tpu.memory_space<vmem>>, vector<1x1x16xf32>,
            %add3A_1111 = arith.constant 4096 : i32
            %add3A_1112 = arith.addi %mul3A_95, %add3A_1111 : i32
            %add3A_1113 = arith.constant 48 : i32
            %add3A_1114 = arith.addi %add3A_1112, %add3A_1113 : i32
            %multiple_of3A_1115 = tpu.assume_multiple %add3A_1114, 16 : i32
            %add3A_1116 = arith.constant 48 : i32
            %add3A_1117 = arith.addi %add3A_1112, %add3A_1116 : i32
            %multiple_of3A_1118 = tpu.assume_multiple %add3A_1117, 16 : i32
            %get3A_1119 = arith.index_cast %multiple_of3A_1115 : i32 to index
            %get3A_1120 = tpu.vector_load %arg10[%get3A_1119] {strides = array<i32>} : memref<16384xf32, #tpu.memory_space<vmem>>, vector<16xf32>,
            %get3A_1121 = vector.shape_cast %get3A_1120 : vector<16xf32> to vector<16xf32>
            %get3A_1122 = arith.index_cast %multiple_of3A_1118 : i32 to index
            %get3A_1123 = tpu.vector_load %arg10[%get3A_1122] {strides = array<i32>} : memref<16384xf32, #tpu.memory_space<vmem>>, vector<16xf32>,
            %get3A_1124 = vector.shape_cast %get3A_1123 : vector<16xf32> to vector<16xf32>
            %lt3A_1125 = arith.constant 0 : i32
            %lt3A_1126 = vector.broadcast %lt3A_1125 : i32 to vector<16xi32>
            %lt3A_1127 = arith.cmpi slt, %min3A_70, %lt3A_1126 : vector<16xi32>
            %add3A_1128 = arith.constant 16 : i32
            %add3A_1129 = vector.broadcast %add3A_1128 : i32 to vector<16xi32>
            %add3A_1130 = arith.addi %min3A_70, %add3A_1129 : vector<16xi32>
            %select_n3A_1131 = arith.select %lt3A_1127, %add3A_1130, %min3A_70 : vector<16xi1>, vector<16xi32>
            %broadcast_in_dim3A_1132 = vector.shape_cast %select_n3A_1131 : vector<16xi32> to vector<16x1xi32>
            %gather3A_1133 = vector.shape_cast %broadcast_in_dim3A_1132 : vector<16x1xi32> to vector<16xi32>
            %gather3A_1134 = tpu.dynamic_gather %get3A_1121[%gather3A_1133] in [0] : vector<16xf32>, vector<16xi32> -> vector<16xf32>
            %lt3A_1135 = arith.constant 0 : i32
            %lt3A_1136 = vector.broadcast %lt3A_1135 : i32 to vector<16xi32>
            %lt3A_1137 = arith.cmpi slt, %min3A_78, %lt3A_1136 : vector<16xi32>
            %add3A_1138 = arith.constant 16 : i32
            %add3A_1139 = vector.broadcast %add3A_1138 : i32 to vector<16xi32>
            %add3A_1140 = arith.addi %min3A_78, %add3A_1139 : vector<16xi32>
            %select_n3A_1141 = arith.select %lt3A_1137, %add3A_1140, %min3A_78 : vector<16xi1>, vector<16xi32>
            %broadcast_in_dim3A_1142 = vector.shape_cast %select_n3A_1141 : vector<16xi32> to vector<16x1xi32>
            %gather3A_1143 = vector.shape_cast %broadcast_in_dim3A_1142 : vector<16x1xi32> to vector<16xi32>
            %gather3A_1144 = tpu.dynamic_gather %get3A_1124[%gather3A_1143] in [0] : vector<16xf32>, vector<16xi32> -> vector<16xf32>
            %select_n3A_1145 = arith.select %lt3A_79, %gather3A_1134, %gather3A_1144 : vector<16xi1>, vector<16xf32>
            %get3A_1146 = arith.constant 1 : i32
            %get3A_1147 = arith.index_cast %get3A_1146 : i32 to index
            %get3A_1148 = arith.index_cast %sub3A_96 : i32 to index
            %get3A_1149 = arith.index_cast %multiple_of3A_1010 : i32 to index
            %get3A_1150 = tpu.vector_load %arg8[%get3A_1147, %get3A_1148, %get3A_1149] {strides = array<i32>} : memref<3x16x512xf32, #tpu.memory_space<vmem>>, vector<1x1x16xf32>,
            %get3A_1151 = vector.shape_cast %get3A_1150 : vector<1x1x16xf32> to vector<16xf32>
            %mul3A_1152 = arith.mulf %select_n3A_1145, %select_n3A_1048 : vector<16xf32>
            %mul3A_1153 = arith.mulf %get3A_1151, %mul3A_1056 : vector<16xf32>
            %add3A_1154 = arith.addf %mul3A_1152, %mul3A_1153 : vector<16xf32>
            %div3A_1155 = arith.divf %add3A_1154, %add3A_1057 : vector<16xf32>
            %select_n3A_1156 = arith.select %and3A_1007, %div3A_1155, %get3A_1151 : vector<16xi1>, vector<16xf32>
            %swap3A_1157 = arith.constant 1 : i32
            %swap3A_1158 = arith.index_cast %swap3A_1157 : i32 to index
            %swap3A_1159 = arith.index_cast %sub3A_96 : i32 to index
            %swap3A_1160 = arith.index_cast %multiple_of3A_1010 : i32 to index
            %swap3A_1161 = tpu.vector_load %arg8[%swap3A_1158, %swap3A_1159, %swap3A_1160] {strides = array<i32>} : memref<3x16x512xf32, #tpu.memory_space<vmem>>, vector<1x1x16xf32>,
            %swap3A_1162 = vector.shape_cast %swap3A_1161 : vector<1x1x16xf32> to vector<16xf32>
            %swap3A_1163 = vector.shape_cast %select_n3A_1156 : vector<16xf32> to vector<1x1x16xf32>
            tpu.vector_store %arg8[%swap3A_1158, %swap3A_1159, %swap3A_1160], %swap3A_1163 {strides = array<i32>} : memref<3x16x512xf32, #tpu.memory_space<vmem>>, vector<1x1x16xf32>,
            %add3A_1164 = arith.constant 8192 : i32
            %add3A_1165 = arith.addi %mul3A_95, %add3A_1164 : i32
            %add3A_1166 = arith.constant 48 : i32
            %add3A_1167 = arith.addi %add3A_1165, %add3A_1166 : i32
            %multiple_of3A_1168 = tpu.assume_multiple %add3A_1167, 16 : i32
            %add3A_1169 = arith.constant 48 : i32
            %add3A_1170 = arith.addi %add3A_1165, %add3A_1169 : i32
            %multiple_of3A_1171 = tpu.assume_multiple %add3A_1170, 16 : i32
            %get3A_1172 = arith.index_cast %multiple_of3A_1168 : i32 to index
            %get3A_1173 = tpu.vector_load %arg10[%get3A_1172] {strides = array<i32>} : memref<16384xf32, #tpu.memory_space<vmem>>, vector<16xf32>,
            %get3A_1174 = vector.shape_cast %get3A_1173 : vector<16xf32> to vector<16xf32>
            %get3A_1175 = arith.index_cast %multiple_of3A_1171 : i32 to index
            %get3A_1176 = tpu.vector_load %arg10[%get3A_1175] {strides = array<i32>} : memref<16384xf32, #tpu.memory_space<vmem>>, vector<16xf32>,
            %get3A_1177 = vector.shape_cast %get3A_1176 : vector<16xf32> to vector<16xf32>
            %lt3A_1178 = arith.constant 0 : i32
            %lt3A_1179 = vector.broadcast %lt3A_1178 : i32 to vector<16xi32>
            %lt3A_1180 = arith.cmpi slt, %min3A_70, %lt3A_1179 : vector<16xi32>
            %add3A_1181 = arith.constant 16 : i32
            %add3A_1182 = vector.broadcast %add3A_1181 : i32 to vector<16xi32>
            %add3A_1183 = arith.addi %min3A_70, %add3A_1182 : vector<16xi32>
            %select_n3A_1184 = arith.select %lt3A_1180, %add3A_1183, %min3A_70 : vector<16xi1>, vector<16xi32>
            %broadcast_in_dim3A_1185 = vector.shape_cast %select_n3A_1184 : vector<16xi32> to vector<16x1xi32>
            %gather3A_1186 = vector.shape_cast %broadcast_in_dim3A_1185 : vector<16x1xi32> to vector<16xi32>
            %gather3A_1187 = tpu.dynamic_gather %get3A_1174[%gather3A_1186] in [0] : vector<16xf32>, vector<16xi32> -> vector<16xf32>
            %lt3A_1188 = arith.constant 0 : i32
            %lt3A_1189 = vector.broadcast %lt3A_1188 : i32 to vector<16xi32>
            %lt3A_1190 = arith.cmpi slt, %min3A_78, %lt3A_1189 : vector<16xi32>
            %add3A_1191 = arith.constant 16 : i32
            %add3A_1192 = vector.broadcast %add3A_1191 : i32 to vector<16xi32>
            %add3A_1193 = arith.addi %min3A_78, %add3A_1192 : vector<16xi32>
            %select_n3A_1194 = arith.select %lt3A_1190, %add3A_1193, %min3A_78 : vector<16xi1>, vector<16xi32>
            %broadcast_in_dim3A_1195 = vector.shape_cast %select_n3A_1194 : vector<16xi32> to vector<16x1xi32>
            %gather3A_1196 = vector.shape_cast %broadcast_in_dim3A_1195 : vector<16x1xi32> to vector<16xi32>
            %gather3A_1197 = tpu.dynamic_gather %get3A_1177[%gather3A_1196] in [0] : vector<16xf32>, vector<16xi32> -> vector<16xf32>
            %select_n3A_1198 = arith.select %lt3A_79, %gather3A_1187, %gather3A_1197 : vector<16xi1>, vector<16xf32>
            %get3A_1199 = arith.constant 2 : i32
            %get3A_1200 = arith.index_cast %get3A_1199 : i32 to index
            %get3A_1201 = arith.index_cast %sub3A_96 : i32 to index
            %get3A_1202 = arith.index_cast %multiple_of3A_1010 : i32 to index
            %get3A_1203 = tpu.vector_load %arg8[%get3A_1200, %get3A_1201, %get3A_1202] {strides = array<i32>} : memref<3x16x512xf32, #tpu.memory_space<vmem>>, vector<1x1x16xf32>,
            %get3A_1204 = vector.shape_cast %get3A_1203 : vector<1x1x16xf32> to vector<16xf32>
            %mul3A_1205 = arith.mulf %select_n3A_1198, %select_n3A_1048 : vector<16xf32>
            %mul3A_1206 = arith.mulf %get3A_1204, %mul3A_1056 : vector<16xf32>
            %add3A_1207 = arith.addf %mul3A_1205, %mul3A_1206 : vector<16xf32>
            %div3A_1208 = arith.divf %add3A_1207, %add3A_1057 : vector<16xf32>
            %select_n3A_1209 = arith.select %and3A_1007, %div3A_1208, %get3A_1204 : vector<16xi1>, vector<16xf32>
            %swap3A_1210 = arith.constant 2 : i32
            %swap3A_1211 = arith.index_cast %swap3A_1210 : i32 to index
            %swap3A_1212 = arith.index_cast %sub3A_96 : i32 to index
            %swap3A_1213 = arith.index_cast %multiple_of3A_1010 : i32 to index
            %swap3A_1214 = tpu.vector_load %arg8[%swap3A_1211, %swap3A_1212, %swap3A_1213] {strides = array<i32>} : memref<3x16x512xf32, #tpu.memory_space<vmem>>, vector<1x1x16xf32>,
            %swap3A_1215 = vector.shape_cast %swap3A_1214 : vector<1x1x16xf32> to vector<16xf32>
            %swap3A_1216 = vector.shape_cast %select_n3A_1209 : vector<16xf32> to vector<1x1x16xf32>
            tpu.vector_store %arg8[%swap3A_1211, %swap3A_1212, %swap3A_1213], %swap3A_1216 {strides = array<i32>} : memref<3x16x512xf32, #tpu.memory_space<vmem>>, vector<1x1x16xf32>,
            %select_n3A_1217 = arith.select %and3A_1007, %add3A_1057, %get3A_1052 : vector<16xi1>, vector<16xf32>
            %swap3A_1218 = arith.index_cast %sub3A_96 : i32 to index
            %swap3A_1219 = arith.index_cast %multiple_of3A_1010 : i32 to index
            %swap3A_1220 = tpu.vector_load %arg9[%swap3A_1218, %swap3A_1219] {strides = array<i32>} : memref<16x512xf32, #tpu.memory_space<vmem>>, vector<1x16xf32>,
            %swap3A_1221 = vector.shape_cast %swap3A_1220 : vector<1x16xf32> to vector<16xf32>
            %swap3A_1222 = vector.shape_cast %select_n3A_1217 : vector<16xf32> to vector<1x16xf32>
            tpu.vector_store %arg9[%swap3A_1218, %swap3A_1219], %swap3A_1222 {strides = array<i32>} : memref<16x512xf32, #tpu.memory_space<vmem>>, vector<1x16xf32>,
          }
        } else {
        }
      }
      %while3A_20 = arith.constant 1 : i32
      scf.for %while3A_21 = %while3A_18 to %while3A_14 step %while3A_20  : i32 {
        %get3A_22 = arith.index_cast %while3A_21 : i32 to index
        %get3A_23 = arith.constant 0 : index
        %get3A_24 = tpu.vector_load %arg7[%get3A_22, %get3A_23] {strides = array<i32>} : memref<512x16xi32, #tpu.memory_space<vmem>>, vector<1x16xi32>,
        %get3A_25 = vector.shape_cast %get3A_24 : vector<1x16xi32> to vector<16xi32>
        %slice3A_26 = vector.extract_strided_slice %get3A_25 {offsets = [0], sizes = [1], strides = [1]} : vector<16xi32> to vector<1xi32>
        %squeeze3A_27 = vector.extract %slice3A_26[0] : i32 from vector<1xi32>
        %slice3A_28 = vector.extract_strided_slice %get3A_25 {offsets = [1], sizes = [1], strides = [1]} : vector<16xi32> to vector<1xi32>
        %squeeze3A_29 = vector.extract %slice3A_28[0] : i32 from vector<1xi32>
        %slice3A_30 = vector.extract_strided_slice %get3A_25 {offsets = [2], sizes = [1], strides = [1]} : vector<16xi32> to vector<1xi32>
        %squeeze3A_31 = vector.extract %slice3A_30[0] : i32 from vector<1xi32>
        %max3A = arith.maxsi %squeeze3A_27, %mul3A_2 : i32
        %add3A_32 = arith.constant 64 : i32
        %add3A_33 = arith.addi %squeeze3A_27, %add3A_32 : i32
        %add3A_34 = arith.constant 16 : i32
        %add3A_35 = arith.addi %mul3A_2, %add3A_34 : i32
        %min3A = arith.minsi %add3A_33, %add3A_35 : i32
        %gt3A_36 = arith.cmpi sgt, %min3A, %max3A : i32
        %convert_element_type3A_37 = arith.extui %gt3A_36 : i1 to i32
        %cond3A_38 = arith.constant 0 : i32
        %cond3A_39 = arith.cmpi ne, %convert_element_type3A_37, %cond3A_38 : i32
        scf.if %cond3A_39 {
          "tpu.region"() ({
            %run_scoped3A_91 = tpu.sem_alloc : memref<!tpu.dma_semaphore, #tpu.memory_space<semaphore_mem>>
            %dma_start3A = arith.constant 0 : i32
            %dma_start3A_92 = tpu.memref_slice %arg3[%squeeze3A_31, %dma_start3A] : memref<256x16384xf32, #tpu.memory_space<hbm>> -> memref<1x16384xf32, #tpu.memory_space<hbm>>
            %dma_start3A_93 = tpu.memref_squeeze %dma_start3A_92 : memref<1x16384xf32, #tpu.memory_space<hbm>> -> memref<16384xf32, #tpu.memory_space<hbm>>
            %dma_start3A_94 = arith.constant 0 : i32
            %dma_start3A_95 = tpu.memref_slice %arg3[%squeeze3A_31, %dma_start3A_94] : memref<256x16384xf32, #tpu.memory_space<hbm>> -> memref<1x16384xf32, #tpu.memory_space<hbm>>
            %dma_start3A_96 = tpu.memref_squeeze %dma_start3A_95 : memref<1x16384xf32, #tpu.memory_space<hbm>> -> memref<16384xf32, #tpu.memory_space<hbm>>
            tpu.enqueue_dma source(%dma_start3A_96 : memref<16384xf32, #tpu.memory_space<hbm>>) target(%arg10 : memref<16384xf32, #tpu.memory_space<vmem>>) target_semaphore(%run_scoped3A_91 : memref<!tpu.dma_semaphore, #tpu.memory_space<semaphore_mem>>)
            %dma_wait3A = arith.constant 0 : i32
            %dma_wait3A_97 = tpu.memref_slice %arg3[%squeeze3A_31, %dma_wait3A] : memref<256x16384xf32, #tpu.memory_space<hbm>> -> memref<1x16384xf32, #tpu.memory_space<hbm>>
            %dma_wait3A_98 = tpu.memref_squeeze %dma_wait3A_97 : memref<1x16384xf32, #tpu.memory_space<hbm>> -> memref<16384xf32, #tpu.memory_space<hbm>>
            %dma_wait3A_99 = arith.constant 0 : i32
            %dma_wait3A_100 = tpu.memref_slice %arg3[%squeeze3A_31, %dma_wait3A_99] : memref<256x16384xf32, #tpu.memory_space<hbm>> -> memref<1x16384xf32, #tpu.memory_space<hbm>>
            %dma_wait3A_101 = tpu.memref_squeeze %dma_wait3A_100 : memref<1x16384xf32, #tpu.memory_space<hbm>> -> memref<16384xf32, #tpu.memory_space<hbm>>
            tpu.wait_dma2 semaphore(%run_scoped3A_91 : memref<!tpu.dma_semaphore, #tpu.memory_space<semaphore_mem>>) src(%dma_wait3A_101 : memref<16384xf32, #tpu.memory_space<hbm>>) dst(%arg10 : memref<16384xf32, #tpu.memory_space<vmem>>)
            tpu.yield
          }) : () -> ()
          %jit3A = arith.constant 16 : i32
          %div3A = arith.divsi %squeeze3A_29, %jit3A : i32
          %sign3A = arith.constant 0 : i32
          %sign3A_40 = arith.cmpi sgt, %squeeze3A_29, %sign3A : i32
          %sign3A_41 = arith.extui %sign3A_40 : i1 to i32
          %sign3A_42 = arith.constant 0 : i32
          %sign3A_43 = arith.cmpi slt, %squeeze3A_29, %sign3A_42 : i32
          %sign3A_44 = arith.extui %sign3A_43 : i1 to i32
          %sign3A_45 = arith.subi %sign3A_41, %sign3A_44 : i32
          %sign3A_46 = arith.constant 0 : i32
          %sign3A_47 = arith.cmpi sgt, %jit3A, %sign3A_46 : i32
          %sign3A_48 = arith.extui %sign3A_47 : i1 to i32
          %sign3A_49 = arith.constant 0 : i32
          %sign3A_50 = arith.cmpi slt, %jit3A, %sign3A_49 : i32
          %sign3A_51 = arith.extui %sign3A_50 : i1 to i32
          %sign3A_52 = arith.subi %sign3A_48, %sign3A_51 : i32
          %ne3A = arith.cmpi ne, %sign3A_45, %sign3A_52 : i32
          %rem3A = arith.remsi %squeeze3A_29, %jit3A : i32
          %ne3A_53 = arith.constant 0 : i32
          %ne3A_54 = arith.cmpi ne, %rem3A, %ne3A_53 : i32
          %and3A = arith.andi %ne3A, %ne3A_54 : i1
          %sub3A = arith.constant 1 : i32
          %sub3A_55 = arith.subi %div3A, %sub3A : i32
          %select_n3A = arith.select %and3A, %sub3A_55, %div3A : i32
          %mul3A_56 = arith.constant 16 : i32
          %mul3A_57 = arith.muli %select_n3A, %mul3A_56 : i32
          %min3A_58 = arith.constant 432 : i32
          %min3A_59 = arith.minsi %mul3A_57, %min3A_58 : i32
          %multiple_of3A = tpu.assume_multiple %min3A_59, 16 : i32
          %sub3A_60 = arith.subi %squeeze3A_29, %multiple_of3A : i32
          %sub3A_61 = arith.constant 16 : i32
          %sub3A_62 = arith.subi %sub3A_61, %sub3A_60 : i32
          %add3A_63 = vector.broadcast %sub3A_62 : i32 to vector<16xi32>
          %add3A_64 = arith.addi %iota3A, %add3A_63 : vector<16xi32>
          %jit3A_65 = arith.constant 0 : i32
          %jit3A_66 = arith.constant 15 : i32
          %max3A_67 = vector.broadcast %jit3A_65 : i32 to vector<16xi32>
          %max3A_68 = arith.maxsi %max3A_67, %add3A_64 : vector<16xi32>
          %min3A_69 = vector.broadcast %jit3A_66 : i32 to vector<16xi32>
          %min3A_70 = arith.minsi %min3A_69, %max3A_68 : vector<16xi32>
          %sub3A_71 = vector.broadcast %sub3A_60 : i32 to vector<16xi32>
          %sub3A_72 = arith.subi %iota3A, %sub3A_71 : vector<16xi32>
          %jit3A_73 = arith.constant 0 : i32
          %jit3A_74 = arith.constant 15 : i32
          %max3A_75 = vector.broadcast %jit3A_73 : i32 to vector<16xi32>
          %max3A_76 = arith.maxsi %max3A_75, %sub3A_72 : vector<16xi32>
          %min3A_77 = vector.broadcast %jit3A_74 : i32 to vector<16xi32>
          %min3A_78 = arith.minsi %min3A_77, %max3A_76 : vector<16xi32>
          %lt3A = vector.broadcast %sub3A_60 : i32 to vector<16xi32>
          %lt3A_79 = arith.cmpi slt, %iota3A, %lt3A : vector<16xi32>
          %sub3A_80 = arith.subi %min3A, %max3A : i32
          %while3A_81 = arith.constant 0 : i32
          %while3A_82 = arith.constant 0 : i32
          %while3A_83 = arith.subi %sub3A_80, %while3A_82 : i32
          %while3A_84 = arith.addi %while3A_82, %while3A_83 : i32
          %while3A_85 = arith.constant 1 : i32
          %while3A_86 = arith.divsi %while3A_83, %while3A_85 : i32
          %while3A_87 = arith.muli %while3A_86, %while3A_85 : i32
          %while3A_88 = arith.addi %while3A_82, %while3A_87 : i32
          %while3A_89 = arith.constant 1 : i32
          scf.for %while3A_91 = %while3A_82 to %while3A_88 step %while3A_89  : i32 {
            %add3A_92 = arith.addi %max3A, %while3A_91 : i32
            %sub3A_93 = arith.subi %add3A_92, %squeeze3A_27 : i32
            %mul3A_94 = arith.constant 64 : i32
            %mul3A_95 = arith.muli %sub3A_93, %mul3A_94 : i32
            %sub3A_96 = arith.subi %add3A_92, %mul3A_2 : i32
            %sub3A_97 = arith.constant 0 : i32
            %sub3A_98 = arith.subi %sub3A_97, %sub3A_60 : i32
            %add3A_99 = vector.broadcast %sub3A_98 : i32 to vector<16xi32>
            %add3A_100 = arith.addi %iota3A, %add3A_99 : vector<16xi32>
            %ge3A = arith.constant 0 : i32
            %ge3A_101 = vector.broadcast %ge3A : i32 to vector<16xi32>
            %ge3A_102 = arith.cmpi sge, %add3A_100, %ge3A_101 : vector<16xi32>
            %lt3A_103 = arith.constant 64 : i32
            %lt3A_104 = vector.broadcast %lt3A_103 : i32 to vector<16xi32>
            %lt3A_105 = arith.cmpi slt, %add3A_100, %lt3A_104 : vector<16xi32>
            %and3A_106 = arith.andi %ge3A_102, %lt3A_105 : vector<16xi1>
            %add3A_107 = arith.constant 0 : i32
            %add3A_108 = arith.addi %multiple_of3A, %add3A_107 : i32
            %multiple_of3A_109 = tpu.assume_multiple %add3A_108, 16 : i32
            %add3A_110 = arith.constant 12288 : i32
            %add3A_111 = arith.addi %mul3A_95, %add3A_110 : i32
            %add3A_112 = arith.constant 0 : i32
            %add3A_113 = arith.addi %add3A_111, %add3A_112 : i32
            %multiple_of3A_114 = tpu.assume_multiple %add3A_113, 16 : i32
            %add3A_115 = arith.constant 0 : i32
            %add3A_116 = arith.addi %add3A_111, %add3A_115 : i32
            %multiple_of3A_117 = tpu.assume_multiple %add3A_116, 16 : i32
            %get3A_118 = arith.index_cast %multiple_of3A_114 : i32 to index
            %get3A_119 = tpu.vector_load %arg10[%get3A_118] {strides = array<i32>} : memref<16384xf32, #tpu.memory_space<vmem>>, vector<16xf32>,
            %get3A_120 = vector.shape_cast %get3A_119 : vector<16xf32> to vector<16xf32>
            %get3A_121 = arith.index_cast %multiple_of3A_117 : i32 to index
            %get3A_122 = tpu.vector_load %arg10[%get3A_121] {strides = array<i32>} : memref<16384xf32, #tpu.memory_space<vmem>>, vector<16xf32>,
            %get3A_123 = vector.shape_cast %get3A_122 : vector<16xf32> to vector<16xf32>
            %lt3A_124 = arith.constant 0 : i32
            %lt3A_125 = vector.broadcast %lt3A_124 : i32 to vector<16xi32>
            %lt3A_126 = arith.cmpi slt, %min3A_70, %lt3A_125 : vector<16xi32>
            %add3A_127 = arith.constant 16 : i32
            %add3A_128 = vector.broadcast %add3A_127 : i32 to vector<16xi32>
            %add3A_129 = arith.addi %min3A_70, %add3A_128 : vector<16xi32>
            %select_n3A_130 = arith.select %lt3A_126, %add3A_129, %min3A_70 : vector<16xi1>, vector<16xi32>
            %broadcast_in_dim3A = vector.shape_cast %select_n3A_130 : vector<16xi32> to vector<16x1xi32>
            %gather3A = vector.shape_cast %broadcast_in_dim3A : vector<16x1xi32> to vector<16xi32>
            %gather3A_131 = tpu.dynamic_gather %get3A_120[%gather3A] in [0] : vector<16xf32>, vector<16xi32> -> vector<16xf32>
            %lt3A_132 = arith.constant 0 : i32
            %lt3A_133 = vector.broadcast %lt3A_132 : i32 to vector<16xi32>
            %lt3A_134 = arith.cmpi slt, %min3A_78, %lt3A_133 : vector<16xi32>
            %add3A_135 = arith.constant 16 : i32
            %add3A_136 = vector.broadcast %add3A_135 : i32 to vector<16xi32>
            %add3A_137 = arith.addi %min3A_78, %add3A_136 : vector<16xi32>
            %select_n3A_138 = arith.select %lt3A_134, %add3A_137, %min3A_78 : vector<16xi1>, vector<16xi32>
            %broadcast_in_dim3A_139 = vector.shape_cast %select_n3A_138 : vector<16xi32> to vector<16x1xi32>
            %gather3A_140 = vector.shape_cast %broadcast_in_dim3A_139 : vector<16x1xi32> to vector<16xi32>
            %gather3A_141 = tpu.dynamic_gather %get3A_123[%gather3A_140] in [0] : vector<16xf32>, vector<16xi32> -> vector<16xf32>
            %select_n3A_142 = arith.select %lt3A_79, %gather3A_131, %gather3A_141 : vector<16xi1>, vector<16xf32>
            %jit3A_143 = arith.constant 0.000000e+00 : f32
            %broadcast_in_dim3A_144 = vector.broadcast %jit3A_143 : f32 to vector<16xf32>
            %select_n3A_145 = arith.select %and3A_106, %select_n3A_142, %broadcast_in_dim3A_144 : vector<16xi1>, vector<16xf32>
            %get3A_146 = arith.index_cast %sub3A_96 : i32 to index
            %get3A_147 = arith.index_cast %multiple_of3A_109 : i32 to index
            %get3A_148 = tpu.vector_load %arg9[%get3A_146, %get3A_147] {strides = array<i32>} : memref<16x512xf32, #tpu.memory_space<vmem>>, vector<1x16xf32>,
            %get3A_149 = vector.shape_cast %get3A_148 : vector<1x16xf32> to vector<16xf32>
            %sub3A_150 = arith.constant 1.000000e+00 : f32
            %sub3A_151 = vector.broadcast %sub3A_150 : f32 to vector<16xf32>
            %sub3A_152 = arith.subf %sub3A_151, %select_n3A_145 : vector<16xf32>
            %mul3A_153 = arith.mulf %get3A_149, %sub3A_152 : vector<16xf32>
            %add3A_154 = arith.addf %select_n3A_145, %mul3A_153 : vector<16xf32>
            %add3A_155 = arith.constant 0 : i32
            %add3A_156 = arith.addi %mul3A_95, %add3A_155 : i32
            %add3A_157 = arith.constant 0 : i32
            %add3A_158 = arith.addi %add3A_156, %add3A_157 : i32
            %multiple_of3A_159 = tpu.assume_multiple %add3A_158, 16 : i32
            %add3A_160 = arith.constant 0 : i32
            %add3A_161 = arith.addi %add3A_156, %add3A_160 : i32
            %multiple_of3A_162 = tpu.assume_multiple %add3A_161, 16 : i32
            %get3A_163 = arith.index_cast %multiple_of3A_159 : i32 to index
            %get3A_164 = tpu.vector_load %arg10[%get3A_163] {strides = array<i32>} : memref<16384xf32, #tpu.memory_space<vmem>>, vector<16xf32>,
            %get3A_165 = vector.shape_cast %get3A_164 : vector<16xf32> to vector<16xf32>
            %get3A_166 = arith.index_cast %multiple_of3A_162 : i32 to index
            %get3A_167 = tpu.vector_load %arg10[%get3A_166] {strides = array<i32>} : memref<16384xf32, #tpu.memory_space<vmem>>, vector<16xf32>,
            %get3A_168 = vector.shape_cast %get3A_167 : vector<16xf32> to vector<16xf32>
            %lt3A_169 = arith.constant 0 : i32
            %lt3A_170 = vector.broadcast %lt3A_169 : i32 to vector<16xi32>
            %lt3A_171 = arith.cmpi slt, %min3A_70, %lt3A_170 : vector<16xi32>
            %add3A_172 = arith.constant 16 : i32
            %add3A_173 = vector.broadcast %add3A_172 : i32 to vector<16xi32>
            %add3A_174 = arith.addi %min3A_70, %add3A_173 : vector<16xi32>
            %select_n3A_175 = arith.select %lt3A_171, %add3A_174, %min3A_70 : vector<16xi1>, vector<16xi32>
            %broadcast_in_dim3A_176 = vector.shape_cast %select_n3A_175 : vector<16xi32> to vector<16x1xi32>
            %gather3A_177 = vector.shape_cast %broadcast_in_dim3A_176 : vector<16x1xi32> to vector<16xi32>
            %gather3A_178 = tpu.dynamic_gather %get3A_165[%gather3A_177] in [0] : vector<16xf32>, vector<16xi32> -> vector<16xf32>
            %lt3A_179 = arith.constant 0 : i32
            %lt3A_180 = vector.broadcast %lt3A_179 : i32 to vector<16xi32>
            %lt3A_181 = arith.cmpi slt, %min3A_78, %lt3A_180 : vector<16xi32>
            %add3A_182 = arith.constant 16 : i32
            %add3A_183 = vector.broadcast %add3A_182 : i32 to vector<16xi32>
            %add3A_184 = arith.addi %min3A_78, %add3A_183 : vector<16xi32>
            %select_n3A_185 = arith.select %lt3A_181, %add3A_184, %min3A_78 : vector<16xi1>, vector<16xi32>
            %broadcast_in_dim3A_186 = vector.shape_cast %select_n3A_185 : vector<16xi32> to vector<16x1xi32>
            %gather3A_187 = vector.shape_cast %broadcast_in_dim3A_186 : vector<16x1xi32> to vector<16xi32>
            %gather3A_188 = tpu.dynamic_gather %get3A_168[%gather3A_187] in [0] : vector<16xf32>, vector<16xi32> -> vector<16xf32>
            %select_n3A_189 = arith.select %lt3A_79, %gather3A_178, %gather3A_188 : vector<16xi1>, vector<16xf32>
            %get3A_190 = arith.constant 0 : i32
            %get3A_191 = arith.index_cast %get3A_190 : i32 to index
            %get3A_192 = arith.index_cast %sub3A_96 : i32 to index
            %get3A_193 = arith.index_cast %multiple_of3A_109 : i32 to index
            %get3A_194 = tpu.vector_load %arg8[%get3A_191, %get3A_192, %get3A_193] {strides = array<i32>} : memref<3x16x512xf32, #tpu.memory_space<vmem>>, vector<1x1x16xf32>,
            %get3A_195 = vector.shape_cast %get3A_194 : vector<1x1x16xf32> to vector<16xf32>
            %mul3A_196 = arith.mulf %select_n3A_189, %select_n3A_145 : vector<16xf32>
            %mul3A_197 = arith.mulf %get3A_195, %mul3A_153 : vector<16xf32>
            %add3A_198 = arith.addf %mul3A_196, %mul3A_197 : vector<16xf32>
            %div3A_199 = arith.divf %add3A_198, %add3A_154 : vector<16xf32>
            %select_n3A_200 = arith.select %and3A_106, %div3A_199, %get3A_195 : vector<16xi1>, vector<16xf32>
            %swap3A = arith.constant 0 : i32
            %swap3A_201 = arith.index_cast %swap3A : i32 to index
            %swap3A_202 = arith.index_cast %sub3A_96 : i32 to index
            %swap3A_203 = arith.index_cast %multiple_of3A_109 : i32 to index
            %swap3A_204 = tpu.vector_load %arg8[%swap3A_201, %swap3A_202, %swap3A_203] {strides = array<i32>} : memref<3x16x512xf32, #tpu.memory_space<vmem>>, vector<1x1x16xf32>,
            %swap3A_205 = vector.shape_cast %swap3A_204 : vector<1x1x16xf32> to vector<16xf32>
            %swap3A_206 = vector.shape_cast %select_n3A_200 : vector<16xf32> to vector<1x1x16xf32>
            tpu.vector_store %arg8[%swap3A_201, %swap3A_202, %swap3A_203], %swap3A_206 {strides = array<i32>} : memref<3x16x512xf32, #tpu.memory_space<vmem>>, vector<1x1x16xf32>,
            %add3A_207 = arith.constant 4096 : i32
            %add3A_208 = arith.addi %mul3A_95, %add3A_207 : i32
            %add3A_209 = arith.constant 0 : i32
            %add3A_210 = arith.addi %add3A_208, %add3A_209 : i32
            %multiple_of3A_211 = tpu.assume_multiple %add3A_210, 16 : i32
            %add3A_212 = arith.constant 0 : i32
            %add3A_213 = arith.addi %add3A_208, %add3A_212 : i32
            %multiple_of3A_214 = tpu.assume_multiple %add3A_213, 16 : i32
            %get3A_215 = arith.index_cast %multiple_of3A_211 : i32 to index
            %get3A_216 = tpu.vector_load %arg10[%get3A_215] {strides = array<i32>} : memref<16384xf32, #tpu.memory_space<vmem>>, vector<16xf32>,
            %get3A_217 = vector.shape_cast %get3A_216 : vector<16xf32> to vector<16xf32>
            %get3A_218 = arith.index_cast %multiple_of3A_214 : i32 to index
            %get3A_219 = tpu.vector_load %arg10[%get3A_218] {strides = array<i32>} : memref<16384xf32, #tpu.memory_space<vmem>>, vector<16xf32>,
            %get3A_220 = vector.shape_cast %get3A_219 : vector<16xf32> to vector<16xf32>
            %lt3A_221 = arith.constant 0 : i32
            %lt3A_222 = vector.broadcast %lt3A_221 : i32 to vector<16xi32>
            %lt3A_223 = arith.cmpi slt, %min3A_70, %lt3A_222 : vector<16xi32>
            %add3A_224 = arith.constant 16 : i32
            %add3A_225 = vector.broadcast %add3A_224 : i32 to vector<16xi32>
            %add3A_226 = arith.addi %min3A_70, %add3A_225 : vector<16xi32>
            %select_n3A_227 = arith.select %lt3A_223, %add3A_226, %min3A_70 : vector<16xi1>, vector<16xi32>
            %broadcast_in_dim3A_228 = vector.shape_cast %select_n3A_227 : vector<16xi32> to vector<16x1xi32>
            %gather3A_229 = vector.shape_cast %broadcast_in_dim3A_228 : vector<16x1xi32> to vector<16xi32>
            %gather3A_230 = tpu.dynamic_gather %get3A_217[%gather3A_229] in [0] : vector<16xf32>, vector<16xi32> -> vector<16xf32>
            %lt3A_231 = arith.constant 0 : i32
            %lt3A_232 = vector.broadcast %lt3A_231 : i32 to vector<16xi32>
            %lt3A_233 = arith.cmpi slt, %min3A_78, %lt3A_232 : vector<16xi32>
            %add3A_234 = arith.constant 16 : i32
            %add3A_235 = vector.broadcast %add3A_234 : i32 to vector<16xi32>
            %add3A_236 = arith.addi %min3A_78, %add3A_235 : vector<16xi32>
            %select_n3A_237 = arith.select %lt3A_233, %add3A_236, %min3A_78 : vector<16xi1>, vector<16xi32>
            %broadcast_in_dim3A_238 = vector.shape_cast %select_n3A_237 : vector<16xi32> to vector<16x1xi32>
            %gather3A_239 = vector.shape_cast %broadcast_in_dim3A_238 : vector<16x1xi32> to vector<16xi32>
            %gather3A_240 = tpu.dynamic_gather %get3A_220[%gather3A_239] in [0] : vector<16xf32>, vector<16xi32> -> vector<16xf32>
            %select_n3A_241 = arith.select %lt3A_79, %gather3A_230, %gather3A_240 : vector<16xi1>, vector<16xf32>
            %get3A_242 = arith.constant 1 : i32
            %get3A_243 = arith.index_cast %get3A_242 : i32 to index
            %get3A_244 = arith.index_cast %sub3A_96 : i32 to index
            %get3A_245 = arith.index_cast %multiple_of3A_109 : i32 to index
            %get3A_246 = tpu.vector_load %arg8[%get3A_243, %get3A_244, %get3A_245] {strides = array<i32>} : memref<3x16x512xf32, #tpu.memory_space<vmem>>, vector<1x1x16xf32>,
            %get3A_247 = vector.shape_cast %get3A_246 : vector<1x1x16xf32> to vector<16xf32>
            %mul3A_248 = arith.mulf %select_n3A_241, %select_n3A_145 : vector<16xf32>
            %mul3A_249 = arith.mulf %get3A_247, %mul3A_153 : vector<16xf32>
            %add3A_250 = arith.addf %mul3A_248, %mul3A_249 : vector<16xf32>
            %div3A_251 = arith.divf %add3A_250, %add3A_154 : vector<16xf32>
            %select_n3A_252 = arith.select %and3A_106, %div3A_251, %get3A_247 : vector<16xi1>, vector<16xf32>
            %swap3A_253 = arith.constant 1 : i32
            %swap3A_254 = arith.index_cast %swap3A_253 : i32 to index
            %swap3A_255 = arith.index_cast %sub3A_96 : i32 to index
            %swap3A_256 = arith.index_cast %multiple_of3A_109 : i32 to index
            %swap3A_257 = tpu.vector_load %arg8[%swap3A_254, %swap3A_255, %swap3A_256] {strides = array<i32>} : memref<3x16x512xf32, #tpu.memory_space<vmem>>, vector<1x1x16xf32>,
            %swap3A_258 = vector.shape_cast %swap3A_257 : vector<1x1x16xf32> to vector<16xf32>
            %swap3A_259 = vector.shape_cast %select_n3A_252 : vector<16xf32> to vector<1x1x16xf32>
            tpu.vector_store %arg8[%swap3A_254, %swap3A_255, %swap3A_256], %swap3A_259 {strides = array<i32>} : memref<3x16x512xf32, #tpu.memory_space<vmem>>, vector<1x1x16xf32>,
            %add3A_260 = arith.constant 8192 : i32
            %add3A_261 = arith.addi %mul3A_95, %add3A_260 : i32
            %add3A_262 = arith.constant 0 : i32
            %add3A_263 = arith.addi %add3A_261, %add3A_262 : i32
            %multiple_of3A_264 = tpu.assume_multiple %add3A_263, 16 : i32
            %add3A_265 = arith.constant 0 : i32
            %add3A_266 = arith.addi %add3A_261, %add3A_265 : i32
            %multiple_of3A_267 = tpu.assume_multiple %add3A_266, 16 : i32
            %get3A_268 = arith.index_cast %multiple_of3A_264 : i32 to index
            %get3A_269 = tpu.vector_load %arg10[%get3A_268] {strides = array<i32>} : memref<16384xf32, #tpu.memory_space<vmem>>, vector<16xf32>,
            %get3A_270 = vector.shape_cast %get3A_269 : vector<16xf32> to vector<16xf32>
            %get3A_271 = arith.index_cast %multiple_of3A_267 : i32 to index
            %get3A_272 = tpu.vector_load %arg10[%get3A_271] {strides = array<i32>} : memref<16384xf32, #tpu.memory_space<vmem>>, vector<16xf32>,
            %get3A_273 = vector.shape_cast %get3A_272 : vector<16xf32> to vector<16xf32>
            %lt3A_274 = arith.constant 0 : i32
            %lt3A_275 = vector.broadcast %lt3A_274 : i32 to vector<16xi32>
            %lt3A_276 = arith.cmpi slt, %min3A_70, %lt3A_275 : vector<16xi32>
            %add3A_277 = arith.constant 16 : i32
            %add3A_278 = vector.broadcast %add3A_277 : i32 to vector<16xi32>
            %add3A_279 = arith.addi %min3A_70, %add3A_278 : vector<16xi32>
            %select_n3A_280 = arith.select %lt3A_276, %add3A_279, %min3A_70 : vector<16xi1>, vector<16xi32>
            %broadcast_in_dim3A_281 = vector.shape_cast %select_n3A_280 : vector<16xi32> to vector<16x1xi32>
            %gather3A_282 = vector.shape_cast %broadcast_in_dim3A_281 : vector<16x1xi32> to vector<16xi32>
            %gather3A_283 = tpu.dynamic_gather %get3A_270[%gather3A_282] in [0] : vector<16xf32>, vector<16xi32> -> vector<16xf32>
            %lt3A_284 = arith.constant 0 : i32
            %lt3A_285 = vector.broadcast %lt3A_284 : i32 to vector<16xi32>
            %lt3A_286 = arith.cmpi slt, %min3A_78, %lt3A_285 : vector<16xi32>
            %add3A_287 = arith.constant 16 : i32
            %add3A_288 = vector.broadcast %add3A_287 : i32 to vector<16xi32>
            %add3A_289 = arith.addi %min3A_78, %add3A_288 : vector<16xi32>
            %select_n3A_290 = arith.select %lt3A_286, %add3A_289, %min3A_78 : vector<16xi1>, vector<16xi32>
            %broadcast_in_dim3A_291 = vector.shape_cast %select_n3A_290 : vector<16xi32> to vector<16x1xi32>
            %gather3A_292 = vector.shape_cast %broadcast_in_dim3A_291 : vector<16x1xi32> to vector<16xi32>
            %gather3A_293 = tpu.dynamic_gather %get3A_273[%gather3A_292] in [0] : vector<16xf32>, vector<16xi32> -> vector<16xf32>
            %select_n3A_294 = arith.select %lt3A_79, %gather3A_283, %gather3A_293 : vector<16xi1>, vector<16xf32>
            %get3A_295 = arith.constant 2 : i32
            %get3A_296 = arith.index_cast %get3A_295 : i32 to index
            %get3A_297 = arith.index_cast %sub3A_96 : i32 to index
            %get3A_298 = arith.index_cast %multiple_of3A_109 : i32 to index
            %get3A_299 = tpu.vector_load %arg8[%get3A_296, %get3A_297, %get3A_298] {strides = array<i32>} : memref<3x16x512xf32, #tpu.memory_space<vmem>>, vector<1x1x16xf32>,
            %get3A_300 = vector.shape_cast %get3A_299 : vector<1x1x16xf32> to vector<16xf32>
            %mul3A_301 = arith.mulf %select_n3A_294, %select_n3A_145 : vector<16xf32>
            %mul3A_302 = arith.mulf %get3A_300, %mul3A_153 : vector<16xf32>
            %add3A_303 = arith.addf %mul3A_301, %mul3A_302 : vector<16xf32>
            %div3A_304 = arith.divf %add3A_303, %add3A_154 : vector<16xf32>
            %select_n3A_305 = arith.select %and3A_106, %div3A_304, %get3A_300 : vector<16xi1>, vector<16xf32>
            %swap3A_306 = arith.constant 2 : i32
            %swap3A_307 = arith.index_cast %swap3A_306 : i32 to index
            %swap3A_308 = arith.index_cast %sub3A_96 : i32 to index
            %swap3A_309 = arith.index_cast %multiple_of3A_109 : i32 to index
            %swap3A_310 = tpu.vector_load %arg8[%swap3A_307, %swap3A_308, %swap3A_309] {strides = array<i32>} : memref<3x16x512xf32, #tpu.memory_space<vmem>>, vector<1x1x16xf32>,
            %swap3A_311 = vector.shape_cast %swap3A_310 : vector<1x1x16xf32> to vector<16xf32>
            %swap3A_312 = vector.shape_cast %select_n3A_305 : vector<16xf32> to vector<1x1x16xf32>
            tpu.vector_store %arg8[%swap3A_307, %swap3A_308, %swap3A_309], %swap3A_312 {strides = array<i32>} : memref<3x16x512xf32, #tpu.memory_space<vmem>>, vector<1x1x16xf32>,
            %select_n3A_313 = arith.select %and3A_106, %add3A_154, %get3A_149 : vector<16xi1>, vector<16xf32>
            %swap3A_314 = arith.index_cast %sub3A_96 : i32 to index
            %swap3A_315 = arith.index_cast %multiple_of3A_109 : i32 to index
            %swap3A_316 = tpu.vector_load %arg9[%swap3A_314, %swap3A_315] {strides = array<i32>} : memref<16x512xf32, #tpu.memory_space<vmem>>, vector<1x16xf32>,
            %swap3A_317 = vector.shape_cast %swap3A_316 : vector<1x16xf32> to vector<16xf32>
            %swap3A_318 = vector.shape_cast %select_n3A_313 : vector<16xf32> to vector<1x16xf32>
            tpu.vector_store %arg9[%swap3A_314, %swap3A_315], %swap3A_318 {strides = array<i32>} : memref<16x512xf32, #tpu.memory_space<vmem>>, vector<1x16xf32>,
            %sub3A_319 = arith.constant 16 : i32
            %sub3A_320 = arith.subi %sub3A_319, %sub3A_60 : i32
            %add3A_321 = vector.broadcast %sub3A_320 : i32 to vector<16xi32>
            %add3A_322 = arith.addi %iota3A, %add3A_321 : vector<16xi32>
            %ge3A_323 = arith.constant 0 : i32
            %ge3A_324 = vector.broadcast %ge3A_323 : i32 to vector<16xi32>
            %ge3A_325 = arith.cmpi sge, %add3A_322, %ge3A_324 : vector<16xi32>
            %lt3A_326 = arith.constant 64 : i32
            %lt3A_327 = vector.broadcast %lt3A_326 : i32 to vector<16xi32>
            %lt3A_328 = arith.cmpi slt, %add3A_322, %lt3A_327 : vector<16xi32>
            %and3A_329 = arith.andi %ge3A_325, %lt3A_328 : vector<16xi1>
            %add3A_330 = arith.constant 16 : i32
            %add3A_331 = arith.addi %multiple_of3A, %add3A_330 : i32
            %multiple_of3A_332 = tpu.assume_multiple %add3A_331, 16 : i32
            %add3A_333 = arith.constant 12288 : i32
            %add3A_334 = arith.addi %mul3A_95, %add3A_333 : i32
            %add3A_335 = arith.constant 0 : i32
            %add3A_336 = arith.addi %add3A_334, %add3A_335 : i32
            %multiple_of3A_337 = tpu.assume_multiple %add3A_336, 16 : i32
            %add3A_338 = arith.constant 16 : i32
            %add3A_339 = arith.addi %add3A_334, %add3A_338 : i32
            %multiple_of3A_340 = tpu.assume_multiple %add3A_339, 16 : i32
            %get3A_341 = arith.index_cast %multiple_of3A_337 : i32 to index
            %get3A_342 = tpu.vector_load %arg10[%get3A_341] {strides = array<i32>} : memref<16384xf32, #tpu.memory_space<vmem>>, vector<16xf32>,
            %get3A_343 = vector.shape_cast %get3A_342 : vector<16xf32> to vector<16xf32>
            %get3A_344 = arith.index_cast %multiple_of3A_340 : i32 to index
            %get3A_345 = tpu.vector_load %arg10[%get3A_344] {strides = array<i32>} : memref<16384xf32, #tpu.memory_space<vmem>>, vector<16xf32>,
            %get3A_346 = vector.shape_cast %get3A_345 : vector<16xf32> to vector<16xf32>
            %lt3A_347 = arith.constant 0 : i32
            %lt3A_348 = vector.broadcast %lt3A_347 : i32 to vector<16xi32>
            %lt3A_349 = arith.cmpi slt, %min3A_70, %lt3A_348 : vector<16xi32>
            %add3A_350 = arith.constant 16 : i32
            %add3A_351 = vector.broadcast %add3A_350 : i32 to vector<16xi32>
            %add3A_352 = arith.addi %min3A_70, %add3A_351 : vector<16xi32>
            %select_n3A_353 = arith.select %lt3A_349, %add3A_352, %min3A_70 : vector<16xi1>, vector<16xi32>
            %broadcast_in_dim3A_354 = vector.shape_cast %select_n3A_353 : vector<16xi32> to vector<16x1xi32>
            %gather3A_355 = vector.shape_cast %broadcast_in_dim3A_354 : vector<16x1xi32> to vector<16xi32>
            %gather3A_356 = tpu.dynamic_gather %get3A_343[%gather3A_355] in [0] : vector<16xf32>, vector<16xi32> -> vector<16xf32>
            %lt3A_357 = arith.constant 0 : i32
            %lt3A_358 = vector.broadcast %lt3A_357 : i32 to vector<16xi32>
            %lt3A_359 = arith.cmpi slt, %min3A_78, %lt3A_358 : vector<16xi32>
            %add3A_360 = arith.constant 16 : i32
            %add3A_361 = vector.broadcast %add3A_360 : i32 to vector<16xi32>
            %add3A_362 = arith.addi %min3A_78, %add3A_361 : vector<16xi32>
            %select_n3A_363 = arith.select %lt3A_359, %add3A_362, %min3A_78 : vector<16xi1>, vector<16xi32>
            %broadcast_in_dim3A_364 = vector.shape_cast %select_n3A_363 : vector<16xi32> to vector<16x1xi32>
            %gather3A_365 = vector.shape_cast %broadcast_in_dim3A_364 : vector<16x1xi32> to vector<16xi32>
            %gather3A_366 = tpu.dynamic_gather %get3A_346[%gather3A_365] in [0] : vector<16xf32>, vector<16xi32> -> vector<16xf32>
            %select_n3A_367 = arith.select %lt3A_79, %gather3A_356, %gather3A_366 : vector<16xi1>, vector<16xf32>
            %jit3A_368 = arith.constant 0.000000e+00 : f32
            %broadcast_in_dim3A_369 = vector.broadcast %jit3A_368 : f32 to vector<16xf32>
            %select_n3A_370 = arith.select %and3A_329, %select_n3A_367, %broadcast_in_dim3A_369 : vector<16xi1>, vector<16xf32>
            %get3A_371 = arith.index_cast %sub3A_96 : i32 to index
            %get3A_372 = arith.index_cast %multiple_of3A_332 : i32 to index
            %get3A_373 = tpu.vector_load %arg9[%get3A_371, %get3A_372] {strides = array<i32>} : memref<16x512xf32, #tpu.memory_space<vmem>>, vector<1x16xf32>,
            %get3A_374 = vector.shape_cast %get3A_373 : vector<1x16xf32> to vector<16xf32>
            %sub3A_375 = arith.constant 1.000000e+00 : f32
            %sub3A_376 = vector.broadcast %sub3A_375 : f32 to vector<16xf32>
            %sub3A_377 = arith.subf %sub3A_376, %select_n3A_370 : vector<16xf32>
            %mul3A_378 = arith.mulf %get3A_374, %sub3A_377 : vector<16xf32>
            %add3A_379 = arith.addf %select_n3A_370, %mul3A_378 : vector<16xf32>
            %add3A_380 = arith.constant 0 : i32
            %add3A_381 = arith.addi %mul3A_95, %add3A_380 : i32
            %add3A_382 = arith.constant 0 : i32
            %add3A_383 = arith.addi %add3A_381, %add3A_382 : i32
            %multiple_of3A_384 = tpu.assume_multiple %add3A_383, 16 : i32
            %add3A_385 = arith.constant 16 : i32
            %add3A_386 = arith.addi %add3A_381, %add3A_385 : i32
            %multiple_of3A_387 = tpu.assume_multiple %add3A_386, 16 : i32
            %get3A_388 = arith.index_cast %multiple_of3A_384 : i32 to index
            %get3A_389 = tpu.vector_load %arg10[%get3A_388] {strides = array<i32>} : memref<16384xf32, #tpu.memory_space<vmem>>, vector<16xf32>,
            %get3A_390 = vector.shape_cast %get3A_389 : vector<16xf32> to vector<16xf32>
            %get3A_391 = arith.index_cast %multiple_of3A_387 : i32 to index
            %get3A_392 = tpu.vector_load %arg10[%get3A_391] {strides = array<i32>} : memref<16384xf32, #tpu.memory_space<vmem>>, vector<16xf32>,
            %get3A_393 = vector.shape_cast %get3A_392 : vector<16xf32> to vector<16xf32>
            %lt3A_394 = arith.constant 0 : i32
            %lt3A_395 = vector.broadcast %lt3A_394 : i32 to vector<16xi32>
            %lt3A_396 = arith.cmpi slt, %min3A_70, %lt3A_395 : vector<16xi32>
            %add3A_397 = arith.constant 16 : i32
            %add3A_398 = vector.broadcast %add3A_397 : i32 to vector<16xi32>
            %add3A_399 = arith.addi %min3A_70, %add3A_398 : vector<16xi32>
            %select_n3A_400 = arith.select %lt3A_396, %add3A_399, %min3A_70 : vector<16xi1>, vector<16xi32>
            %broadcast_in_dim3A_401 = vector.shape_cast %select_n3A_400 : vector<16xi32> to vector<16x1xi32>
            %gather3A_402 = vector.shape_cast %broadcast_in_dim3A_401 : vector<16x1xi32> to vector<16xi32>
            %gather3A_403 = tpu.dynamic_gather %get3A_390[%gather3A_402] in [0] : vector<16xf32>, vector<16xi32> -> vector<16xf32>
            %lt3A_404 = arith.constant 0 : i32
            %lt3A_405 = vector.broadcast %lt3A_404 : i32 to vector<16xi32>
            %lt3A_406 = arith.cmpi slt, %min3A_78, %lt3A_405 : vector<16xi32>
            %add3A_407 = arith.constant 16 : i32
            %add3A_408 = vector.broadcast %add3A_407 : i32 to vector<16xi32>
            %add3A_409 = arith.addi %min3A_78, %add3A_408 : vector<16xi32>
            %select_n3A_410 = arith.select %lt3A_406, %add3A_409, %min3A_78 : vector<16xi1>, vector<16xi32>
            %broadcast_in_dim3A_411 = vector.shape_cast %select_n3A_410 : vector<16xi32> to vector<16x1xi32>
            %gather3A_412 = vector.shape_cast %broadcast_in_dim3A_411 : vector<16x1xi32> to vector<16xi32>
            %gather3A_413 = tpu.dynamic_gather %get3A_393[%gather3A_412] in [0] : vector<16xf32>, vector<16xi32> -> vector<16xf32>
            %select_n3A_414 = arith.select %lt3A_79, %gather3A_403, %gather3A_413 : vector<16xi1>, vector<16xf32>
            %get3A_415 = arith.constant 0 : i32
            %get3A_416 = arith.index_cast %get3A_415 : i32 to index
            %get3A_417 = arith.index_cast %sub3A_96 : i32 to index
            %get3A_418 = arith.index_cast %multiple_of3A_332 : i32 to index
            %get3A_419 = tpu.vector_load %arg8[%get3A_416, %get3A_417, %get3A_418] {strides = array<i32>} : memref<3x16x512xf32, #tpu.memory_space<vmem>>, vector<1x1x16xf32>,
            %get3A_420 = vector.shape_cast %get3A_419 : vector<1x1x16xf32> to vector<16xf32>
            %mul3A_421 = arith.mulf %select_n3A_414, %select_n3A_370 : vector<16xf32>
            %mul3A_422 = arith.mulf %get3A_420, %mul3A_378 : vector<16xf32>
            %add3A_423 = arith.addf %mul3A_421, %mul3A_422 : vector<16xf32>
            %div3A_424 = arith.divf %add3A_423, %add3A_379 : vector<16xf32>
            %select_n3A_425 = arith.select %and3A_329, %div3A_424, %get3A_420 : vector<16xi1>, vector<16xf32>
            %swap3A_426 = arith.constant 0 : i32
            %swap3A_427 = arith.index_cast %swap3A_426 : i32 to index
            %swap3A_428 = arith.index_cast %sub3A_96 : i32 to index
            %swap3A_429 = arith.index_cast %multiple_of3A_332 : i32 to index
            %swap3A_430 = tpu.vector_load %arg8[%swap3A_427, %swap3A_428, %swap3A_429] {strides = array<i32>} : memref<3x16x512xf32, #tpu.memory_space<vmem>>, vector<1x1x16xf32>,
            %swap3A_431 = vector.shape_cast %swap3A_430 : vector<1x1x16xf32> to vector<16xf32>
            %swap3A_432 = vector.shape_cast %select_n3A_425 : vector<16xf32> to vector<1x1x16xf32>
            tpu.vector_store %arg8[%swap3A_427, %swap3A_428, %swap3A_429], %swap3A_432 {strides = array<i32>} : memref<3x16x512xf32, #tpu.memory_space<vmem>>, vector<1x1x16xf32>,
            %add3A_433 = arith.constant 4096 : i32
            %add3A_434 = arith.addi %mul3A_95, %add3A_433 : i32
            %add3A_435 = arith.constant 0 : i32
            %add3A_436 = arith.addi %add3A_434, %add3A_435 : i32
            %multiple_of3A_437 = tpu.assume_multiple %add3A_436, 16 : i32
            %add3A_438 = arith.constant 16 : i32
            %add3A_439 = arith.addi %add3A_434, %add3A_438 : i32
            %multiple_of3A_440 = tpu.assume_multiple %add3A_439, 16 : i32
            %get3A_441 = arith.index_cast %multiple_of3A_437 : i32 to index
            %get3A_442 = tpu.vector_load %arg10[%get3A_441] {strides = array<i32>} : memref<16384xf32, #tpu.memory_space<vmem>>, vector<16xf32>,
            %get3A_443 = vector.shape_cast %get3A_442 : vector<16xf32> to vector<16xf32>
            %get3A_444 = arith.index_cast %multiple_of3A_440 : i32 to index
            %get3A_445 = tpu.vector_load %arg10[%get3A_444] {strides = array<i32>} : memref<16384xf32, #tpu.memory_space<vmem>>, vector<16xf32>,
            %get3A_446 = vector.shape_cast %get3A_445 : vector<16xf32> to vector<16xf32>
            %lt3A_447 = arith.constant 0 : i32
            %lt3A_448 = vector.broadcast %lt3A_447 : i32 to vector<16xi32>
            %lt3A_449 = arith.cmpi slt, %min3A_70, %lt3A_448 : vector<16xi32>
            %add3A_450 = arith.constant 16 : i32
            %add3A_451 = vector.broadcast %add3A_450 : i32 to vector<16xi32>
            %add3A_452 = arith.addi %min3A_70, %add3A_451 : vector<16xi32>
            %select_n3A_453 = arith.select %lt3A_449, %add3A_452, %min3A_70 : vector<16xi1>, vector<16xi32>
            %broadcast_in_dim3A_454 = vector.shape_cast %select_n3A_453 : vector<16xi32> to vector<16x1xi32>
            %gather3A_455 = vector.shape_cast %broadcast_in_dim3A_454 : vector<16x1xi32> to vector<16xi32>
            %gather3A_456 = tpu.dynamic_gather %get3A_443[%gather3A_455] in [0] : vector<16xf32>, vector<16xi32> -> vector<16xf32>
            %lt3A_457 = arith.constant 0 : i32
            %lt3A_458 = vector.broadcast %lt3A_457 : i32 to vector<16xi32>
            %lt3A_459 = arith.cmpi slt, %min3A_78, %lt3A_458 : vector<16xi32>
            %add3A_460 = arith.constant 16 : i32
            %add3A_461 = vector.broadcast %add3A_460 : i32 to vector<16xi32>
            %add3A_462 = arith.addi %min3A_78, %add3A_461 : vector<16xi32>
            %select_n3A_463 = arith.select %lt3A_459, %add3A_462, %min3A_78 : vector<16xi1>, vector<16xi32>
            %broadcast_in_dim3A_464 = vector.shape_cast %select_n3A_463 : vector<16xi32> to vector<16x1xi32>
            %gather3A_465 = vector.shape_cast %broadcast_in_dim3A_464 : vector<16x1xi32> to vector<16xi32>
            %gather3A_466 = tpu.dynamic_gather %get3A_446[%gather3A_465] in [0] : vector<16xf32>, vector<16xi32> -> vector<16xf32>
            %select_n3A_467 = arith.select %lt3A_79, %gather3A_456, %gather3A_466 : vector<16xi1>, vector<16xf32>
            %get3A_468 = arith.constant 1 : i32
            %get3A_469 = arith.index_cast %get3A_468 : i32 to index
            %get3A_470 = arith.index_cast %sub3A_96 : i32 to index
            %get3A_471 = arith.index_cast %multiple_of3A_332 : i32 to index
            %get3A_472 = tpu.vector_load %arg8[%get3A_469, %get3A_470, %get3A_471] {strides = array<i32>} : memref<3x16x512xf32, #tpu.memory_space<vmem>>, vector<1x1x16xf32>,
            %get3A_473 = vector.shape_cast %get3A_472 : vector<1x1x16xf32> to vector<16xf32>
            %mul3A_474 = arith.mulf %select_n3A_467, %select_n3A_370 : vector<16xf32>
            %mul3A_475 = arith.mulf %get3A_473, %mul3A_378 : vector<16xf32>
            %add3A_476 = arith.addf %mul3A_474, %mul3A_475 : vector<16xf32>
            %div3A_477 = arith.divf %add3A_476, %add3A_379 : vector<16xf32>
            %select_n3A_478 = arith.select %and3A_329, %div3A_477, %get3A_473 : vector<16xi1>, vector<16xf32>
            %swap3A_479 = arith.constant 1 : i32
            %swap3A_480 = arith.index_cast %swap3A_479 : i32 to index
            %swap3A_481 = arith.index_cast %sub3A_96 : i32 to index
            %swap3A_482 = arith.index_cast %multiple_of3A_332 : i32 to index
            %swap3A_483 = tpu.vector_load %arg8[%swap3A_480, %swap3A_481, %swap3A_482] {strides = array<i32>} : memref<3x16x512xf32, #tpu.memory_space<vmem>>, vector<1x1x16xf32>,
            %swap3A_484 = vector.shape_cast %swap3A_483 : vector<1x1x16xf32> to vector<16xf32>
            %swap3A_485 = vector.shape_cast %select_n3A_478 : vector<16xf32> to vector<1x1x16xf32>
            tpu.vector_store %arg8[%swap3A_480, %swap3A_481, %swap3A_482], %swap3A_485 {strides = array<i32>} : memref<3x16x512xf32, #tpu.memory_space<vmem>>, vector<1x1x16xf32>,
            %add3A_486 = arith.constant 8192 : i32
            %add3A_487 = arith.addi %mul3A_95, %add3A_486 : i32
            %add3A_488 = arith.constant 0 : i32
            %add3A_489 = arith.addi %add3A_487, %add3A_488 : i32
            %multiple_of3A_490 = tpu.assume_multiple %add3A_489, 16 : i32
            %add3A_491 = arith.constant 16 : i32
            %add3A_492 = arith.addi %add3A_487, %add3A_491 : i32
            %multiple_of3A_493 = tpu.assume_multiple %add3A_492, 16 : i32
            %get3A_494 = arith.index_cast %multiple_of3A_490 : i32 to index
            %get3A_495 = tpu.vector_load %arg10[%get3A_494] {strides = array<i32>} : memref<16384xf32, #tpu.memory_space<vmem>>, vector<16xf32>,
            %get3A_496 = vector.shape_cast %get3A_495 : vector<16xf32> to vector<16xf32>
            %get3A_497 = arith.index_cast %multiple_of3A_493 : i32 to index
            %get3A_498 = tpu.vector_load %arg10[%get3A_497] {strides = array<i32>} : memref<16384xf32, #tpu.memory_space<vmem>>, vector<16xf32>,
            %get3A_499 = vector.shape_cast %get3A_498 : vector<16xf32> to vector<16xf32>
            %lt3A_500 = arith.constant 0 : i32
            %lt3A_501 = vector.broadcast %lt3A_500 : i32 to vector<16xi32>
            %lt3A_502 = arith.cmpi slt, %min3A_70, %lt3A_501 : vector<16xi32>
            %add3A_503 = arith.constant 16 : i32
            %add3A_504 = vector.broadcast %add3A_503 : i32 to vector<16xi32>
            %add3A_505 = arith.addi %min3A_70, %add3A_504 : vector<16xi32>
            %select_n3A_506 = arith.select %lt3A_502, %add3A_505, %min3A_70 : vector<16xi1>, vector<16xi32>
            %broadcast_in_dim3A_507 = vector.shape_cast %select_n3A_506 : vector<16xi32> to vector<16x1xi32>
            %gather3A_508 = vector.shape_cast %broadcast_in_dim3A_507 : vector<16x1xi32> to vector<16xi32>
            %gather3A_509 = tpu.dynamic_gather %get3A_496[%gather3A_508] in [0] : vector<16xf32>, vector<16xi32> -> vector<16xf32>
            %lt3A_510 = arith.constant 0 : i32
            %lt3A_511 = vector.broadcast %lt3A_510 : i32 to vector<16xi32>
            %lt3A_512 = arith.cmpi slt, %min3A_78, %lt3A_511 : vector<16xi32>
            %add3A_513 = arith.constant 16 : i32
            %add3A_514 = vector.broadcast %add3A_513 : i32 to vector<16xi32>
            %add3A_515 = arith.addi %min3A_78, %add3A_514 : vector<16xi32>
            %select_n3A_516 = arith.select %lt3A_512, %add3A_515, %min3A_78 : vector<16xi1>, vector<16xi32>
            %broadcast_in_dim3A_517 = vector.shape_cast %select_n3A_516 : vector<16xi32> to vector<16x1xi32>
            %gather3A_518 = vector.shape_cast %broadcast_in_dim3A_517 : vector<16x1xi32> to vector<16xi32>
            %gather3A_519 = tpu.dynamic_gather %get3A_499[%gather3A_518] in [0] : vector<16xf32>, vector<16xi32> -> vector<16xf32>
            %select_n3A_520 = arith.select %lt3A_79, %gather3A_509, %gather3A_519 : vector<16xi1>, vector<16xf32>
            %get3A_521 = arith.constant 2 : i32
            %get3A_522 = arith.index_cast %get3A_521 : i32 to index
            %get3A_523 = arith.index_cast %sub3A_96 : i32 to index
            %get3A_524 = arith.index_cast %multiple_of3A_332 : i32 to index
            %get3A_525 = tpu.vector_load %arg8[%get3A_522, %get3A_523, %get3A_524] {strides = array<i32>} : memref<3x16x512xf32, #tpu.memory_space<vmem>>, vector<1x1x16xf32>,
            %get3A_526 = vector.shape_cast %get3A_525 : vector<1x1x16xf32> to vector<16xf32>
            %mul3A_527 = arith.mulf %select_n3A_520, %select_n3A_370 : vector<16xf32>
            %mul3A_528 = arith.mulf %get3A_526, %mul3A_378 : vector<16xf32>
            %add3A_529 = arith.addf %mul3A_527, %mul3A_528 : vector<16xf32>
            %div3A_530 = arith.divf %add3A_529, %add3A_379 : vector<16xf32>
            %select_n3A_531 = arith.select %and3A_329, %div3A_530, %get3A_526 : vector<16xi1>, vector<16xf32>
            %swap3A_532 = arith.constant 2 : i32
            %swap3A_533 = arith.index_cast %swap3A_532 : i32 to index
            %swap3A_534 = arith.index_cast %sub3A_96 : i32 to index
            %swap3A_535 = arith.index_cast %multiple_of3A_332 : i32 to index
            %swap3A_536 = tpu.vector_load %arg8[%swap3A_533, %swap3A_534, %swap3A_535] {strides = array<i32>} : memref<3x16x512xf32, #tpu.memory_space<vmem>>, vector<1x1x16xf32>,
            %swap3A_537 = vector.shape_cast %swap3A_536 : vector<1x1x16xf32> to vector<16xf32>
            %swap3A_538 = vector.shape_cast %select_n3A_531 : vector<16xf32> to vector<1x1x16xf32>
            tpu.vector_store %arg8[%swap3A_533, %swap3A_534, %swap3A_535], %swap3A_538 {strides = array<i32>} : memref<3x16x512xf32, #tpu.memory_space<vmem>>, vector<1x1x16xf32>,
            %select_n3A_539 = arith.select %and3A_329, %add3A_379, %get3A_374 : vector<16xi1>, vector<16xf32>
            %swap3A_540 = arith.index_cast %sub3A_96 : i32 to index
            %swap3A_541 = arith.index_cast %multiple_of3A_332 : i32 to index
            %swap3A_542 = tpu.vector_load %arg9[%swap3A_540, %swap3A_541] {strides = array<i32>} : memref<16x512xf32, #tpu.memory_space<vmem>>, vector<1x16xf32>,
            %swap3A_543 = vector.shape_cast %swap3A_542 : vector<1x16xf32> to vector<16xf32>
            %swap3A_544 = vector.shape_cast %select_n3A_539 : vector<16xf32> to vector<1x16xf32>
            tpu.vector_store %arg9[%swap3A_540, %swap3A_541], %swap3A_544 {strides = array<i32>} : memref<16x512xf32, #tpu.memory_space<vmem>>, vector<1x16xf32>,
            %sub3A_545 = arith.constant 32 : i32
            %sub3A_546 = arith.subi %sub3A_545, %sub3A_60 : i32
            %add3A_547 = vector.broadcast %sub3A_546 : i32 to vector<16xi32>
            %add3A_548 = arith.addi %iota3A, %add3A_547 : vector<16xi32>
            %ge3A_549 = arith.constant 0 : i32
            %ge3A_550 = vector.broadcast %ge3A_549 : i32 to vector<16xi32>
            %ge3A_551 = arith.cmpi sge, %add3A_548, %ge3A_550 : vector<16xi32>
            %lt3A_552 = arith.constant 64 : i32
            %lt3A_553 = vector.broadcast %lt3A_552 : i32 to vector<16xi32>
            %lt3A_554 = arith.cmpi slt, %add3A_548, %lt3A_553 : vector<16xi32>
            %and3A_555 = arith.andi %ge3A_551, %lt3A_554 : vector<16xi1>
            %add3A_556 = arith.constant 32 : i32
            %add3A_557 = arith.addi %multiple_of3A, %add3A_556 : i32
            %multiple_of3A_558 = tpu.assume_multiple %add3A_557, 16 : i32
            %add3A_559 = arith.constant 12288 : i32
            %add3A_560 = arith.addi %mul3A_95, %add3A_559 : i32
            %add3A_561 = arith.constant 16 : i32
            %add3A_562 = arith.addi %add3A_560, %add3A_561 : i32
            %multiple_of3A_563 = tpu.assume_multiple %add3A_562, 16 : i32
            %add3A_564 = arith.constant 32 : i32
            %add3A_565 = arith.addi %add3A_560, %add3A_564 : i32
            %multiple_of3A_566 = tpu.assume_multiple %add3A_565, 16 : i32
            %get3A_567 = arith.index_cast %multiple_of3A_563 : i32 to index
            %get3A_568 = tpu.vector_load %arg10[%get3A_567] {strides = array<i32>} : memref<16384xf32, #tpu.memory_space<vmem>>, vector<16xf32>,
            %get3A_569 = vector.shape_cast %get3A_568 : vector<16xf32> to vector<16xf32>
            %get3A_570 = arith.index_cast %multiple_of3A_566 : i32 to index
            %get3A_571 = tpu.vector_load %arg10[%get3A_570] {strides = array<i32>} : memref<16384xf32, #tpu.memory_space<vmem>>, vector<16xf32>,
            %get3A_572 = vector.shape_cast %get3A_571 : vector<16xf32> to vector<16xf32>
            %lt3A_573 = arith.constant 0 : i32
            %lt3A_574 = vector.broadcast %lt3A_573 : i32 to vector<16xi32>
            %lt3A_575 = arith.cmpi slt, %min3A_70, %lt3A_574 : vector<16xi32>
            %add3A_576 = arith.constant 16 : i32
            %add3A_577 = vector.broadcast %add3A_576 : i32 to vector<16xi32>
            %add3A_578 = arith.addi %min3A_70, %add3A_577 : vector<16xi32>
            %select_n3A_579 = arith.select %lt3A_575, %add3A_578, %min3A_70 : vector<16xi1>, vector<16xi32>
            %broadcast_in_dim3A_580 = vector.shape_cast %select_n3A_579 : vector<16xi32> to vector<16x1xi32>
            %gather3A_581 = vector.shape_cast %broadcast_in_dim3A_580 : vector<16x1xi32> to vector<16xi32>
            %gather3A_582 = tpu.dynamic_gather %get3A_569[%gather3A_581] in [0] : vector<16xf32>, vector<16xi32> -> vector<16xf32>
            %lt3A_583 = arith.constant 0 : i32
            %lt3A_584 = vector.broadcast %lt3A_583 : i32 to vector<16xi32>
            %lt3A_585 = arith.cmpi slt, %min3A_78, %lt3A_584 : vector<16xi32>
            %add3A_586 = arith.constant 16 : i32
            %add3A_587 = vector.broadcast %add3A_586 : i32 to vector<16xi32>
            %add3A_588 = arith.addi %min3A_78, %add3A_587 : vector<16xi32>
            %select_n3A_589 = arith.select %lt3A_585, %add3A_588, %min3A_78 : vector<16xi1>, vector<16xi32>
            %broadcast_in_dim3A_590 = vector.shape_cast %select_n3A_589 : vector<16xi32> to vector<16x1xi32>
            %gather3A_591 = vector.shape_cast %broadcast_in_dim3A_590 : vector<16x1xi32> to vector<16xi32>
            %gather3A_592 = tpu.dynamic_gather %get3A_572[%gather3A_591] in [0] : vector<16xf32>, vector<16xi32> -> vector<16xf32>
            %select_n3A_593 = arith.select %lt3A_79, %gather3A_582, %gather3A_592 : vector<16xi1>, vector<16xf32>
            %jit3A_594 = arith.constant 0.000000e+00 : f32
            %broadcast_in_dim3A_595 = vector.broadcast %jit3A_594 : f32 to vector<16xf32>
            %select_n3A_596 = arith.select %and3A_555, %select_n3A_593, %broadcast_in_dim3A_595 : vector<16xi1>, vector<16xf32>
            %get3A_597 = arith.index_cast %sub3A_96 : i32 to index
            %get3A_598 = arith.index_cast %multiple_of3A_558 : i32 to index
            %get3A_599 = tpu.vector_load %arg9[%get3A_597, %get3A_598] {strides = array<i32>} : memref<16x512xf32, #tpu.memory_space<vmem>>, vector<1x16xf32>,
            %get3A_600 = vector.shape_cast %get3A_599 : vector<1x16xf32> to vector<16xf32>
            %sub3A_601 = arith.constant 1.000000e+00 : f32
            %sub3A_602 = vector.broadcast %sub3A_601 : f32 to vector<16xf32>
            %sub3A_603 = arith.subf %sub3A_602, %select_n3A_596 : vector<16xf32>
            %mul3A_604 = arith.mulf %get3A_600, %sub3A_603 : vector<16xf32>
            %add3A_605 = arith.addf %select_n3A_596, %mul3A_604 : vector<16xf32>
            %add3A_606 = arith.constant 0 : i32
            %add3A_607 = arith.addi %mul3A_95, %add3A_606 : i32
            %add3A_608 = arith.constant 16 : i32
            %add3A_609 = arith.addi %add3A_607, %add3A_608 : i32
            %multiple_of3A_610 = tpu.assume_multiple %add3A_609, 16 : i32
            %add3A_611 = arith.constant 32 : i32
            %add3A_612 = arith.addi %add3A_607, %add3A_611 : i32
            %multiple_of3A_613 = tpu.assume_multiple %add3A_612, 16 : i32
            %get3A_614 = arith.index_cast %multiple_of3A_610 : i32 to index
            %get3A_615 = tpu.vector_load %arg10[%get3A_614] {strides = array<i32>} : memref<16384xf32, #tpu.memory_space<vmem>>, vector<16xf32>,
            %get3A_616 = vector.shape_cast %get3A_615 : vector<16xf32> to vector<16xf32>
            %get3A_617 = arith.index_cast %multiple_of3A_613 : i32 to index
            %get3A_618 = tpu.vector_load %arg10[%get3A_617] {strides = array<i32>} : memref<16384xf32, #tpu.memory_space<vmem>>, vector<16xf32>,
            %get3A_619 = vector.shape_cast %get3A_618 : vector<16xf32> to vector<16xf32>
            %lt3A_620 = arith.constant 0 : i32
            %lt3A_621 = vector.broadcast %lt3A_620 : i32 to vector<16xi32>
            %lt3A_622 = arith.cmpi slt, %min3A_70, %lt3A_621 : vector<16xi32>
            %add3A_623 = arith.constant 16 : i32
            %add3A_624 = vector.broadcast %add3A_623 : i32 to vector<16xi32>
            %add3A_625 = arith.addi %min3A_70, %add3A_624 : vector<16xi32>
            %select_n3A_626 = arith.select %lt3A_622, %add3A_625, %min3A_70 : vector<16xi1>, vector<16xi32>
            %broadcast_in_dim3A_627 = vector.shape_cast %select_n3A_626 : vector<16xi32> to vector<16x1xi32>
            %gather3A_628 = vector.shape_cast %broadcast_in_dim3A_627 : vector<16x1xi32> to vector<16xi32>
            %gather3A_629 = tpu.dynamic_gather %get3A_616[%gather3A_628] in [0] : vector<16xf32>, vector<16xi32> -> vector<16xf32>
            %lt3A_630 = arith.constant 0 : i32
            %lt3A_631 = vector.broadcast %lt3A_630 : i32 to vector<16xi32>
            %lt3A_632 = arith.cmpi slt, %min3A_78, %lt3A_631 : vector<16xi32>
            %add3A_633 = arith.constant 16 : i32
            %add3A_634 = vector.broadcast %add3A_633 : i32 to vector<16xi32>
            %add3A_635 = arith.addi %min3A_78, %add3A_634 : vector<16xi32>
            %select_n3A_636 = arith.select %lt3A_632, %add3A_635, %min3A_78 : vector<16xi1>, vector<16xi32>
            %broadcast_in_dim3A_637 = vector.shape_cast %select_n3A_636 : vector<16xi32> to vector<16x1xi32>
            %gather3A_638 = vector.shape_cast %broadcast_in_dim3A_637 : vector<16x1xi32> to vector<16xi32>
            %gather3A_639 = tpu.dynamic_gather %get3A_619[%gather3A_638] in [0] : vector<16xf32>, vector<16xi32> -> vector<16xf32>
            %select_n3A_640 = arith.select %lt3A_79, %gather3A_629, %gather3A_639 : vector<16xi1>, vector<16xf32>
            %get3A_641 = arith.constant 0 : i32
            %get3A_642 = arith.index_cast %get3A_641 : i32 to index
            %get3A_643 = arith.index_cast %sub3A_96 : i32 to index
            %get3A_644 = arith.index_cast %multiple_of3A_558 : i32 to index
            %get3A_645 = tpu.vector_load %arg8[%get3A_642, %get3A_643, %get3A_644] {strides = array<i32>} : memref<3x16x512xf32, #tpu.memory_space<vmem>>, vector<1x1x16xf32>,
            %get3A_646 = vector.shape_cast %get3A_645 : vector<1x1x16xf32> to vector<16xf32>
            %mul3A_647 = arith.mulf %select_n3A_640, %select_n3A_596 : vector<16xf32>
            %mul3A_648 = arith.mulf %get3A_646, %mul3A_604 : vector<16xf32>
            %add3A_649 = arith.addf %mul3A_647, %mul3A_648 : vector<16xf32>
            %div3A_650 = arith.divf %add3A_649, %add3A_605 : vector<16xf32>
            %select_n3A_651 = arith.select %and3A_555, %div3A_650, %get3A_646 : vector<16xi1>, vector<16xf32>
            %swap3A_652 = arith.constant 0 : i32
            %swap3A_653 = arith.index_cast %swap3A_652 : i32 to index
            %swap3A_654 = arith.index_cast %sub3A_96 : i32 to index
            %swap3A_655 = arith.index_cast %multiple_of3A_558 : i32 to index
            %swap3A_656 = tpu.vector_load %arg8[%swap3A_653, %swap3A_654, %swap3A_655] {strides = array<i32>} : memref<3x16x512xf32, #tpu.memory_space<vmem>>, vector<1x1x16xf32>,
            %swap3A_657 = vector.shape_cast %swap3A_656 : vector<1x1x16xf32> to vector<16xf32>
            %swap3A_658 = vector.shape_cast %select_n3A_651 : vector<16xf32> to vector<1x1x16xf32>
            tpu.vector_store %arg8[%swap3A_653, %swap3A_654, %swap3A_655], %swap3A_658 {strides = array<i32>} : memref<3x16x512xf32, #tpu.memory_space<vmem>>, vector<1x1x16xf32>,
            %add3A_659 = arith.constant 4096 : i32
            %add3A_660 = arith.addi %mul3A_95, %add3A_659 : i32
            %add3A_661 = arith.constant 16 : i32
            %add3A_662 = arith.addi %add3A_660, %add3A_661 : i32
            %multiple_of3A_663 = tpu.assume_multiple %add3A_662, 16 : i32
            %add3A_664 = arith.constant 32 : i32
            %add3A_665 = arith.addi %add3A_660, %add3A_664 : i32
            %multiple_of3A_666 = tpu.assume_multiple %add3A_665, 16 : i32
            %get3A_667 = arith.index_cast %multiple_of3A_663 : i32 to index
            %get3A_668 = tpu.vector_load %arg10[%get3A_667] {strides = array<i32>} : memref<16384xf32, #tpu.memory_space<vmem>>, vector<16xf32>,
            %get3A_669 = vector.shape_cast %get3A_668 : vector<16xf32> to vector<16xf32>
            %get3A_670 = arith.index_cast %multiple_of3A_666 : i32 to index
            %get3A_671 = tpu.vector_load %arg10[%get3A_670] {strides = array<i32>} : memref<16384xf32, #tpu.memory_space<vmem>>, vector<16xf32>,
            %get3A_672 = vector.shape_cast %get3A_671 : vector<16xf32> to vector<16xf32>
            %lt3A_673 = arith.constant 0 : i32
            %lt3A_674 = vector.broadcast %lt3A_673 : i32 to vector<16xi32>
            %lt3A_675 = arith.cmpi slt, %min3A_70, %lt3A_674 : vector<16xi32>
            %add3A_676 = arith.constant 16 : i32
            %add3A_677 = vector.broadcast %add3A_676 : i32 to vector<16xi32>
            %add3A_678 = arith.addi %min3A_70, %add3A_677 : vector<16xi32>
            %select_n3A_679 = arith.select %lt3A_675, %add3A_678, %min3A_70 : vector<16xi1>, vector<16xi32>
            %broadcast_in_dim3A_680 = vector.shape_cast %select_n3A_679 : vector<16xi32> to vector<16x1xi32>
            %gather3A_681 = vector.shape_cast %broadcast_in_dim3A_680 : vector<16x1xi32> to vector<16xi32>
            %gather3A_682 = tpu.dynamic_gather %get3A_669[%gather3A_681] in [0] : vector<16xf32>, vector<16xi32> -> vector<16xf32>
            %lt3A_683 = arith.constant 0 : i32
            %lt3A_684 = vector.broadcast %lt3A_683 : i32 to vector<16xi32>
            %lt3A_685 = arith.cmpi slt, %min3A_78, %lt3A_684 : vector<16xi32>
            %add3A_686 = arith.constant 16 : i32
            %add3A_687 = vector.broadcast %add3A_686 : i32 to vector<16xi32>
            %add3A_688 = arith.addi %min3A_78, %add3A_687 : vector<16xi32>
            %select_n3A_689 = arith.select %lt3A_685, %add3A_688, %min3A_78 : vector<16xi1>, vector<16xi32>
            %broadcast_in_dim3A_690 = vector.shape_cast %select_n3A_689 : vector<16xi32> to vector<16x1xi32>
            %gather3A_691 = vector.shape_cast %broadcast_in_dim3A_690 : vector<16x1xi32> to vector<16xi32>
            %gather3A_692 = tpu.dynamic_gather %get3A_672[%gather3A_691] in [0] : vector<16xf32>, vector<16xi32> -> vector<16xf32>
            %select_n3A_693 = arith.select %lt3A_79, %gather3A_682, %gather3A_692 : vector<16xi1>, vector<16xf32>
            %get3A_694 = arith.constant 1 : i32
            %get3A_695 = arith.index_cast %get3A_694 : i32 to index
            %get3A_696 = arith.index_cast %sub3A_96 : i32 to index
            %get3A_697 = arith.index_cast %multiple_of3A_558 : i32 to index
            %get3A_698 = tpu.vector_load %arg8[%get3A_695, %get3A_696, %get3A_697] {strides = array<i32>} : memref<3x16x512xf32, #tpu.memory_space<vmem>>, vector<1x1x16xf32>,
            %get3A_699 = vector.shape_cast %get3A_698 : vector<1x1x16xf32> to vector<16xf32>
            %mul3A_700 = arith.mulf %select_n3A_693, %select_n3A_596 : vector<16xf32>
            %mul3A_701 = arith.mulf %get3A_699, %mul3A_604 : vector<16xf32>
            %add3A_702 = arith.addf %mul3A_700, %mul3A_701 : vector<16xf32>
            %div3A_703 = arith.divf %add3A_702, %add3A_605 : vector<16xf32>
            %select_n3A_704 = arith.select %and3A_555, %div3A_703, %get3A_699 : vector<16xi1>, vector<16xf32>
            %swap3A_705 = arith.constant 1 : i32
            %swap3A_706 = arith.index_cast %swap3A_705 : i32 to index
            %swap3A_707 = arith.index_cast %sub3A_96 : i32 to index
            %swap3A_708 = arith.index_cast %multiple_of3A_558 : i32 to index
            %swap3A_709 = tpu.vector_load %arg8[%swap3A_706, %swap3A_707, %swap3A_708] {strides = array<i32>} : memref<3x16x512xf32, #tpu.memory_space<vmem>>, vector<1x1x16xf32>,
            %swap3A_710 = vector.shape_cast %swap3A_709 : vector<1x1x16xf32> to vector<16xf32>
            %swap3A_711 = vector.shape_cast %select_n3A_704 : vector<16xf32> to vector<1x1x16xf32>
            tpu.vector_store %arg8[%swap3A_706, %swap3A_707, %swap3A_708], %swap3A_711 {strides = array<i32>} : memref<3x16x512xf32, #tpu.memory_space<vmem>>, vector<1x1x16xf32>,
            %add3A_712 = arith.constant 8192 : i32
            %add3A_713 = arith.addi %mul3A_95, %add3A_712 : i32
            %add3A_714 = arith.constant 16 : i32
            %add3A_715 = arith.addi %add3A_713, %add3A_714 : i32
            %multiple_of3A_716 = tpu.assume_multiple %add3A_715, 16 : i32
            %add3A_717 = arith.constant 32 : i32
            %add3A_718 = arith.addi %add3A_713, %add3A_717 : i32
            %multiple_of3A_719 = tpu.assume_multiple %add3A_718, 16 : i32
            %get3A_720 = arith.index_cast %multiple_of3A_716 : i32 to index
            %get3A_721 = tpu.vector_load %arg10[%get3A_720] {strides = array<i32>} : memref<16384xf32, #tpu.memory_space<vmem>>, vector<16xf32>,
            %get3A_722 = vector.shape_cast %get3A_721 : vector<16xf32> to vector<16xf32>
            %get3A_723 = arith.index_cast %multiple_of3A_719 : i32 to index
            %get3A_724 = tpu.vector_load %arg10[%get3A_723] {strides = array<i32>} : memref<16384xf32, #tpu.memory_space<vmem>>, vector<16xf32>,
            %get3A_725 = vector.shape_cast %get3A_724 : vector<16xf32> to vector<16xf32>
            %lt3A_726 = arith.constant 0 : i32
            %lt3A_727 = vector.broadcast %lt3A_726 : i32 to vector<16xi32>
            %lt3A_728 = arith.cmpi slt, %min3A_70, %lt3A_727 : vector<16xi32>
            %add3A_729 = arith.constant 16 : i32
            %add3A_730 = vector.broadcast %add3A_729 : i32 to vector<16xi32>
            %add3A_731 = arith.addi %min3A_70, %add3A_730 : vector<16xi32>
            %select_n3A_732 = arith.select %lt3A_728, %add3A_731, %min3A_70 : vector<16xi1>, vector<16xi32>
            %broadcast_in_dim3A_733 = vector.shape_cast %select_n3A_732 : vector<16xi32> to vector<16x1xi32>
            %gather3A_734 = vector.shape_cast %broadcast_in_dim3A_733 : vector<16x1xi32> to vector<16xi32>
            %gather3A_735 = tpu.dynamic_gather %get3A_722[%gather3A_734] in [0] : vector<16xf32>, vector<16xi32> -> vector<16xf32>
            %lt3A_736 = arith.constant 0 : i32
            %lt3A_737 = vector.broadcast %lt3A_736 : i32 to vector<16xi32>
            %lt3A_738 = arith.cmpi slt, %min3A_78, %lt3A_737 : vector<16xi32>
            %add3A_739 = arith.constant 16 : i32
            %add3A_740 = vector.broadcast %add3A_739 : i32 to vector<16xi32>
            %add3A_741 = arith.addi %min3A_78, %add3A_740 : vector<16xi32>
            %select_n3A_742 = arith.select %lt3A_738, %add3A_741, %min3A_78 : vector<16xi1>, vector<16xi32>
            %broadcast_in_dim3A_743 = vector.shape_cast %select_n3A_742 : vector<16xi32> to vector<16x1xi32>
            %gather3A_744 = vector.shape_cast %broadcast_in_dim3A_743 : vector<16x1xi32> to vector<16xi32>
            %gather3A_745 = tpu.dynamic_gather %get3A_725[%gather3A_744] in [0] : vector<16xf32>, vector<16xi32> -> vector<16xf32>
            %select_n3A_746 = arith.select %lt3A_79, %gather3A_735, %gather3A_745 : vector<16xi1>, vector<16xf32>
            %get3A_747 = arith.constant 2 : i32
            %get3A_748 = arith.index_cast %get3A_747 : i32 to index
            %get3A_749 = arith.index_cast %sub3A_96 : i32 to index
            %get3A_750 = arith.index_cast %multiple_of3A_558 : i32 to index
            %get3A_751 = tpu.vector_load %arg8[%get3A_748, %get3A_749, %get3A_750] {strides = array<i32>} : memref<3x16x512xf32, #tpu.memory_space<vmem>>, vector<1x1x16xf32>,
            %get3A_752 = vector.shape_cast %get3A_751 : vector<1x1x16xf32> to vector<16xf32>
            %mul3A_753 = arith.mulf %select_n3A_746, %select_n3A_596 : vector<16xf32>
            %mul3A_754 = arith.mulf %get3A_752, %mul3A_604 : vector<16xf32>
            %add3A_755 = arith.addf %mul3A_753, %mul3A_754 : vector<16xf32>
            %div3A_756 = arith.divf %add3A_755, %add3A_605 : vector<16xf32>
            %select_n3A_757 = arith.select %and3A_555, %div3A_756, %get3A_752 : vector<16xi1>, vector<16xf32>
            %swap3A_758 = arith.constant 2 : i32
            %swap3A_759 = arith.index_cast %swap3A_758 : i32 to index
            %swap3A_760 = arith.index_cast %sub3A_96 : i32 to index
            %swap3A_761 = arith.index_cast %multiple_of3A_558 : i32 to index
            %swap3A_762 = tpu.vector_load %arg8[%swap3A_759, %swap3A_760, %swap3A_761] {strides = array<i32>} : memref<3x16x512xf32, #tpu.memory_space<vmem>>, vector<1x1x16xf32>,
            %swap3A_763 = vector.shape_cast %swap3A_762 : vector<1x1x16xf32> to vector<16xf32>
            %swap3A_764 = vector.shape_cast %select_n3A_757 : vector<16xf32> to vector<1x1x16xf32>
            tpu.vector_store %arg8[%swap3A_759, %swap3A_760, %swap3A_761], %swap3A_764 {strides = array<i32>} : memref<3x16x512xf32, #tpu.memory_space<vmem>>, vector<1x1x16xf32>,
            %select_n3A_765 = arith.select %and3A_555, %add3A_605, %get3A_600 : vector<16xi1>, vector<16xf32>
            %swap3A_766 = arith.index_cast %sub3A_96 : i32 to index
            %swap3A_767 = arith.index_cast %multiple_of3A_558 : i32 to index
            %swap3A_768 = tpu.vector_load %arg9[%swap3A_766, %swap3A_767] {strides = array<i32>} : memref<16x512xf32, #tpu.memory_space<vmem>>, vector<1x16xf32>,
            %swap3A_769 = vector.shape_cast %swap3A_768 : vector<1x16xf32> to vector<16xf32>
            %swap3A_770 = vector.shape_cast %select_n3A_765 : vector<16xf32> to vector<1x16xf32>
            tpu.vector_store %arg9[%swap3A_766, %swap3A_767], %swap3A_770 {strides = array<i32>} : memref<16x512xf32, #tpu.memory_space<vmem>>, vector<1x16xf32>,
            %sub3A_771 = arith.constant 48 : i32
            %sub3A_772 = arith.subi %sub3A_771, %sub3A_60 : i32
            %add3A_773 = vector.broadcast %sub3A_772 : i32 to vector<16xi32>
            %add3A_774 = arith.addi %iota3A, %add3A_773 : vector<16xi32>
            %ge3A_775 = arith.constant 0 : i32
            %ge3A_776 = vector.broadcast %ge3A_775 : i32 to vector<16xi32>
            %ge3A_777 = arith.cmpi sge, %add3A_774, %ge3A_776 : vector<16xi32>
            %lt3A_778 = arith.constant 64 : i32
            %lt3A_779 = vector.broadcast %lt3A_778 : i32 to vector<16xi32>
            %lt3A_780 = arith.cmpi slt, %add3A_774, %lt3A_779 : vector<16xi32>
            %and3A_781 = arith.andi %ge3A_777, %lt3A_780 : vector<16xi1>
            %add3A_782 = arith.constant 48 : i32
            %add3A_783 = arith.addi %multiple_of3A, %add3A_782 : i32
            %multiple_of3A_784 = tpu.assume_multiple %add3A_783, 16 : i32
            %add3A_785 = arith.constant 12288 : i32
            %add3A_786 = arith.addi %mul3A_95, %add3A_785 : i32
            %add3A_787 = arith.constant 32 : i32
            %add3A_788 = arith.addi %add3A_786, %add3A_787 : i32
            %multiple_of3A_789 = tpu.assume_multiple %add3A_788, 16 : i32
            %add3A_790 = arith.constant 48 : i32
            %add3A_791 = arith.addi %add3A_786, %add3A_790 : i32
            %multiple_of3A_792 = tpu.assume_multiple %add3A_791, 16 : i32
            %get3A_793 = arith.index_cast %multiple_of3A_789 : i32 to index
            %get3A_794 = tpu.vector_load %arg10[%get3A_793] {strides = array<i32>} : memref<16384xf32, #tpu.memory_space<vmem>>, vector<16xf32>,
            %get3A_795 = vector.shape_cast %get3A_794 : vector<16xf32> to vector<16xf32>
            %get3A_796 = arith.index_cast %multiple_of3A_792 : i32 to index
            %get3A_797 = tpu.vector_load %arg10[%get3A_796] {strides = array<i32>} : memref<16384xf32, #tpu.memory_space<vmem>>, vector<16xf32>,
            %get3A_798 = vector.shape_cast %get3A_797 : vector<16xf32> to vector<16xf32>
            %lt3A_799 = arith.constant 0 : i32
            %lt3A_800 = vector.broadcast %lt3A_799 : i32 to vector<16xi32>
            %lt3A_801 = arith.cmpi slt, %min3A_70, %lt3A_800 : vector<16xi32>
            %add3A_802 = arith.constant 16 : i32
            %add3A_803 = vector.broadcast %add3A_802 : i32 to vector<16xi32>
            %add3A_804 = arith.addi %min3A_70, %add3A_803 : vector<16xi32>
            %select_n3A_805 = arith.select %lt3A_801, %add3A_804, %min3A_70 : vector<16xi1>, vector<16xi32>
            %broadcast_in_dim3A_806 = vector.shape_cast %select_n3A_805 : vector<16xi32> to vector<16x1xi32>
            %gather3A_807 = vector.shape_cast %broadcast_in_dim3A_806 : vector<16x1xi32> to vector<16xi32>
            %gather3A_808 = tpu.dynamic_gather %get3A_795[%gather3A_807] in [0] : vector<16xf32>, vector<16xi32> -> vector<16xf32>
            %lt3A_809 = arith.constant 0 : i32
            %lt3A_810 = vector.broadcast %lt3A_809 : i32 to vector<16xi32>
            %lt3A_811 = arith.cmpi slt, %min3A_78, %lt3A_810 : vector<16xi32>
            %add3A_812 = arith.constant 16 : i32
            %add3A_813 = vector.broadcast %add3A_812 : i32 to vector<16xi32>
            %add3A_814 = arith.addi %min3A_78, %add3A_813 : vector<16xi32>
            %select_n3A_815 = arith.select %lt3A_811, %add3A_814, %min3A_78 : vector<16xi1>, vector<16xi32>
            %broadcast_in_dim3A_816 = vector.shape_cast %select_n3A_815 : vector<16xi32> to vector<16x1xi32>
            %gather3A_817 = vector.shape_cast %broadcast_in_dim3A_816 : vector<16x1xi32> to vector<16xi32>
            %gather3A_818 = tpu.dynamic_gather %get3A_798[%gather3A_817] in [0] : vector<16xf32>, vector<16xi32> -> vector<16xf32>
            %select_n3A_819 = arith.select %lt3A_79, %gather3A_808, %gather3A_818 : vector<16xi1>, vector<16xf32>
            %jit3A_820 = arith.constant 0.000000e+00 : f32
            %broadcast_in_dim3A_821 = vector.broadcast %jit3A_820 : f32 to vector<16xf32>
            %select_n3A_822 = arith.select %and3A_781, %select_n3A_819, %broadcast_in_dim3A_821 : vector<16xi1>, vector<16xf32>
            %get3A_823 = arith.index_cast %sub3A_96 : i32 to index
            %get3A_824 = arith.index_cast %multiple_of3A_784 : i32 to index
            %get3A_825 = tpu.vector_load %arg9[%get3A_823, %get3A_824] {strides = array<i32>} : memref<16x512xf32, #tpu.memory_space<vmem>>, vector<1x16xf32>,
            %get3A_826 = vector.shape_cast %get3A_825 : vector<1x16xf32> to vector<16xf32>
            %sub3A_827 = arith.constant 1.000000e+00 : f32
            %sub3A_828 = vector.broadcast %sub3A_827 : f32 to vector<16xf32>
            %sub3A_829 = arith.subf %sub3A_828, %select_n3A_822 : vector<16xf32>
            %mul3A_830 = arith.mulf %get3A_826, %sub3A_829 : vector<16xf32>
            %add3A_831 = arith.addf %select_n3A_822, %mul3A_830 : vector<16xf32>
            %add3A_832 = arith.constant 0 : i32
            %add3A_833 = arith.addi %mul3A_95, %add3A_832 : i32
            %add3A_834 = arith.constant 32 : i32
            %add3A_835 = arith.addi %add3A_833, %add3A_834 : i32
            %multiple_of3A_836 = tpu.assume_multiple %add3A_835, 16 : i32
            %add3A_837 = arith.constant 48 : i32
            %add3A_838 = arith.addi %add3A_833, %add3A_837 : i32
            %multiple_of3A_839 = tpu.assume_multiple %add3A_838, 16 : i32
            %get3A_840 = arith.index_cast %multiple_of3A_836 : i32 to index
            %get3A_841 = tpu.vector_load %arg10[%get3A_840] {strides = array<i32>} : memref<16384xf32, #tpu.memory_space<vmem>>, vector<16xf32>,
            %get3A_842 = vector.shape_cast %get3A_841 : vector<16xf32> to vector<16xf32>
            %get3A_843 = arith.index_cast %multiple_of3A_839 : i32 to index
            %get3A_844 = tpu.vector_load %arg10[%get3A_843] {strides = array<i32>} : memref<16384xf32, #tpu.memory_space<vmem>>, vector<16xf32>,
            %get3A_845 = vector.shape_cast %get3A_844 : vector<16xf32> to vector<16xf32>
            %lt3A_846 = arith.constant 0 : i32
            %lt3A_847 = vector.broadcast %lt3A_846 : i32 to vector<16xi32>
            %lt3A_848 = arith.cmpi slt, %min3A_70, %lt3A_847 : vector<16xi32>
            %add3A_849 = arith.constant 16 : i32
            %add3A_850 = vector.broadcast %add3A_849 : i32 to vector<16xi32>
            %add3A_851 = arith.addi %min3A_70, %add3A_850 : vector<16xi32>
            %select_n3A_852 = arith.select %lt3A_848, %add3A_851, %min3A_70 : vector<16xi1>, vector<16xi32>
            %broadcast_in_dim3A_853 = vector.shape_cast %select_n3A_852 : vector<16xi32> to vector<16x1xi32>
            %gather3A_854 = vector.shape_cast %broadcast_in_dim3A_853 : vector<16x1xi32> to vector<16xi32>
            %gather3A_855 = tpu.dynamic_gather %get3A_842[%gather3A_854] in [0] : vector<16xf32>, vector<16xi32> -> vector<16xf32>
            %lt3A_856 = arith.constant 0 : i32
            %lt3A_857 = vector.broadcast %lt3A_856 : i32 to vector<16xi32>
            %lt3A_858 = arith.cmpi slt, %min3A_78, %lt3A_857 : vector<16xi32>
            %add3A_859 = arith.constant 16 : i32
            %add3A_860 = vector.broadcast %add3A_859 : i32 to vector<16xi32>
            %add3A_861 = arith.addi %min3A_78, %add3A_860 : vector<16xi32>
            %select_n3A_862 = arith.select %lt3A_858, %add3A_861, %min3A_78 : vector<16xi1>, vector<16xi32>
            %broadcast_in_dim3A_863 = vector.shape_cast %select_n3A_862 : vector<16xi32> to vector<16x1xi32>
            %gather3A_864 = vector.shape_cast %broadcast_in_dim3A_863 : vector<16x1xi32> to vector<16xi32>
            %gather3A_865 = tpu.dynamic_gather %get3A_845[%gather3A_864] in [0] : vector<16xf32>, vector<16xi32> -> vector<16xf32>
            %select_n3A_866 = arith.select %lt3A_79, %gather3A_855, %gather3A_865 : vector<16xi1>, vector<16xf32>
            %get3A_867 = arith.constant 0 : i32
            %get3A_868 = arith.index_cast %get3A_867 : i32 to index
            %get3A_869 = arith.index_cast %sub3A_96 : i32 to index
            %get3A_870 = arith.index_cast %multiple_of3A_784 : i32 to index
            %get3A_871 = tpu.vector_load %arg8[%get3A_868, %get3A_869, %get3A_870] {strides = array<i32>} : memref<3x16x512xf32, #tpu.memory_space<vmem>>, vector<1x1x16xf32>,
            %get3A_872 = vector.shape_cast %get3A_871 : vector<1x1x16xf32> to vector<16xf32>
            %mul3A_873 = arith.mulf %select_n3A_866, %select_n3A_822 : vector<16xf32>
            %mul3A_874 = arith.mulf %get3A_872, %mul3A_830 : vector<16xf32>
            %add3A_875 = arith.addf %mul3A_873, %mul3A_874 : vector<16xf32>
            %div3A_876 = arith.divf %add3A_875, %add3A_831 : vector<16xf32>
            %select_n3A_877 = arith.select %and3A_781, %div3A_876, %get3A_872 : vector<16xi1>, vector<16xf32>
            %swap3A_878 = arith.constant 0 : i32
            %swap3A_879 = arith.index_cast %swap3A_878 : i32 to index
            %swap3A_880 = arith.index_cast %sub3A_96 : i32 to index
            %swap3A_881 = arith.index_cast %multiple_of3A_784 : i32 to index
            %swap3A_882 = tpu.vector_load %arg8[%swap3A_879, %swap3A_880, %swap3A_881] {strides = array<i32>} : memref<3x16x512xf32, #tpu.memory_space<vmem>>, vector<1x1x16xf32>,
            %swap3A_883 = vector.shape_cast %swap3A_882 : vector<1x1x16xf32> to vector<16xf32>
            %swap3A_884 = vector.shape_cast %select_n3A_877 : vector<16xf32> to vector<1x1x16xf32>
            tpu.vector_store %arg8[%swap3A_879, %swap3A_880, %swap3A_881], %swap3A_884 {strides = array<i32>} : memref<3x16x512xf32, #tpu.memory_space<vmem>>, vector<1x1x16xf32>,
            %add3A_885 = arith.constant 4096 : i32
            %add3A_886 = arith.addi %mul3A_95, %add3A_885 : i32
            %add3A_887 = arith.constant 32 : i32
            %add3A_888 = arith.addi %add3A_886, %add3A_887 : i32
            %multiple_of3A_889 = tpu.assume_multiple %add3A_888, 16 : i32
            %add3A_890 = arith.constant 48 : i32
            %add3A_891 = arith.addi %add3A_886, %add3A_890 : i32
            %multiple_of3A_892 = tpu.assume_multiple %add3A_891, 16 : i32
            %get3A_893 = arith.index_cast %multiple_of3A_889 : i32 to index
            %get3A_894 = tpu.vector_load %arg10[%get3A_893] {strides = array<i32>} : memref<16384xf32, #tpu.memory_space<vmem>>, vector<16xf32>,
            %get3A_895 = vector.shape_cast %get3A_894 : vector<16xf32> to vector<16xf32>
            %get3A_896 = arith.index_cast %multiple_of3A_892 : i32 to index
            %get3A_897 = tpu.vector_load %arg10[%get3A_896] {strides = array<i32>} : memref<16384xf32, #tpu.memory_space<vmem>>, vector<16xf32>,
            %get3A_898 = vector.shape_cast %get3A_897 : vector<16xf32> to vector<16xf32>
            %lt3A_899 = arith.constant 0 : i32
            %lt3A_900 = vector.broadcast %lt3A_899 : i32 to vector<16xi32>
            %lt3A_901 = arith.cmpi slt, %min3A_70, %lt3A_900 : vector<16xi32>
            %add3A_902 = arith.constant 16 : i32
            %add3A_903 = vector.broadcast %add3A_902 : i32 to vector<16xi32>
            %add3A_904 = arith.addi %min3A_70, %add3A_903 : vector<16xi32>
            %select_n3A_905 = arith.select %lt3A_901, %add3A_904, %min3A_70 : vector<16xi1>, vector<16xi32>
            %broadcast_in_dim3A_906 = vector.shape_cast %select_n3A_905 : vector<16xi32> to vector<16x1xi32>
            %gather3A_907 = vector.shape_cast %broadcast_in_dim3A_906 : vector<16x1xi32> to vector<16xi32>
            %gather3A_908 = tpu.dynamic_gather %get3A_895[%gather3A_907] in [0] : vector<16xf32>, vector<16xi32> -> vector<16xf32>
            %lt3A_909 = arith.constant 0 : i32
            %lt3A_910 = vector.broadcast %lt3A_909 : i32 to vector<16xi32>
            %lt3A_911 = arith.cmpi slt, %min3A_78, %lt3A_910 : vector<16xi32>
            %add3A_912 = arith.constant 16 : i32
            %add3A_913 = vector.broadcast %add3A_912 : i32 to vector<16xi32>
            %add3A_914 = arith.addi %min3A_78, %add3A_913 : vector<16xi32>
            %select_n3A_915 = arith.select %lt3A_911, %add3A_914, %min3A_78 : vector<16xi1>, vector<16xi32>
            %broadcast_in_dim3A_916 = vector.shape_cast %select_n3A_915 : vector<16xi32> to vector<16x1xi32>
            %gather3A_917 = vector.shape_cast %broadcast_in_dim3A_916 : vector<16x1xi32> to vector<16xi32>
            %gather3A_918 = tpu.dynamic_gather %get3A_898[%gather3A_917] in [0] : vector<16xf32>, vector<16xi32> -> vector<16xf32>
            %select_n3A_919 = arith.select %lt3A_79, %gather3A_908, %gather3A_918 : vector<16xi1>, vector<16xf32>
            %get3A_920 = arith.constant 1 : i32
            %get3A_921 = arith.index_cast %get3A_920 : i32 to index
            %get3A_922 = arith.index_cast %sub3A_96 : i32 to index
            %get3A_923 = arith.index_cast %multiple_of3A_784 : i32 to index
            %get3A_924 = tpu.vector_load %arg8[%get3A_921, %get3A_922, %get3A_923] {strides = array<i32>} : memref<3x16x512xf32, #tpu.memory_space<vmem>>, vector<1x1x16xf32>,
            %get3A_925 = vector.shape_cast %get3A_924 : vector<1x1x16xf32> to vector<16xf32>
            %mul3A_926 = arith.mulf %select_n3A_919, %select_n3A_822 : vector<16xf32>
            %mul3A_927 = arith.mulf %get3A_925, %mul3A_830 : vector<16xf32>
            %add3A_928 = arith.addf %mul3A_926, %mul3A_927 : vector<16xf32>
            %div3A_929 = arith.divf %add3A_928, %add3A_831 : vector<16xf32>
            %select_n3A_930 = arith.select %and3A_781, %div3A_929, %get3A_925 : vector<16xi1>, vector<16xf32>
            %swap3A_931 = arith.constant 1 : i32
            %swap3A_932 = arith.index_cast %swap3A_931 : i32 to index
            %swap3A_933 = arith.index_cast %sub3A_96 : i32 to index
            %swap3A_934 = arith.index_cast %multiple_of3A_784 : i32 to index
            %swap3A_935 = tpu.vector_load %arg8[%swap3A_932, %swap3A_933, %swap3A_934] {strides = array<i32>} : memref<3x16x512xf32, #tpu.memory_space<vmem>>, vector<1x1x16xf32>,
            %swap3A_936 = vector.shape_cast %swap3A_935 : vector<1x1x16xf32> to vector<16xf32>
            %swap3A_937 = vector.shape_cast %select_n3A_930 : vector<16xf32> to vector<1x1x16xf32>
            tpu.vector_store %arg8[%swap3A_932, %swap3A_933, %swap3A_934], %swap3A_937 {strides = array<i32>} : memref<3x16x512xf32, #tpu.memory_space<vmem>>, vector<1x1x16xf32>,
            %add3A_938 = arith.constant 8192 : i32
            %add3A_939 = arith.addi %mul3A_95, %add3A_938 : i32
            %add3A_940 = arith.constant 32 : i32
            %add3A_941 = arith.addi %add3A_939, %add3A_940 : i32
            %multiple_of3A_942 = tpu.assume_multiple %add3A_941, 16 : i32
            %add3A_943 = arith.constant 48 : i32
            %add3A_944 = arith.addi %add3A_939, %add3A_943 : i32
            %multiple_of3A_945 = tpu.assume_multiple %add3A_944, 16 : i32
            %get3A_946 = arith.index_cast %multiple_of3A_942 : i32 to index
            %get3A_947 = tpu.vector_load %arg10[%get3A_946] {strides = array<i32>} : memref<16384xf32, #tpu.memory_space<vmem>>, vector<16xf32>,
            %get3A_948 = vector.shape_cast %get3A_947 : vector<16xf32> to vector<16xf32>
            %get3A_949 = arith.index_cast %multiple_of3A_945 : i32 to index
            %get3A_950 = tpu.vector_load %arg10[%get3A_949] {strides = array<i32>} : memref<16384xf32, #tpu.memory_space<vmem>>, vector<16xf32>,
            %get3A_951 = vector.shape_cast %get3A_950 : vector<16xf32> to vector<16xf32>
            %lt3A_952 = arith.constant 0 : i32
            %lt3A_953 = vector.broadcast %lt3A_952 : i32 to vector<16xi32>
            %lt3A_954 = arith.cmpi slt, %min3A_70, %lt3A_953 : vector<16xi32>
            %add3A_955 = arith.constant 16 : i32
            %add3A_956 = vector.broadcast %add3A_955 : i32 to vector<16xi32>
            %add3A_957 = arith.addi %min3A_70, %add3A_956 : vector<16xi32>
            %select_n3A_958 = arith.select %lt3A_954, %add3A_957, %min3A_70 : vector<16xi1>, vector<16xi32>
            %broadcast_in_dim3A_959 = vector.shape_cast %select_n3A_958 : vector<16xi32> to vector<16x1xi32>
            %gather3A_960 = vector.shape_cast %broadcast_in_dim3A_959 : vector<16x1xi32> to vector<16xi32>
            %gather3A_961 = tpu.dynamic_gather %get3A_948[%gather3A_960] in [0] : vector<16xf32>, vector<16xi32> -> vector<16xf32>
            %lt3A_962 = arith.constant 0 : i32
            %lt3A_963 = vector.broadcast %lt3A_962 : i32 to vector<16xi32>
            %lt3A_964 = arith.cmpi slt, %min3A_78, %lt3A_963 : vector<16xi32>
            %add3A_965 = arith.constant 16 : i32
            %add3A_966 = vector.broadcast %add3A_965 : i32 to vector<16xi32>
            %add3A_967 = arith.addi %min3A_78, %add3A_966 : vector<16xi32>
            %select_n3A_968 = arith.select %lt3A_964, %add3A_967, %min3A_78 : vector<16xi1>, vector<16xi32>
            %broadcast_in_dim3A_969 = vector.shape_cast %select_n3A_968 : vector<16xi32> to vector<16x1xi32>
            %gather3A_970 = vector.shape_cast %broadcast_in_dim3A_969 : vector<16x1xi32> to vector<16xi32>
            %gather3A_971 = tpu.dynamic_gather %get3A_951[%gather3A_970] in [0] : vector<16xf32>, vector<16xi32> -> vector<16xf32>
            %select_n3A_972 = arith.select %lt3A_79, %gather3A_961, %gather3A_971 : vector<16xi1>, vector<16xf32>
            %get3A_973 = arith.constant 2 : i32
            %get3A_974 = arith.index_cast %get3A_973 : i32 to index
            %get3A_975 = arith.index_cast %sub3A_96 : i32 to index
            %get3A_976 = arith.index_cast %multiple_of3A_784 : i32 to index
            %get3A_977 = tpu.vector_load %arg8[%get3A_974, %get3A_975, %get3A_976] {strides = array<i32>} : memref<3x16x512xf32, #tpu.memory_space<vmem>>, vector<1x1x16xf32>,
            %get3A_978 = vector.shape_cast %get3A_977 : vector<1x1x16xf32> to vector<16xf32>
            %mul3A_979 = arith.mulf %select_n3A_972, %select_n3A_822 : vector<16xf32>
            %mul3A_980 = arith.mulf %get3A_978, %mul3A_830 : vector<16xf32>
            %add3A_981 = arith.addf %mul3A_979, %mul3A_980 : vector<16xf32>
            %div3A_982 = arith.divf %add3A_981, %add3A_831 : vector<16xf32>
            %select_n3A_983 = arith.select %and3A_781, %div3A_982, %get3A_978 : vector<16xi1>, vector<16xf32>
            %swap3A_984 = arith.constant 2 : i32
            %swap3A_985 = arith.index_cast %swap3A_984 : i32 to index
            %swap3A_986 = arith.index_cast %sub3A_96 : i32 to index
            %swap3A_987 = arith.index_cast %multiple_of3A_784 : i32 to index
            %swap3A_988 = tpu.vector_load %arg8[%swap3A_985, %swap3A_986, %swap3A_987] {strides = array<i32>} : memref<3x16x512xf32, #tpu.memory_space<vmem>>, vector<1x1x16xf32>,
            %swap3A_989 = vector.shape_cast %swap3A_988 : vector<1x1x16xf32> to vector<16xf32>
            %swap3A_990 = vector.shape_cast %select_n3A_983 : vector<16xf32> to vector<1x1x16xf32>
            tpu.vector_store %arg8[%swap3A_985, %swap3A_986, %swap3A_987], %swap3A_990 {strides = array<i32>} : memref<3x16x512xf32, #tpu.memory_space<vmem>>, vector<1x1x16xf32>,
            %select_n3A_991 = arith.select %and3A_781, %add3A_831, %get3A_826 : vector<16xi1>, vector<16xf32>
            %swap3A_992 = arith.index_cast %sub3A_96 : i32 to index
            %swap3A_993 = arith.index_cast %multiple_of3A_784 : i32 to index
            %swap3A_994 = tpu.vector_load %arg9[%swap3A_992, %swap3A_993] {strides = array<i32>} : memref<16x512xf32, #tpu.memory_space<vmem>>, vector<1x16xf32>,
            %swap3A_995 = vector.shape_cast %swap3A_994 : vector<1x16xf32> to vector<16xf32>
            %swap3A_996 = vector.shape_cast %select_n3A_991 : vector<16xf32> to vector<1x16xf32>
            tpu.vector_store %arg9[%swap3A_992, %swap3A_993], %swap3A_996 {strides = array<i32>} : memref<16x512xf32, #tpu.memory_space<vmem>>, vector<1x16xf32>,
            %sub3A_997 = arith.constant 64 : i32
            %sub3A_998 = arith.subi %sub3A_997, %sub3A_60 : i32
            %add3A_999 = vector.broadcast %sub3A_998 : i32 to vector<16xi32>
            %add3A_1000 = arith.addi %iota3A, %add3A_999 : vector<16xi32>
            %ge3A_1001 = arith.constant 0 : i32
            %ge3A_1002 = vector.broadcast %ge3A_1001 : i32 to vector<16xi32>
            %ge3A_1003 = arith.cmpi sge, %add3A_1000, %ge3A_1002 : vector<16xi32>
            %lt3A_1004 = arith.constant 64 : i32
            %lt3A_1005 = vector.broadcast %lt3A_1004 : i32 to vector<16xi32>
            %lt3A_1006 = arith.cmpi slt, %add3A_1000, %lt3A_1005 : vector<16xi32>
            %and3A_1007 = arith.andi %ge3A_1003, %lt3A_1006 : vector<16xi1>
            %add3A_1008 = arith.constant 64 : i32
            %add3A_1009 = arith.addi %multiple_of3A, %add3A_1008 : i32
            %multiple_of3A_1010 = tpu.assume_multiple %add3A_1009, 16 : i32
            %add3A_1011 = arith.constant 12288 : i32
            %add3A_1012 = arith.addi %mul3A_95, %add3A_1011 : i32
            %add3A_1013 = arith.constant 48 : i32
            %add3A_1014 = arith.addi %add3A_1012, %add3A_1013 : i32
            %multiple_of3A_1015 = tpu.assume_multiple %add3A_1014, 16 : i32
            %add3A_1016 = arith.constant 48 : i32
            %add3A_1017 = arith.addi %add3A_1012, %add3A_1016 : i32
            %multiple_of3A_1018 = tpu.assume_multiple %add3A_1017, 16 : i32
            %get3A_1019 = arith.index_cast %multiple_of3A_1015 : i32 to index
            %get3A_1020 = tpu.vector_load %arg10[%get3A_1019] {strides = array<i32>} : memref<16384xf32, #tpu.memory_space<vmem>>, vector<16xf32>,
            %get3A_1021 = vector.shape_cast %get3A_1020 : vector<16xf32> to vector<16xf32>
            %get3A_1022 = arith.index_cast %multiple_of3A_1018 : i32 to index
            %get3A_1023 = tpu.vector_load %arg10[%get3A_1022] {strides = array<i32>} : memref<16384xf32, #tpu.memory_space<vmem>>, vector<16xf32>,
            %get3A_1024 = vector.shape_cast %get3A_1023 : vector<16xf32> to vector<16xf32>
            %lt3A_1025 = arith.constant 0 : i32
            %lt3A_1026 = vector.broadcast %lt3A_1025 : i32 to vector<16xi32>
            %lt3A_1027 = arith.cmpi slt, %min3A_70, %lt3A_1026 : vector<16xi32>
            %add3A_1028 = arith.constant 16 : i32
            %add3A_1029 = vector.broadcast %add3A_1028 : i32 to vector<16xi32>
            %add3A_1030 = arith.addi %min3A_70, %add3A_1029 : vector<16xi32>
            %select_n3A_1031 = arith.select %lt3A_1027, %add3A_1030, %min3A_70 : vector<16xi1>, vector<16xi32>
            %broadcast_in_dim3A_1032 = vector.shape_cast %select_n3A_1031 : vector<16xi32> to vector<16x1xi32>
            %gather3A_1033 = vector.shape_cast %broadcast_in_dim3A_1032 : vector<16x1xi32> to vector<16xi32>
            %gather3A_1034 = tpu.dynamic_gather %get3A_1021[%gather3A_1033] in [0] : vector<16xf32>, vector<16xi32> -> vector<16xf32>
            %lt3A_1035 = arith.constant 0 : i32
            %lt3A_1036 = vector.broadcast %lt3A_1035 : i32 to vector<16xi32>
            %lt3A_1037 = arith.cmpi slt, %min3A_78, %lt3A_1036 : vector<16xi32>
            %add3A_1038 = arith.constant 16 : i32
            %add3A_1039 = vector.broadcast %add3A_1038 : i32 to vector<16xi32>
            %add3A_1040 = arith.addi %min3A_78, %add3A_1039 : vector<16xi32>
            %select_n3A_1041 = arith.select %lt3A_1037, %add3A_1040, %min3A_78 : vector<16xi1>, vector<16xi32>
            %broadcast_in_dim3A_1042 = vector.shape_cast %select_n3A_1041 : vector<16xi32> to vector<16x1xi32>
            %gather3A_1043 = vector.shape_cast %broadcast_in_dim3A_1042 : vector<16x1xi32> to vector<16xi32>
            %gather3A_1044 = tpu.dynamic_gather %get3A_1024[%gather3A_1043] in [0] : vector<16xf32>, vector<16xi32> -> vector<16xf32>
            %select_n3A_1045 = arith.select %lt3A_79, %gather3A_1034, %gather3A_1044 : vector<16xi1>, vector<16xf32>
            %jit3A_1046 = arith.constant 0.000000e+00 : f32
            %broadcast_in_dim3A_1047 = vector.broadcast %jit3A_1046 : f32 to vector<16xf32>
            %select_n3A_1048 = arith.select %and3A_1007, %select_n3A_1045, %broadcast_in_dim3A_1047 : vector<16xi1>, vector<16xf32>
            %get3A_1049 = arith.index_cast %sub3A_96 : i32 to index
            %get3A_1050 = arith.index_cast %multiple_of3A_1010 : i32 to index
            %get3A_1051 = tpu.vector_load %arg9[%get3A_1049, %get3A_1050] {strides = array<i32>} : memref<16x512xf32, #tpu.memory_space<vmem>>, vector<1x16xf32>,
            %get3A_1052 = vector.shape_cast %get3A_1051 : vector<1x16xf32> to vector<16xf32>
            %sub3A_1053 = arith.constant 1.000000e+00 : f32
            %sub3A_1054 = vector.broadcast %sub3A_1053 : f32 to vector<16xf32>
            %sub3A_1055 = arith.subf %sub3A_1054, %select_n3A_1048 : vector<16xf32>
            %mul3A_1056 = arith.mulf %get3A_1052, %sub3A_1055 : vector<16xf32>
            %add3A_1057 = arith.addf %select_n3A_1048, %mul3A_1056 : vector<16xf32>
            %add3A_1058 = arith.constant 0 : i32
            %add3A_1059 = arith.addi %mul3A_95, %add3A_1058 : i32
            %add3A_1060 = arith.constant 48 : i32
            %add3A_1061 = arith.addi %add3A_1059, %add3A_1060 : i32
            %multiple_of3A_1062 = tpu.assume_multiple %add3A_1061, 16 : i32
            %add3A_1063 = arith.constant 48 : i32
            %add3A_1064 = arith.addi %add3A_1059, %add3A_1063 : i32
            %multiple_of3A_1065 = tpu.assume_multiple %add3A_1064, 16 : i32
            %get3A_1066 = arith.index_cast %multiple_of3A_1062 : i32 to index
            %get3A_1067 = tpu.vector_load %arg10[%get3A_1066] {strides = array<i32>} : memref<16384xf32, #tpu.memory_space<vmem>>, vector<16xf32>,
            %get3A_1068 = vector.shape_cast %get3A_1067 : vector<16xf32> to vector<16xf32>
            %get3A_1069 = arith.index_cast %multiple_of3A_1065 : i32 to index
            %get3A_1070 = tpu.vector_load %arg10[%get3A_1069] {strides = array<i32>} : memref<16384xf32, #tpu.memory_space<vmem>>, vector<16xf32>,
            %get3A_1071 = vector.shape_cast %get3A_1070 : vector<16xf32> to vector<16xf32>
            %lt3A_1072 = arith.constant 0 : i32
            %lt3A_1073 = vector.broadcast %lt3A_1072 : i32 to vector<16xi32>
            %lt3A_1074 = arith.cmpi slt, %min3A_70, %lt3A_1073 : vector<16xi32>
            %add3A_1075 = arith.constant 16 : i32
            %add3A_1076 = vector.broadcast %add3A_1075 : i32 to vector<16xi32>
            %add3A_1077 = arith.addi %min3A_70, %add3A_1076 : vector<16xi32>
            %select_n3A_1078 = arith.select %lt3A_1074, %add3A_1077, %min3A_70 : vector<16xi1>, vector<16xi32>
            %broadcast_in_dim3A_1079 = vector.shape_cast %select_n3A_1078 : vector<16xi32> to vector<16x1xi32>
            %gather3A_1080 = vector.shape_cast %broadcast_in_dim3A_1079 : vector<16x1xi32> to vector<16xi32>
            %gather3A_1081 = tpu.dynamic_gather %get3A_1068[%gather3A_1080] in [0] : vector<16xf32>, vector<16xi32> -> vector<16xf32>
            %lt3A_1082 = arith.constant 0 : i32
            %lt3A_1083 = vector.broadcast %lt3A_1082 : i32 to vector<16xi32>
            %lt3A_1084 = arith.cmpi slt, %min3A_78, %lt3A_1083 : vector<16xi32>
            %add3A_1085 = arith.constant 16 : i32
            %add3A_1086 = vector.broadcast %add3A_1085 : i32 to vector<16xi32>
            %add3A_1087 = arith.addi %min3A_78, %add3A_1086 : vector<16xi32>
            %select_n3A_1088 = arith.select %lt3A_1084, %add3A_1087, %min3A_78 : vector<16xi1>, vector<16xi32>
            %broadcast_in_dim3A_1089 = vector.shape_cast %select_n3A_1088 : vector<16xi32> to vector<16x1xi32>
            %gather3A_1090 = vector.shape_cast %broadcast_in_dim3A_1089 : vector<16x1xi32> to vector<16xi32>
            %gather3A_1091 = tpu.dynamic_gather %get3A_1071[%gather3A_1090] in [0] : vector<16xf32>, vector<16xi32> -> vector<16xf32>
            %select_n3A_1092 = arith.select %lt3A_79, %gather3A_1081, %gather3A_1091 : vector<16xi1>, vector<16xf32>
            %get3A_1093 = arith.constant 0 : i32
            %get3A_1094 = arith.index_cast %get3A_1093 : i32 to index
            %get3A_1095 = arith.index_cast %sub3A_96 : i32 to index
            %get3A_1096 = arith.index_cast %multiple_of3A_1010 : i32 to index
            %get3A_1097 = tpu.vector_load %arg8[%get3A_1094, %get3A_1095, %get3A_1096] {strides = array<i32>} : memref<3x16x512xf32, #tpu.memory_space<vmem>>, vector<1x1x16xf32>,
            %get3A_1098 = vector.shape_cast %get3A_1097 : vector<1x1x16xf32> to vector<16xf32>
            %mul3A_1099 = arith.mulf %select_n3A_1092, %select_n3A_1048 : vector<16xf32>
            %mul3A_1100 = arith.mulf %get3A_1098, %mul3A_1056 : vector<16xf32>
            %add3A_1101 = arith.addf %mul3A_1099, %mul3A_1100 : vector<16xf32>
            %div3A_1102 = arith.divf %add3A_1101, %add3A_1057 : vector<16xf32>
            %select_n3A_1103 = arith.select %and3A_1007, %div3A_1102, %get3A_1098 : vector<16xi1>, vector<16xf32>
            %swap3A_1104 = arith.constant 0 : i32
            %swap3A_1105 = arith.index_cast %swap3A_1104 : i32 to index
            %swap3A_1106 = arith.index_cast %sub3A_96 : i32 to index
            %swap3A_1107 = arith.index_cast %multiple_of3A_1010 : i32 to index
            %swap3A_1108 = tpu.vector_load %arg8[%swap3A_1105, %swap3A_1106, %swap3A_1107] {strides = array<i32>} : memref<3x16x512xf32, #tpu.memory_space<vmem>>, vector<1x1x16xf32>,
            %swap3A_1109 = vector.shape_cast %swap3A_1108 : vector<1x1x16xf32> to vector<16xf32>
            %swap3A_1110 = vector.shape_cast %select_n3A_1103 : vector<16xf32> to vector<1x1x16xf32>
            tpu.vector_store %arg8[%swap3A_1105, %swap3A_1106, %swap3A_1107], %swap3A_1110 {strides = array<i32>} : memref<3x16x512xf32, #tpu.memory_space<vmem>>, vector<1x1x16xf32>,
            %add3A_1111 = arith.constant 4096 : i32
            %add3A_1112 = arith.addi %mul3A_95, %add3A_1111 : i32
            %add3A_1113 = arith.constant 48 : i32
            %add3A_1114 = arith.addi %add3A_1112, %add3A_1113 : i32
            %multiple_of3A_1115 = tpu.assume_multiple %add3A_1114, 16 : i32
            %add3A_1116 = arith.constant 48 : i32
            %add3A_1117 = arith.addi %add3A_1112, %add3A_1116 : i32
            %multiple_of3A_1118 = tpu.assume_multiple %add3A_1117, 16 : i32
            %get3A_1119 = arith.index_cast %multiple_of3A_1115 : i32 to index
            %get3A_1120 = tpu.vector_load %arg10[%get3A_1119] {strides = array<i32>} : memref<16384xf32, #tpu.memory_space<vmem>>, vector<16xf32>,
            %get3A_1121 = vector.shape_cast %get3A_1120 : vector<16xf32> to vector<16xf32>
            %get3A_1122 = arith.index_cast %multiple_of3A_1118 : i32 to index
            %get3A_1123 = tpu.vector_load %arg10[%get3A_1122] {strides = array<i32>} : memref<16384xf32, #tpu.memory_space<vmem>>, vector<16xf32>,
            %get3A_1124 = vector.shape_cast %get3A_1123 : vector<16xf32> to vector<16xf32>
            %lt3A_1125 = arith.constant 0 : i32
            %lt3A_1126 = vector.broadcast %lt3A_1125 : i32 to vector<16xi32>
            %lt3A_1127 = arith.cmpi slt, %min3A_70, %lt3A_1126 : vector<16xi32>
            %add3A_1128 = arith.constant 16 : i32
            %add3A_1129 = vector.broadcast %add3A_1128 : i32 to vector<16xi32>
            %add3A_1130 = arith.addi %min3A_70, %add3A_1129 : vector<16xi32>
            %select_n3A_1131 = arith.select %lt3A_1127, %add3A_1130, %min3A_70 : vector<16xi1>, vector<16xi32>
            %broadcast_in_dim3A_1132 = vector.shape_cast %select_n3A_1131 : vector<16xi32> to vector<16x1xi32>
            %gather3A_1133 = vector.shape_cast %broadcast_in_dim3A_1132 : vector<16x1xi32> to vector<16xi32>
            %gather3A_1134 = tpu.dynamic_gather %get3A_1121[%gather3A_1133] in [0] : vector<16xf32>, vector<16xi32> -> vector<16xf32>
            %lt3A_1135 = arith.constant 0 : i32
            %lt3A_1136 = vector.broadcast %lt3A_1135 : i32 to vector<16xi32>
            %lt3A_1137 = arith.cmpi slt, %min3A_78, %lt3A_1136 : vector<16xi32>
            %add3A_1138 = arith.constant 16 : i32
            %add3A_1139 = vector.broadcast %add3A_1138 : i32 to vector<16xi32>
            %add3A_1140 = arith.addi %min3A_78, %add3A_1139 : vector<16xi32>
            %select_n3A_1141 = arith.select %lt3A_1137, %add3A_1140, %min3A_78 : vector<16xi1>, vector<16xi32>
            %broadcast_in_dim3A_1142 = vector.shape_cast %select_n3A_1141 : vector<16xi32> to vector<16x1xi32>
            %gather3A_1143 = vector.shape_cast %broadcast_in_dim3A_1142 : vector<16x1xi32> to vector<16xi32>
            %gather3A_1144 = tpu.dynamic_gather %get3A_1124[%gather3A_1143] in [0] : vector<16xf32>, vector<16xi32> -> vector<16xf32>
            %select_n3A_1145 = arith.select %lt3A_79, %gather3A_1134, %gather3A_1144 : vector<16xi1>, vector<16xf32>
            %get3A_1146 = arith.constant 1 : i32
            %get3A_1147 = arith.index_cast %get3A_1146 : i32 to index
            %get3A_1148 = arith.index_cast %sub3A_96 : i32 to index
            %get3A_1149 = arith.index_cast %multiple_of3A_1010 : i32 to index
            %get3A_1150 = tpu.vector_load %arg8[%get3A_1147, %get3A_1148, %get3A_1149] {strides = array<i32>} : memref<3x16x512xf32, #tpu.memory_space<vmem>>, vector<1x1x16xf32>,
            %get3A_1151 = vector.shape_cast %get3A_1150 : vector<1x1x16xf32> to vector<16xf32>
            %mul3A_1152 = arith.mulf %select_n3A_1145, %select_n3A_1048 : vector<16xf32>
            %mul3A_1153 = arith.mulf %get3A_1151, %mul3A_1056 : vector<16xf32>
            %add3A_1154 = arith.addf %mul3A_1152, %mul3A_1153 : vector<16xf32>
            %div3A_1155 = arith.divf %add3A_1154, %add3A_1057 : vector<16xf32>
            %select_n3A_1156 = arith.select %and3A_1007, %div3A_1155, %get3A_1151 : vector<16xi1>, vector<16xf32>
            %swap3A_1157 = arith.constant 1 : i32
            %swap3A_1158 = arith.index_cast %swap3A_1157 : i32 to index
            %swap3A_1159 = arith.index_cast %sub3A_96 : i32 to index
            %swap3A_1160 = arith.index_cast %multiple_of3A_1010 : i32 to index
            %swap3A_1161 = tpu.vector_load %arg8[%swap3A_1158, %swap3A_1159, %swap3A_1160] {strides = array<i32>} : memref<3x16x512xf32, #tpu.memory_space<vmem>>, vector<1x1x16xf32>,
            %swap3A_1162 = vector.shape_cast %swap3A_1161 : vector<1x1x16xf32> to vector<16xf32>
            %swap3A_1163 = vector.shape_cast %select_n3A_1156 : vector<16xf32> to vector<1x1x16xf32>
            tpu.vector_store %arg8[%swap3A_1158, %swap3A_1159, %swap3A_1160], %swap3A_1163 {strides = array<i32>} : memref<3x16x512xf32, #tpu.memory_space<vmem>>, vector<1x1x16xf32>,
            %add3A_1164 = arith.constant 8192 : i32
            %add3A_1165 = arith.addi %mul3A_95, %add3A_1164 : i32
            %add3A_1166 = arith.constant 48 : i32
            %add3A_1167 = arith.addi %add3A_1165, %add3A_1166 : i32
            %multiple_of3A_1168 = tpu.assume_multiple %add3A_1167, 16 : i32
            %add3A_1169 = arith.constant 48 : i32
            %add3A_1170 = arith.addi %add3A_1165, %add3A_1169 : i32
            %multiple_of3A_1171 = tpu.assume_multiple %add3A_1170, 16 : i32
            %get3A_1172 = arith.index_cast %multiple_of3A_1168 : i32 to index
            %get3A_1173 = tpu.vector_load %arg10[%get3A_1172] {strides = array<i32>} : memref<16384xf32, #tpu.memory_space<vmem>>, vector<16xf32>,
            %get3A_1174 = vector.shape_cast %get3A_1173 : vector<16xf32> to vector<16xf32>
            %get3A_1175 = arith.index_cast %multiple_of3A_1171 : i32 to index
            %get3A_1176 = tpu.vector_load %arg10[%get3A_1175] {strides = array<i32>} : memref<16384xf32, #tpu.memory_space<vmem>>, vector<16xf32>,
            %get3A_1177 = vector.shape_cast %get3A_1176 : vector<16xf32> to vector<16xf32>
            %lt3A_1178 = arith.constant 0 : i32
            %lt3A_1179 = vector.broadcast %lt3A_1178 : i32 to vector<16xi32>
            %lt3A_1180 = arith.cmpi slt, %min3A_70, %lt3A_1179 : vector<16xi32>
            %add3A_1181 = arith.constant 16 : i32
            %add3A_1182 = vector.broadcast %add3A_1181 : i32 to vector<16xi32>
            %add3A_1183 = arith.addi %min3A_70, %add3A_1182 : vector<16xi32>
            %select_n3A_1184 = arith.select %lt3A_1180, %add3A_1183, %min3A_70 : vector<16xi1>, vector<16xi32>
            %broadcast_in_dim3A_1185 = vector.shape_cast %select_n3A_1184 : vector<16xi32> to vector<16x1xi32>
            %gather3A_1186 = vector.shape_cast %broadcast_in_dim3A_1185 : vector<16x1xi32> to vector<16xi32>
            %gather3A_1187 = tpu.dynamic_gather %get3A_1174[%gather3A_1186] in [0] : vector<16xf32>, vector<16xi32> -> vector<16xf32>
            %lt3A_1188 = arith.constant 0 : i32
            %lt3A_1189 = vector.broadcast %lt3A_1188 : i32 to vector<16xi32>
            %lt3A_1190 = arith.cmpi slt, %min3A_78, %lt3A_1189 : vector<16xi32>
            %add3A_1191 = arith.constant 16 : i32
            %add3A_1192 = vector.broadcast %add3A_1191 : i32 to vector<16xi32>
            %add3A_1193 = arith.addi %min3A_78, %add3A_1192 : vector<16xi32>
            %select_n3A_1194 = arith.select %lt3A_1190, %add3A_1193, %min3A_78 : vector<16xi1>, vector<16xi32>
            %broadcast_in_dim3A_1195 = vector.shape_cast %select_n3A_1194 : vector<16xi32> to vector<16x1xi32>
            %gather3A_1196 = vector.shape_cast %broadcast_in_dim3A_1195 : vector<16x1xi32> to vector<16xi32>
            %gather3A_1197 = tpu.dynamic_gather %get3A_1177[%gather3A_1196] in [0] : vector<16xf32>, vector<16xi32> -> vector<16xf32>
            %select_n3A_1198 = arith.select %lt3A_79, %gather3A_1187, %gather3A_1197 : vector<16xi1>, vector<16xf32>
            %get3A_1199 = arith.constant 2 : i32
            %get3A_1200 = arith.index_cast %get3A_1199 : i32 to index
            %get3A_1201 = arith.index_cast %sub3A_96 : i32 to index
            %get3A_1202 = arith.index_cast %multiple_of3A_1010 : i32 to index
            %get3A_1203 = tpu.vector_load %arg8[%get3A_1200, %get3A_1201, %get3A_1202] {strides = array<i32>} : memref<3x16x512xf32, #tpu.memory_space<vmem>>, vector<1x1x16xf32>,
            %get3A_1204 = vector.shape_cast %get3A_1203 : vector<1x1x16xf32> to vector<16xf32>
            %mul3A_1205 = arith.mulf %select_n3A_1198, %select_n3A_1048 : vector<16xf32>
            %mul3A_1206 = arith.mulf %get3A_1204, %mul3A_1056 : vector<16xf32>
            %add3A_1207 = arith.addf %mul3A_1205, %mul3A_1206 : vector<16xf32>
            %div3A_1208 = arith.divf %add3A_1207, %add3A_1057 : vector<16xf32>
            %select_n3A_1209 = arith.select %and3A_1007, %div3A_1208, %get3A_1204 : vector<16xi1>, vector<16xf32>
            %swap3A_1210 = arith.constant 2 : i32
            %swap3A_1211 = arith.index_cast %swap3A_1210 : i32 to index
            %swap3A_1212 = arith.index_cast %sub3A_96 : i32 to index
            %swap3A_1213 = arith.index_cast %multiple_of3A_1010 : i32 to index
            %swap3A_1214 = tpu.vector_load %arg8[%swap3A_1211, %swap3A_1212, %swap3A_1213] {strides = array<i32>} : memref<3x16x512xf32, #tpu.memory_space<vmem>>, vector<1x1x16xf32>,
            %swap3A_1215 = vector.shape_cast %swap3A_1214 : vector<1x1x16xf32> to vector<16xf32>
            %swap3A_1216 = vector.shape_cast %select_n3A_1209 : vector<16xf32> to vector<1x1x16xf32>
            tpu.vector_store %arg8[%swap3A_1211, %swap3A_1212, %swap3A_1213], %swap3A_1216 {strides = array<i32>} : memref<3x16x512xf32, #tpu.memory_space<vmem>>, vector<1x1x16xf32>,
            %select_n3A_1217 = arith.select %and3A_1007, %add3A_1057, %get3A_1052 : vector<16xi1>, vector<16xf32>
            %swap3A_1218 = arith.index_cast %sub3A_96 : i32 to index
            %swap3A_1219 = arith.index_cast %multiple_of3A_1010 : i32 to index
            %swap3A_1220 = tpu.vector_load %arg9[%swap3A_1218, %swap3A_1219] {strides = array<i32>} : memref<16x512xf32, #tpu.memory_space<vmem>>, vector<1x16xf32>,
            %swap3A_1221 = vector.shape_cast %swap3A_1220 : vector<1x16xf32> to vector<16xf32>
            %swap3A_1222 = vector.shape_cast %select_n3A_1217 : vector<16xf32> to vector<1x16xf32>
            tpu.vector_store %arg9[%swap3A_1218, %swap3A_1219], %swap3A_1222 {strides = array<i32>} : memref<16x512xf32, #tpu.memory_space<vmem>>, vector<1x16xf32>,
          }
          %while3A_90 = arith.constant 1 : i32
          scf.for %while3A_91 = %while3A_88 to %while3A_84 step %while3A_90  : i32 {
            %add3A_92 = arith.addi %max3A, %while3A_91 : i32
            %sub3A_93 = arith.subi %add3A_92, %squeeze3A_27 : i32
            %mul3A_94 = arith.constant 64 : i32
            %mul3A_95 = arith.muli %sub3A_93, %mul3A_94 : i32
            %sub3A_96 = arith.subi %add3A_92, %mul3A_2 : i32
            %sub3A_97 = arith.constant 0 : i32
            %sub3A_98 = arith.subi %sub3A_97, %sub3A_60 : i32
            %add3A_99 = vector.broadcast %sub3A_98 : i32 to vector<16xi32>
            %add3A_100 = arith.addi %iota3A, %add3A_99 : vector<16xi32>
            %ge3A = arith.constant 0 : i32
            %ge3A_101 = vector.broadcast %ge3A : i32 to vector<16xi32>
            %ge3A_102 = arith.cmpi sge, %add3A_100, %ge3A_101 : vector<16xi32>
            %lt3A_103 = arith.constant 64 : i32
            %lt3A_104 = vector.broadcast %lt3A_103 : i32 to vector<16xi32>
            %lt3A_105 = arith.cmpi slt, %add3A_100, %lt3A_104 : vector<16xi32>
            %and3A_106 = arith.andi %ge3A_102, %lt3A_105 : vector<16xi1>
            %add3A_107 = arith.constant 0 : i32
            %add3A_108 = arith.addi %multiple_of3A, %add3A_107 : i32
            %multiple_of3A_109 = tpu.assume_multiple %add3A_108, 16 : i32
            %add3A_110 = arith.constant 12288 : i32
            %add3A_111 = arith.addi %mul3A_95, %add3A_110 : i32
            %add3A_112 = arith.constant 0 : i32
            %add3A_113 = arith.addi %add3A_111, %add3A_112 : i32
            %multiple_of3A_114 = tpu.assume_multiple %add3A_113, 16 : i32
            %add3A_115 = arith.constant 0 : i32
            %add3A_116 = arith.addi %add3A_111, %add3A_115 : i32
            %multiple_of3A_117 = tpu.assume_multiple %add3A_116, 16 : i32
            %get3A_118 = arith.index_cast %multiple_of3A_114 : i32 to index
            %get3A_119 = tpu.vector_load %arg10[%get3A_118] {strides = array<i32>} : memref<16384xf32, #tpu.memory_space<vmem>>, vector<16xf32>,
            %get3A_120 = vector.shape_cast %get3A_119 : vector<16xf32> to vector<16xf32>
            %get3A_121 = arith.index_cast %multiple_of3A_117 : i32 to index
            %get3A_122 = tpu.vector_load %arg10[%get3A_121] {strides = array<i32>} : memref<16384xf32, #tpu.memory_space<vmem>>, vector<16xf32>,
            %get3A_123 = vector.shape_cast %get3A_122 : vector<16xf32> to vector<16xf32>
            %lt3A_124 = arith.constant 0 : i32
            %lt3A_125 = vector.broadcast %lt3A_124 : i32 to vector<16xi32>
            %lt3A_126 = arith.cmpi slt, %min3A_70, %lt3A_125 : vector<16xi32>
            %add3A_127 = arith.constant 16 : i32
            %add3A_128 = vector.broadcast %add3A_127 : i32 to vector<16xi32>
            %add3A_129 = arith.addi %min3A_70, %add3A_128 : vector<16xi32>
            %select_n3A_130 = arith.select %lt3A_126, %add3A_129, %min3A_70 : vector<16xi1>, vector<16xi32>
            %broadcast_in_dim3A = vector.shape_cast %select_n3A_130 : vector<16xi32> to vector<16x1xi32>
            %gather3A = vector.shape_cast %broadcast_in_dim3A : vector<16x1xi32> to vector<16xi32>
            %gather3A_131 = tpu.dynamic_gather %get3A_120[%gather3A] in [0] : vector<16xf32>, vector<16xi32> -> vector<16xf32>
            %lt3A_132 = arith.constant 0 : i32
            %lt3A_133 = vector.broadcast %lt3A_132 : i32 to vector<16xi32>
            %lt3A_134 = arith.cmpi slt, %min3A_78, %lt3A_133 : vector<16xi32>
            %add3A_135 = arith.constant 16 : i32
            %add3A_136 = vector.broadcast %add3A_135 : i32 to vector<16xi32>
            %add3A_137 = arith.addi %min3A_78, %add3A_136 : vector<16xi32>
            %select_n3A_138 = arith.select %lt3A_134, %add3A_137, %min3A_78 : vector<16xi1>, vector<16xi32>
            %broadcast_in_dim3A_139 = vector.shape_cast %select_n3A_138 : vector<16xi32> to vector<16x1xi32>
            %gather3A_140 = vector.shape_cast %broadcast_in_dim3A_139 : vector<16x1xi32> to vector<16xi32>
            %gather3A_141 = tpu.dynamic_gather %get3A_123[%gather3A_140] in [0] : vector<16xf32>, vector<16xi32> -> vector<16xf32>
            %select_n3A_142 = arith.select %lt3A_79, %gather3A_131, %gather3A_141 : vector<16xi1>, vector<16xf32>
            %jit3A_143 = arith.constant 0.000000e+00 : f32
            %broadcast_in_dim3A_144 = vector.broadcast %jit3A_143 : f32 to vector<16xf32>
            %select_n3A_145 = arith.select %and3A_106, %select_n3A_142, %broadcast_in_dim3A_144 : vector<16xi1>, vector<16xf32>
            %get3A_146 = arith.index_cast %sub3A_96 : i32 to index
            %get3A_147 = arith.index_cast %multiple_of3A_109 : i32 to index
            %get3A_148 = tpu.vector_load %arg9[%get3A_146, %get3A_147] {strides = array<i32>} : memref<16x512xf32, #tpu.memory_space<vmem>>, vector<1x16xf32>,
            %get3A_149 = vector.shape_cast %get3A_148 : vector<1x16xf32> to vector<16xf32>
            %sub3A_150 = arith.constant 1.000000e+00 : f32
            %sub3A_151 = vector.broadcast %sub3A_150 : f32 to vector<16xf32>
            %sub3A_152 = arith.subf %sub3A_151, %select_n3A_145 : vector<16xf32>
            %mul3A_153 = arith.mulf %get3A_149, %sub3A_152 : vector<16xf32>
            %add3A_154 = arith.addf %select_n3A_145, %mul3A_153 : vector<16xf32>
            %add3A_155 = arith.constant 0 : i32
            %add3A_156 = arith.addi %mul3A_95, %add3A_155 : i32
            %add3A_157 = arith.constant 0 : i32
            %add3A_158 = arith.addi %add3A_156, %add3A_157 : i32
            %multiple_of3A_159 = tpu.assume_multiple %add3A_158, 16 : i32
            %add3A_160 = arith.constant 0 : i32
            %add3A_161 = arith.addi %add3A_156, %add3A_160 : i32
            %multiple_of3A_162 = tpu.assume_multiple %add3A_161, 16 : i32
            %get3A_163 = arith.index_cast %multiple_of3A_159 : i32 to index
            %get3A_164 = tpu.vector_load %arg10[%get3A_163] {strides = array<i32>} : memref<16384xf32, #tpu.memory_space<vmem>>, vector<16xf32>,
            %get3A_165 = vector.shape_cast %get3A_164 : vector<16xf32> to vector<16xf32>
            %get3A_166 = arith.index_cast %multiple_of3A_162 : i32 to index
            %get3A_167 = tpu.vector_load %arg10[%get3A_166] {strides = array<i32>} : memref<16384xf32, #tpu.memory_space<vmem>>, vector<16xf32>,
            %get3A_168 = vector.shape_cast %get3A_167 : vector<16xf32> to vector<16xf32>
            %lt3A_169 = arith.constant 0 : i32
            %lt3A_170 = vector.broadcast %lt3A_169 : i32 to vector<16xi32>
            %lt3A_171 = arith.cmpi slt, %min3A_70, %lt3A_170 : vector<16xi32>
            %add3A_172 = arith.constant 16 : i32
            %add3A_173 = vector.broadcast %add3A_172 : i32 to vector<16xi32>
            %add3A_174 = arith.addi %min3A_70, %add3A_173 : vector<16xi32>
            %select_n3A_175 = arith.select %lt3A_171, %add3A_174, %min3A_70 : vector<16xi1>, vector<16xi32>
            %broadcast_in_dim3A_176 = vector.shape_cast %select_n3A_175 : vector<16xi32> to vector<16x1xi32>
            %gather3A_177 = vector.shape_cast %broadcast_in_dim3A_176 : vector<16x1xi32> to vector<16xi32>
            %gather3A_178 = tpu.dynamic_gather %get3A_165[%gather3A_177] in [0] : vector<16xf32>, vector<16xi32> -> vector<16xf32>
            %lt3A_179 = arith.constant 0 : i32
            %lt3A_180 = vector.broadcast %lt3A_179 : i32 to vector<16xi32>
            %lt3A_181 = arith.cmpi slt, %min3A_78, %lt3A_180 : vector<16xi32>
            %add3A_182 = arith.constant 16 : i32
            %add3A_183 = vector.broadcast %add3A_182 : i32 to vector<16xi32>
            %add3A_184 = arith.addi %min3A_78, %add3A_183 : vector<16xi32>
            %select_n3A_185 = arith.select %lt3A_181, %add3A_184, %min3A_78 : vector<16xi1>, vector<16xi32>
            %broadcast_in_dim3A_186 = vector.shape_cast %select_n3A_185 : vector<16xi32> to vector<16x1xi32>
            %gather3A_187 = vector.shape_cast %broadcast_in_dim3A_186 : vector<16x1xi32> to vector<16xi32>
            %gather3A_188 = tpu.dynamic_gather %get3A_168[%gather3A_187] in [0] : vector<16xf32>, vector<16xi32> -> vector<16xf32>
            %select_n3A_189 = arith.select %lt3A_79, %gather3A_178, %gather3A_188 : vector<16xi1>, vector<16xf32>
            %get3A_190 = arith.constant 0 : i32
            %get3A_191 = arith.index_cast %get3A_190 : i32 to index
            %get3A_192 = arith.index_cast %sub3A_96 : i32 to index
            %get3A_193 = arith.index_cast %multiple_of3A_109 : i32 to index
            %get3A_194 = tpu.vector_load %arg8[%get3A_191, %get3A_192, %get3A_193] {strides = array<i32>} : memref<3x16x512xf32, #tpu.memory_space<vmem>>, vector<1x1x16xf32>,
            %get3A_195 = vector.shape_cast %get3A_194 : vector<1x1x16xf32> to vector<16xf32>
            %mul3A_196 = arith.mulf %select_n3A_189, %select_n3A_145 : vector<16xf32>
            %mul3A_197 = arith.mulf %get3A_195, %mul3A_153 : vector<16xf32>
            %add3A_198 = arith.addf %mul3A_196, %mul3A_197 : vector<16xf32>
            %div3A_199 = arith.divf %add3A_198, %add3A_154 : vector<16xf32>
            %select_n3A_200 = arith.select %and3A_106, %div3A_199, %get3A_195 : vector<16xi1>, vector<16xf32>
            %swap3A = arith.constant 0 : i32
            %swap3A_201 = arith.index_cast %swap3A : i32 to index
            %swap3A_202 = arith.index_cast %sub3A_96 : i32 to index
            %swap3A_203 = arith.index_cast %multiple_of3A_109 : i32 to index
            %swap3A_204 = tpu.vector_load %arg8[%swap3A_201, %swap3A_202, %swap3A_203] {strides = array<i32>} : memref<3x16x512xf32, #tpu.memory_space<vmem>>, vector<1x1x16xf32>,
            %swap3A_205 = vector.shape_cast %swap3A_204 : vector<1x1x16xf32> to vector<16xf32>
            %swap3A_206 = vector.shape_cast %select_n3A_200 : vector<16xf32> to vector<1x1x16xf32>
            tpu.vector_store %arg8[%swap3A_201, %swap3A_202, %swap3A_203], %swap3A_206 {strides = array<i32>} : memref<3x16x512xf32, #tpu.memory_space<vmem>>, vector<1x1x16xf32>,
            %add3A_207 = arith.constant 4096 : i32
            %add3A_208 = arith.addi %mul3A_95, %add3A_207 : i32
            %add3A_209 = arith.constant 0 : i32
            %add3A_210 = arith.addi %add3A_208, %add3A_209 : i32
            %multiple_of3A_211 = tpu.assume_multiple %add3A_210, 16 : i32
            %add3A_212 = arith.constant 0 : i32
            %add3A_213 = arith.addi %add3A_208, %add3A_212 : i32
            %multiple_of3A_214 = tpu.assume_multiple %add3A_213, 16 : i32
            %get3A_215 = arith.index_cast %multiple_of3A_211 : i32 to index
            %get3A_216 = tpu.vector_load %arg10[%get3A_215] {strides = array<i32>} : memref<16384xf32, #tpu.memory_space<vmem>>, vector<16xf32>,
            %get3A_217 = vector.shape_cast %get3A_216 : vector<16xf32> to vector<16xf32>
            %get3A_218 = arith.index_cast %multiple_of3A_214 : i32 to index
            %get3A_219 = tpu.vector_load %arg10[%get3A_218] {strides = array<i32>} : memref<16384xf32, #tpu.memory_space<vmem>>, vector<16xf32>,
            %get3A_220 = vector.shape_cast %get3A_219 : vector<16xf32> to vector<16xf32>
            %lt3A_221 = arith.constant 0 : i32
            %lt3A_222 = vector.broadcast %lt3A_221 : i32 to vector<16xi32>
            %lt3A_223 = arith.cmpi slt, %min3A_70, %lt3A_222 : vector<16xi32>
            %add3A_224 = arith.constant 16 : i32
            %add3A_225 = vector.broadcast %add3A_224 : i32 to vector<16xi32>
            %add3A_226 = arith.addi %min3A_70, %add3A_225 : vector<16xi32>
            %select_n3A_227 = arith.select %lt3A_223, %add3A_226, %min3A_70 : vector<16xi1>, vector<16xi32>
            %broadcast_in_dim3A_228 = vector.shape_cast %select_n3A_227 : vector<16xi32> to vector<16x1xi32>
            %gather3A_229 = vector.shape_cast %broadcast_in_dim3A_228 : vector<16x1xi32> to vector<16xi32>
            %gather3A_230 = tpu.dynamic_gather %get3A_217[%gather3A_229] in [0] : vector<16xf32>, vector<16xi32> -> vector<16xf32>
            %lt3A_231 = arith.constant 0 : i32
            %lt3A_232 = vector.broadcast %lt3A_231 : i32 to vector<16xi32>
            %lt3A_233 = arith.cmpi slt, %min3A_78, %lt3A_232 : vector<16xi32>
            %add3A_234 = arith.constant 16 : i32
            %add3A_235 = vector.broadcast %add3A_234 : i32 to vector<16xi32>
            %add3A_236 = arith.addi %min3A_78, %add3A_235 : vector<16xi32>
            %select_n3A_237 = arith.select %lt3A_233, %add3A_236, %min3A_78 : vector<16xi1>, vector<16xi32>
            %broadcast_in_dim3A_238 = vector.shape_cast %select_n3A_237 : vector<16xi32> to vector<16x1xi32>
            %gather3A_239 = vector.shape_cast %broadcast_in_dim3A_238 : vector<16x1xi32> to vector<16xi32>
            %gather3A_240 = tpu.dynamic_gather %get3A_220[%gather3A_239] in [0] : vector<16xf32>, vector<16xi32> -> vector<16xf32>
            %select_n3A_241 = arith.select %lt3A_79, %gather3A_230, %gather3A_240 : vector<16xi1>, vector<16xf32>
            %get3A_242 = arith.constant 1 : i32
            %get3A_243 = arith.index_cast %get3A_242 : i32 to index
            %get3A_244 = arith.index_cast %sub3A_96 : i32 to index
            %get3A_245 = arith.index_cast %multiple_of3A_109 : i32 to index
            %get3A_246 = tpu.vector_load %arg8[%get3A_243, %get3A_244, %get3A_245] {strides = array<i32>} : memref<3x16x512xf32, #tpu.memory_space<vmem>>, vector<1x1x16xf32>,
            %get3A_247 = vector.shape_cast %get3A_246 : vector<1x1x16xf32> to vector<16xf32>
            %mul3A_248 = arith.mulf %select_n3A_241, %select_n3A_145 : vector<16xf32>
            %mul3A_249 = arith.mulf %get3A_247, %mul3A_153 : vector<16xf32>
            %add3A_250 = arith.addf %mul3A_248, %mul3A_249 : vector<16xf32>
            %div3A_251 = arith.divf %add3A_250, %add3A_154 : vector<16xf32>
            %select_n3A_252 = arith.select %and3A_106, %div3A_251, %get3A_247 : vector<16xi1>, vector<16xf32>
            %swap3A_253 = arith.constant 1 : i32
            %swap3A_254 = arith.index_cast %swap3A_253 : i32 to index
            %swap3A_255 = arith.index_cast %sub3A_96 : i32 to index
            %swap3A_256 = arith.index_cast %multiple_of3A_109 : i32 to index
            %swap3A_257 = tpu.vector_load %arg8[%swap3A_254, %swap3A_255, %swap3A_256] {strides = array<i32>} : memref<3x16x512xf32, #tpu.memory_space<vmem>>, vector<1x1x16xf32>,
            %swap3A_258 = vector.shape_cast %swap3A_257 : vector<1x1x16xf32> to vector<16xf32>
            %swap3A_259 = vector.shape_cast %select_n3A_252 : vector<16xf32> to vector<1x1x16xf32>
            tpu.vector_store %arg8[%swap3A_254, %swap3A_255, %swap3A_256], %swap3A_259 {strides = array<i32>} : memref<3x16x512xf32, #tpu.memory_space<vmem>>, vector<1x1x16xf32>,
            %add3A_260 = arith.constant 8192 : i32
            %add3A_261 = arith.addi %mul3A_95, %add3A_260 : i32
            %add3A_262 = arith.constant 0 : i32
            %add3A_263 = arith.addi %add3A_261, %add3A_262 : i32
            %multiple_of3A_264 = tpu.assume_multiple %add3A_263, 16 : i32
            %add3A_265 = arith.constant 0 : i32
            %add3A_266 = arith.addi %add3A_261, %add3A_265 : i32
            %multiple_of3A_267 = tpu.assume_multiple %add3A_266, 16 : i32
            %get3A_268 = arith.index_cast %multiple_of3A_264 : i32 to index
            %get3A_269 = tpu.vector_load %arg10[%get3A_268] {strides = array<i32>} : memref<16384xf32, #tpu.memory_space<vmem>>, vector<16xf32>,
            %get3A_270 = vector.shape_cast %get3A_269 : vector<16xf32> to vector<16xf32>
            %get3A_271 = arith.index_cast %multiple_of3A_267 : i32 to index
            %get3A_272 = tpu.vector_load %arg10[%get3A_271] {strides = array<i32>} : memref<16384xf32, #tpu.memory_space<vmem>>, vector<16xf32>,
            %get3A_273 = vector.shape_cast %get3A_272 : vector<16xf32> to vector<16xf32>
            %lt3A_274 = arith.constant 0 : i32
            %lt3A_275 = vector.broadcast %lt3A_274 : i32 to vector<16xi32>
            %lt3A_276 = arith.cmpi slt, %min3A_70, %lt3A_275 : vector<16xi32>
            %add3A_277 = arith.constant 16 : i32
            %add3A_278 = vector.broadcast %add3A_277 : i32 to vector<16xi32>
            %add3A_279 = arith.addi %min3A_70, %add3A_278 : vector<16xi32>
            %select_n3A_280 = arith.select %lt3A_276, %add3A_279, %min3A_70 : vector<16xi1>, vector<16xi32>
            %broadcast_in_dim3A_281 = vector.shape_cast %select_n3A_280 : vector<16xi32> to vector<16x1xi32>
            %gather3A_282 = vector.shape_cast %broadcast_in_dim3A_281 : vector<16x1xi32> to vector<16xi32>
            %gather3A_283 = tpu.dynamic_gather %get3A_270[%gather3A_282] in [0] : vector<16xf32>, vector<16xi32> -> vector<16xf32>
            %lt3A_284 = arith.constant 0 : i32
            %lt3A_285 = vector.broadcast %lt3A_284 : i32 to vector<16xi32>
            %lt3A_286 = arith.cmpi slt, %min3A_78, %lt3A_285 : vector<16xi32>
            %add3A_287 = arith.constant 16 : i32
            %add3A_288 = vector.broadcast %add3A_287 : i32 to vector<16xi32>
            %add3A_289 = arith.addi %min3A_78, %add3A_288 : vector<16xi32>
            %select_n3A_290 = arith.select %lt3A_286, %add3A_289, %min3A_78 : vector<16xi1>, vector<16xi32>
            %broadcast_in_dim3A_291 = vector.shape_cast %select_n3A_290 : vector<16xi32> to vector<16x1xi32>
            %gather3A_292 = vector.shape_cast %broadcast_in_dim3A_291 : vector<16x1xi32> to vector<16xi32>
            %gather3A_293 = tpu.dynamic_gather %get3A_273[%gather3A_292] in [0] : vector<16xf32>, vector<16xi32> -> vector<16xf32>
            %select_n3A_294 = arith.select %lt3A_79, %gather3A_283, %gather3A_293 : vector<16xi1>, vector<16xf32>
            %get3A_295 = arith.constant 2 : i32
            %get3A_296 = arith.index_cast %get3A_295 : i32 to index
            %get3A_297 = arith.index_cast %sub3A_96 : i32 to index
            %get3A_298 = arith.index_cast %multiple_of3A_109 : i32 to index
            %get3A_299 = tpu.vector_load %arg8[%get3A_296, %get3A_297, %get3A_298] {strides = array<i32>} : memref<3x16x512xf32, #tpu.memory_space<vmem>>, vector<1x1x16xf32>,
            %get3A_300 = vector.shape_cast %get3A_299 : vector<1x1x16xf32> to vector<16xf32>
            %mul3A_301 = arith.mulf %select_n3A_294, %select_n3A_145 : vector<16xf32>
            %mul3A_302 = arith.mulf %get3A_300, %mul3A_153 : vector<16xf32>
            %add3A_303 = arith.addf %mul3A_301, %mul3A_302 : vector<16xf32>
            %div3A_304 = arith.divf %add3A_303, %add3A_154 : vector<16xf32>
            %select_n3A_305 = arith.select %and3A_106, %div3A_304, %get3A_300 : vector<16xi1>, vector<16xf32>
            %swap3A_306 = arith.constant 2 : i32
            %swap3A_307 = arith.index_cast %swap3A_306 : i32 to index
            %swap3A_308 = arith.index_cast %sub3A_96 : i32 to index
            %swap3A_309 = arith.index_cast %multiple_of3A_109 : i32 to index
            %swap3A_310 = tpu.vector_load %arg8[%swap3A_307, %swap3A_308, %swap3A_309] {strides = array<i32>} : memref<3x16x512xf32, #tpu.memory_space<vmem>>, vector<1x1x16xf32>,
            %swap3A_311 = vector.shape_cast %swap3A_310 : vector<1x1x16xf32> to vector<16xf32>
            %swap3A_312 = vector.shape_cast %select_n3A_305 : vector<16xf32> to vector<1x1x16xf32>
            tpu.vector_store %arg8[%swap3A_307, %swap3A_308, %swap3A_309], %swap3A_312 {strides = array<i32>} : memref<3x16x512xf32, #tpu.memory_space<vmem>>, vector<1x1x16xf32>,
            %select_n3A_313 = arith.select %and3A_106, %add3A_154, %get3A_149 : vector<16xi1>, vector<16xf32>
            %swap3A_314 = arith.index_cast %sub3A_96 : i32 to index
            %swap3A_315 = arith.index_cast %multiple_of3A_109 : i32 to index
            %swap3A_316 = tpu.vector_load %arg9[%swap3A_314, %swap3A_315] {strides = array<i32>} : memref<16x512xf32, #tpu.memory_space<vmem>>, vector<1x16xf32>,
            %swap3A_317 = vector.shape_cast %swap3A_316 : vector<1x16xf32> to vector<16xf32>
            %swap3A_318 = vector.shape_cast %select_n3A_313 : vector<16xf32> to vector<1x16xf32>
            tpu.vector_store %arg9[%swap3A_314, %swap3A_315], %swap3A_318 {strides = array<i32>} : memref<16x512xf32, #tpu.memory_space<vmem>>, vector<1x16xf32>,
            %sub3A_319 = arith.constant 16 : i32
            %sub3A_320 = arith.subi %sub3A_319, %sub3A_60 : i32
            %add3A_321 = vector.broadcast %sub3A_320 : i32 to vector<16xi32>
            %add3A_322 = arith.addi %iota3A, %add3A_321 : vector<16xi32>
            %ge3A_323 = arith.constant 0 : i32
            %ge3A_324 = vector.broadcast %ge3A_323 : i32 to vector<16xi32>
            %ge3A_325 = arith.cmpi sge, %add3A_322, %ge3A_324 : vector<16xi32>
            %lt3A_326 = arith.constant 64 : i32
            %lt3A_327 = vector.broadcast %lt3A_326 : i32 to vector<16xi32>
            %lt3A_328 = arith.cmpi slt, %add3A_322, %lt3A_327 : vector<16xi32>
            %and3A_329 = arith.andi %ge3A_325, %lt3A_328 : vector<16xi1>
            %add3A_330 = arith.constant 16 : i32
            %add3A_331 = arith.addi %multiple_of3A, %add3A_330 : i32
            %multiple_of3A_332 = tpu.assume_multiple %add3A_331, 16 : i32
            %add3A_333 = arith.constant 12288 : i32
            %add3A_334 = arith.addi %mul3A_95, %add3A_333 : i32
            %add3A_335 = arith.constant 0 : i32
            %add3A_336 = arith.addi %add3A_334, %add3A_335 : i32
            %multiple_of3A_337 = tpu.assume_multiple %add3A_336, 16 : i32
            %add3A_338 = arith.constant 16 : i32
            %add3A_339 = arith.addi %add3A_334, %add3A_338 : i32
            %multiple_of3A_340 = tpu.assume_multiple %add3A_339, 16 : i32
            %get3A_341 = arith.index_cast %multiple_of3A_337 : i32 to index
            %get3A_342 = tpu.vector_load %arg10[%get3A_341] {strides = array<i32>} : memref<16384xf32, #tpu.memory_space<vmem>>, vector<16xf32>,
            %get3A_343 = vector.shape_cast %get3A_342 : vector<16xf32> to vector<16xf32>
            %get3A_344 = arith.index_cast %multiple_of3A_340 : i32 to index
            %get3A_345 = tpu.vector_load %arg10[%get3A_344] {strides = array<i32>} : memref<16384xf32, #tpu.memory_space<vmem>>, vector<16xf32>,
            %get3A_346 = vector.shape_cast %get3A_345 : vector<16xf32> to vector<16xf32>
            %lt3A_347 = arith.constant 0 : i32
            %lt3A_348 = vector.broadcast %lt3A_347 : i32 to vector<16xi32>
            %lt3A_349 = arith.cmpi slt, %min3A_70, %lt3A_348 : vector<16xi32>
            %add3A_350 = arith.constant 16 : i32
            %add3A_351 = vector.broadcast %add3A_350 : i32 to vector<16xi32>
            %add3A_352 = arith.addi %min3A_70, %add3A_351 : vector<16xi32>
            %select_n3A_353 = arith.select %lt3A_349, %add3A_352, %min3A_70 : vector<16xi1>, vector<16xi32>
            %broadcast_in_dim3A_354 = vector.shape_cast %select_n3A_353 : vector<16xi32> to vector<16x1xi32>
            %gather3A_355 = vector.shape_cast %broadcast_in_dim3A_354 : vector<16x1xi32> to vector<16xi32>
            %gather3A_356 = tpu.dynamic_gather %get3A_343[%gather3A_355] in [0] : vector<16xf32>, vector<16xi32> -> vector<16xf32>
            %lt3A_357 = arith.constant 0 : i32
            %lt3A_358 = vector.broadcast %lt3A_357 : i32 to vector<16xi32>
            %lt3A_359 = arith.cmpi slt, %min3A_78, %lt3A_358 : vector<16xi32>
            %add3A_360 = arith.constant 16 : i32
            %add3A_361 = vector.broadcast %add3A_360 : i32 to vector<16xi32>
            %add3A_362 = arith.addi %min3A_78, %add3A_361 : vector<16xi32>
            %select_n3A_363 = arith.select %lt3A_359, %add3A_362, %min3A_78 : vector<16xi1>, vector<16xi32>
            %broadcast_in_dim3A_364 = vector.shape_cast %select_n3A_363 : vector<16xi32> to vector<16x1xi32>
            %gather3A_365 = vector.shape_cast %broadcast_in_dim3A_364 : vector<16x1xi32> to vector<16xi32>
            %gather3A_366 = tpu.dynamic_gather %get3A_346[%gather3A_365] in [0] : vector<16xf32>, vector<16xi32> -> vector<16xf32>
            %select_n3A_367 = arith.select %lt3A_79, %gather3A_356, %gather3A_366 : vector<16xi1>, vector<16xf32>
            %jit3A_368 = arith.constant 0.000000e+00 : f32
            %broadcast_in_dim3A_369 = vector.broadcast %jit3A_368 : f32 to vector<16xf32>
            %select_n3A_370 = arith.select %and3A_329, %select_n3A_367, %broadcast_in_dim3A_369 : vector<16xi1>, vector<16xf32>
            %get3A_371 = arith.index_cast %sub3A_96 : i32 to index
            %get3A_372 = arith.index_cast %multiple_of3A_332 : i32 to index
            %get3A_373 = tpu.vector_load %arg9[%get3A_371, %get3A_372] {strides = array<i32>} : memref<16x512xf32, #tpu.memory_space<vmem>>, vector<1x16xf32>,
            %get3A_374 = vector.shape_cast %get3A_373 : vector<1x16xf32> to vector<16xf32>
            %sub3A_375 = arith.constant 1.000000e+00 : f32
            %sub3A_376 = vector.broadcast %sub3A_375 : f32 to vector<16xf32>
            %sub3A_377 = arith.subf %sub3A_376, %select_n3A_370 : vector<16xf32>
            %mul3A_378 = arith.mulf %get3A_374, %sub3A_377 : vector<16xf32>
            %add3A_379 = arith.addf %select_n3A_370, %mul3A_378 : vector<16xf32>
            %add3A_380 = arith.constant 0 : i32
            %add3A_381 = arith.addi %mul3A_95, %add3A_380 : i32
            %add3A_382 = arith.constant 0 : i32
            %add3A_383 = arith.addi %add3A_381, %add3A_382 : i32
            %multiple_of3A_384 = tpu.assume_multiple %add3A_383, 16 : i32
            %add3A_385 = arith.constant 16 : i32
            %add3A_386 = arith.addi %add3A_381, %add3A_385 : i32
            %multiple_of3A_387 = tpu.assume_multiple %add3A_386, 16 : i32
            %get3A_388 = arith.index_cast %multiple_of3A_384 : i32 to index
            %get3A_389 = tpu.vector_load %arg10[%get3A_388] {strides = array<i32>} : memref<16384xf32, #tpu.memory_space<vmem>>, vector<16xf32>,
            %get3A_390 = vector.shape_cast %get3A_389 : vector<16xf32> to vector<16xf32>
            %get3A_391 = arith.index_cast %multiple_of3A_387 : i32 to index
            %get3A_392 = tpu.vector_load %arg10[%get3A_391] {strides = array<i32>} : memref<16384xf32, #tpu.memory_space<vmem>>, vector<16xf32>,
            %get3A_393 = vector.shape_cast %get3A_392 : vector<16xf32> to vector<16xf32>
            %lt3A_394 = arith.constant 0 : i32
            %lt3A_395 = vector.broadcast %lt3A_394 : i32 to vector<16xi32>
            %lt3A_396 = arith.cmpi slt, %min3A_70, %lt3A_395 : vector<16xi32>
            %add3A_397 = arith.constant 16 : i32
            %add3A_398 = vector.broadcast %add3A_397 : i32 to vector<16xi32>
            %add3A_399 = arith.addi %min3A_70, %add3A_398 : vector<16xi32>
            %select_n3A_400 = arith.select %lt3A_396, %add3A_399, %min3A_70 : vector<16xi1>, vector<16xi32>
            %broadcast_in_dim3A_401 = vector.shape_cast %select_n3A_400 : vector<16xi32> to vector<16x1xi32>
            %gather3A_402 = vector.shape_cast %broadcast_in_dim3A_401 : vector<16x1xi32> to vector<16xi32>
            %gather3A_403 = tpu.dynamic_gather %get3A_390[%gather3A_402] in [0] : vector<16xf32>, vector<16xi32> -> vector<16xf32>
            %lt3A_404 = arith.constant 0 : i32
            %lt3A_405 = vector.broadcast %lt3A_404 : i32 to vector<16xi32>
            %lt3A_406 = arith.cmpi slt, %min3A_78, %lt3A_405 : vector<16xi32>
            %add3A_407 = arith.constant 16 : i32
            %add3A_408 = vector.broadcast %add3A_407 : i32 to vector<16xi32>
            %add3A_409 = arith.addi %min3A_78, %add3A_408 : vector<16xi32>
            %select_n3A_410 = arith.select %lt3A_406, %add3A_409, %min3A_78 : vector<16xi1>, vector<16xi32>
            %broadcast_in_dim3A_411 = vector.shape_cast %select_n3A_410 : vector<16xi32> to vector<16x1xi32>
            %gather3A_412 = vector.shape_cast %broadcast_in_dim3A_411 : vector<16x1xi32> to vector<16xi32>
            %gather3A_413 = tpu.dynamic_gather %get3A_393[%gather3A_412] in [0] : vector<16xf32>, vector<16xi32> -> vector<16xf32>
            %select_n3A_414 = arith.select %lt3A_79, %gather3A_403, %gather3A_413 : vector<16xi1>, vector<16xf32>
            %get3A_415 = arith.constant 0 : i32
            %get3A_416 = arith.index_cast %get3A_415 : i32 to index
            %get3A_417 = arith.index_cast %sub3A_96 : i32 to index
            %get3A_418 = arith.index_cast %multiple_of3A_332 : i32 to index
            %get3A_419 = tpu.vector_load %arg8[%get3A_416, %get3A_417, %get3A_418] {strides = array<i32>} : memref<3x16x512xf32, #tpu.memory_space<vmem>>, vector<1x1x16xf32>,
            %get3A_420 = vector.shape_cast %get3A_419 : vector<1x1x16xf32> to vector<16xf32>
            %mul3A_421 = arith.mulf %select_n3A_414, %select_n3A_370 : vector<16xf32>
            %mul3A_422 = arith.mulf %get3A_420, %mul3A_378 : vector<16xf32>
            %add3A_423 = arith.addf %mul3A_421, %mul3A_422 : vector<16xf32>
            %div3A_424 = arith.divf %add3A_423, %add3A_379 : vector<16xf32>
            %select_n3A_425 = arith.select %and3A_329, %div3A_424, %get3A_420 : vector<16xi1>, vector<16xf32>
            %swap3A_426 = arith.constant 0 : i32
            %swap3A_427 = arith.index_cast %swap3A_426 : i32 to index
            %swap3A_428 = arith.index_cast %sub3A_96 : i32 to index
            %swap3A_429 = arith.index_cast %multiple_of3A_332 : i32 to index
            %swap3A_430 = tpu.vector_load %arg8[%swap3A_427, %swap3A_428, %swap3A_429] {strides = array<i32>} : memref<3x16x512xf32, #tpu.memory_space<vmem>>, vector<1x1x16xf32>,
            %swap3A_431 = vector.shape_cast %swap3A_430 : vector<1x1x16xf32> to vector<16xf32>
            %swap3A_432 = vector.shape_cast %select_n3A_425 : vector<16xf32> to vector<1x1x16xf32>
            tpu.vector_store %arg8[%swap3A_427, %swap3A_428, %swap3A_429], %swap3A_432 {strides = array<i32>} : memref<3x16x512xf32, #tpu.memory_space<vmem>>, vector<1x1x16xf32>,
            %add3A_433 = arith.constant 4096 : i32
            %add3A_434 = arith.addi %mul3A_95, %add3A_433 : i32
            %add3A_435 = arith.constant 0 : i32
            %add3A_436 = arith.addi %add3A_434, %add3A_435 : i32
            %multiple_of3A_437 = tpu.assume_multiple %add3A_436, 16 : i32
            %add3A_438 = arith.constant 16 : i32
            %add3A_439 = arith.addi %add3A_434, %add3A_438 : i32
            %multiple_of3A_440 = tpu.assume_multiple %add3A_439, 16 : i32
            %get3A_441 = arith.index_cast %multiple_of3A_437 : i32 to index
            %get3A_442 = tpu.vector_load %arg10[%get3A_441] {strides = array<i32>} : memref<16384xf32, #tpu.memory_space<vmem>>, vector<16xf32>,
            %get3A_443 = vector.shape_cast %get3A_442 : vector<16xf32> to vector<16xf32>
            %get3A_444 = arith.index_cast %multiple_of3A_440 : i32 to index
            %get3A_445 = tpu.vector_load %arg10[%get3A_444] {strides = array<i32>} : memref<16384xf32, #tpu.memory_space<vmem>>, vector<16xf32>,
            %get3A_446 = vector.shape_cast %get3A_445 : vector<16xf32> to vector<16xf32>
            %lt3A_447 = arith.constant 0 : i32
            %lt3A_448 = vector.broadcast %lt3A_447 : i32 to vector<16xi32>
            %lt3A_449 = arith.cmpi slt, %min3A_70, %lt3A_448 : vector<16xi32>
            %add3A_450 = arith.constant 16 : i32
            %add3A_451 = vector.broadcast %add3A_450 : i32 to vector<16xi32>
            %add3A_452 = arith.addi %min3A_70, %add3A_451 : vector<16xi32>
            %select_n3A_453 = arith.select %lt3A_449, %add3A_452, %min3A_70 : vector<16xi1>, vector<16xi32>
            %broadcast_in_dim3A_454 = vector.shape_cast %select_n3A_453 : vector<16xi32> to vector<16x1xi32>
            %gather3A_455 = vector.shape_cast %broadcast_in_dim3A_454 : vector<16x1xi32> to vector<16xi32>
            %gather3A_456 = tpu.dynamic_gather %get3A_443[%gather3A_455] in [0] : vector<16xf32>, vector<16xi32> -> vector<16xf32>
            %lt3A_457 = arith.constant 0 : i32
            %lt3A_458 = vector.broadcast %lt3A_457 : i32 to vector<16xi32>
            %lt3A_459 = arith.cmpi slt, %min3A_78, %lt3A_458 : vector<16xi32>
            %add3A_460 = arith.constant 16 : i32
            %add3A_461 = vector.broadcast %add3A_460 : i32 to vector<16xi32>
            %add3A_462 = arith.addi %min3A_78, %add3A_461 : vector<16xi32>
            %select_n3A_463 = arith.select %lt3A_459, %add3A_462, %min3A_78 : vector<16xi1>, vector<16xi32>
            %broadcast_in_dim3A_464 = vector.shape_cast %select_n3A_463 : vector<16xi32> to vector<16x1xi32>
            %gather3A_465 = vector.shape_cast %broadcast_in_dim3A_464 : vector<16x1xi32> to vector<16xi32>
            %gather3A_466 = tpu.dynamic_gather %get3A_446[%gather3A_465] in [0] : vector<16xf32>, vector<16xi32> -> vector<16xf32>
            %select_n3A_467 = arith.select %lt3A_79, %gather3A_456, %gather3A_466 : vector<16xi1>, vector<16xf32>
            %get3A_468 = arith.constant 1 : i32
            %get3A_469 = arith.index_cast %get3A_468 : i32 to index
            %get3A_470 = arith.index_cast %sub3A_96 : i32 to index
            %get3A_471 = arith.index_cast %multiple_of3A_332 : i32 to index
            %get3A_472 = tpu.vector_load %arg8[%get3A_469, %get3A_470, %get3A_471] {strides = array<i32>} : memref<3x16x512xf32, #tpu.memory_space<vmem>>, vector<1x1x16xf32>,
            %get3A_473 = vector.shape_cast %get3A_472 : vector<1x1x16xf32> to vector<16xf32>
            %mul3A_474 = arith.mulf %select_n3A_467, %select_n3A_370 : vector<16xf32>
            %mul3A_475 = arith.mulf %get3A_473, %mul3A_378 : vector<16xf32>
            %add3A_476 = arith.addf %mul3A_474, %mul3A_475 : vector<16xf32>
            %div3A_477 = arith.divf %add3A_476, %add3A_379 : vector<16xf32>
            %select_n3A_478 = arith.select %and3A_329, %div3A_477, %get3A_473 : vector<16xi1>, vector<16xf32>
            %swap3A_479 = arith.constant 1 : i32
            %swap3A_480 = arith.index_cast %swap3A_479 : i32 to index
            %swap3A_481 = arith.index_cast %sub3A_96 : i32 to index
            %swap3A_482 = arith.index_cast %multiple_of3A_332 : i32 to index
            %swap3A_483 = tpu.vector_load %arg8[%swap3A_480, %swap3A_481, %swap3A_482] {strides = array<i32>} : memref<3x16x512xf32, #tpu.memory_space<vmem>>, vector<1x1x16xf32>,
            %swap3A_484 = vector.shape_cast %swap3A_483 : vector<1x1x16xf32> to vector<16xf32>
            %swap3A_485 = vector.shape_cast %select_n3A_478 : vector<16xf32> to vector<1x1x16xf32>
            tpu.vector_store %arg8[%swap3A_480, %swap3A_481, %swap3A_482], %swap3A_485 {strides = array<i32>} : memref<3x16x512xf32, #tpu.memory_space<vmem>>, vector<1x1x16xf32>,
            %add3A_486 = arith.constant 8192 : i32
            %add3A_487 = arith.addi %mul3A_95, %add3A_486 : i32
            %add3A_488 = arith.constant 0 : i32
            %add3A_489 = arith.addi %add3A_487, %add3A_488 : i32
            %multiple_of3A_490 = tpu.assume_multiple %add3A_489, 16 : i32
            %add3A_491 = arith.constant 16 : i32
            %add3A_492 = arith.addi %add3A_487, %add3A_491 : i32
            %multiple_of3A_493 = tpu.assume_multiple %add3A_492, 16 : i32
            %get3A_494 = arith.index_cast %multiple_of3A_490 : i32 to index
            %get3A_495 = tpu.vector_load %arg10[%get3A_494] {strides = array<i32>} : memref<16384xf32, #tpu.memory_space<vmem>>, vector<16xf32>,
            %get3A_496 = vector.shape_cast %get3A_495 : vector<16xf32> to vector<16xf32>
            %get3A_497 = arith.index_cast %multiple_of3A_493 : i32 to index
            %get3A_498 = tpu.vector_load %arg10[%get3A_497] {strides = array<i32>} : memref<16384xf32, #tpu.memory_space<vmem>>, vector<16xf32>,
            %get3A_499 = vector.shape_cast %get3A_498 : vector<16xf32> to vector<16xf32>
            %lt3A_500 = arith.constant 0 : i32
            %lt3A_501 = vector.broadcast %lt3A_500 : i32 to vector<16xi32>
            %lt3A_502 = arith.cmpi slt, %min3A_70, %lt3A_501 : vector<16xi32>
            %add3A_503 = arith.constant 16 : i32
            %add3A_504 = vector.broadcast %add3A_503 : i32 to vector<16xi32>
            %add3A_505 = arith.addi %min3A_70, %add3A_504 : vector<16xi32>
            %select_n3A_506 = arith.select %lt3A_502, %add3A_505, %min3A_70 : vector<16xi1>, vector<16xi32>
            %broadcast_in_dim3A_507 = vector.shape_cast %select_n3A_506 : vector<16xi32> to vector<16x1xi32>
            %gather3A_508 = vector.shape_cast %broadcast_in_dim3A_507 : vector<16x1xi32> to vector<16xi32>
            %gather3A_509 = tpu.dynamic_gather %get3A_496[%gather3A_508] in [0] : vector<16xf32>, vector<16xi32> -> vector<16xf32>
            %lt3A_510 = arith.constant 0 : i32
            %lt3A_511 = vector.broadcast %lt3A_510 : i32 to vector<16xi32>
            %lt3A_512 = arith.cmpi slt, %min3A_78, %lt3A_511 : vector<16xi32>
            %add3A_513 = arith.constant 16 : i32
            %add3A_514 = vector.broadcast %add3A_513 : i32 to vector<16xi32>
            %add3A_515 = arith.addi %min3A_78, %add3A_514 : vector<16xi32>
            %select_n3A_516 = arith.select %lt3A_512, %add3A_515, %min3A_78 : vector<16xi1>, vector<16xi32>
            %broadcast_in_dim3A_517 = vector.shape_cast %select_n3A_516 : vector<16xi32> to vector<16x1xi32>
            %gather3A_518 = vector.shape_cast %broadcast_in_dim3A_517 : vector<16x1xi32> to vector<16xi32>
            %gather3A_519 = tpu.dynamic_gather %get3A_499[%gather3A_518] in [0] : vector<16xf32>, vector<16xi32> -> vector<16xf32>
            %select_n3A_520 = arith.select %lt3A_79, %gather3A_509, %gather3A_519 : vector<16xi1>, vector<16xf32>
            %get3A_521 = arith.constant 2 : i32
            %get3A_522 = arith.index_cast %get3A_521 : i32 to index
            %get3A_523 = arith.index_cast %sub3A_96 : i32 to index
            %get3A_524 = arith.index_cast %multiple_of3A_332 : i32 to index
            %get3A_525 = tpu.vector_load %arg8[%get3A_522, %get3A_523, %get3A_524] {strides = array<i32>} : memref<3x16x512xf32, #tpu.memory_space<vmem>>, vector<1x1x16xf32>,
            %get3A_526 = vector.shape_cast %get3A_525 : vector<1x1x16xf32> to vector<16xf32>
            %mul3A_527 = arith.mulf %select_n3A_520, %select_n3A_370 : vector<16xf32>
            %mul3A_528 = arith.mulf %get3A_526, %mul3A_378 : vector<16xf32>
            %add3A_529 = arith.addf %mul3A_527, %mul3A_528 : vector<16xf32>
            %div3A_530 = arith.divf %add3A_529, %add3A_379 : vector<16xf32>
            %select_n3A_531 = arith.select %and3A_329, %div3A_530, %get3A_526 : vector<16xi1>, vector<16xf32>
            %swap3A_532 = arith.constant 2 : i32
            %swap3A_533 = arith.index_cast %swap3A_532 : i32 to index
            %swap3A_534 = arith.index_cast %sub3A_96 : i32 to index
            %swap3A_535 = arith.index_cast %multiple_of3A_332 : i32 to index
            %swap3A_536 = tpu.vector_load %arg8[%swap3A_533, %swap3A_534, %swap3A_535] {strides = array<i32>} : memref<3x16x512xf32, #tpu.memory_space<vmem>>, vector<1x1x16xf32>,
            %swap3A_537 = vector.shape_cast %swap3A_536 : vector<1x1x16xf32> to vector<16xf32>
            %swap3A_538 = vector.shape_cast %select_n3A_531 : vector<16xf32> to vector<1x1x16xf32>
            tpu.vector_store %arg8[%swap3A_533, %swap3A_534, %swap3A_535], %swap3A_538 {strides = array<i32>} : memref<3x16x512xf32, #tpu.memory_space<vmem>>, vector<1x1x16xf32>,
            %select_n3A_539 = arith.select %and3A_329, %add3A_379, %get3A_374 : vector<16xi1>, vector<16xf32>
            %swap3A_540 = arith.index_cast %sub3A_96 : i32 to index
            %swap3A_541 = arith.index_cast %multiple_of3A_332 : i32 to index
            %swap3A_542 = tpu.vector_load %arg9[%swap3A_540, %swap3A_541] {strides = array<i32>} : memref<16x512xf32, #tpu.memory_space<vmem>>, vector<1x16xf32>,
            %swap3A_543 = vector.shape_cast %swap3A_542 : vector<1x16xf32> to vector<16xf32>
            %swap3A_544 = vector.shape_cast %select_n3A_539 : vector<16xf32> to vector<1x16xf32>
            tpu.vector_store %arg9[%swap3A_540, %swap3A_541], %swap3A_544 {strides = array<i32>} : memref<16x512xf32, #tpu.memory_space<vmem>>, vector<1x16xf32>,
            %sub3A_545 = arith.constant 32 : i32
            %sub3A_546 = arith.subi %sub3A_545, %sub3A_60 : i32
            %add3A_547 = vector.broadcast %sub3A_546 : i32 to vector<16xi32>
            %add3A_548 = arith.addi %iota3A, %add3A_547 : vector<16xi32>
            %ge3A_549 = arith.constant 0 : i32
            %ge3A_550 = vector.broadcast %ge3A_549 : i32 to vector<16xi32>
            %ge3A_551 = arith.cmpi sge, %add3A_548, %ge3A_550 : vector<16xi32>
            %lt3A_552 = arith.constant 64 : i32
            %lt3A_553 = vector.broadcast %lt3A_552 : i32 to vector<16xi32>
            %lt3A_554 = arith.cmpi slt, %add3A_548, %lt3A_553 : vector<16xi32>
            %and3A_555 = arith.andi %ge3A_551, %lt3A_554 : vector<16xi1>
            %add3A_556 = arith.constant 32 : i32
            %add3A_557 = arith.addi %multiple_of3A, %add3A_556 : i32
            %multiple_of3A_558 = tpu.assume_multiple %add3A_557, 16 : i32
            %add3A_559 = arith.constant 12288 : i32
            %add3A_560 = arith.addi %mul3A_95, %add3A_559 : i32
            %add3A_561 = arith.constant 16 : i32
            %add3A_562 = arith.addi %add3A_560, %add3A_561 : i32
            %multiple_of3A_563 = tpu.assume_multiple %add3A_562, 16 : i32
            %add3A_564 = arith.constant 32 : i32
            %add3A_565 = arith.addi %add3A_560, %add3A_564 : i32
            %multiple_of3A_566 = tpu.assume_multiple %add3A_565, 16 : i32
            %get3A_567 = arith.index_cast %multiple_of3A_563 : i32 to index
            %get3A_568 = tpu.vector_load %arg10[%get3A_567] {strides = array<i32>} : memref<16384xf32, #tpu.memory_space<vmem>>, vector<16xf32>,
            %get3A_569 = vector.shape_cast %get3A_568 : vector<16xf32> to vector<16xf32>
            %get3A_570 = arith.index_cast %multiple_of3A_566 : i32 to index
            %get3A_571 = tpu.vector_load %arg10[%get3A_570] {strides = array<i32>} : memref<16384xf32, #tpu.memory_space<vmem>>, vector<16xf32>,
            %get3A_572 = vector.shape_cast %get3A_571 : vector<16xf32> to vector<16xf32>
            %lt3A_573 = arith.constant 0 : i32
            %lt3A_574 = vector.broadcast %lt3A_573 : i32 to vector<16xi32>
            %lt3A_575 = arith.cmpi slt, %min3A_70, %lt3A_574 : vector<16xi32>
            %add3A_576 = arith.constant 16 : i32
            %add3A_577 = vector.broadcast %add3A_576 : i32 to vector<16xi32>
            %add3A_578 = arith.addi %min3A_70, %add3A_577 : vector<16xi32>
            %select_n3A_579 = arith.select %lt3A_575, %add3A_578, %min3A_70 : vector<16xi1>, vector<16xi32>
            %broadcast_in_dim3A_580 = vector.shape_cast %select_n3A_579 : vector<16xi32> to vector<16x1xi32>
            %gather3A_581 = vector.shape_cast %broadcast_in_dim3A_580 : vector<16x1xi32> to vector<16xi32>
            %gather3A_582 = tpu.dynamic_gather %get3A_569[%gather3A_581] in [0] : vector<16xf32>, vector<16xi32> -> vector<16xf32>
            %lt3A_583 = arith.constant 0 : i32
            %lt3A_584 = vector.broadcast %lt3A_583 : i32 to vector<16xi32>
            %lt3A_585 = arith.cmpi slt, %min3A_78, %lt3A_584 : vector<16xi32>
            %add3A_586 = arith.constant 16 : i32
            %add3A_587 = vector.broadcast %add3A_586 : i32 to vector<16xi32>
            %add3A_588 = arith.addi %min3A_78, %add3A_587 : vector<16xi32>
            %select_n3A_589 = arith.select %lt3A_585, %add3A_588, %min3A_78 : vector<16xi1>, vector<16xi32>
            %broadcast_in_dim3A_590 = vector.shape_cast %select_n3A_589 : vector<16xi32> to vector<16x1xi32>
            %gather3A_591 = vector.shape_cast %broadcast_in_dim3A_590 : vector<16x1xi32> to vector<16xi32>
            %gather3A_592 = tpu.dynamic_gather %get3A_572[%gather3A_591] in [0] : vector<16xf32>, vector<16xi32> -> vector<16xf32>
            %select_n3A_593 = arith.select %lt3A_79, %gather3A_582, %gather3A_592 : vector<16xi1>, vector<16xf32>
            %jit3A_594 = arith.constant 0.000000e+00 : f32
            %broadcast_in_dim3A_595 = vector.broadcast %jit3A_594 : f32 to vector<16xf32>
            %select_n3A_596 = arith.select %and3A_555, %select_n3A_593, %broadcast_in_dim3A_595 : vector<16xi1>, vector<16xf32>
            %get3A_597 = arith.index_cast %sub3A_96 : i32 to index
            %get3A_598 = arith.index_cast %multiple_of3A_558 : i32 to index
            %get3A_599 = tpu.vector_load %arg9[%get3A_597, %get3A_598] {strides = array<i32>} : memref<16x512xf32, #tpu.memory_space<vmem>>, vector<1x16xf32>,
            %get3A_600 = vector.shape_cast %get3A_599 : vector<1x16xf32> to vector<16xf32>
            %sub3A_601 = arith.constant 1.000000e+00 : f32
            %sub3A_602 = vector.broadcast %sub3A_601 : f32 to vector<16xf32>
            %sub3A_603 = arith.subf %sub3A_602, %select_n3A_596 : vector<16xf32>
            %mul3A_604 = arith.mulf %get3A_600, %sub3A_603 : vector<16xf32>
            %add3A_605 = arith.addf %select_n3A_596, %mul3A_604 : vector<16xf32>
            %add3A_606 = arith.constant 0 : i32
            %add3A_607 = arith.addi %mul3A_95, %add3A_606 : i32
            %add3A_608 = arith.constant 16 : i32
            %add3A_609 = arith.addi %add3A_607, %add3A_608 : i32
            %multiple_of3A_610 = tpu.assume_multiple %add3A_609, 16 : i32
            %add3A_611 = arith.constant 32 : i32
            %add3A_612 = arith.addi %add3A_607, %add3A_611 : i32
            %multiple_of3A_613 = tpu.assume_multiple %add3A_612, 16 : i32
            %get3A_614 = arith.index_cast %multiple_of3A_610 : i32 to index
            %get3A_615 = tpu.vector_load %arg10[%get3A_614] {strides = array<i32>} : memref<16384xf32, #tpu.memory_space<vmem>>, vector<16xf32>,
            %get3A_616 = vector.shape_cast %get3A_615 : vector<16xf32> to vector<16xf32>
            %get3A_617 = arith.index_cast %multiple_of3A_613 : i32 to index
            %get3A_618 = tpu.vector_load %arg10[%get3A_617] {strides = array<i32>} : memref<16384xf32, #tpu.memory_space<vmem>>, vector<16xf32>,
            %get3A_619 = vector.shape_cast %get3A_618 : vector<16xf32> to vector<16xf32>
            %lt3A_620 = arith.constant 0 : i32
            %lt3A_621 = vector.broadcast %lt3A_620 : i32 to vector<16xi32>
            %lt3A_622 = arith.cmpi slt, %min3A_70, %lt3A_621 : vector<16xi32>
            %add3A_623 = arith.constant 16 : i32
            %add3A_624 = vector.broadcast %add3A_623 : i32 to vector<16xi32>
            %add3A_625 = arith.addi %min3A_70, %add3A_624 : vector<16xi32>
            %select_n3A_626 = arith.select %lt3A_622, %add3A_625, %min3A_70 : vector<16xi1>, vector<16xi32>
            %broadcast_in_dim3A_627 = vector.shape_cast %select_n3A_626 : vector<16xi32> to vector<16x1xi32>
            %gather3A_628 = vector.shape_cast %broadcast_in_dim3A_627 : vector<16x1xi32> to vector<16xi32>
            %gather3A_629 = tpu.dynamic_gather %get3A_616[%gather3A_628] in [0] : vector<16xf32>, vector<16xi32> -> vector<16xf32>
            %lt3A_630 = arith.constant 0 : i32
            %lt3A_631 = vector.broadcast %lt3A_630 : i32 to vector<16xi32>
            %lt3A_632 = arith.cmpi slt, %min3A_78, %lt3A_631 : vector<16xi32>
            %add3A_633 = arith.constant 16 : i32
            %add3A_634 = vector.broadcast %add3A_633 : i32 to vector<16xi32>
            %add3A_635 = arith.addi %min3A_78, %add3A_634 : vector<16xi32>
            %select_n3A_636 = arith.select %lt3A_632, %add3A_635, %min3A_78 : vector<16xi1>, vector<16xi32>
            %broadcast_in_dim3A_637 = vector.shape_cast %select_n3A_636 : vector<16xi32> to vector<16x1xi32>
            %gather3A_638 = vector.shape_cast %broadcast_in_dim3A_637 : vector<16x1xi32> to vector<16xi32>
            %gather3A_639 = tpu.dynamic_gather %get3A_619[%gather3A_638] in [0] : vector<16xf32>, vector<16xi32> -> vector<16xf32>
            %select_n3A_640 = arith.select %lt3A_79, %gather3A_629, %gather3A_639 : vector<16xi1>, vector<16xf32>
            %get3A_641 = arith.constant 0 : i32
            %get3A_642 = arith.index_cast %get3A_641 : i32 to index
            %get3A_643 = arith.index_cast %sub3A_96 : i32 to index
            %get3A_644 = arith.index_cast %multiple_of3A_558 : i32 to index
            %get3A_645 = tpu.vector_load %arg8[%get3A_642, %get3A_643, %get3A_644] {strides = array<i32>} : memref<3x16x512xf32, #tpu.memory_space<vmem>>, vector<1x1x16xf32>,
            %get3A_646 = vector.shape_cast %get3A_645 : vector<1x1x16xf32> to vector<16xf32>
            %mul3A_647 = arith.mulf %select_n3A_640, %select_n3A_596 : vector<16xf32>
            %mul3A_648 = arith.mulf %get3A_646, %mul3A_604 : vector<16xf32>
            %add3A_649 = arith.addf %mul3A_647, %mul3A_648 : vector<16xf32>
            %div3A_650 = arith.divf %add3A_649, %add3A_605 : vector<16xf32>
            %select_n3A_651 = arith.select %and3A_555, %div3A_650, %get3A_646 : vector<16xi1>, vector<16xf32>
            %swap3A_652 = arith.constant 0 : i32
            %swap3A_653 = arith.index_cast %swap3A_652 : i32 to index
            %swap3A_654 = arith.index_cast %sub3A_96 : i32 to index
            %swap3A_655 = arith.index_cast %multiple_of3A_558 : i32 to index
            %swap3A_656 = tpu.vector_load %arg8[%swap3A_653, %swap3A_654, %swap3A_655] {strides = array<i32>} : memref<3x16x512xf32, #tpu.memory_space<vmem>>, vector<1x1x16xf32>,
            %swap3A_657 = vector.shape_cast %swap3A_656 : vector<1x1x16xf32> to vector<16xf32>
            %swap3A_658 = vector.shape_cast %select_n3A_651 : vector<16xf32> to vector<1x1x16xf32>
            tpu.vector_store %arg8[%swap3A_653, %swap3A_654, %swap3A_655], %swap3A_658 {strides = array<i32>} : memref<3x16x512xf32, #tpu.memory_space<vmem>>, vector<1x1x16xf32>,
            %add3A_659 = arith.constant 4096 : i32
            %add3A_660 = arith.addi %mul3A_95, %add3A_659 : i32
            %add3A_661 = arith.constant 16 : i32
            %add3A_662 = arith.addi %add3A_660, %add3A_661 : i32
            %multiple_of3A_663 = tpu.assume_multiple %add3A_662, 16 : i32
            %add3A_664 = arith.constant 32 : i32
            %add3A_665 = arith.addi %add3A_660, %add3A_664 : i32
            %multiple_of3A_666 = tpu.assume_multiple %add3A_665, 16 : i32
            %get3A_667 = arith.index_cast %multiple_of3A_663 : i32 to index
            %get3A_668 = tpu.vector_load %arg10[%get3A_667] {strides = array<i32>} : memref<16384xf32, #tpu.memory_space<vmem>>, vector<16xf32>,
            %get3A_669 = vector.shape_cast %get3A_668 : vector<16xf32> to vector<16xf32>
            %get3A_670 = arith.index_cast %multiple_of3A_666 : i32 to index
            %get3A_671 = tpu.vector_load %arg10[%get3A_670] {strides = array<i32>} : memref<16384xf32, #tpu.memory_space<vmem>>, vector<16xf32>,
            %get3A_672 = vector.shape_cast %get3A_671 : vector<16xf32> to vector<16xf32>
            %lt3A_673 = arith.constant 0 : i32
            %lt3A_674 = vector.broadcast %lt3A_673 : i32 to vector<16xi32>
            %lt3A_675 = arith.cmpi slt, %min3A_70, %lt3A_674 : vector<16xi32>
            %add3A_676 = arith.constant 16 : i32
            %add3A_677 = vector.broadcast %add3A_676 : i32 to vector<16xi32>
            %add3A_678 = arith.addi %min3A_70, %add3A_677 : vector<16xi32>
            %select_n3A_679 = arith.select %lt3A_675, %add3A_678, %min3A_70 : vector<16xi1>, vector<16xi32>
            %broadcast_in_dim3A_680 = vector.shape_cast %select_n3A_679 : vector<16xi32> to vector<16x1xi32>
            %gather3A_681 = vector.shape_cast %broadcast_in_dim3A_680 : vector<16x1xi32> to vector<16xi32>
            %gather3A_682 = tpu.dynamic_gather %get3A_669[%gather3A_681] in [0] : vector<16xf32>, vector<16xi32> -> vector<16xf32>
            %lt3A_683 = arith.constant 0 : i32
            %lt3A_684 = vector.broadcast %lt3A_683 : i32 to vector<16xi32>
            %lt3A_685 = arith.cmpi slt, %min3A_78, %lt3A_684 : vector<16xi32>
            %add3A_686 = arith.constant 16 : i32
            %add3A_687 = vector.broadcast %add3A_686 : i32 to vector<16xi32>
            %add3A_688 = arith.addi %min3A_78, %add3A_687 : vector<16xi32>
            %select_n3A_689 = arith.select %lt3A_685, %add3A_688, %min3A_78 : vector<16xi1>, vector<16xi32>
            %broadcast_in_dim3A_690 = vector.shape_cast %select_n3A_689 : vector<16xi32> to vector<16x1xi32>
            %gather3A_691 = vector.shape_cast %broadcast_in_dim3A_690 : vector<16x1xi32> to vector<16xi32>
            %gather3A_692 = tpu.dynamic_gather %get3A_672[%gather3A_691] in [0] : vector<16xf32>, vector<16xi32> -> vector<16xf32>
            %select_n3A_693 = arith.select %lt3A_79, %gather3A_682, %gather3A_692 : vector<16xi1>, vector<16xf32>
            %get3A_694 = arith.constant 1 : i32
            %get3A_695 = arith.index_cast %get3A_694 : i32 to index
            %get3A_696 = arith.index_cast %sub3A_96 : i32 to index
            %get3A_697 = arith.index_cast %multiple_of3A_558 : i32 to index
            %get3A_698 = tpu.vector_load %arg8[%get3A_695, %get3A_696, %get3A_697] {strides = array<i32>} : memref<3x16x512xf32, #tpu.memory_space<vmem>>, vector<1x1x16xf32>,
            %get3A_699 = vector.shape_cast %get3A_698 : vector<1x1x16xf32> to vector<16xf32>
            %mul3A_700 = arith.mulf %select_n3A_693, %select_n3A_596 : vector<16xf32>
            %mul3A_701 = arith.mulf %get3A_699, %mul3A_604 : vector<16xf32>
            %add3A_702 = arith.addf %mul3A_700, %mul3A_701 : vector<16xf32>
            %div3A_703 = arith.divf %add3A_702, %add3A_605 : vector<16xf32>
            %select_n3A_704 = arith.select %and3A_555, %div3A_703, %get3A_699 : vector<16xi1>, vector<16xf32>
            %swap3A_705 = arith.constant 1 : i32
            %swap3A_706 = arith.index_cast %swap3A_705 : i32 to index
            %swap3A_707 = arith.index_cast %sub3A_96 : i32 to index
            %swap3A_708 = arith.index_cast %multiple_of3A_558 : i32 to index
            %swap3A_709 = tpu.vector_load %arg8[%swap3A_706, %swap3A_707, %swap3A_708] {strides = array<i32>} : memref<3x16x512xf32, #tpu.memory_space<vmem>>, vector<1x1x16xf32>,
            %swap3A_710 = vector.shape_cast %swap3A_709 : vector<1x1x16xf32> to vector<16xf32>
            %swap3A_711 = vector.shape_cast %select_n3A_704 : vector<16xf32> to vector<1x1x16xf32>
            tpu.vector_store %arg8[%swap3A_706, %swap3A_707, %swap3A_708], %swap3A_711 {strides = array<i32>} : memref<3x16x512xf32, #tpu.memory_space<vmem>>, vector<1x1x16xf32>,
            %add3A_712 = arith.constant 8192 : i32
            %add3A_713 = arith.addi %mul3A_95, %add3A_712 : i32
            %add3A_714 = arith.constant 16 : i32
            %add3A_715 = arith.addi %add3A_713, %add3A_714 : i32
            %multiple_of3A_716 = tpu.assume_multiple %add3A_715, 16 : i32
            %add3A_717 = arith.constant 32 : i32
            %add3A_718 = arith.addi %add3A_713, %add3A_717 : i32
            %multiple_of3A_719 = tpu.assume_multiple %add3A_718, 16 : i32
            %get3A_720 = arith.index_cast %multiple_of3A_716 : i32 to index
            %get3A_721 = tpu.vector_load %arg10[%get3A_720] {strides = array<i32>} : memref<16384xf32, #tpu.memory_space<vmem>>, vector<16xf32>,
            %get3A_722 = vector.shape_cast %get3A_721 : vector<16xf32> to vector<16xf32>
            %get3A_723 = arith.index_cast %multiple_of3A_719 : i32 to index
            %get3A_724 = tpu.vector_load %arg10[%get3A_723] {strides = array<i32>} : memref<16384xf32, #tpu.memory_space<vmem>>, vector<16xf32>,
            %get3A_725 = vector.shape_cast %get3A_724 : vector<16xf32> to vector<16xf32>
            %lt3A_726 = arith.constant 0 : i32
            %lt3A_727 = vector.broadcast %lt3A_726 : i32 to vector<16xi32>
            %lt3A_728 = arith.cmpi slt, %min3A_70, %lt3A_727 : vector<16xi32>
            %add3A_729 = arith.constant 16 : i32
            %add3A_730 = vector.broadcast %add3A_729 : i32 to vector<16xi32>
            %add3A_731 = arith.addi %min3A_70, %add3A_730 : vector<16xi32>
            %select_n3A_732 = arith.select %lt3A_728, %add3A_731, %min3A_70 : vector<16xi1>, vector<16xi32>
            %broadcast_in_dim3A_733 = vector.shape_cast %select_n3A_732 : vector<16xi32> to vector<16x1xi32>
            %gather3A_734 = vector.shape_cast %broadcast_in_dim3A_733 : vector<16x1xi32> to vector<16xi32>
            %gather3A_735 = tpu.dynamic_gather %get3A_722[%gather3A_734] in [0] : vector<16xf32>, vector<16xi32> -> vector<16xf32>
            %lt3A_736 = arith.constant 0 : i32
            %lt3A_737 = vector.broadcast %lt3A_736 : i32 to vector<16xi32>
            %lt3A_738 = arith.cmpi slt, %min3A_78, %lt3A_737 : vector<16xi32>
            %add3A_739 = arith.constant 16 : i32
            %add3A_740 = vector.broadcast %add3A_739 : i32 to vector<16xi32>
            %add3A_741 = arith.addi %min3A_78, %add3A_740 : vector<16xi32>
            %select_n3A_742 = arith.select %lt3A_738, %add3A_741, %min3A_78 : vector<16xi1>, vector<16xi32>
            %broadcast_in_dim3A_743 = vector.shape_cast %select_n3A_742 : vector<16xi32> to vector<16x1xi32>
            %gather3A_744 = vector.shape_cast %broadcast_in_dim3A_743 : vector<16x1xi32> to vector<16xi32>
            %gather3A_745 = tpu.dynamic_gather %get3A_725[%gather3A_744] in [0] : vector<16xf32>, vector<16xi32> -> vector<16xf32>
            %select_n3A_746 = arith.select %lt3A_79, %gather3A_735, %gather3A_745 : vector<16xi1>, vector<16xf32>
            %get3A_747 = arith.constant 2 : i32
            %get3A_748 = arith.index_cast %get3A_747 : i32 to index
            %get3A_749 = arith.index_cast %sub3A_96 : i32 to index
            %get3A_750 = arith.index_cast %multiple_of3A_558 : i32 to index
            %get3A_751 = tpu.vector_load %arg8[%get3A_748, %get3A_749, %get3A_750] {strides = array<i32>} : memref<3x16x512xf32, #tpu.memory_space<vmem>>, vector<1x1x16xf32>,
            %get3A_752 = vector.shape_cast %get3A_751 : vector<1x1x16xf32> to vector<16xf32>
            %mul3A_753 = arith.mulf %select_n3A_746, %select_n3A_596 : vector<16xf32>
            %mul3A_754 = arith.mulf %get3A_752, %mul3A_604 : vector<16xf32>
            %add3A_755 = arith.addf %mul3A_753, %mul3A_754 : vector<16xf32>
            %div3A_756 = arith.divf %add3A_755, %add3A_605 : vector<16xf32>
            %select_n3A_757 = arith.select %and3A_555, %div3A_756, %get3A_752 : vector<16xi1>, vector<16xf32>
            %swap3A_758 = arith.constant 2 : i32
            %swap3A_759 = arith.index_cast %swap3A_758 : i32 to index
            %swap3A_760 = arith.index_cast %sub3A_96 : i32 to index
            %swap3A_761 = arith.index_cast %multiple_of3A_558 : i32 to index
            %swap3A_762 = tpu.vector_load %arg8[%swap3A_759, %swap3A_760, %swap3A_761] {strides = array<i32>} : memref<3x16x512xf32, #tpu.memory_space<vmem>>, vector<1x1x16xf32>,
            %swap3A_763 = vector.shape_cast %swap3A_762 : vector<1x1x16xf32> to vector<16xf32>
            %swap3A_764 = vector.shape_cast %select_n3A_757 : vector<16xf32> to vector<1x1x16xf32>
            tpu.vector_store %arg8[%swap3A_759, %swap3A_760, %swap3A_761], %swap3A_764 {strides = array<i32>} : memref<3x16x512xf32, #tpu.memory_space<vmem>>, vector<1x1x16xf32>,
            %select_n3A_765 = arith.select %and3A_555, %add3A_605, %get3A_600 : vector<16xi1>, vector<16xf32>
            %swap3A_766 = arith.index_cast %sub3A_96 : i32 to index
            %swap3A_767 = arith.index_cast %multiple_of3A_558 : i32 to index
            %swap3A_768 = tpu.vector_load %arg9[%swap3A_766, %swap3A_767] {strides = array<i32>} : memref<16x512xf32, #tpu.memory_space<vmem>>, vector<1x16xf32>,
            %swap3A_769 = vector.shape_cast %swap3A_768 : vector<1x16xf32> to vector<16xf32>
            %swap3A_770 = vector.shape_cast %select_n3A_765 : vector<16xf32> to vector<1x16xf32>
            tpu.vector_store %arg9[%swap3A_766, %swap3A_767], %swap3A_770 {strides = array<i32>} : memref<16x512xf32, #tpu.memory_space<vmem>>, vector<1x16xf32>,
            %sub3A_771 = arith.constant 48 : i32
            %sub3A_772 = arith.subi %sub3A_771, %sub3A_60 : i32
            %add3A_773 = vector.broadcast %sub3A_772 : i32 to vector<16xi32>
            %add3A_774 = arith.addi %iota3A, %add3A_773 : vector<16xi32>
            %ge3A_775 = arith.constant 0 : i32
            %ge3A_776 = vector.broadcast %ge3A_775 : i32 to vector<16xi32>
            %ge3A_777 = arith.cmpi sge, %add3A_774, %ge3A_776 : vector<16xi32>
            %lt3A_778 = arith.constant 64 : i32
            %lt3A_779 = vector.broadcast %lt3A_778 : i32 to vector<16xi32>
            %lt3A_780 = arith.cmpi slt, %add3A_774, %lt3A_779 : vector<16xi32>
            %and3A_781 = arith.andi %ge3A_777, %lt3A_780 : vector<16xi1>
            %add3A_782 = arith.constant 48 : i32
            %add3A_783 = arith.addi %multiple_of3A, %add3A_782 : i32
            %multiple_of3A_784 = tpu.assume_multiple %add3A_783, 16 : i32
            %add3A_785 = arith.constant 12288 : i32
            %add3A_786 = arith.addi %mul3A_95, %add3A_785 : i32
            %add3A_787 = arith.constant 32 : i32
            %add3A_788 = arith.addi %add3A_786, %add3A_787 : i32
            %multiple_of3A_789 = tpu.assume_multiple %add3A_788, 16 : i32
            %add3A_790 = arith.constant 48 : i32
            %add3A_791 = arith.addi %add3A_786, %add3A_790 : i32
            %multiple_of3A_792 = tpu.assume_multiple %add3A_791, 16 : i32
            %get3A_793 = arith.index_cast %multiple_of3A_789 : i32 to index
            %get3A_794 = tpu.vector_load %arg10[%get3A_793] {strides = array<i32>} : memref<16384xf32, #tpu.memory_space<vmem>>, vector<16xf32>,
            %get3A_795 = vector.shape_cast %get3A_794 : vector<16xf32> to vector<16xf32>
            %get3A_796 = arith.index_cast %multiple_of3A_792 : i32 to index
            %get3A_797 = tpu.vector_load %arg10[%get3A_796] {strides = array<i32>} : memref<16384xf32, #tpu.memory_space<vmem>>, vector<16xf32>,
            %get3A_798 = vector.shape_cast %get3A_797 : vector<16xf32> to vector<16xf32>
            %lt3A_799 = arith.constant 0 : i32
            %lt3A_800 = vector.broadcast %lt3A_799 : i32 to vector<16xi32>
            %lt3A_801 = arith.cmpi slt, %min3A_70, %lt3A_800 : vector<16xi32>
            %add3A_802 = arith.constant 16 : i32
            %add3A_803 = vector.broadcast %add3A_802 : i32 to vector<16xi32>
            %add3A_804 = arith.addi %min3A_70, %add3A_803 : vector<16xi32>
            %select_n3A_805 = arith.select %lt3A_801, %add3A_804, %min3A_70 : vector<16xi1>, vector<16xi32>
            %broadcast_in_dim3A_806 = vector.shape_cast %select_n3A_805 : vector<16xi32> to vector<16x1xi32>
            %gather3A_807 = vector.shape_cast %broadcast_in_dim3A_806 : vector<16x1xi32> to vector<16xi32>
            %gather3A_808 = tpu.dynamic_gather %get3A_795[%gather3A_807] in [0] : vector<16xf32>, vector<16xi32> -> vector<16xf32>
            %lt3A_809 = arith.constant 0 : i32
            %lt3A_810 = vector.broadcast %lt3A_809 : i32 to vector<16xi32>
            %lt3A_811 = arith.cmpi slt, %min3A_78, %lt3A_810 : vector<16xi32>
            %add3A_812 = arith.constant 16 : i32
            %add3A_813 = vector.broadcast %add3A_812 : i32 to vector<16xi32>
            %add3A_814 = arith.addi %min3A_78, %add3A_813 : vector<16xi32>
            %select_n3A_815 = arith.select %lt3A_811, %add3A_814, %min3A_78 : vector<16xi1>, vector<16xi32>
            %broadcast_in_dim3A_816 = vector.shape_cast %select_n3A_815 : vector<16xi32> to vector<16x1xi32>
            %gather3A_817 = vector.shape_cast %broadcast_in_dim3A_816 : vector<16x1xi32> to vector<16xi32>
            %gather3A_818 = tpu.dynamic_gather %get3A_798[%gather3A_817] in [0] : vector<16xf32>, vector<16xi32> -> vector<16xf32>
            %select_n3A_819 = arith.select %lt3A_79, %gather3A_808, %gather3A_818 : vector<16xi1>, vector<16xf32>
            %jit3A_820 = arith.constant 0.000000e+00 : f32
            %broadcast_in_dim3A_821 = vector.broadcast %jit3A_820 : f32 to vector<16xf32>
            %select_n3A_822 = arith.select %and3A_781, %select_n3A_819, %broadcast_in_dim3A_821 : vector<16xi1>, vector<16xf32>
            %get3A_823 = arith.index_cast %sub3A_96 : i32 to index
            %get3A_824 = arith.index_cast %multiple_of3A_784 : i32 to index
            %get3A_825 = tpu.vector_load %arg9[%get3A_823, %get3A_824] {strides = array<i32>} : memref<16x512xf32, #tpu.memory_space<vmem>>, vector<1x16xf32>,
            %get3A_826 = vector.shape_cast %get3A_825 : vector<1x16xf32> to vector<16xf32>
            %sub3A_827 = arith.constant 1.000000e+00 : f32
            %sub3A_828 = vector.broadcast %sub3A_827 : f32 to vector<16xf32>
            %sub3A_829 = arith.subf %sub3A_828, %select_n3A_822 : vector<16xf32>
            %mul3A_830 = arith.mulf %get3A_826, %sub3A_829 : vector<16xf32>
            %add3A_831 = arith.addf %select_n3A_822, %mul3A_830 : vector<16xf32>
            %add3A_832 = arith.constant 0 : i32
            %add3A_833 = arith.addi %mul3A_95, %add3A_832 : i32
            %add3A_834 = arith.constant 32 : i32
            %add3A_835 = arith.addi %add3A_833, %add3A_834 : i32
            %multiple_of3A_836 = tpu.assume_multiple %add3A_835, 16 : i32
            %add3A_837 = arith.constant 48 : i32
            %add3A_838 = arith.addi %add3A_833, %add3A_837 : i32
            %multiple_of3A_839 = tpu.assume_multiple %add3A_838, 16 : i32
            %get3A_840 = arith.index_cast %multiple_of3A_836 : i32 to index
            %get3A_841 = tpu.vector_load %arg10[%get3A_840] {strides = array<i32>} : memref<16384xf32, #tpu.memory_space<vmem>>, vector<16xf32>,
            %get3A_842 = vector.shape_cast %get3A_841 : vector<16xf32> to vector<16xf32>
            %get3A_843 = arith.index_cast %multiple_of3A_839 : i32 to index
            %get3A_844 = tpu.vector_load %arg10[%get3A_843] {strides = array<i32>} : memref<16384xf32, #tpu.memory_space<vmem>>, vector<16xf32>,
            %get3A_845 = vector.shape_cast %get3A_844 : vector<16xf32> to vector<16xf32>
            %lt3A_846 = arith.constant 0 : i32
            %lt3A_847 = vector.broadcast %lt3A_846 : i32 to vector<16xi32>
            %lt3A_848 = arith.cmpi slt, %min3A_70, %lt3A_847 : vector<16xi32>
            %add3A_849 = arith.constant 16 : i32
            %add3A_850 = vector.broadcast %add3A_849 : i32 to vector<16xi32>
            %add3A_851 = arith.addi %min3A_70, %add3A_850 : vector<16xi32>
            %select_n3A_852 = arith.select %lt3A_848, %add3A_851, %min3A_70 : vector<16xi1>, vector<16xi32>
            %broadcast_in_dim3A_853 = vector.shape_cast %select_n3A_852 : vector<16xi32> to vector<16x1xi32>
            %gather3A_854 = vector.shape_cast %broadcast_in_dim3A_853 : vector<16x1xi32> to vector<16xi32>
            %gather3A_855 = tpu.dynamic_gather %get3A_842[%gather3A_854] in [0] : vector<16xf32>, vector<16xi32> -> vector<16xf32>
            %lt3A_856 = arith.constant 0 : i32
            %lt3A_857 = vector.broadcast %lt3A_856 : i32 to vector<16xi32>
            %lt3A_858 = arith.cmpi slt, %min3A_78, %lt3A_857 : vector<16xi32>
            %add3A_859 = arith.constant 16 : i32
            %add3A_860 = vector.broadcast %add3A_859 : i32 to vector<16xi32>
            %add3A_861 = arith.addi %min3A_78, %add3A_860 : vector<16xi32>
            %select_n3A_862 = arith.select %lt3A_858, %add3A_861, %min3A_78 : vector<16xi1>, vector<16xi32>
            %broadcast_in_dim3A_863 = vector.shape_cast %select_n3A_862 : vector<16xi32> to vector<16x1xi32>
            %gather3A_864 = vector.shape_cast %broadcast_in_dim3A_863 : vector<16x1xi32> to vector<16xi32>
            %gather3A_865 = tpu.dynamic_gather %get3A_845[%gather3A_864] in [0] : vector<16xf32>, vector<16xi32> -> vector<16xf32>
            %select_n3A_866 = arith.select %lt3A_79, %gather3A_855, %gather3A_865 : vector<16xi1>, vector<16xf32>
            %get3A_867 = arith.constant 0 : i32
            %get3A_868 = arith.index_cast %get3A_867 : i32 to index
            %get3A_869 = arith.index_cast %sub3A_96 : i32 to index
            %get3A_870 = arith.index_cast %multiple_of3A_784 : i32 to index
            %get3A_871 = tpu.vector_load %arg8[%get3A_868, %get3A_869, %get3A_870] {strides = array<i32>} : memref<3x16x512xf32, #tpu.memory_space<vmem>>, vector<1x1x16xf32>,
            %get3A_872 = vector.shape_cast %get3A_871 : vector<1x1x16xf32> to vector<16xf32>
            %mul3A_873 = arith.mulf %select_n3A_866, %select_n3A_822 : vector<16xf32>
            %mul3A_874 = arith.mulf %get3A_872, %mul3A_830 : vector<16xf32>
            %add3A_875 = arith.addf %mul3A_873, %mul3A_874 : vector<16xf32>
            %div3A_876 = arith.divf %add3A_875, %add3A_831 : vector<16xf32>
            %select_n3A_877 = arith.select %and3A_781, %div3A_876, %get3A_872 : vector<16xi1>, vector<16xf32>
            %swap3A_878 = arith.constant 0 : i32
            %swap3A_879 = arith.index_cast %swap3A_878 : i32 to index
            %swap3A_880 = arith.index_cast %sub3A_96 : i32 to index
            %swap3A_881 = arith.index_cast %multiple_of3A_784 : i32 to index
            %swap3A_882 = tpu.vector_load %arg8[%swap3A_879, %swap3A_880, %swap3A_881] {strides = array<i32>} : memref<3x16x512xf32, #tpu.memory_space<vmem>>, vector<1x1x16xf32>,
            %swap3A_883 = vector.shape_cast %swap3A_882 : vector<1x1x16xf32> to vector<16xf32>
            %swap3A_884 = vector.shape_cast %select_n3A_877 : vector<16xf32> to vector<1x1x16xf32>
            tpu.vector_store %arg8[%swap3A_879, %swap3A_880, %swap3A_881], %swap3A_884 {strides = array<i32>} : memref<3x16x512xf32, #tpu.memory_space<vmem>>, vector<1x1x16xf32>,
            %add3A_885 = arith.constant 4096 : i32
            %add3A_886 = arith.addi %mul3A_95, %add3A_885 : i32
            %add3A_887 = arith.constant 32 : i32
            %add3A_888 = arith.addi %add3A_886, %add3A_887 : i32
            %multiple_of3A_889 = tpu.assume_multiple %add3A_888, 16 : i32
            %add3A_890 = arith.constant 48 : i32
            %add3A_891 = arith.addi %add3A_886, %add3A_890 : i32
            %multiple_of3A_892 = tpu.assume_multiple %add3A_891, 16 : i32
            %get3A_893 = arith.index_cast %multiple_of3A_889 : i32 to index
            %get3A_894 = tpu.vector_load %arg10[%get3A_893] {strides = array<i32>} : memref<16384xf32, #tpu.memory_space<vmem>>, vector<16xf32>,
            %get3A_895 = vector.shape_cast %get3A_894 : vector<16xf32> to vector<16xf32>
            %get3A_896 = arith.index_cast %multiple_of3A_892 : i32 to index
            %get3A_897 = tpu.vector_load %arg10[%get3A_896] {strides = array<i32>} : memref<16384xf32, #tpu.memory_space<vmem>>, vector<16xf32>,
            %get3A_898 = vector.shape_cast %get3A_897 : vector<16xf32> to vector<16xf32>
            %lt3A_899 = arith.constant 0 : i32
            %lt3A_900 = vector.broadcast %lt3A_899 : i32 to vector<16xi32>
            %lt3A_901 = arith.cmpi slt, %min3A_70, %lt3A_900 : vector<16xi32>
            %add3A_902 = arith.constant 16 : i32
            %add3A_903 = vector.broadcast %add3A_902 : i32 to vector<16xi32>
            %add3A_904 = arith.addi %min3A_70, %add3A_903 : vector<16xi32>
            %select_n3A_905 = arith.select %lt3A_901, %add3A_904, %min3A_70 : vector<16xi1>, vector<16xi32>
            %broadcast_in_dim3A_906 = vector.shape_cast %select_n3A_905 : vector<16xi32> to vector<16x1xi32>
            %gather3A_907 = vector.shape_cast %broadcast_in_dim3A_906 : vector<16x1xi32> to vector<16xi32>
            %gather3A_908 = tpu.dynamic_gather %get3A_895[%gather3A_907] in [0] : vector<16xf32>, vector<16xi32> -> vector<16xf32>
            %lt3A_909 = arith.constant 0 : i32
            %lt3A_910 = vector.broadcast %lt3A_909 : i32 to vector<16xi32>
            %lt3A_911 = arith.cmpi slt, %min3A_78, %lt3A_910 : vector<16xi32>
            %add3A_912 = arith.constant 16 : i32
            %add3A_913 = vector.broadcast %add3A_912 : i32 to vector<16xi32>
            %add3A_914 = arith.addi %min3A_78, %add3A_913 : vector<16xi32>
            %select_n3A_915 = arith.select %lt3A_911, %add3A_914, %min3A_78 : vector<16xi1>, vector<16xi32>
            %broadcast_in_dim3A_916 = vector.shape_cast %select_n3A_915 : vector<16xi32> to vector<16x1xi32>
            %gather3A_917 = vector.shape_cast %broadcast_in_dim3A_916 : vector<16x1xi32> to vector<16xi32>
            %gather3A_918 = tpu.dynamic_gather %get3A_898[%gather3A_917] in [0] : vector<16xf32>, vector<16xi32> -> vector<16xf32>
            %select_n3A_919 = arith.select %lt3A_79, %gather3A_908, %gather3A_918 : vector<16xi1>, vector<16xf32>
            %get3A_920 = arith.constant 1 : i32
            %get3A_921 = arith.index_cast %get3A_920 : i32 to index
            %get3A_922 = arith.index_cast %sub3A_96 : i32 to index
            %get3A_923 = arith.index_cast %multiple_of3A_784 : i32 to index
            %get3A_924 = tpu.vector_load %arg8[%get3A_921, %get3A_922, %get3A_923] {strides = array<i32>} : memref<3x16x512xf32, #tpu.memory_space<vmem>>, vector<1x1x16xf32>,
            %get3A_925 = vector.shape_cast %get3A_924 : vector<1x1x16xf32> to vector<16xf32>
            %mul3A_926 = arith.mulf %select_n3A_919, %select_n3A_822 : vector<16xf32>
            %mul3A_927 = arith.mulf %get3A_925, %mul3A_830 : vector<16xf32>
            %add3A_928 = arith.addf %mul3A_926, %mul3A_927 : vector<16xf32>
            %div3A_929 = arith.divf %add3A_928, %add3A_831 : vector<16xf32>
            %select_n3A_930 = arith.select %and3A_781, %div3A_929, %get3A_925 : vector<16xi1>, vector<16xf32>
            %swap3A_931 = arith.constant 1 : i32
            %swap3A_932 = arith.index_cast %swap3A_931 : i32 to index
            %swap3A_933 = arith.index_cast %sub3A_96 : i32 to index
            %swap3A_934 = arith.index_cast %multiple_of3A_784 : i32 to index
            %swap3A_935 = tpu.vector_load %arg8[%swap3A_932, %swap3A_933, %swap3A_934] {strides = array<i32>} : memref<3x16x512xf32, #tpu.memory_space<vmem>>, vector<1x1x16xf32>,
            %swap3A_936 = vector.shape_cast %swap3A_935 : vector<1x1x16xf32> to vector<16xf32>
            %swap3A_937 = vector.shape_cast %select_n3A_930 : vector<16xf32> to vector<1x1x16xf32>
            tpu.vector_store %arg8[%swap3A_932, %swap3A_933, %swap3A_934], %swap3A_937 {strides = array<i32>} : memref<3x16x512xf32, #tpu.memory_space<vmem>>, vector<1x1x16xf32>,
            %add3A_938 = arith.constant 8192 : i32
            %add3A_939 = arith.addi %mul3A_95, %add3A_938 : i32
            %add3A_940 = arith.constant 32 : i32
            %add3A_941 = arith.addi %add3A_939, %add3A_940 : i32
            %multiple_of3A_942 = tpu.assume_multiple %add3A_941, 16 : i32
            %add3A_943 = arith.constant 48 : i32
            %add3A_944 = arith.addi %add3A_939, %add3A_943 : i32
            %multiple_of3A_945 = tpu.assume_multiple %add3A_944, 16 : i32
            %get3A_946 = arith.index_cast %multiple_of3A_942 : i32 to index
            %get3A_947 = tpu.vector_load %arg10[%get3A_946] {strides = array<i32>} : memref<16384xf32, #tpu.memory_space<vmem>>, vector<16xf32>,
            %get3A_948 = vector.shape_cast %get3A_947 : vector<16xf32> to vector<16xf32>
            %get3A_949 = arith.index_cast %multiple_of3A_945 : i32 to index
            %get3A_950 = tpu.vector_load %arg10[%get3A_949] {strides = array<i32>} : memref<16384xf32, #tpu.memory_space<vmem>>, vector<16xf32>,
            %get3A_951 = vector.shape_cast %get3A_950 : vector<16xf32> to vector<16xf32>
            %lt3A_952 = arith.constant 0 : i32
            %lt3A_953 = vector.broadcast %lt3A_952 : i32 to vector<16xi32>
            %lt3A_954 = arith.cmpi slt, %min3A_70, %lt3A_953 : vector<16xi32>
            %add3A_955 = arith.constant 16 : i32
            %add3A_956 = vector.broadcast %add3A_955 : i32 to vector<16xi32>
            %add3A_957 = arith.addi %min3A_70, %add3A_956 : vector<16xi32>
            %select_n3A_958 = arith.select %lt3A_954, %add3A_957, %min3A_70 : vector<16xi1>, vector<16xi32>
            %broadcast_in_dim3A_959 = vector.shape_cast %select_n3A_958 : vector<16xi32> to vector<16x1xi32>
            %gather3A_960 = vector.shape_cast %broadcast_in_dim3A_959 : vector<16x1xi32> to vector<16xi32>
            %gather3A_961 = tpu.dynamic_gather %get3A_948[%gather3A_960] in [0] : vector<16xf32>, vector<16xi32> -> vector<16xf32>
            %lt3A_962 = arith.constant 0 : i32
            %lt3A_963 = vector.broadcast %lt3A_962 : i32 to vector<16xi32>
            %lt3A_964 = arith.cmpi slt, %min3A_78, %lt3A_963 : vector<16xi32>
            %add3A_965 = arith.constant 16 : i32
            %add3A_966 = vector.broadcast %add3A_965 : i32 to vector<16xi32>
            %add3A_967 = arith.addi %min3A_78, %add3A_966 : vector<16xi32>
            %select_n3A_968 = arith.select %lt3A_964, %add3A_967, %min3A_78 : vector<16xi1>, vector<16xi32>
            %broadcast_in_dim3A_969 = vector.shape_cast %select_n3A_968 : vector<16xi32> to vector<16x1xi32>
            %gather3A_970 = vector.shape_cast %broadcast_in_dim3A_969 : vector<16x1xi32> to vector<16xi32>
            %gather3A_971 = tpu.dynamic_gather %get3A_951[%gather3A_970] in [0] : vector<16xf32>, vector<16xi32> -> vector<16xf32>
            %select_n3A_972 = arith.select %lt3A_79, %gather3A_961, %gather3A_971 : vector<16xi1>, vector<16xf32>
            %get3A_973 = arith.constant 2 : i32
            %get3A_974 = arith.index_cast %get3A_973 : i32 to index
            %get3A_975 = arith.index_cast %sub3A_96 : i32 to index
            %get3A_976 = arith.index_cast %multiple_of3A_784 : i32 to index
            %get3A_977 = tpu.vector_load %arg8[%get3A_974, %get3A_975, %get3A_976] {strides = array<i32>} : memref<3x16x512xf32, #tpu.memory_space<vmem>>, vector<1x1x16xf32>,
            %get3A_978 = vector.shape_cast %get3A_977 : vector<1x1x16xf32> to vector<16xf32>
            %mul3A_979 = arith.mulf %select_n3A_972, %select_n3A_822 : vector<16xf32>
            %mul3A_980 = arith.mulf %get3A_978, %mul3A_830 : vector<16xf32>
            %add3A_981 = arith.addf %mul3A_979, %mul3A_980 : vector<16xf32>
            %div3A_982 = arith.divf %add3A_981, %add3A_831 : vector<16xf32>
            %select_n3A_983 = arith.select %and3A_781, %div3A_982, %get3A_978 : vector<16xi1>, vector<16xf32>
            %swap3A_984 = arith.constant 2 : i32
            %swap3A_985 = arith.index_cast %swap3A_984 : i32 to index
            %swap3A_986 = arith.index_cast %sub3A_96 : i32 to index
            %swap3A_987 = arith.index_cast %multiple_of3A_784 : i32 to index
            %swap3A_988 = tpu.vector_load %arg8[%swap3A_985, %swap3A_986, %swap3A_987] {strides = array<i32>} : memref<3x16x512xf32, #tpu.memory_space<vmem>>, vector<1x1x16xf32>,
            %swap3A_989 = vector.shape_cast %swap3A_988 : vector<1x1x16xf32> to vector<16xf32>
            %swap3A_990 = vector.shape_cast %select_n3A_983 : vector<16xf32> to vector<1x1x16xf32>
            tpu.vector_store %arg8[%swap3A_985, %swap3A_986, %swap3A_987], %swap3A_990 {strides = array<i32>} : memref<3x16x512xf32, #tpu.memory_space<vmem>>, vector<1x1x16xf32>,
            %select_n3A_991 = arith.select %and3A_781, %add3A_831, %get3A_826 : vector<16xi1>, vector<16xf32>
            %swap3A_992 = arith.index_cast %sub3A_96 : i32 to index
            %swap3A_993 = arith.index_cast %multiple_of3A_784 : i32 to index
            %swap3A_994 = tpu.vector_load %arg9[%swap3A_992, %swap3A_993] {strides = array<i32>} : memref<16x512xf32, #tpu.memory_space<vmem>>, vector<1x16xf32>,
            %swap3A_995 = vector.shape_cast %swap3A_994 : vector<1x16xf32> to vector<16xf32>
            %swap3A_996 = vector.shape_cast %select_n3A_991 : vector<16xf32> to vector<1x16xf32>
            tpu.vector_store %arg9[%swap3A_992, %swap3A_993], %swap3A_996 {strides = array<i32>} : memref<16x512xf32, #tpu.memory_space<vmem>>, vector<1x16xf32>,
            %sub3A_997 = arith.constant 64 : i32
            %sub3A_998 = arith.subi %sub3A_997, %sub3A_60 : i32
            %add3A_999 = vector.broadcast %sub3A_998 : i32 to vector<16xi32>
            %add3A_1000 = arith.addi %iota3A, %add3A_999 : vector<16xi32>
            %ge3A_1001 = arith.constant 0 : i32
            %ge3A_1002 = vector.broadcast %ge3A_1001 : i32 to vector<16xi32>
            %ge3A_1003 = arith.cmpi sge, %add3A_1000, %ge3A_1002 : vector<16xi32>
            %lt3A_1004 = arith.constant 64 : i32
            %lt3A_1005 = vector.broadcast %lt3A_1004 : i32 to vector<16xi32>
            %lt3A_1006 = arith.cmpi slt, %add3A_1000, %lt3A_1005 : vector<16xi32>
            %and3A_1007 = arith.andi %ge3A_1003, %lt3A_1006 : vector<16xi1>
            %add3A_1008 = arith.constant 64 : i32
            %add3A_1009 = arith.addi %multiple_of3A, %add3A_1008 : i32
            %multiple_of3A_1010 = tpu.assume_multiple %add3A_1009, 16 : i32
            %add3A_1011 = arith.constant 12288 : i32
            %add3A_1012 = arith.addi %mul3A_95, %add3A_1011 : i32
            %add3A_1013 = arith.constant 48 : i32
            %add3A_1014 = arith.addi %add3A_1012, %add3A_1013 : i32
            %multiple_of3A_1015 = tpu.assume_multiple %add3A_1014, 16 : i32
            %add3A_1016 = arith.constant 48 : i32
            %add3A_1017 = arith.addi %add3A_1012, %add3A_1016 : i32
            %multiple_of3A_1018 = tpu.assume_multiple %add3A_1017, 16 : i32
            %get3A_1019 = arith.index_cast %multiple_of3A_1015 : i32 to index
            %get3A_1020 = tpu.vector_load %arg10[%get3A_1019] {strides = array<i32>} : memref<16384xf32, #tpu.memory_space<vmem>>, vector<16xf32>,
            %get3A_1021 = vector.shape_cast %get3A_1020 : vector<16xf32> to vector<16xf32>
            %get3A_1022 = arith.index_cast %multiple_of3A_1018 : i32 to index
            %get3A_1023 = tpu.vector_load %arg10[%get3A_1022] {strides = array<i32>} : memref<16384xf32, #tpu.memory_space<vmem>>, vector<16xf32>,
            %get3A_1024 = vector.shape_cast %get3A_1023 : vector<16xf32> to vector<16xf32>
            %lt3A_1025 = arith.constant 0 : i32
            %lt3A_1026 = vector.broadcast %lt3A_1025 : i32 to vector<16xi32>
            %lt3A_1027 = arith.cmpi slt, %min3A_70, %lt3A_1026 : vector<16xi32>
            %add3A_1028 = arith.constant 16 : i32
            %add3A_1029 = vector.broadcast %add3A_1028 : i32 to vector<16xi32>
            %add3A_1030 = arith.addi %min3A_70, %add3A_1029 : vector<16xi32>
            %select_n3A_1031 = arith.select %lt3A_1027, %add3A_1030, %min3A_70 : vector<16xi1>, vector<16xi32>
            %broadcast_in_dim3A_1032 = vector.shape_cast %select_n3A_1031 : vector<16xi32> to vector<16x1xi32>
            %gather3A_1033 = vector.shape_cast %broadcast_in_dim3A_1032 : vector<16x1xi32> to vector<16xi32>
            %gather3A_1034 = tpu.dynamic_gather %get3A_1021[%gather3A_1033] in [0] : vector<16xf32>, vector<16xi32> -> vector<16xf32>
            %lt3A_1035 = arith.constant 0 : i32
            %lt3A_1036 = vector.broadcast %lt3A_1035 : i32 to vector<16xi32>
            %lt3A_1037 = arith.cmpi slt, %min3A_78, %lt3A_1036 : vector<16xi32>
            %add3A_1038 = arith.constant 16 : i32
            %add3A_1039 = vector.broadcast %add3A_1038 : i32 to vector<16xi32>
            %add3A_1040 = arith.addi %min3A_78, %add3A_1039 : vector<16xi32>
            %select_n3A_1041 = arith.select %lt3A_1037, %add3A_1040, %min3A_78 : vector<16xi1>, vector<16xi32>
            %broadcast_in_dim3A_1042 = vector.shape_cast %select_n3A_1041 : vector<16xi32> to vector<16x1xi32>
            %gather3A_1043 = vector.shape_cast %broadcast_in_dim3A_1042 : vector<16x1xi32> to vector<16xi32>
            %gather3A_1044 = tpu.dynamic_gather %get3A_1024[%gather3A_1043] in [0] : vector<16xf32>, vector<16xi32> -> vector<16xf32>
            %select_n3A_1045 = arith.select %lt3A_79, %gather3A_1034, %gather3A_1044 : vector<16xi1>, vector<16xf32>
            %jit3A_1046 = arith.constant 0.000000e+00 : f32
            %broadcast_in_dim3A_1047 = vector.broadcast %jit3A_1046 : f32 to vector<16xf32>
            %select_n3A_1048 = arith.select %and3A_1007, %select_n3A_1045, %broadcast_in_dim3A_1047 : vector<16xi1>, vector<16xf32>
            %get3A_1049 = arith.index_cast %sub3A_96 : i32 to index
            %get3A_1050 = arith.index_cast %multiple_of3A_1010 : i32 to index
            %get3A_1051 = tpu.vector_load %arg9[%get3A_1049, %get3A_1050] {strides = array<i32>} : memref<16x512xf32, #tpu.memory_space<vmem>>, vector<1x16xf32>,
            %get3A_1052 = vector.shape_cast %get3A_1051 : vector<1x16xf32> to vector<16xf32>
            %sub3A_1053 = arith.constant 1.000000e+00 : f32
            %sub3A_1054 = vector.broadcast %sub3A_1053 : f32 to vector<16xf32>
            %sub3A_1055 = arith.subf %sub3A_1054, %select_n3A_1048 : vector<16xf32>
            %mul3A_1056 = arith.mulf %get3A_1052, %sub3A_1055 : vector<16xf32>
            %add3A_1057 = arith.addf %select_n3A_1048, %mul3A_1056 : vector<16xf32>
            %add3A_1058 = arith.constant 0 : i32
            %add3A_1059 = arith.addi %mul3A_95, %add3A_1058 : i32
            %add3A_1060 = arith.constant 48 : i32
            %add3A_1061 = arith.addi %add3A_1059, %add3A_1060 : i32
            %multiple_of3A_1062 = tpu.assume_multiple %add3A_1061, 16 : i32
            %add3A_1063 = arith.constant 48 : i32
            %add3A_1064 = arith.addi %add3A_1059, %add3A_1063 : i32
            %multiple_of3A_1065 = tpu.assume_multiple %add3A_1064, 16 : i32
            %get3A_1066 = arith.index_cast %multiple_of3A_1062 : i32 to index
            %get3A_1067 = tpu.vector_load %arg10[%get3A_1066] {strides = array<i32>} : memref<16384xf32, #tpu.memory_space<vmem>>, vector<16xf32>,
            %get3A_1068 = vector.shape_cast %get3A_1067 : vector<16xf32> to vector<16xf32>
            %get3A_1069 = arith.index_cast %multiple_of3A_1065 : i32 to index
            %get3A_1070 = tpu.vector_load %arg10[%get3A_1069] {strides = array<i32>} : memref<16384xf32, #tpu.memory_space<vmem>>, vector<16xf32>,
            %get3A_1071 = vector.shape_cast %get3A_1070 : vector<16xf32> to vector<16xf32>
            %lt3A_1072 = arith.constant 0 : i32
            %lt3A_1073 = vector.broadcast %lt3A_1072 : i32 to vector<16xi32>
            %lt3A_1074 = arith.cmpi slt, %min3A_70, %lt3A_1073 : vector<16xi32>
            %add3A_1075 = arith.constant 16 : i32
            %add3A_1076 = vector.broadcast %add3A_1075 : i32 to vector<16xi32>
            %add3A_1077 = arith.addi %min3A_70, %add3A_1076 : vector<16xi32>
            %select_n3A_1078 = arith.select %lt3A_1074, %add3A_1077, %min3A_70 : vector<16xi1>, vector<16xi32>
            %broadcast_in_dim3A_1079 = vector.shape_cast %select_n3A_1078 : vector<16xi32> to vector<16x1xi32>
            %gather3A_1080 = vector.shape_cast %broadcast_in_dim3A_1079 : vector<16x1xi32> to vector<16xi32>
            %gather3A_1081 = tpu.dynamic_gather %get3A_1068[%gather3A_1080] in [0] : vector<16xf32>, vector<16xi32> -> vector<16xf32>
            %lt3A_1082 = arith.constant 0 : i32
            %lt3A_1083 = vector.broadcast %lt3A_1082 : i32 to vector<16xi32>
            %lt3A_1084 = arith.cmpi slt, %min3A_78, %lt3A_1083 : vector<16xi32>
            %add3A_1085 = arith.constant 16 : i32
            %add3A_1086 = vector.broadcast %add3A_1085 : i32 to vector<16xi32>
            %add3A_1087 = arith.addi %min3A_78, %add3A_1086 : vector<16xi32>
            %select_n3A_1088 = arith.select %lt3A_1084, %add3A_1087, %min3A_78 : vector<16xi1>, vector<16xi32>
            %broadcast_in_dim3A_1089 = vector.shape_cast %select_n3A_1088 : vector<16xi32> to vector<16x1xi32>
            %gather3A_1090 = vector.shape_cast %broadcast_in_dim3A_1089 : vector<16x1xi32> to vector<16xi32>
            %gather3A_1091 = tpu.dynamic_gather %get3A_1071[%gather3A_1090] in [0] : vector<16xf32>, vector<16xi32> -> vector<16xf32>
            %select_n3A_1092 = arith.select %lt3A_79, %gather3A_1081, %gather3A_1091 : vector<16xi1>, vector<16xf32>
            %get3A_1093 = arith.constant 0 : i32
            %get3A_1094 = arith.index_cast %get3A_1093 : i32 to index
            %get3A_1095 = arith.index_cast %sub3A_96 : i32 to index
            %get3A_1096 = arith.index_cast %multiple_of3A_1010 : i32 to index
            %get3A_1097 = tpu.vector_load %arg8[%get3A_1094, %get3A_1095, %get3A_1096] {strides = array<i32>} : memref<3x16x512xf32, #tpu.memory_space<vmem>>, vector<1x1x16xf32>,
            %get3A_1098 = vector.shape_cast %get3A_1097 : vector<1x1x16xf32> to vector<16xf32>
            %mul3A_1099 = arith.mulf %select_n3A_1092, %select_n3A_1048 : vector<16xf32>
            %mul3A_1100 = arith.mulf %get3A_1098, %mul3A_1056 : vector<16xf32>
            %add3A_1101 = arith.addf %mul3A_1099, %mul3A_1100 : vector<16xf32>
            %div3A_1102 = arith.divf %add3A_1101, %add3A_1057 : vector<16xf32>
            %select_n3A_1103 = arith.select %and3A_1007, %div3A_1102, %get3A_1098 : vector<16xi1>, vector<16xf32>
            %swap3A_1104 = arith.constant 0 : i32
            %swap3A_1105 = arith.index_cast %swap3A_1104 : i32 to index
            %swap3A_1106 = arith.index_cast %sub3A_96 : i32 to index
            %swap3A_1107 = arith.index_cast %multiple_of3A_1010 : i32 to index
            %swap3A_1108 = tpu.vector_load %arg8[%swap3A_1105, %swap3A_1106, %swap3A_1107] {strides = array<i32>} : memref<3x16x512xf32, #tpu.memory_space<vmem>>, vector<1x1x16xf32>,
            %swap3A_1109 = vector.shape_cast %swap3A_1108 : vector<1x1x16xf32> to vector<16xf32>
            %swap3A_1110 = vector.shape_cast %select_n3A_1103 : vector<16xf32> to vector<1x1x16xf32>
            tpu.vector_store %arg8[%swap3A_1105, %swap3A_1106, %swap3A_1107], %swap3A_1110 {strides = array<i32>} : memref<3x16x512xf32, #tpu.memory_space<vmem>>, vector<1x1x16xf32>,
            %add3A_1111 = arith.constant 4096 : i32
            %add3A_1112 = arith.addi %mul3A_95, %add3A_1111 : i32
            %add3A_1113 = arith.constant 48 : i32
            %add3A_1114 = arith.addi %add3A_1112, %add3A_1113 : i32
            %multiple_of3A_1115 = tpu.assume_multiple %add3A_1114, 16 : i32
            %add3A_1116 = arith.constant 48 : i32
            %add3A_1117 = arith.addi %add3A_1112, %add3A_1116 : i32
            %multiple_of3A_1118 = tpu.assume_multiple %add3A_1117, 16 : i32
            %get3A_1119 = arith.index_cast %multiple_of3A_1115 : i32 to index
            %get3A_1120 = tpu.vector_load %arg10[%get3A_1119] {strides = array<i32>} : memref<16384xf32, #tpu.memory_space<vmem>>, vector<16xf32>,
            %get3A_1121 = vector.shape_cast %get3A_1120 : vector<16xf32> to vector<16xf32>
            %get3A_1122 = arith.index_cast %multiple_of3A_1118 : i32 to index
            %get3A_1123 = tpu.vector_load %arg10[%get3A_1122] {strides = array<i32>} : memref<16384xf32, #tpu.memory_space<vmem>>, vector<16xf32>,
            %get3A_1124 = vector.shape_cast %get3A_1123 : vector<16xf32> to vector<16xf32>
            %lt3A_1125 = arith.constant 0 : i32
            %lt3A_1126 = vector.broadcast %lt3A_1125 : i32 to vector<16xi32>
            %lt3A_1127 = arith.cmpi slt, %min3A_70, %lt3A_1126 : vector<16xi32>
            %add3A_1128 = arith.constant 16 : i32
            %add3A_1129 = vector.broadcast %add3A_1128 : i32 to vector<16xi32>
            %add3A_1130 = arith.addi %min3A_70, %add3A_1129 : vector<16xi32>
            %select_n3A_1131 = arith.select %lt3A_1127, %add3A_1130, %min3A_70 : vector<16xi1>, vector<16xi32>
            %broadcast_in_dim3A_1132 = vector.shape_cast %select_n3A_1131 : vector<16xi32> to vector<16x1xi32>
            %gather3A_1133 = vector.shape_cast %broadcast_in_dim3A_1132 : vector<16x1xi32> to vector<16xi32>
            %gather3A_1134 = tpu.dynamic_gather %get3A_1121[%gather3A_1133] in [0] : vector<16xf32>, vector<16xi32> -> vector<16xf32>
            %lt3A_1135 = arith.constant 0 : i32
            %lt3A_1136 = vector.broadcast %lt3A_1135 : i32 to vector<16xi32>
            %lt3A_1137 = arith.cmpi slt, %min3A_78, %lt3A_1136 : vector<16xi32>
            %add3A_1138 = arith.constant 16 : i32
            %add3A_1139 = vector.broadcast %add3A_1138 : i32 to vector<16xi32>
            %add3A_1140 = arith.addi %min3A_78, %add3A_1139 : vector<16xi32>
            %select_n3A_1141 = arith.select %lt3A_1137, %add3A_1140, %min3A_78 : vector<16xi1>, vector<16xi32>
            %broadcast_in_dim3A_1142 = vector.shape_cast %select_n3A_1141 : vector<16xi32> to vector<16x1xi32>
            %gather3A_1143 = vector.shape_cast %broadcast_in_dim3A_1142 : vector<16x1xi32> to vector<16xi32>
            %gather3A_1144 = tpu.dynamic_gather %get3A_1124[%gather3A_1143] in [0] : vector<16xf32>, vector<16xi32> -> vector<16xf32>
            %select_n3A_1145 = arith.select %lt3A_79, %gather3A_1134, %gather3A_1144 : vector<16xi1>, vector<16xf32>
            %get3A_1146 = arith.constant 1 : i32
            %get3A_1147 = arith.index_cast %get3A_1146 : i32 to index
            %get3A_1148 = arith.index_cast %sub3A_96 : i32 to index
            %get3A_1149 = arith.index_cast %multiple_of3A_1010 : i32 to index
            %get3A_1150 = tpu.vector_load %arg8[%get3A_1147, %get3A_1148, %get3A_1149] {strides = array<i32>} : memref<3x16x512xf32, #tpu.memory_space<vmem>>, vector<1x1x16xf32>,
            %get3A_1151 = vector.shape_cast %get3A_1150 : vector<1x1x16xf32> to vector<16xf32>
            %mul3A_1152 = arith.mulf %select_n3A_1145, %select_n3A_1048 : vector<16xf32>
            %mul3A_1153 = arith.mulf %get3A_1151, %mul3A_1056 : vector<16xf32>
            %add3A_1154 = arith.addf %mul3A_1152, %mul3A_1153 : vector<16xf32>
            %div3A_1155 = arith.divf %add3A_1154, %add3A_1057 : vector<16xf32>
            %select_n3A_1156 = arith.select %and3A_1007, %div3A_1155, %get3A_1151 : vector<16xi1>, vector<16xf32>
            %swap3A_1157 = arith.constant 1 : i32
            %swap3A_1158 = arith.index_cast %swap3A_1157 : i32 to index
            %swap3A_1159 = arith.index_cast %sub3A_96 : i32 to index
            %swap3A_1160 = arith.index_cast %multiple_of3A_1010 : i32 to index
            %swap3A_1161 = tpu.vector_load %arg8[%swap3A_1158, %swap3A_1159, %swap3A_1160] {strides = array<i32>} : memref<3x16x512xf32, #tpu.memory_space<vmem>>, vector<1x1x16xf32>,
            %swap3A_1162 = vector.shape_cast %swap3A_1161 : vector<1x1x16xf32> to vector<16xf32>
            %swap3A_1163 = vector.shape_cast %select_n3A_1156 : vector<16xf32> to vector<1x1x16xf32>
            tpu.vector_store %arg8[%swap3A_1158, %swap3A_1159, %swap3A_1160], %swap3A_1163 {strides = array<i32>} : memref<3x16x512xf32, #tpu.memory_space<vmem>>, vector<1x1x16xf32>,
            %add3A_1164 = arith.constant 8192 : i32
            %add3A_1165 = arith.addi %mul3A_95, %add3A_1164 : i32
            %add3A_1166 = arith.constant 48 : i32
            %add3A_1167 = arith.addi %add3A_1165, %add3A_1166 : i32
            %multiple_of3A_1168 = tpu.assume_multiple %add3A_1167, 16 : i32
            %add3A_1169 = arith.constant 48 : i32
            %add3A_1170 = arith.addi %add3A_1165, %add3A_1169 : i32
            %multiple_of3A_1171 = tpu.assume_multiple %add3A_1170, 16 : i32
            %get3A_1172 = arith.index_cast %multiple_of3A_1168 : i32 to index
            %get3A_1173 = tpu.vector_load %arg10[%get3A_1172] {strides = array<i32>} : memref<16384xf32, #tpu.memory_space<vmem>>, vector<16xf32>,
            %get3A_1174 = vector.shape_cast %get3A_1173 : vector<16xf32> to vector<16xf32>
            %get3A_1175 = arith.index_cast %multiple_of3A_1171 : i32 to index
            %get3A_1176 = tpu.vector_load %arg10[%get3A_1175] {strides = array<i32>} : memref<16384xf32, #tpu.memory_space<vmem>>, vector<16xf32>,
            %get3A_1177 = vector.shape_cast %get3A_1176 : vector<16xf32> to vector<16xf32>
            %lt3A_1178 = arith.constant 0 : i32
            %lt3A_1179 = vector.broadcast %lt3A_1178 : i32 to vector<16xi32>
            %lt3A_1180 = arith.cmpi slt, %min3A_70, %lt3A_1179 : vector<16xi32>
            %add3A_1181 = arith.constant 16 : i32
            %add3A_1182 = vector.broadcast %add3A_1181 : i32 to vector<16xi32>
            %add3A_1183 = arith.addi %min3A_70, %add3A_1182 : vector<16xi32>
            %select_n3A_1184 = arith.select %lt3A_1180, %add3A_1183, %min3A_70 : vector<16xi1>, vector<16xi32>
            %broadcast_in_dim3A_1185 = vector.shape_cast %select_n3A_1184 : vector<16xi32> to vector<16x1xi32>
            %gather3A_1186 = vector.shape_cast %broadcast_in_dim3A_1185 : vector<16x1xi32> to vector<16xi32>
            %gather3A_1187 = tpu.dynamic_gather %get3A_1174[%gather3A_1186] in [0] : vector<16xf32>, vector<16xi32> -> vector<16xf32>
            %lt3A_1188 = arith.constant 0 : i32
            %lt3A_1189 = vector.broadcast %lt3A_1188 : i32 to vector<16xi32>
            %lt3A_1190 = arith.cmpi slt, %min3A_78, %lt3A_1189 : vector<16xi32>
            %add3A_1191 = arith.constant 16 : i32
            %add3A_1192 = vector.broadcast %add3A_1191 : i32 to vector<16xi32>
            %add3A_1193 = arith.addi %min3A_78, %add3A_1192 : vector<16xi32>
            %select_n3A_1194 = arith.select %lt3A_1190, %add3A_1193, %min3A_78 : vector<16xi1>, vector<16xi32>
            %broadcast_in_dim3A_1195 = vector.shape_cast %select_n3A_1194 : vector<16xi32> to vector<16x1xi32>
            %gather3A_1196 = vector.shape_cast %broadcast_in_dim3A_1195 : vector<16x1xi32> to vector<16xi32>
            %gather3A_1197 = tpu.dynamic_gather %get3A_1177[%gather3A_1196] in [0] : vector<16xf32>, vector<16xi32> -> vector<16xf32>
            %select_n3A_1198 = arith.select %lt3A_79, %gather3A_1187, %gather3A_1197 : vector<16xi1>, vector<16xf32>
            %get3A_1199 = arith.constant 2 : i32
            %get3A_1200 = arith.index_cast %get3A_1199 : i32 to index
            %get3A_1201 = arith.index_cast %sub3A_96 : i32 to index
            %get3A_1202 = arith.index_cast %multiple_of3A_1010 : i32 to index
            %get3A_1203 = tpu.vector_load %arg8[%get3A_1200, %get3A_1201, %get3A_1202] {strides = array<i32>} : memref<3x16x512xf32, #tpu.memory_space<vmem>>, vector<1x1x16xf32>,
            %get3A_1204 = vector.shape_cast %get3A_1203 : vector<1x1x16xf32> to vector<16xf32>
            %mul3A_1205 = arith.mulf %select_n3A_1198, %select_n3A_1048 : vector<16xf32>
            %mul3A_1206 = arith.mulf %get3A_1204, %mul3A_1056 : vector<16xf32>
            %add3A_1207 = arith.addf %mul3A_1205, %mul3A_1206 : vector<16xf32>
            %div3A_1208 = arith.divf %add3A_1207, %add3A_1057 : vector<16xf32>
            %select_n3A_1209 = arith.select %and3A_1007, %div3A_1208, %get3A_1204 : vector<16xi1>, vector<16xf32>
            %swap3A_1210 = arith.constant 2 : i32
            %swap3A_1211 = arith.index_cast %swap3A_1210 : i32 to index
            %swap3A_1212 = arith.index_cast %sub3A_96 : i32 to index
            %swap3A_1213 = arith.index_cast %multiple_of3A_1010 : i32 to index
            %swap3A_1214 = tpu.vector_load %arg8[%swap3A_1211, %swap3A_1212, %swap3A_1213] {strides = array<i32>} : memref<3x16x512xf32, #tpu.memory_space<vmem>>, vector<1x1x16xf32>,
            %swap3A_1215 = vector.shape_cast %swap3A_1214 : vector<1x1x16xf32> to vector<16xf32>
            %swap3A_1216 = vector.shape_cast %select_n3A_1209 : vector<16xf32> to vector<1x1x16xf32>
            tpu.vector_store %arg8[%swap3A_1211, %swap3A_1212, %swap3A_1213], %swap3A_1216 {strides = array<i32>} : memref<3x16x512xf32, #tpu.memory_space<vmem>>, vector<1x1x16xf32>,
            %select_n3A_1217 = arith.select %and3A_1007, %add3A_1057, %get3A_1052 : vector<16xi1>, vector<16xf32>
            %swap3A_1218 = arith.index_cast %sub3A_96 : i32 to index
            %swap3A_1219 = arith.index_cast %multiple_of3A_1010 : i32 to index
            %swap3A_1220 = tpu.vector_load %arg9[%swap3A_1218, %swap3A_1219] {strides = array<i32>} : memref<16x512xf32, #tpu.memory_space<vmem>>, vector<1x16xf32>,
            %swap3A_1221 = vector.shape_cast %swap3A_1220 : vector<1x16xf32> to vector<16xf32>
            %swap3A_1222 = vector.shape_cast %select_n3A_1217 : vector<16xf32> to vector<1x16xf32>
            tpu.vector_store %arg9[%swap3A_1218, %swap3A_1219], %swap3A_1222 {strides = array<i32>} : memref<16x512xf32, #tpu.memory_space<vmem>>, vector<1x16xf32>,
          }
        } else {
        }
      }
      "tpu.region"() ({
        %run_scoped3A_21 = tpu.sem_alloc : memref<!tpu.dma_semaphore, #tpu.memory_space<semaphore_mem>>
        %dma_start3A = arith.constant 0 : i32
        %dma_start3A_22 = arith.constant 0 : i32
        %dma_start3A_23 = tpu.memref_slice %arg5[%dma_start3A, %mul3A_2, %dma_start3A_22] : memref<3x512x512xf32, #tpu.memory_space<hbm>> -> memref<3x16x512xf32, #tpu.memory_space<hbm>>
        %dma_start3A_24 = arith.constant 0 : i32
        %dma_start3A_25 = arith.constant 0 : i32
        %dma_start3A_26 = tpu.memref_slice %arg5[%dma_start3A_24, %mul3A_2, %dma_start3A_25] : memref<3x512x512xf32, #tpu.memory_space<hbm>> -> memref<3x16x512xf32, #tpu.memory_space<hbm>>
        tpu.enqueue_dma source(%arg8 : memref<3x16x512xf32, #tpu.memory_space<vmem>>) target(%dma_start3A_26 : memref<3x16x512xf32, #tpu.memory_space<hbm>>) target_semaphore(%run_scoped3A_21 : memref<!tpu.dma_semaphore, #tpu.memory_space<semaphore_mem>>)
        %dma_wait3A = arith.constant 0 : i32
        %dma_wait3A_27 = arith.constant 0 : i32
        %dma_wait3A_28 = tpu.memref_slice %arg5[%dma_wait3A, %mul3A_2, %dma_wait3A_27] : memref<3x512x512xf32, #tpu.memory_space<hbm>> -> memref<3x16x512xf32, #tpu.memory_space<hbm>>
        %dma_wait3A_29 = arith.constant 0 : i32
        %dma_wait3A_30 = arith.constant 0 : i32
        %dma_wait3A_31 = tpu.memref_slice %arg5[%dma_wait3A_29, %mul3A_2, %dma_wait3A_30] : memref<3x512x512xf32, #tpu.memory_space<hbm>> -> memref<3x16x512xf32, #tpu.memory_space<hbm>>
        tpu.wait_dma2 semaphore(%run_scoped3A_21 : memref<!tpu.dma_semaphore, #tpu.memory_space<semaphore_mem>>) src(%arg8 : memref<3x16x512xf32, #tpu.memory_space<vmem>>) dst(%dma_wait3A_31 : memref<3x16x512xf32, #tpu.memory_space<hbm>>)
        tpu.yield
      }) : () -> ()
    } else {
    }
    return
  }
}

module attributes {stable_mosaic.version = 14 : i64} {
  func.func @_tc_fill_kernel(%arg0: memref<3x512x512xf32, #tpu.memory_space<any>>, %arg1: memref<32x3x512x512xf32, #tpu.memory_space<any>>, %arg2: memref<3x512x512xf32, #tpu.memory_space<vmem>>, %arg3: memref<!tpu.dma_semaphore, #tpu.memory_space<semaphore_mem>>) attributes {dimension_semantics = [], scalar_prefetch = 0 : i64, scratch_operands = 2 : i64, tpu.core_type = #tpu.core_type<tc>} {
    %broadcast_in_dim3A = arith.constant 1.000000e+00 : f32
    %broadcast_in_dim3A_0 = vector.broadcast %broadcast_in_dim3A : f32 to vector<3x512x512xf32>
    %swap3A = arith.constant 0 : index
    %swap3A_1 = arith.constant 0 : index
    %swap3A_2 = arith.constant 0 : index
    %swap3A_3 = vector.load %arg2[%swap3A, %swap3A_1, %swap3A_2] : memref<3x512x512xf32, #tpu.memory_space<vmem>>, vector<3x512x512xf32>
    tpu.vector_store %arg2[%swap3A, %swap3A_1, %swap3A_2], %broadcast_in_dim3A_0 {strides = array<i32>} : memref<3x512x512xf32, #tpu.memory_space<vmem>>, vector<3x512x512xf32>,
    %dma_start3A = arith.constant 0 : i32
    %dma_start3A_4 = arith.constant 0 : i32
    %dma_start3A_5 = arith.constant 0 : i32
    %dma_start3A_6 = arith.constant 0 : i32
    %dma_start3A_7 = tpu.memref_slice %arg1[%dma_start3A, %dma_start3A_4, %dma_start3A_5, %dma_start3A_6] : memref<32x3x512x512xf32, #tpu.memory_space<any>> -> memref<1x3x512x512xf32, #tpu.memory_space<any>>
    %dma_start3A_8 = tpu.memref_squeeze %dma_start3A_7 : memref<1x3x512x512xf32, #tpu.memory_space<any>> -> memref<3x512x512xf32, #tpu.memory_space<any>>
    tpu.enqueue_dma source(%arg2 : memref<3x512x512xf32, #tpu.memory_space<vmem>>) target(%dma_start3A_8 : memref<3x512x512xf32, #tpu.memory_space<any>>) target_semaphore(%arg3 : memref<!tpu.dma_semaphore, #tpu.memory_space<semaphore_mem>>)
    %dma_start3A_9 = arith.constant 1 : i32
    %dma_start3A_10 = arith.constant 0 : i32
    %dma_start3A_11 = arith.constant 0 : i32
    %dma_start3A_12 = arith.constant 0 : i32
    %dma_start3A_13 = tpu.memref_slice %arg1[%dma_start3A_9, %dma_start3A_10, %dma_start3A_11, %dma_start3A_12] : memref<32x3x512x512xf32, #tpu.memory_space<any>> -> memref<1x3x512x512xf32, #tpu.memory_space<any>>
    %dma_start3A_14 = tpu.memref_squeeze %dma_start3A_13 : memref<1x3x512x512xf32, #tpu.memory_space<any>> -> memref<3x512x512xf32, #tpu.memory_space<any>>
    tpu.enqueue_dma source(%arg2 : memref<3x512x512xf32, #tpu.memory_space<vmem>>) target(%dma_start3A_14 : memref<3x512x512xf32, #tpu.memory_space<any>>) target_semaphore(%arg3 : memref<!tpu.dma_semaphore, #tpu.memory_space<semaphore_mem>>)
    %dma_start3A_15 = arith.constant 2 : i32
    %dma_start3A_16 = arith.constant 0 : i32
    %dma_start3A_17 = arith.constant 0 : i32
    %dma_start3A_18 = arith.constant 0 : i32
    %dma_start3A_19 = tpu.memref_slice %arg1[%dma_start3A_15, %dma_start3A_16, %dma_start3A_17, %dma_start3A_18] : memref<32x3x512x512xf32, #tpu.memory_space<any>> -> memref<1x3x512x512xf32, #tpu.memory_space<any>>
    %dma_start3A_20 = tpu.memref_squeeze %dma_start3A_19 : memref<1x3x512x512xf32, #tpu.memory_space<any>> -> memref<3x512x512xf32, #tpu.memory_space<any>>
    tpu.enqueue_dma source(%arg2 : memref<3x512x512xf32, #tpu.memory_space<vmem>>) target(%dma_start3A_20 : memref<3x512x512xf32, #tpu.memory_space<any>>) target_semaphore(%arg3 : memref<!tpu.dma_semaphore, #tpu.memory_space<semaphore_mem>>)
    %dma_start3A_21 = arith.constant 3 : i32
    %dma_start3A_22 = arith.constant 0 : i32
    %dma_start3A_23 = arith.constant 0 : i32
    %dma_start3A_24 = arith.constant 0 : i32
    %dma_start3A_25 = tpu.memref_slice %arg1[%dma_start3A_21, %dma_start3A_22, %dma_start3A_23, %dma_start3A_24] : memref<32x3x512x512xf32, #tpu.memory_space<any>> -> memref<1x3x512x512xf32, #tpu.memory_space<any>>
    %dma_start3A_26 = tpu.memref_squeeze %dma_start3A_25 : memref<1x3x512x512xf32, #tpu.memory_space<any>> -> memref<3x512x512xf32, #tpu.memory_space<any>>
    tpu.enqueue_dma source(%arg2 : memref<3x512x512xf32, #tpu.memory_space<vmem>>) target(%dma_start3A_26 : memref<3x512x512xf32, #tpu.memory_space<any>>) target_semaphore(%arg3 : memref<!tpu.dma_semaphore, #tpu.memory_space<semaphore_mem>>)
    %dma_start3A_27 = arith.constant 4 : i32
    %dma_start3A_28 = arith.constant 0 : i32
    %dma_start3A_29 = arith.constant 0 : i32
    %dma_start3A_30 = arith.constant 0 : i32
    %dma_start3A_31 = tpu.memref_slice %arg1[%dma_start3A_27, %dma_start3A_28, %dma_start3A_29, %dma_start3A_30] : memref<32x3x512x512xf32, #tpu.memory_space<any>> -> memref<1x3x512x512xf32, #tpu.memory_space<any>>
    %dma_start3A_32 = tpu.memref_squeeze %dma_start3A_31 : memref<1x3x512x512xf32, #tpu.memory_space<any>> -> memref<3x512x512xf32, #tpu.memory_space<any>>
    tpu.enqueue_dma source(%arg2 : memref<3x512x512xf32, #tpu.memory_space<vmem>>) target(%dma_start3A_32 : memref<3x512x512xf32, #tpu.memory_space<any>>) target_semaphore(%arg3 : memref<!tpu.dma_semaphore, #tpu.memory_space<semaphore_mem>>)
    %dma_start3A_33 = arith.constant 5 : i32
    %dma_start3A_34 = arith.constant 0 : i32
    %dma_start3A_35 = arith.constant 0 : i32
    %dma_start3A_36 = arith.constant 0 : i32
    %dma_start3A_37 = tpu.memref_slice %arg1[%dma_start3A_33, %dma_start3A_34, %dma_start3A_35, %dma_start3A_36] : memref<32x3x512x512xf32, #tpu.memory_space<any>> -> memref<1x3x512x512xf32, #tpu.memory_space<any>>
    %dma_start3A_38 = tpu.memref_squeeze %dma_start3A_37 : memref<1x3x512x512xf32, #tpu.memory_space<any>> -> memref<3x512x512xf32, #tpu.memory_space<any>>
    tpu.enqueue_dma source(%arg2 : memref<3x512x512xf32, #tpu.memory_space<vmem>>) target(%dma_start3A_38 : memref<3x512x512xf32, #tpu.memory_space<any>>) target_semaphore(%arg3 : memref<!tpu.dma_semaphore, #tpu.memory_space<semaphore_mem>>)
    %dma_start3A_39 = arith.constant 6 : i32
    %dma_start3A_40 = arith.constant 0 : i32
    %dma_start3A_41 = arith.constant 0 : i32
    %dma_start3A_42 = arith.constant 0 : i32
    %dma_start3A_43 = tpu.memref_slice %arg1[%dma_start3A_39, %dma_start3A_40, %dma_start3A_41, %dma_start3A_42] : memref<32x3x512x512xf32, #tpu.memory_space<any>> -> memref<1x3x512x512xf32, #tpu.memory_space<any>>
    %dma_start3A_44 = tpu.memref_squeeze %dma_start3A_43 : memref<1x3x512x512xf32, #tpu.memory_space<any>> -> memref<3x512x512xf32, #tpu.memory_space<any>>
    tpu.enqueue_dma source(%arg2 : memref<3x512x512xf32, #tpu.memory_space<vmem>>) target(%dma_start3A_44 : memref<3x512x512xf32, #tpu.memory_space<any>>) target_semaphore(%arg3 : memref<!tpu.dma_semaphore, #tpu.memory_space<semaphore_mem>>)
    %dma_start3A_45 = arith.constant 7 : i32
    %dma_start3A_46 = arith.constant 0 : i32
    %dma_start3A_47 = arith.constant 0 : i32
    %dma_start3A_48 = arith.constant 0 : i32
    %dma_start3A_49 = tpu.memref_slice %arg1[%dma_start3A_45, %dma_start3A_46, %dma_start3A_47, %dma_start3A_48] : memref<32x3x512x512xf32, #tpu.memory_space<any>> -> memref<1x3x512x512xf32, #tpu.memory_space<any>>
    %dma_start3A_50 = tpu.memref_squeeze %dma_start3A_49 : memref<1x3x512x512xf32, #tpu.memory_space<any>> -> memref<3x512x512xf32, #tpu.memory_space<any>>
    tpu.enqueue_dma source(%arg2 : memref<3x512x512xf32, #tpu.memory_space<vmem>>) target(%dma_start3A_50 : memref<3x512x512xf32, #tpu.memory_space<any>>) target_semaphore(%arg3 : memref<!tpu.dma_semaphore, #tpu.memory_space<semaphore_mem>>)
    %dma_start3A_51 = arith.constant 8 : i32
    %dma_start3A_52 = arith.constant 0 : i32
    %dma_start3A_53 = arith.constant 0 : i32
    %dma_start3A_54 = arith.constant 0 : i32
    %dma_start3A_55 = tpu.memref_slice %arg1[%dma_start3A_51, %dma_start3A_52, %dma_start3A_53, %dma_start3A_54] : memref<32x3x512x512xf32, #tpu.memory_space<any>> -> memref<1x3x512x512xf32, #tpu.memory_space<any>>
    %dma_start3A_56 = tpu.memref_squeeze %dma_start3A_55 : memref<1x3x512x512xf32, #tpu.memory_space<any>> -> memref<3x512x512xf32, #tpu.memory_space<any>>
    tpu.enqueue_dma source(%arg2 : memref<3x512x512xf32, #tpu.memory_space<vmem>>) target(%dma_start3A_56 : memref<3x512x512xf32, #tpu.memory_space<any>>) target_semaphore(%arg3 : memref<!tpu.dma_semaphore, #tpu.memory_space<semaphore_mem>>)
    %dma_start3A_57 = arith.constant 9 : i32
    %dma_start3A_58 = arith.constant 0 : i32
    %dma_start3A_59 = arith.constant 0 : i32
    %dma_start3A_60 = arith.constant 0 : i32
    %dma_start3A_61 = tpu.memref_slice %arg1[%dma_start3A_57, %dma_start3A_58, %dma_start3A_59, %dma_start3A_60] : memref<32x3x512x512xf32, #tpu.memory_space<any>> -> memref<1x3x512x512xf32, #tpu.memory_space<any>>
    %dma_start3A_62 = tpu.memref_squeeze %dma_start3A_61 : memref<1x3x512x512xf32, #tpu.memory_space<any>> -> memref<3x512x512xf32, #tpu.memory_space<any>>
    tpu.enqueue_dma source(%arg2 : memref<3x512x512xf32, #tpu.memory_space<vmem>>) target(%dma_start3A_62 : memref<3x512x512xf32, #tpu.memory_space<any>>) target_semaphore(%arg3 : memref<!tpu.dma_semaphore, #tpu.memory_space<semaphore_mem>>)
    %dma_start3A_63 = arith.constant 10 : i32
    %dma_start3A_64 = arith.constant 0 : i32
    %dma_start3A_65 = arith.constant 0 : i32
    %dma_start3A_66 = arith.constant 0 : i32
    %dma_start3A_67 = tpu.memref_slice %arg1[%dma_start3A_63, %dma_start3A_64, %dma_start3A_65, %dma_start3A_66] : memref<32x3x512x512xf32, #tpu.memory_space<any>> -> memref<1x3x512x512xf32, #tpu.memory_space<any>>
    %dma_start3A_68 = tpu.memref_squeeze %dma_start3A_67 : memref<1x3x512x512xf32, #tpu.memory_space<any>> -> memref<3x512x512xf32, #tpu.memory_space<any>>
    tpu.enqueue_dma source(%arg2 : memref<3x512x512xf32, #tpu.memory_space<vmem>>) target(%dma_start3A_68 : memref<3x512x512xf32, #tpu.memory_space<any>>) target_semaphore(%arg3 : memref<!tpu.dma_semaphore, #tpu.memory_space<semaphore_mem>>)
    %dma_start3A_69 = arith.constant 11 : i32
    %dma_start3A_70 = arith.constant 0 : i32
    %dma_start3A_71 = arith.constant 0 : i32
    %dma_start3A_72 = arith.constant 0 : i32
    %dma_start3A_73 = tpu.memref_slice %arg1[%dma_start3A_69, %dma_start3A_70, %dma_start3A_71, %dma_start3A_72] : memref<32x3x512x512xf32, #tpu.memory_space<any>> -> memref<1x3x512x512xf32, #tpu.memory_space<any>>
    %dma_start3A_74 = tpu.memref_squeeze %dma_start3A_73 : memref<1x3x512x512xf32, #tpu.memory_space<any>> -> memref<3x512x512xf32, #tpu.memory_space<any>>
    tpu.enqueue_dma source(%arg2 : memref<3x512x512xf32, #tpu.memory_space<vmem>>) target(%dma_start3A_74 : memref<3x512x512xf32, #tpu.memory_space<any>>) target_semaphore(%arg3 : memref<!tpu.dma_semaphore, #tpu.memory_space<semaphore_mem>>)
    %dma_start3A_75 = arith.constant 12 : i32
    %dma_start3A_76 = arith.constant 0 : i32
    %dma_start3A_77 = arith.constant 0 : i32
    %dma_start3A_78 = arith.constant 0 : i32
    %dma_start3A_79 = tpu.memref_slice %arg1[%dma_start3A_75, %dma_start3A_76, %dma_start3A_77, %dma_start3A_78] : memref<32x3x512x512xf32, #tpu.memory_space<any>> -> memref<1x3x512x512xf32, #tpu.memory_space<any>>
    %dma_start3A_80 = tpu.memref_squeeze %dma_start3A_79 : memref<1x3x512x512xf32, #tpu.memory_space<any>> -> memref<3x512x512xf32, #tpu.memory_space<any>>
    tpu.enqueue_dma source(%arg2 : memref<3x512x512xf32, #tpu.memory_space<vmem>>) target(%dma_start3A_80 : memref<3x512x512xf32, #tpu.memory_space<any>>) target_semaphore(%arg3 : memref<!tpu.dma_semaphore, #tpu.memory_space<semaphore_mem>>)
    %dma_start3A_81 = arith.constant 13 : i32
    %dma_start3A_82 = arith.constant 0 : i32
    %dma_start3A_83 = arith.constant 0 : i32
    %dma_start3A_84 = arith.constant 0 : i32
    %dma_start3A_85 = tpu.memref_slice %arg1[%dma_start3A_81, %dma_start3A_82, %dma_start3A_83, %dma_start3A_84] : memref<32x3x512x512xf32, #tpu.memory_space<any>> -> memref<1x3x512x512xf32, #tpu.memory_space<any>>
    %dma_start3A_86 = tpu.memref_squeeze %dma_start3A_85 : memref<1x3x512x512xf32, #tpu.memory_space<any>> -> memref<3x512x512xf32, #tpu.memory_space<any>>
    tpu.enqueue_dma source(%arg2 : memref<3x512x512xf32, #tpu.memory_space<vmem>>) target(%dma_start3A_86 : memref<3x512x512xf32, #tpu.memory_space<any>>) target_semaphore(%arg3 : memref<!tpu.dma_semaphore, #tpu.memory_space<semaphore_mem>>)
    %dma_start3A_87 = arith.constant 14 : i32
    %dma_start3A_88 = arith.constant 0 : i32
    %dma_start3A_89 = arith.constant 0 : i32
    %dma_start3A_90 = arith.constant 0 : i32
    %dma_start3A_91 = tpu.memref_slice %arg1[%dma_start3A_87, %dma_start3A_88, %dma_start3A_89, %dma_start3A_90] : memref<32x3x512x512xf32, #tpu.memory_space<any>> -> memref<1x3x512x512xf32, #tpu.memory_space<any>>
    %dma_start3A_92 = tpu.memref_squeeze %dma_start3A_91 : memref<1x3x512x512xf32, #tpu.memory_space<any>> -> memref<3x512x512xf32, #tpu.memory_space<any>>
    tpu.enqueue_dma source(%arg2 : memref<3x512x512xf32, #tpu.memory_space<vmem>>) target(%dma_start3A_92 : memref<3x512x512xf32, #tpu.memory_space<any>>) target_semaphore(%arg3 : memref<!tpu.dma_semaphore, #tpu.memory_space<semaphore_mem>>)
    %dma_start3A_93 = arith.constant 15 : i32
    %dma_start3A_94 = arith.constant 0 : i32
    %dma_start3A_95 = arith.constant 0 : i32
    %dma_start3A_96 = arith.constant 0 : i32
    %dma_start3A_97 = tpu.memref_slice %arg1[%dma_start3A_93, %dma_start3A_94, %dma_start3A_95, %dma_start3A_96] : memref<32x3x512x512xf32, #tpu.memory_space<any>> -> memref<1x3x512x512xf32, #tpu.memory_space<any>>
    %dma_start3A_98 = tpu.memref_squeeze %dma_start3A_97 : memref<1x3x512x512xf32, #tpu.memory_space<any>> -> memref<3x512x512xf32, #tpu.memory_space<any>>
    tpu.enqueue_dma source(%arg2 : memref<3x512x512xf32, #tpu.memory_space<vmem>>) target(%dma_start3A_98 : memref<3x512x512xf32, #tpu.memory_space<any>>) target_semaphore(%arg3 : memref<!tpu.dma_semaphore, #tpu.memory_space<semaphore_mem>>)
    %dma_start3A_99 = arith.constant 16 : i32
    %dma_start3A_100 = arith.constant 0 : i32
    %dma_start3A_101 = arith.constant 0 : i32
    %dma_start3A_102 = arith.constant 0 : i32
    %dma_start3A_103 = tpu.memref_slice %arg1[%dma_start3A_99, %dma_start3A_100, %dma_start3A_101, %dma_start3A_102] : memref<32x3x512x512xf32, #tpu.memory_space<any>> -> memref<1x3x512x512xf32, #tpu.memory_space<any>>
    %dma_start3A_104 = tpu.memref_squeeze %dma_start3A_103 : memref<1x3x512x512xf32, #tpu.memory_space<any>> -> memref<3x512x512xf32, #tpu.memory_space<any>>
    tpu.enqueue_dma source(%arg2 : memref<3x512x512xf32, #tpu.memory_space<vmem>>) target(%dma_start3A_104 : memref<3x512x512xf32, #tpu.memory_space<any>>) target_semaphore(%arg3 : memref<!tpu.dma_semaphore, #tpu.memory_space<semaphore_mem>>)
    %dma_start3A_105 = arith.constant 17 : i32
    %dma_start3A_106 = arith.constant 0 : i32
    %dma_start3A_107 = arith.constant 0 : i32
    %dma_start3A_108 = arith.constant 0 : i32
    %dma_start3A_109 = tpu.memref_slice %arg1[%dma_start3A_105, %dma_start3A_106, %dma_start3A_107, %dma_start3A_108] : memref<32x3x512x512xf32, #tpu.memory_space<any>> -> memref<1x3x512x512xf32, #tpu.memory_space<any>>
    %dma_start3A_110 = tpu.memref_squeeze %dma_start3A_109 : memref<1x3x512x512xf32, #tpu.memory_space<any>> -> memref<3x512x512xf32, #tpu.memory_space<any>>
    tpu.enqueue_dma source(%arg2 : memref<3x512x512xf32, #tpu.memory_space<vmem>>) target(%dma_start3A_110 : memref<3x512x512xf32, #tpu.memory_space<any>>) target_semaphore(%arg3 : memref<!tpu.dma_semaphore, #tpu.memory_space<semaphore_mem>>)
    %dma_start3A_111 = arith.constant 18 : i32
    %dma_start3A_112 = arith.constant 0 : i32
    %dma_start3A_113 = arith.constant 0 : i32
    %dma_start3A_114 = arith.constant 0 : i32
    %dma_start3A_115 = tpu.memref_slice %arg1[%dma_start3A_111, %dma_start3A_112, %dma_start3A_113, %dma_start3A_114] : memref<32x3x512x512xf32, #tpu.memory_space<any>> -> memref<1x3x512x512xf32, #tpu.memory_space<any>>
    %dma_start3A_116 = tpu.memref_squeeze %dma_start3A_115 : memref<1x3x512x512xf32, #tpu.memory_space<any>> -> memref<3x512x512xf32, #tpu.memory_space<any>>
    tpu.enqueue_dma source(%arg2 : memref<3x512x512xf32, #tpu.memory_space<vmem>>) target(%dma_start3A_116 : memref<3x512x512xf32, #tpu.memory_space<any>>) target_semaphore(%arg3 : memref<!tpu.dma_semaphore, #tpu.memory_space<semaphore_mem>>)
    %dma_start3A_117 = arith.constant 19 : i32
    %dma_start3A_118 = arith.constant 0 : i32
    %dma_start3A_119 = arith.constant 0 : i32
    %dma_start3A_120 = arith.constant 0 : i32
    %dma_start3A_121 = tpu.memref_slice %arg1[%dma_start3A_117, %dma_start3A_118, %dma_start3A_119, %dma_start3A_120] : memref<32x3x512x512xf32, #tpu.memory_space<any>> -> memref<1x3x512x512xf32, #tpu.memory_space<any>>
    %dma_start3A_122 = tpu.memref_squeeze %dma_start3A_121 : memref<1x3x512x512xf32, #tpu.memory_space<any>> -> memref<3x512x512xf32, #tpu.memory_space<any>>
    tpu.enqueue_dma source(%arg2 : memref<3x512x512xf32, #tpu.memory_space<vmem>>) target(%dma_start3A_122 : memref<3x512x512xf32, #tpu.memory_space<any>>) target_semaphore(%arg3 : memref<!tpu.dma_semaphore, #tpu.memory_space<semaphore_mem>>)
    %dma_start3A_123 = arith.constant 20 : i32
    %dma_start3A_124 = arith.constant 0 : i32
    %dma_start3A_125 = arith.constant 0 : i32
    %dma_start3A_126 = arith.constant 0 : i32
    %dma_start3A_127 = tpu.memref_slice %arg1[%dma_start3A_123, %dma_start3A_124, %dma_start3A_125, %dma_start3A_126] : memref<32x3x512x512xf32, #tpu.memory_space<any>> -> memref<1x3x512x512xf32, #tpu.memory_space<any>>
    %dma_start3A_128 = tpu.memref_squeeze %dma_start3A_127 : memref<1x3x512x512xf32, #tpu.memory_space<any>> -> memref<3x512x512xf32, #tpu.memory_space<any>>
    tpu.enqueue_dma source(%arg2 : memref<3x512x512xf32, #tpu.memory_space<vmem>>) target(%dma_start3A_128 : memref<3x512x512xf32, #tpu.memory_space<any>>) target_semaphore(%arg3 : memref<!tpu.dma_semaphore, #tpu.memory_space<semaphore_mem>>)
    %dma_start3A_129 = arith.constant 21 : i32
    %dma_start3A_130 = arith.constant 0 : i32
    %dma_start3A_131 = arith.constant 0 : i32
    %dma_start3A_132 = arith.constant 0 : i32
    %dma_start3A_133 = tpu.memref_slice %arg1[%dma_start3A_129, %dma_start3A_130, %dma_start3A_131, %dma_start3A_132] : memref<32x3x512x512xf32, #tpu.memory_space<any>> -> memref<1x3x512x512xf32, #tpu.memory_space<any>>
    %dma_start3A_134 = tpu.memref_squeeze %dma_start3A_133 : memref<1x3x512x512xf32, #tpu.memory_space<any>> -> memref<3x512x512xf32, #tpu.memory_space<any>>
    tpu.enqueue_dma source(%arg2 : memref<3x512x512xf32, #tpu.memory_space<vmem>>) target(%dma_start3A_134 : memref<3x512x512xf32, #tpu.memory_space<any>>) target_semaphore(%arg3 : memref<!tpu.dma_semaphore, #tpu.memory_space<semaphore_mem>>)
    %dma_start3A_135 = arith.constant 22 : i32
    %dma_start3A_136 = arith.constant 0 : i32
    %dma_start3A_137 = arith.constant 0 : i32
    %dma_start3A_138 = arith.constant 0 : i32
    %dma_start3A_139 = tpu.memref_slice %arg1[%dma_start3A_135, %dma_start3A_136, %dma_start3A_137, %dma_start3A_138] : memref<32x3x512x512xf32, #tpu.memory_space<any>> -> memref<1x3x512x512xf32, #tpu.memory_space<any>>
    %dma_start3A_140 = tpu.memref_squeeze %dma_start3A_139 : memref<1x3x512x512xf32, #tpu.memory_space<any>> -> memref<3x512x512xf32, #tpu.memory_space<any>>
    tpu.enqueue_dma source(%arg2 : memref<3x512x512xf32, #tpu.memory_space<vmem>>) target(%dma_start3A_140 : memref<3x512x512xf32, #tpu.memory_space<any>>) target_semaphore(%arg3 : memref<!tpu.dma_semaphore, #tpu.memory_space<semaphore_mem>>)
    %dma_start3A_141 = arith.constant 23 : i32
    %dma_start3A_142 = arith.constant 0 : i32
    %dma_start3A_143 = arith.constant 0 : i32
    %dma_start3A_144 = arith.constant 0 : i32
    %dma_start3A_145 = tpu.memref_slice %arg1[%dma_start3A_141, %dma_start3A_142, %dma_start3A_143, %dma_start3A_144] : memref<32x3x512x512xf32, #tpu.memory_space<any>> -> memref<1x3x512x512xf32, #tpu.memory_space<any>>
    %dma_start3A_146 = tpu.memref_squeeze %dma_start3A_145 : memref<1x3x512x512xf32, #tpu.memory_space<any>> -> memref<3x512x512xf32, #tpu.memory_space<any>>
    tpu.enqueue_dma source(%arg2 : memref<3x512x512xf32, #tpu.memory_space<vmem>>) target(%dma_start3A_146 : memref<3x512x512xf32, #tpu.memory_space<any>>) target_semaphore(%arg3 : memref<!tpu.dma_semaphore, #tpu.memory_space<semaphore_mem>>)
    %dma_start3A_147 = arith.constant 24 : i32
    %dma_start3A_148 = arith.constant 0 : i32
    %dma_start3A_149 = arith.constant 0 : i32
    %dma_start3A_150 = arith.constant 0 : i32
    %dma_start3A_151 = tpu.memref_slice %arg1[%dma_start3A_147, %dma_start3A_148, %dma_start3A_149, %dma_start3A_150] : memref<32x3x512x512xf32, #tpu.memory_space<any>> -> memref<1x3x512x512xf32, #tpu.memory_space<any>>
    %dma_start3A_152 = tpu.memref_squeeze %dma_start3A_151 : memref<1x3x512x512xf32, #tpu.memory_space<any>> -> memref<3x512x512xf32, #tpu.memory_space<any>>
    tpu.enqueue_dma source(%arg2 : memref<3x512x512xf32, #tpu.memory_space<vmem>>) target(%dma_start3A_152 : memref<3x512x512xf32, #tpu.memory_space<any>>) target_semaphore(%arg3 : memref<!tpu.dma_semaphore, #tpu.memory_space<semaphore_mem>>)
    %dma_start3A_153 = arith.constant 25 : i32
    %dma_start3A_154 = arith.constant 0 : i32
    %dma_start3A_155 = arith.constant 0 : i32
    %dma_start3A_156 = arith.constant 0 : i32
    %dma_start3A_157 = tpu.memref_slice %arg1[%dma_start3A_153, %dma_start3A_154, %dma_start3A_155, %dma_start3A_156] : memref<32x3x512x512xf32, #tpu.memory_space<any>> -> memref<1x3x512x512xf32, #tpu.memory_space<any>>
    %dma_start3A_158 = tpu.memref_squeeze %dma_start3A_157 : memref<1x3x512x512xf32, #tpu.memory_space<any>> -> memref<3x512x512xf32, #tpu.memory_space<any>>
    tpu.enqueue_dma source(%arg2 : memref<3x512x512xf32, #tpu.memory_space<vmem>>) target(%dma_start3A_158 : memref<3x512x512xf32, #tpu.memory_space<any>>) target_semaphore(%arg3 : memref<!tpu.dma_semaphore, #tpu.memory_space<semaphore_mem>>)
    %dma_start3A_159 = arith.constant 26 : i32
    %dma_start3A_160 = arith.constant 0 : i32
    %dma_start3A_161 = arith.constant 0 : i32
    %dma_start3A_162 = arith.constant 0 : i32
    %dma_start3A_163 = tpu.memref_slice %arg1[%dma_start3A_159, %dma_start3A_160, %dma_start3A_161, %dma_start3A_162] : memref<32x3x512x512xf32, #tpu.memory_space<any>> -> memref<1x3x512x512xf32, #tpu.memory_space<any>>
    %dma_start3A_164 = tpu.memref_squeeze %dma_start3A_163 : memref<1x3x512x512xf32, #tpu.memory_space<any>> -> memref<3x512x512xf32, #tpu.memory_space<any>>
    tpu.enqueue_dma source(%arg2 : memref<3x512x512xf32, #tpu.memory_space<vmem>>) target(%dma_start3A_164 : memref<3x512x512xf32, #tpu.memory_space<any>>) target_semaphore(%arg3 : memref<!tpu.dma_semaphore, #tpu.memory_space<semaphore_mem>>)
    %dma_start3A_165 = arith.constant 27 : i32
    %dma_start3A_166 = arith.constant 0 : i32
    %dma_start3A_167 = arith.constant 0 : i32
    %dma_start3A_168 = arith.constant 0 : i32
    %dma_start3A_169 = tpu.memref_slice %arg1[%dma_start3A_165, %dma_start3A_166, %dma_start3A_167, %dma_start3A_168] : memref<32x3x512x512xf32, #tpu.memory_space<any>> -> memref<1x3x512x512xf32, #tpu.memory_space<any>>
    %dma_start3A_170 = tpu.memref_squeeze %dma_start3A_169 : memref<1x3x512x512xf32, #tpu.memory_space<any>> -> memref<3x512x512xf32, #tpu.memory_space<any>>
    tpu.enqueue_dma source(%arg2 : memref<3x512x512xf32, #tpu.memory_space<vmem>>) target(%dma_start3A_170 : memref<3x512x512xf32, #tpu.memory_space<any>>) target_semaphore(%arg3 : memref<!tpu.dma_semaphore, #tpu.memory_space<semaphore_mem>>)
    %dma_start3A_171 = arith.constant 28 : i32
    %dma_start3A_172 = arith.constant 0 : i32
    %dma_start3A_173 = arith.constant 0 : i32
    %dma_start3A_174 = arith.constant 0 : i32
    %dma_start3A_175 = tpu.memref_slice %arg1[%dma_start3A_171, %dma_start3A_172, %dma_start3A_173, %dma_start3A_174] : memref<32x3x512x512xf32, #tpu.memory_space<any>> -> memref<1x3x512x512xf32, #tpu.memory_space<any>>
    %dma_start3A_176 = tpu.memref_squeeze %dma_start3A_175 : memref<1x3x512x512xf32, #tpu.memory_space<any>> -> memref<3x512x512xf32, #tpu.memory_space<any>>
    tpu.enqueue_dma source(%arg2 : memref<3x512x512xf32, #tpu.memory_space<vmem>>) target(%dma_start3A_176 : memref<3x512x512xf32, #tpu.memory_space<any>>) target_semaphore(%arg3 : memref<!tpu.dma_semaphore, #tpu.memory_space<semaphore_mem>>)
    %dma_start3A_177 = arith.constant 29 : i32
    %dma_start3A_178 = arith.constant 0 : i32
    %dma_start3A_179 = arith.constant 0 : i32
    %dma_start3A_180 = arith.constant 0 : i32
    %dma_start3A_181 = tpu.memref_slice %arg1[%dma_start3A_177, %dma_start3A_178, %dma_start3A_179, %dma_start3A_180] : memref<32x3x512x512xf32, #tpu.memory_space<any>> -> memref<1x3x512x512xf32, #tpu.memory_space<any>>
    %dma_start3A_182 = tpu.memref_squeeze %dma_start3A_181 : memref<1x3x512x512xf32, #tpu.memory_space<any>> -> memref<3x512x512xf32, #tpu.memory_space<any>>
    tpu.enqueue_dma source(%arg2 : memref<3x512x512xf32, #tpu.memory_space<vmem>>) target(%dma_start3A_182 : memref<3x512x512xf32, #tpu.memory_space<any>>) target_semaphore(%arg3 : memref<!tpu.dma_semaphore, #tpu.memory_space<semaphore_mem>>)
    %dma_start3A_183 = arith.constant 30 : i32
    %dma_start3A_184 = arith.constant 0 : i32
    %dma_start3A_185 = arith.constant 0 : i32
    %dma_start3A_186 = arith.constant 0 : i32
    %dma_start3A_187 = tpu.memref_slice %arg1[%dma_start3A_183, %dma_start3A_184, %dma_start3A_185, %dma_start3A_186] : memref<32x3x512x512xf32, #tpu.memory_space<any>> -> memref<1x3x512x512xf32, #tpu.memory_space<any>>
    %dma_start3A_188 = tpu.memref_squeeze %dma_start3A_187 : memref<1x3x512x512xf32, #tpu.memory_space<any>> -> memref<3x512x512xf32, #tpu.memory_space<any>>
    tpu.enqueue_dma source(%arg2 : memref<3x512x512xf32, #tpu.memory_space<vmem>>) target(%dma_start3A_188 : memref<3x512x512xf32, #tpu.memory_space<any>>) target_semaphore(%arg3 : memref<!tpu.dma_semaphore, #tpu.memory_space<semaphore_mem>>)
    %dma_start3A_189 = arith.constant 31 : i32
    %dma_start3A_190 = arith.constant 0 : i32
    %dma_start3A_191 = arith.constant 0 : i32
    %dma_start3A_192 = arith.constant 0 : i32
    %dma_start3A_193 = tpu.memref_slice %arg1[%dma_start3A_189, %dma_start3A_190, %dma_start3A_191, %dma_start3A_192] : memref<32x3x512x512xf32, #tpu.memory_space<any>> -> memref<1x3x512x512xf32, #tpu.memory_space<any>>
    %dma_start3A_194 = tpu.memref_squeeze %dma_start3A_193 : memref<1x3x512x512xf32, #tpu.memory_space<any>> -> memref<3x512x512xf32, #tpu.memory_space<any>>
    tpu.enqueue_dma source(%arg0 : memref<3x512x512xf32, #tpu.memory_space<any>>) target(%dma_start3A_194 : memref<3x512x512xf32, #tpu.memory_space<any>>) target_semaphore(%arg3 : memref<!tpu.dma_semaphore, #tpu.memory_space<semaphore_mem>>)
    %dma_wait3A = arith.constant 0 : i32
    %dma_wait3A_195 = arith.constant 0 : i32
    %dma_wait3A_196 = arith.constant 0 : i32
    %dma_wait3A_197 = arith.constant 0 : i32
    %dma_wait3A_198 = tpu.memref_slice %arg1[%dma_wait3A, %dma_wait3A_195, %dma_wait3A_196, %dma_wait3A_197] : memref<32x3x512x512xf32, #tpu.memory_space<any>> -> memref<1x3x512x512xf32, #tpu.memory_space<any>>
    %dma_wait3A_199 = tpu.memref_squeeze %dma_wait3A_198 : memref<1x3x512x512xf32, #tpu.memory_space<any>> -> memref<3x512x512xf32, #tpu.memory_space<any>>
    tpu.wait_dma2 semaphore(%arg3 : memref<!tpu.dma_semaphore, #tpu.memory_space<semaphore_mem>>) src(%arg2 : memref<3x512x512xf32, #tpu.memory_space<vmem>>) dst(%dma_wait3A_199 : memref<3x512x512xf32, #tpu.memory_space<any>>)
    %dma_wait3A_200 = arith.constant 1 : i32
    %dma_wait3A_201 = arith.constant 0 : i32
    %dma_wait3A_202 = arith.constant 0 : i32
    %dma_wait3A_203 = arith.constant 0 : i32
    %dma_wait3A_204 = tpu.memref_slice %arg1[%dma_wait3A_200, %dma_wait3A_201, %dma_wait3A_202, %dma_wait3A_203] : memref<32x3x512x512xf32, #tpu.memory_space<any>> -> memref<1x3x512x512xf32, #tpu.memory_space<any>>
    %dma_wait3A_205 = tpu.memref_squeeze %dma_wait3A_204 : memref<1x3x512x512xf32, #tpu.memory_space<any>> -> memref<3x512x512xf32, #tpu.memory_space<any>>
    tpu.wait_dma2 semaphore(%arg3 : memref<!tpu.dma_semaphore, #tpu.memory_space<semaphore_mem>>) src(%arg2 : memref<3x512x512xf32, #tpu.memory_space<vmem>>) dst(%dma_wait3A_205 : memref<3x512x512xf32, #tpu.memory_space<any>>)
    %dma_wait3A_206 = arith.constant 2 : i32
    %dma_wait3A_207 = arith.constant 0 : i32
    %dma_wait3A_208 = arith.constant 0 : i32
    %dma_wait3A_209 = arith.constant 0 : i32
    %dma_wait3A_210 = tpu.memref_slice %arg1[%dma_wait3A_206, %dma_wait3A_207, %dma_wait3A_208, %dma_wait3A_209] : memref<32x3x512x512xf32, #tpu.memory_space<any>> -> memref<1x3x512x512xf32, #tpu.memory_space<any>>
    %dma_wait3A_211 = tpu.memref_squeeze %dma_wait3A_210 : memref<1x3x512x512xf32, #tpu.memory_space<any>> -> memref<3x512x512xf32, #tpu.memory_space<any>>
    tpu.wait_dma2 semaphore(%arg3 : memref<!tpu.dma_semaphore, #tpu.memory_space<semaphore_mem>>) src(%arg2 : memref<3x512x512xf32, #tpu.memory_space<vmem>>) dst(%dma_wait3A_211 : memref<3x512x512xf32, #tpu.memory_space<any>>)
    %dma_wait3A_212 = arith.constant 3 : i32
    %dma_wait3A_213 = arith.constant 0 : i32
    %dma_wait3A_214 = arith.constant 0 : i32
    %dma_wait3A_215 = arith.constant 0 : i32
    %dma_wait3A_216 = tpu.memref_slice %arg1[%dma_wait3A_212, %dma_wait3A_213, %dma_wait3A_214, %dma_wait3A_215] : memref<32x3x512x512xf32, #tpu.memory_space<any>> -> memref<1x3x512x512xf32, #tpu.memory_space<any>>
    %dma_wait3A_217 = tpu.memref_squeeze %dma_wait3A_216 : memref<1x3x512x512xf32, #tpu.memory_space<any>> -> memref<3x512x512xf32, #tpu.memory_space<any>>
    tpu.wait_dma2 semaphore(%arg3 : memref<!tpu.dma_semaphore, #tpu.memory_space<semaphore_mem>>) src(%arg2 : memref<3x512x512xf32, #tpu.memory_space<vmem>>) dst(%dma_wait3A_217 : memref<3x512x512xf32, #tpu.memory_space<any>>)
    %dma_wait3A_218 = arith.constant 4 : i32
    %dma_wait3A_219 = arith.constant 0 : i32
    %dma_wait3A_220 = arith.constant 0 : i32
    %dma_wait3A_221 = arith.constant 0 : i32
    %dma_wait3A_222 = tpu.memref_slice %arg1[%dma_wait3A_218, %dma_wait3A_219, %dma_wait3A_220, %dma_wait3A_221] : memref<32x3x512x512xf32, #tpu.memory_space<any>> -> memref<1x3x512x512xf32, #tpu.memory_space<any>>
    %dma_wait3A_223 = tpu.memref_squeeze %dma_wait3A_222 : memref<1x3x512x512xf32, #tpu.memory_space<any>> -> memref<3x512x512xf32, #tpu.memory_space<any>>
    tpu.wait_dma2 semaphore(%arg3 : memref<!tpu.dma_semaphore, #tpu.memory_space<semaphore_mem>>) src(%arg2 : memref<3x512x512xf32, #tpu.memory_space<vmem>>) dst(%dma_wait3A_223 : memref<3x512x512xf32, #tpu.memory_space<any>>)
    %dma_wait3A_224 = arith.constant 5 : i32
    %dma_wait3A_225 = arith.constant 0 : i32
    %dma_wait3A_226 = arith.constant 0 : i32
    %dma_wait3A_227 = arith.constant 0 : i32
    %dma_wait3A_228 = tpu.memref_slice %arg1[%dma_wait3A_224, %dma_wait3A_225, %dma_wait3A_226, %dma_wait3A_227] : memref<32x3x512x512xf32, #tpu.memory_space<any>> -> memref<1x3x512x512xf32, #tpu.memory_space<any>>
    %dma_wait3A_229 = tpu.memref_squeeze %dma_wait3A_228 : memref<1x3x512x512xf32, #tpu.memory_space<any>> -> memref<3x512x512xf32, #tpu.memory_space<any>>
    tpu.wait_dma2 semaphore(%arg3 : memref<!tpu.dma_semaphore, #tpu.memory_space<semaphore_mem>>) src(%arg2 : memref<3x512x512xf32, #tpu.memory_space<vmem>>) dst(%dma_wait3A_229 : memref<3x512x512xf32, #tpu.memory_space<any>>)
    %dma_wait3A_230 = arith.constant 6 : i32
    %dma_wait3A_231 = arith.constant 0 : i32
    %dma_wait3A_232 = arith.constant 0 : i32
    %dma_wait3A_233 = arith.constant 0 : i32
    %dma_wait3A_234 = tpu.memref_slice %arg1[%dma_wait3A_230, %dma_wait3A_231, %dma_wait3A_232, %dma_wait3A_233] : memref<32x3x512x512xf32, #tpu.memory_space<any>> -> memref<1x3x512x512xf32, #tpu.memory_space<any>>
    %dma_wait3A_235 = tpu.memref_squeeze %dma_wait3A_234 : memref<1x3x512x512xf32, #tpu.memory_space<any>> -> memref<3x512x512xf32, #tpu.memory_space<any>>
    tpu.wait_dma2 semaphore(%arg3 : memref<!tpu.dma_semaphore, #tpu.memory_space<semaphore_mem>>) src(%arg2 : memref<3x512x512xf32, #tpu.memory_space<vmem>>) dst(%dma_wait3A_235 : memref<3x512x512xf32, #tpu.memory_space<any>>)
    %dma_wait3A_236 = arith.constant 7 : i32
    %dma_wait3A_237 = arith.constant 0 : i32
    %dma_wait3A_238 = arith.constant 0 : i32
    %dma_wait3A_239 = arith.constant 0 : i32
    %dma_wait3A_240 = tpu.memref_slice %arg1[%dma_wait3A_236, %dma_wait3A_237, %dma_wait3A_238, %dma_wait3A_239] : memref<32x3x512x512xf32, #tpu.memory_space<any>> -> memref<1x3x512x512xf32, #tpu.memory_space<any>>
    %dma_wait3A_241 = tpu.memref_squeeze %dma_wait3A_240 : memref<1x3x512x512xf32, #tpu.memory_space<any>> -> memref<3x512x512xf32, #tpu.memory_space<any>>
    tpu.wait_dma2 semaphore(%arg3 : memref<!tpu.dma_semaphore, #tpu.memory_space<semaphore_mem>>) src(%arg2 : memref<3x512x512xf32, #tpu.memory_space<vmem>>) dst(%dma_wait3A_241 : memref<3x512x512xf32, #tpu.memory_space<any>>)
    %dma_wait3A_242 = arith.constant 8 : i32
    %dma_wait3A_243 = arith.constant 0 : i32
    %dma_wait3A_244 = arith.constant 0 : i32
    %dma_wait3A_245 = arith.constant 0 : i32
    %dma_wait3A_246 = tpu.memref_slice %arg1[%dma_wait3A_242, %dma_wait3A_243, %dma_wait3A_244, %dma_wait3A_245] : memref<32x3x512x512xf32, #tpu.memory_space<any>> -> memref<1x3x512x512xf32, #tpu.memory_space<any>>
    %dma_wait3A_247 = tpu.memref_squeeze %dma_wait3A_246 : memref<1x3x512x512xf32, #tpu.memory_space<any>> -> memref<3x512x512xf32, #tpu.memory_space<any>>
    tpu.wait_dma2 semaphore(%arg3 : memref<!tpu.dma_semaphore, #tpu.memory_space<semaphore_mem>>) src(%arg2 : memref<3x512x512xf32, #tpu.memory_space<vmem>>) dst(%dma_wait3A_247 : memref<3x512x512xf32, #tpu.memory_space<any>>)
    %dma_wait3A_248 = arith.constant 9 : i32
    %dma_wait3A_249 = arith.constant 0 : i32
    %dma_wait3A_250 = arith.constant 0 : i32
    %dma_wait3A_251 = arith.constant 0 : i32
    %dma_wait3A_252 = tpu.memref_slice %arg1[%dma_wait3A_248, %dma_wait3A_249, %dma_wait3A_250, %dma_wait3A_251] : memref<32x3x512x512xf32, #tpu.memory_space<any>> -> memref<1x3x512x512xf32, #tpu.memory_space<any>>
    %dma_wait3A_253 = tpu.memref_squeeze %dma_wait3A_252 : memref<1x3x512x512xf32, #tpu.memory_space<any>> -> memref<3x512x512xf32, #tpu.memory_space<any>>
    tpu.wait_dma2 semaphore(%arg3 : memref<!tpu.dma_semaphore, #tpu.memory_space<semaphore_mem>>) src(%arg2 : memref<3x512x512xf32, #tpu.memory_space<vmem>>) dst(%dma_wait3A_253 : memref<3x512x512xf32, #tpu.memory_space<any>>)
    %dma_wait3A_254 = arith.constant 10 : i32
    %dma_wait3A_255 = arith.constant 0 : i32
    %dma_wait3A_256 = arith.constant 0 : i32
    %dma_wait3A_257 = arith.constant 0 : i32
    %dma_wait3A_258 = tpu.memref_slice %arg1[%dma_wait3A_254, %dma_wait3A_255, %dma_wait3A_256, %dma_wait3A_257] : memref<32x3x512x512xf32, #tpu.memory_space<any>> -> memref<1x3x512x512xf32, #tpu.memory_space<any>>
    %dma_wait3A_259 = tpu.memref_squeeze %dma_wait3A_258 : memref<1x3x512x512xf32, #tpu.memory_space<any>> -> memref<3x512x512xf32, #tpu.memory_space<any>>
    tpu.wait_dma2 semaphore(%arg3 : memref<!tpu.dma_semaphore, #tpu.memory_space<semaphore_mem>>) src(%arg2 : memref<3x512x512xf32, #tpu.memory_space<vmem>>) dst(%dma_wait3A_259 : memref<3x512x512xf32, #tpu.memory_space<any>>)
    %dma_wait3A_260 = arith.constant 11 : i32
    %dma_wait3A_261 = arith.constant 0 : i32
    %dma_wait3A_262 = arith.constant 0 : i32
    %dma_wait3A_263 = arith.constant 0 : i32
    %dma_wait3A_264 = tpu.memref_slice %arg1[%dma_wait3A_260, %dma_wait3A_261, %dma_wait3A_262, %dma_wait3A_263] : memref<32x3x512x512xf32, #tpu.memory_space<any>> -> memref<1x3x512x512xf32, #tpu.memory_space<any>>
    %dma_wait3A_265 = tpu.memref_squeeze %dma_wait3A_264 : memref<1x3x512x512xf32, #tpu.memory_space<any>> -> memref<3x512x512xf32, #tpu.memory_space<any>>
    tpu.wait_dma2 semaphore(%arg3 : memref<!tpu.dma_semaphore, #tpu.memory_space<semaphore_mem>>) src(%arg2 : memref<3x512x512xf32, #tpu.memory_space<vmem>>) dst(%dma_wait3A_265 : memref<3x512x512xf32, #tpu.memory_space<any>>)
    %dma_wait3A_266 = arith.constant 12 : i32
    %dma_wait3A_267 = arith.constant 0 : i32
    %dma_wait3A_268 = arith.constant 0 : i32
    %dma_wait3A_269 = arith.constant 0 : i32
    %dma_wait3A_270 = tpu.memref_slice %arg1[%dma_wait3A_266, %dma_wait3A_267, %dma_wait3A_268, %dma_wait3A_269] : memref<32x3x512x512xf32, #tpu.memory_space<any>> -> memref<1x3x512x512xf32, #tpu.memory_space<any>>
    %dma_wait3A_271 = tpu.memref_squeeze %dma_wait3A_270 : memref<1x3x512x512xf32, #tpu.memory_space<any>> -> memref<3x512x512xf32, #tpu.memory_space<any>>
    tpu.wait_dma2 semaphore(%arg3 : memref<!tpu.dma_semaphore, #tpu.memory_space<semaphore_mem>>) src(%arg2 : memref<3x512x512xf32, #tpu.memory_space<vmem>>) dst(%dma_wait3A_271 : memref<3x512x512xf32, #tpu.memory_space<any>>)
    %dma_wait3A_272 = arith.constant 13 : i32
    %dma_wait3A_273 = arith.constant 0 : i32
    %dma_wait3A_274 = arith.constant 0 : i32
    %dma_wait3A_275 = arith.constant 0 : i32
    %dma_wait3A_276 = tpu.memref_slice %arg1[%dma_wait3A_272, %dma_wait3A_273, %dma_wait3A_274, %dma_wait3A_275] : memref<32x3x512x512xf32, #tpu.memory_space<any>> -> memref<1x3x512x512xf32, #tpu.memory_space<any>>
    %dma_wait3A_277 = tpu.memref_squeeze %dma_wait3A_276 : memref<1x3x512x512xf32, #tpu.memory_space<any>> -> memref<3x512x512xf32, #tpu.memory_space<any>>
    tpu.wait_dma2 semaphore(%arg3 : memref<!tpu.dma_semaphore, #tpu.memory_space<semaphore_mem>>) src(%arg2 : memref<3x512x512xf32, #tpu.memory_space<vmem>>) dst(%dma_wait3A_277 : memref<3x512x512xf32, #tpu.memory_space<any>>)
    %dma_wait3A_278 = arith.constant 14 : i32
    %dma_wait3A_279 = arith.constant 0 : i32
    %dma_wait3A_280 = arith.constant 0 : i32
    %dma_wait3A_281 = arith.constant 0 : i32
    %dma_wait3A_282 = tpu.memref_slice %arg1[%dma_wait3A_278, %dma_wait3A_279, %dma_wait3A_280, %dma_wait3A_281] : memref<32x3x512x512xf32, #tpu.memory_space<any>> -> memref<1x3x512x512xf32, #tpu.memory_space<any>>
    %dma_wait3A_283 = tpu.memref_squeeze %dma_wait3A_282 : memref<1x3x512x512xf32, #tpu.memory_space<any>> -> memref<3x512x512xf32, #tpu.memory_space<any>>
    tpu.wait_dma2 semaphore(%arg3 : memref<!tpu.dma_semaphore, #tpu.memory_space<semaphore_mem>>) src(%arg2 : memref<3x512x512xf32, #tpu.memory_space<vmem>>) dst(%dma_wait3A_283 : memref<3x512x512xf32, #tpu.memory_space<any>>)
    %dma_wait3A_284 = arith.constant 15 : i32
    %dma_wait3A_285 = arith.constant 0 : i32
    %dma_wait3A_286 = arith.constant 0 : i32
    %dma_wait3A_287 = arith.constant 0 : i32
    %dma_wait3A_288 = tpu.memref_slice %arg1[%dma_wait3A_284, %dma_wait3A_285, %dma_wait3A_286, %dma_wait3A_287] : memref<32x3x512x512xf32, #tpu.memory_space<any>> -> memref<1x3x512x512xf32, #tpu.memory_space<any>>
    %dma_wait3A_289 = tpu.memref_squeeze %dma_wait3A_288 : memref<1x3x512x512xf32, #tpu.memory_space<any>> -> memref<3x512x512xf32, #tpu.memory_space<any>>
    tpu.wait_dma2 semaphore(%arg3 : memref<!tpu.dma_semaphore, #tpu.memory_space<semaphore_mem>>) src(%arg2 : memref<3x512x512xf32, #tpu.memory_space<vmem>>) dst(%dma_wait3A_289 : memref<3x512x512xf32, #tpu.memory_space<any>>)
    %dma_wait3A_290 = arith.constant 16 : i32
    %dma_wait3A_291 = arith.constant 0 : i32
    %dma_wait3A_292 = arith.constant 0 : i32
    %dma_wait3A_293 = arith.constant 0 : i32
    %dma_wait3A_294 = tpu.memref_slice %arg1[%dma_wait3A_290, %dma_wait3A_291, %dma_wait3A_292, %dma_wait3A_293] : memref<32x3x512x512xf32, #tpu.memory_space<any>> -> memref<1x3x512x512xf32, #tpu.memory_space<any>>
    %dma_wait3A_295 = tpu.memref_squeeze %dma_wait3A_294 : memref<1x3x512x512xf32, #tpu.memory_space<any>> -> memref<3x512x512xf32, #tpu.memory_space<any>>
    tpu.wait_dma2 semaphore(%arg3 : memref<!tpu.dma_semaphore, #tpu.memory_space<semaphore_mem>>) src(%arg2 : memref<3x512x512xf32, #tpu.memory_space<vmem>>) dst(%dma_wait3A_295 : memref<3x512x512xf32, #tpu.memory_space<any>>)
    %dma_wait3A_296 = arith.constant 17 : i32
    %dma_wait3A_297 = arith.constant 0 : i32
    %dma_wait3A_298 = arith.constant 0 : i32
    %dma_wait3A_299 = arith.constant 0 : i32
    %dma_wait3A_300 = tpu.memref_slice %arg1[%dma_wait3A_296, %dma_wait3A_297, %dma_wait3A_298, %dma_wait3A_299] : memref<32x3x512x512xf32, #tpu.memory_space<any>> -> memref<1x3x512x512xf32, #tpu.memory_space<any>>
    %dma_wait3A_301 = tpu.memref_squeeze %dma_wait3A_300 : memref<1x3x512x512xf32, #tpu.memory_space<any>> -> memref<3x512x512xf32, #tpu.memory_space<any>>
    tpu.wait_dma2 semaphore(%arg3 : memref<!tpu.dma_semaphore, #tpu.memory_space<semaphore_mem>>) src(%arg2 : memref<3x512x512xf32, #tpu.memory_space<vmem>>) dst(%dma_wait3A_301 : memref<3x512x512xf32, #tpu.memory_space<any>>)
    %dma_wait3A_302 = arith.constant 18 : i32
    %dma_wait3A_303 = arith.constant 0 : i32
    %dma_wait3A_304 = arith.constant 0 : i32
    %dma_wait3A_305 = arith.constant 0 : i32
    %dma_wait3A_306 = tpu.memref_slice %arg1[%dma_wait3A_302, %dma_wait3A_303, %dma_wait3A_304, %dma_wait3A_305] : memref<32x3x512x512xf32, #tpu.memory_space<any>> -> memref<1x3x512x512xf32, #tpu.memory_space<any>>
    %dma_wait3A_307 = tpu.memref_squeeze %dma_wait3A_306 : memref<1x3x512x512xf32, #tpu.memory_space<any>> -> memref<3x512x512xf32, #tpu.memory_space<any>>
    tpu.wait_dma2 semaphore(%arg3 : memref<!tpu.dma_semaphore, #tpu.memory_space<semaphore_mem>>) src(%arg2 : memref<3x512x512xf32, #tpu.memory_space<vmem>>) dst(%dma_wait3A_307 : memref<3x512x512xf32, #tpu.memory_space<any>>)
    %dma_wait3A_308 = arith.constant 19 : i32
    %dma_wait3A_309 = arith.constant 0 : i32
    %dma_wait3A_310 = arith.constant 0 : i32
    %dma_wait3A_311 = arith.constant 0 : i32
    %dma_wait3A_312 = tpu.memref_slice %arg1[%dma_wait3A_308, %dma_wait3A_309, %dma_wait3A_310, %dma_wait3A_311] : memref<32x3x512x512xf32, #tpu.memory_space<any>> -> memref<1x3x512x512xf32, #tpu.memory_space<any>>
    %dma_wait3A_313 = tpu.memref_squeeze %dma_wait3A_312 : memref<1x3x512x512xf32, #tpu.memory_space<any>> -> memref<3x512x512xf32, #tpu.memory_space<any>>
    tpu.wait_dma2 semaphore(%arg3 : memref<!tpu.dma_semaphore, #tpu.memory_space<semaphore_mem>>) src(%arg2 : memref<3x512x512xf32, #tpu.memory_space<vmem>>) dst(%dma_wait3A_313 : memref<3x512x512xf32, #tpu.memory_space<any>>)
    %dma_wait3A_314 = arith.constant 20 : i32
    %dma_wait3A_315 = arith.constant 0 : i32
    %dma_wait3A_316 = arith.constant 0 : i32
    %dma_wait3A_317 = arith.constant 0 : i32
    %dma_wait3A_318 = tpu.memref_slice %arg1[%dma_wait3A_314, %dma_wait3A_315, %dma_wait3A_316, %dma_wait3A_317] : memref<32x3x512x512xf32, #tpu.memory_space<any>> -> memref<1x3x512x512xf32, #tpu.memory_space<any>>
    %dma_wait3A_319 = tpu.memref_squeeze %dma_wait3A_318 : memref<1x3x512x512xf32, #tpu.memory_space<any>> -> memref<3x512x512xf32, #tpu.memory_space<any>>
    tpu.wait_dma2 semaphore(%arg3 : memref<!tpu.dma_semaphore, #tpu.memory_space<semaphore_mem>>) src(%arg2 : memref<3x512x512xf32, #tpu.memory_space<vmem>>) dst(%dma_wait3A_319 : memref<3x512x512xf32, #tpu.memory_space<any>>)
    %dma_wait3A_320 = arith.constant 21 : i32
    %dma_wait3A_321 = arith.constant 0 : i32
    %dma_wait3A_322 = arith.constant 0 : i32
    %dma_wait3A_323 = arith.constant 0 : i32
    %dma_wait3A_324 = tpu.memref_slice %arg1[%dma_wait3A_320, %dma_wait3A_321, %dma_wait3A_322, %dma_wait3A_323] : memref<32x3x512x512xf32, #tpu.memory_space<any>> -> memref<1x3x512x512xf32, #tpu.memory_space<any>>
    %dma_wait3A_325 = tpu.memref_squeeze %dma_wait3A_324 : memref<1x3x512x512xf32, #tpu.memory_space<any>> -> memref<3x512x512xf32, #tpu.memory_space<any>>
    tpu.wait_dma2 semaphore(%arg3 : memref<!tpu.dma_semaphore, #tpu.memory_space<semaphore_mem>>) src(%arg2 : memref<3x512x512xf32, #tpu.memory_space<vmem>>) dst(%dma_wait3A_325 : memref<3x512x512xf32, #tpu.memory_space<any>>)
    %dma_wait3A_326 = arith.constant 22 : i32
    %dma_wait3A_327 = arith.constant 0 : i32
    %dma_wait3A_328 = arith.constant 0 : i32
    %dma_wait3A_329 = arith.constant 0 : i32
    %dma_wait3A_330 = tpu.memref_slice %arg1[%dma_wait3A_326, %dma_wait3A_327, %dma_wait3A_328, %dma_wait3A_329] : memref<32x3x512x512xf32, #tpu.memory_space<any>> -> memref<1x3x512x512xf32, #tpu.memory_space<any>>
    %dma_wait3A_331 = tpu.memref_squeeze %dma_wait3A_330 : memref<1x3x512x512xf32, #tpu.memory_space<any>> -> memref<3x512x512xf32, #tpu.memory_space<any>>
    tpu.wait_dma2 semaphore(%arg3 : memref<!tpu.dma_semaphore, #tpu.memory_space<semaphore_mem>>) src(%arg2 : memref<3x512x512xf32, #tpu.memory_space<vmem>>) dst(%dma_wait3A_331 : memref<3x512x512xf32, #tpu.memory_space<any>>)
    %dma_wait3A_332 = arith.constant 23 : i32
    %dma_wait3A_333 = arith.constant 0 : i32
    %dma_wait3A_334 = arith.constant 0 : i32
    %dma_wait3A_335 = arith.constant 0 : i32
    %dma_wait3A_336 = tpu.memref_slice %arg1[%dma_wait3A_332, %dma_wait3A_333, %dma_wait3A_334, %dma_wait3A_335] : memref<32x3x512x512xf32, #tpu.memory_space<any>> -> memref<1x3x512x512xf32, #tpu.memory_space<any>>
    %dma_wait3A_337 = tpu.memref_squeeze %dma_wait3A_336 : memref<1x3x512x512xf32, #tpu.memory_space<any>> -> memref<3x512x512xf32, #tpu.memory_space<any>>
    tpu.wait_dma2 semaphore(%arg3 : memref<!tpu.dma_semaphore, #tpu.memory_space<semaphore_mem>>) src(%arg2 : memref<3x512x512xf32, #tpu.memory_space<vmem>>) dst(%dma_wait3A_337 : memref<3x512x512xf32, #tpu.memory_space<any>>)
    %dma_wait3A_338 = arith.constant 24 : i32
    %dma_wait3A_339 = arith.constant 0 : i32
    %dma_wait3A_340 = arith.constant 0 : i32
    %dma_wait3A_341 = arith.constant 0 : i32
    %dma_wait3A_342 = tpu.memref_slice %arg1[%dma_wait3A_338, %dma_wait3A_339, %dma_wait3A_340, %dma_wait3A_341] : memref<32x3x512x512xf32, #tpu.memory_space<any>> -> memref<1x3x512x512xf32, #tpu.memory_space<any>>
    %dma_wait3A_343 = tpu.memref_squeeze %dma_wait3A_342 : memref<1x3x512x512xf32, #tpu.memory_space<any>> -> memref<3x512x512xf32, #tpu.memory_space<any>>
    tpu.wait_dma2 semaphore(%arg3 : memref<!tpu.dma_semaphore, #tpu.memory_space<semaphore_mem>>) src(%arg2 : memref<3x512x512xf32, #tpu.memory_space<vmem>>) dst(%dma_wait3A_343 : memref<3x512x512xf32, #tpu.memory_space<any>>)
    %dma_wait3A_344 = arith.constant 25 : i32
    %dma_wait3A_345 = arith.constant 0 : i32
    %dma_wait3A_346 = arith.constant 0 : i32
    %dma_wait3A_347 = arith.constant 0 : i32
    %dma_wait3A_348 = tpu.memref_slice %arg1[%dma_wait3A_344, %dma_wait3A_345, %dma_wait3A_346, %dma_wait3A_347] : memref<32x3x512x512xf32, #tpu.memory_space<any>> -> memref<1x3x512x512xf32, #tpu.memory_space<any>>
    %dma_wait3A_349 = tpu.memref_squeeze %dma_wait3A_348 : memref<1x3x512x512xf32, #tpu.memory_space<any>> -> memref<3x512x512xf32, #tpu.memory_space<any>>
    tpu.wait_dma2 semaphore(%arg3 : memref<!tpu.dma_semaphore, #tpu.memory_space<semaphore_mem>>) src(%arg2 : memref<3x512x512xf32, #tpu.memory_space<vmem>>) dst(%dma_wait3A_349 : memref<3x512x512xf32, #tpu.memory_space<any>>)
    %dma_wait3A_350 = arith.constant 26 : i32
    %dma_wait3A_351 = arith.constant 0 : i32
    %dma_wait3A_352 = arith.constant 0 : i32
    %dma_wait3A_353 = arith.constant 0 : i32
    %dma_wait3A_354 = tpu.memref_slice %arg1[%dma_wait3A_350, %dma_wait3A_351, %dma_wait3A_352, %dma_wait3A_353] : memref<32x3x512x512xf32, #tpu.memory_space<any>> -> memref<1x3x512x512xf32, #tpu.memory_space<any>>
    %dma_wait3A_355 = tpu.memref_squeeze %dma_wait3A_354 : memref<1x3x512x512xf32, #tpu.memory_space<any>> -> memref<3x512x512xf32, #tpu.memory_space<any>>
    tpu.wait_dma2 semaphore(%arg3 : memref<!tpu.dma_semaphore, #tpu.memory_space<semaphore_mem>>) src(%arg2 : memref<3x512x512xf32, #tpu.memory_space<vmem>>) dst(%dma_wait3A_355 : memref<3x512x512xf32, #tpu.memory_space<any>>)
    %dma_wait3A_356 = arith.constant 27 : i32
    %dma_wait3A_357 = arith.constant 0 : i32
    %dma_wait3A_358 = arith.constant 0 : i32
    %dma_wait3A_359 = arith.constant 0 : i32
    %dma_wait3A_360 = tpu.memref_slice %arg1[%dma_wait3A_356, %dma_wait3A_357, %dma_wait3A_358, %dma_wait3A_359] : memref<32x3x512x512xf32, #tpu.memory_space<any>> -> memref<1x3x512x512xf32, #tpu.memory_space<any>>
    %dma_wait3A_361 = tpu.memref_squeeze %dma_wait3A_360 : memref<1x3x512x512xf32, #tpu.memory_space<any>> -> memref<3x512x512xf32, #tpu.memory_space<any>>
    tpu.wait_dma2 semaphore(%arg3 : memref<!tpu.dma_semaphore, #tpu.memory_space<semaphore_mem>>) src(%arg2 : memref<3x512x512xf32, #tpu.memory_space<vmem>>) dst(%dma_wait3A_361 : memref<3x512x512xf32, #tpu.memory_space<any>>)
    %dma_wait3A_362 = arith.constant 28 : i32
    %dma_wait3A_363 = arith.constant 0 : i32
    %dma_wait3A_364 = arith.constant 0 : i32
    %dma_wait3A_365 = arith.constant 0 : i32
    %dma_wait3A_366 = tpu.memref_slice %arg1[%dma_wait3A_362, %dma_wait3A_363, %dma_wait3A_364, %dma_wait3A_365] : memref<32x3x512x512xf32, #tpu.memory_space<any>> -> memref<1x3x512x512xf32, #tpu.memory_space<any>>
    %dma_wait3A_367 = tpu.memref_squeeze %dma_wait3A_366 : memref<1x3x512x512xf32, #tpu.memory_space<any>> -> memref<3x512x512xf32, #tpu.memory_space<any>>
    tpu.wait_dma2 semaphore(%arg3 : memref<!tpu.dma_semaphore, #tpu.memory_space<semaphore_mem>>) src(%arg2 : memref<3x512x512xf32, #tpu.memory_space<vmem>>) dst(%dma_wait3A_367 : memref<3x512x512xf32, #tpu.memory_space<any>>)
    %dma_wait3A_368 = arith.constant 29 : i32
    %dma_wait3A_369 = arith.constant 0 : i32
    %dma_wait3A_370 = arith.constant 0 : i32
    %dma_wait3A_371 = arith.constant 0 : i32
    %dma_wait3A_372 = tpu.memref_slice %arg1[%dma_wait3A_368, %dma_wait3A_369, %dma_wait3A_370, %dma_wait3A_371] : memref<32x3x512x512xf32, #tpu.memory_space<any>> -> memref<1x3x512x512xf32, #tpu.memory_space<any>>
    %dma_wait3A_373 = tpu.memref_squeeze %dma_wait3A_372 : memref<1x3x512x512xf32, #tpu.memory_space<any>> -> memref<3x512x512xf32, #tpu.memory_space<any>>
    tpu.wait_dma2 semaphore(%arg3 : memref<!tpu.dma_semaphore, #tpu.memory_space<semaphore_mem>>) src(%arg2 : memref<3x512x512xf32, #tpu.memory_space<vmem>>) dst(%dma_wait3A_373 : memref<3x512x512xf32, #tpu.memory_space<any>>)
    %dma_wait3A_374 = arith.constant 30 : i32
    %dma_wait3A_375 = arith.constant 0 : i32
    %dma_wait3A_376 = arith.constant 0 : i32
    %dma_wait3A_377 = arith.constant 0 : i32
    %dma_wait3A_378 = tpu.memref_slice %arg1[%dma_wait3A_374, %dma_wait3A_375, %dma_wait3A_376, %dma_wait3A_377] : memref<32x3x512x512xf32, #tpu.memory_space<any>> -> memref<1x3x512x512xf32, #tpu.memory_space<any>>
    %dma_wait3A_379 = tpu.memref_squeeze %dma_wait3A_378 : memref<1x3x512x512xf32, #tpu.memory_space<any>> -> memref<3x512x512xf32, #tpu.memory_space<any>>
    tpu.wait_dma2 semaphore(%arg3 : memref<!tpu.dma_semaphore, #tpu.memory_space<semaphore_mem>>) src(%arg2 : memref<3x512x512xf32, #tpu.memory_space<vmem>>) dst(%dma_wait3A_379 : memref<3x512x512xf32, #tpu.memory_space<any>>)
    %dma_wait3A_380 = arith.constant 31 : i32
    %dma_wait3A_381 = arith.constant 0 : i32
    %dma_wait3A_382 = arith.constant 0 : i32
    %dma_wait3A_383 = arith.constant 0 : i32
    %dma_wait3A_384 = tpu.memref_slice %arg1[%dma_wait3A_380, %dma_wait3A_381, %dma_wait3A_382, %dma_wait3A_383] : memref<32x3x512x512xf32, #tpu.memory_space<any>> -> memref<1x3x512x512xf32, #tpu.memory_space<any>>
    %dma_wait3A_385 = tpu.memref_squeeze %dma_wait3A_384 : memref<1x3x512x512xf32, #tpu.memory_space<any>> -> memref<3x512x512xf32, #tpu.memory_space<any>>
    tpu.wait_dma2 semaphore(%arg3 : memref<!tpu.dma_semaphore, #tpu.memory_space<semaphore_mem>>) src(%arg2 : memref<3x512x512xf32, #tpu.memory_space<vmem>>) dst(%dma_wait3A_385 : memref<3x512x512xf32, #tpu.memory_space<any>>)
    return
  }
}

</mosaic_0001>

<sc_bundles>
// kernel: kernel.4.cloned.1.call-start
scs
__scs_entry_jumppad:
0x0: {  	(pc) =	sbr.rel $0x88, $3  }
0x1: {  	(tag) =	ssettag $0x0;
	lr =	simm.s32 $0x1  }
0x2: {  	[smem:$0x3F9F] =	sst lr;
	_ =	strace $0xD0000000  }
0x3: {  	_ = 	snop  }
0x4: {  	_ = 	snop  }
0x5: {  	_ = 	snop  }
0x6: {  	_ = 	snop  }
0x7: {  	_ = 	snop  }
__scs_overlays_trampoline_lowered:
0x8: {  	[smem:$0x3FAE] =	sst s0  }
0x9: {  	[smem:$0x3FAF] =	sst s1  }
0xa: {  	[smem:$0x3FB0] =	sst s2  }
0xb: {  	[smem:$0x3FB1] =	sst s3  }
0xc: {  	[smem:$0x3FB2] =	sst s4  }
0xd: {  	[smem:$0x3FB3] =	sst s5  }
0xe: {  	[smem:$0x3FB4] =	sst s6  }
0xf: {  	[smem:$0x3FB5] =	sst s7  }
0x10: {  	[smem:$0x3FB6] =	sst s8  }
0x11: {  	[smem:$0x3FB7] =	sst s9;
	s0 =	simm.s32 @!p0 $0x0  }
0x12: {  	s1 =	sld [smem:$0x3F9D];
	s0 =	simm.s32 @p0 $0x1  }
0x13: {  	[smem:$0x3FB8] =	sst s0;
	s0 =	simm.s32 @!p1 $0x0  }
0x14: {  	s2 =	sld [smem:$0x3F9C];
	s0 =	simm.s32 @p1 $0x1  }
0x15: {  	[smem:$0x3FB9] =	sst s0;
	s0 =	simm.s32 @!p2 $0x0  }
0x16: {  	s3 =	sld [smem:$0x3FDB];
	s0 =	simm.s32 @p2 $0x1  }
0x17: {  	s4 =	simm.s32 $0x1BF5;
	[smem:$0x3FBB] =	sst s0  }
0x18: {  	s0 =	sld [smem:$0x3F9E];
	_ =	swait.ge [sflag:s4], $0x0  }
0x19: {  	s7 =	sld [smem:$0x3F9F]  }
0x1a: {  	s8 =	sadd.s32 $0xFFFFE003, lr  }
0x1b: {  	s9 =	sadd.s32 $0xFFFFFEF7, lr;
	s5 =	simm.s32 $0xFFFFFFFF;
	p2 =	slt.u32 s8, $0xFFFFF086  }
0x1c: {  	p1 =	slt.u32 s9, $0xF7A;
	s5 =	simm.s32 @!p2 $0x0  }
0x1d: {  	s5 =	simm.s32 @p1 $0x1;
	p0 =	seq.s32 s7, s2  }
0x1e: {  	s7 =	smul.u32 @!p0 $0xF7A, s2;
	p2 =	seq.s32 @!p0 s5, $0x0  }
0x1f: {  	s9 =	smul.u32 $0xF7A, s1;
	s8 =	simm.s32 @!p0 $0x1BF5;
	p2 =	por !p2, p0  }
0x20: {  	[sflag:s8] =	ssyncset.s32 @!p0 $0xFFFFF086;
	s6 =	sadd.s32 @!p0 s3, s7;
	s7 =	simm.s32 @!p0 $0x108  }
0x21: {  	s3 =	sadd.s32 s3, s9;
	s6 =	sadd.s32 @!p0 $0x88, s6;
	s7 =	simm.s32 @p2 $0x1082  }
0x22: {  	[simem:s7], [sflag:s8] =	dma.local @!p0 [hbm:s6], $0xF7A  }
0x23: {  	s9 =	sor.u32 $0xD0000000, s2;
	s6 =	simm.s32 $0x108;
	_ =	swait.ge @!p0 [sflag:s8], $0x0  }
0x24: {  	s3 =	sadd.s32 $0x88, s3;
	s6 =	simm.s32 @!p1 $0x1082;
	[sflag:s4] =	ssyncset.s32 $0xFFFFF086  }
0x25: {  	[simem:s6], [sflag:s4] =	dma.local [hbm:s3], $0xF7A  }
0x26: {  	[smem:$0x3F9F] =	sst s1;
	(tag) =	ssettag s2;
	_ =	strace s9  }
0x27: {  	s1 =	sld [smem:$0x3FAF]  }
0x28: {  	s2 =	sld [smem:$0x3FB0]  }
0x29: {  	s4 =	sld [smem:$0x3FB2]  }
0x2a: {  	p0 =	seq.s32 s5, $0x0;
	s5 =	sld [smem:$0x3FB3]  }
0x2b: {  	s6 =	sld [smem:$0x3FB4]  }
0x2c: {  	s7 =	sld [smem:$0x3FB5]  }
0x2d: {  	s3 =	simm.s32 $0x108;
	s8 =	sld [smem:$0x3FB6]  }
0x2e: {  	s3 =	simm.s32 @!p0 $0x1082;
	s9 =	sld [smem:$0x3FB7]  }
0x2f: {  	lr =	sadd.s32 s0, s3;
	s0 =	sld [smem:$0x3FAE]  }
0x30: {  	s3 =	sld [smem:$0x3FB1]  }
0x31: {  	[smem:$0x3FBA] =	sst s10  }
0x32: {  	s10 =	sld [smem:$0x3FB8];
	_ =	sdelay $0x3  }
0x33: {  	p0 =	seq.s32 s10, $0x1;
	s10 =	sld [smem:$0x3FBA];
	_ =	sdelay $0x3  }
0x34: {  	[smem:$0x3FBA] =	sst s10  }
0x35: {  	s10 =	sld [smem:$0x3FB9];
	_ =	sdelay $0x3  }
0x36: {  	p1 =	seq.s32 s10, $0x1;
	s10 =	sld [smem:$0x3FBA];
	_ =	sdelay $0x3  }
0x37: {  	[smem:$0x3FBA] =	sst s10  }
0x38: {  	s10 =	sld [smem:$0x3FBB]  }
0x39: {  	_ = 	snop;
	(pc) =	sbr.ind lr, $3  }
0x3a: {  	_ = 	snop  }
0x3b: {  	_ = 	snop  }
0x3c: {  	p2 =	seq.s32 s10, $0x1;
	s10 =	sld [smem:$0x3FBA]  }
0x3d: {  	_ =	shalt  }
0x3e: {  	_ =	shalt  }
0x3f: {  	_ =	shalt  }
0x40: {  	_ =	shalt  }
0x41: {  	_ =	shalt  }
0x42: {  	_ =	shalt  }
0x43: {  	_ =	shalt  }
0x44: {  	_ =	shalt  }
0x45: {  	_ =	shalt  }
0x46: {  	_ =	shalt  }
0x47: {  	_ =	shalt  }
0x48: {  	_ =	shalt  }
0x49: {  	_ =	shalt  }
0x4a: {  	_ =	shalt  }
0x4b: {  	_ =	shalt  }
0x4c: {  	_ =	shalt  }
0x4d: {  	_ =	shalt  }
0x4e: {  	_ =	shalt  }
0x4f: {  	_ =	shalt  }
0x50: {  	_ =	shalt  }
0x51: {  	_ =	shalt  }
0x52: {  	_ =	shalt  }
0x53: {  	_ =	shalt  }
0x54: {  	_ =	shalt  }
0x55: {  	_ =	shalt  }
0x56: {  	_ =	shalt  }
0x57: {  	_ =	shalt  }
0x58: {  	_ =	shalt  }
0x59: {  	_ =	shalt  }
0x5a: {  	_ =	shalt  }
0x5b: {  	_ =	shalt  }
0x5c: {  	_ =	shalt  }
0x5d: {  	_ =	shalt  }
0x5e: {  	_ =	shalt  }
0x5f: {  	_ =	shalt  }
0x60: {  	_ =	shalt  }
0x61: {  	_ =	shalt  }
0x62: {  	_ =	shalt  }
0x63: {  	_ =	shalt  }
0x64: {  	_ =	shalt  }
0x65: {  	_ =	shalt  }
0x66: {  	_ =	shalt  }
0x67: {  	_ =	shalt  }
0x68: {  	_ =	shalt  }
0x69: {  	_ =	shalt  }
0x6a: {  	_ =	shalt  }
0x6b: {  	_ =	shalt  }
0x6c: {  	_ =	shalt  }
0x6d: {  	_ =	shalt  }
0x6e: {  	_ =	shalt  }
0x6f: {  	_ =	shalt  }
0x70: {  	_ =	shalt  }
0x71: {  	_ =	shalt  }
0x72: {  	_ =	shalt  }
0x73: {  	_ =	shalt  }
0x74: {  	_ =	shalt  }
0x75: {  	_ =	shalt  }
0x76: {  	_ =	shalt  }
0x77: {  	_ =	shalt  }
0x78: {  	_ =	shalt  }
0x79: {  	_ =	shalt  }
0x7a: {  	_ =	shalt  }
0x7b: {  	_ =	shalt  }
0x7c: {  	_ =	shalt  }
0x7d: {  	_ =	shalt  }
0x7e: {  	_ =	shalt  }
0x7f: {  	_ =	shalt  }
0x80: {  	_ =	shalt  }
0x81: {  	_ =	shalt  }
0x82: {  	_ =	shalt  }
0x83: {  	_ =	shalt  }
0x84: {  	_ =	shalt  }
0x85: {  	_ =	shalt  }
0x86: {  	_ =	shalt  }
0x87: {  	_ =	shalt  }
.Lfunc_end0:
.L_simem_size_0:
called_computation_lowered:
.L_overlay_start_0:
0x88: {  	s2 =	sld [smem:$0x3FD9]  }
0x89: {  	s3 =	sld [smem:$0x3FFE];
	_ =	sdelay $0x1  }
0x8a: {  	s1 =	srdreg.scid  }
0x8b: {  	s0 =	sand.u32 $0x1, s1  }
0x8c: {  	s17 =	sshll.u32 s0, $0xA;
	s2 =	sadd.s32 s3, s2  }
0x8d: {  	s2 =	sadd.s32 s2, s17  }
0x8e: {  	[smem:$0x3FC6] =	sst s2  }
0x8f: {  	_ = 	snop  }
0x90: {  	s2 =	sld [smem:$0x3FD0];
	(tm) =	ssettm $0x1  }
0x91: {  	s18 =	sld [smem:$0x3FFB];
	_ =	sdelay $0x3  }
0x92: {  	_ =	strace s18  }
0x93: {  	s3 =	sld [smem:$0x3FFC];
	_ =	sdelay $0x3  }
0x94: {  	_ =	strace s3  }
0x95: {  	s3 =	sld [smem:$0x3FFD];
	_ =	sdelay $0x3  }
0x96: {  	_ =	strace s3  }
0x97: {  	_ =	strace $0x8FFFFFFF  }
0x98: {  	s19 =	sld [smem:$0x3FDB];
	_ =	sdelay $0x1  }
0x99: {  	s4 =	simm.s32 $_scs_section_size  }
0x9a: {  	s5 =	simm.s32 $_size__tile_overlayer_lowered;
	s6 =	simm.s32 $_tile_overlayer_lowered  }
0x9b: {  	s22 =	simm.s32 $0x1BFF;
	s21 =	sshll.u32 s6, $0x1;
	s3 =	sadd.s32 s4, s19  }
0x9c: {  	s7 =	simm.s32 $0x0;
	s20 =	sshll.u32 s5, $0x1;
	s5 =	sadd.s32 s21, s3  }
0x9d: {  	[timem:s7], [sflag:s22] =	dma.local [hbm:s5], s20  }
0x9e: {  	_ =	swait.ge [sflag:s22], s20  }
0x9f: {  	s4 =	ssub.s32 $0x0, s20;
	[sflag:s22] =	ssyncset.done $0x0  }
0xa0: {  	[sflag:s22] =	ssyncadd.s32 s4;
	_ =	sdelay $0x1  }
0xa1: {  	s23 =	simm.s32 $0x1B8B  }
0xa2: {  	_ =	swait.ge [sflag:s23], $0x1  }
0xa3: {  	[sflag:s23] =	ssyncset.done $0x0  }
0xa4: {  	s25 =	simm.s32 $0x1B8E;
	s24 =	sld [smem:$0x3FFE];
	[sflag:s23] =	ssyncadd.s32 $0xFFFFFFFF  }
0xa5: {  	s26 =	simm.s32 $execute0_lowered;
	[smem:$0x3FD2] =	sst s25  }
0xa6: {  	s5 =	sshll.u32 s26, $0x1;
	_ =	strace $0x80000046;
	[dreg:$0x1] =	wrdreg $0xFFFFFFFF  }
0xa7: {  	s28 =	simm.s32 $_size_execute0_lowered;
	s3 =	sadd.s32 s3, s5;
	[dreg:$0x0] =	wrdreg $0x0  }
0xa8: {  	s5 =	sshll.u32 s28, $0x1;
	[dreg:$0x2] =	wrdreg s3  }
0xa9: {  	[dreg:$0x3] =	wrdreg s5  }
0xaa: {  	[dreg:$0x4] =	wrdreg $0xC0  }
0xab: {  	_ =	task [dreg:s7], $0x5FFFF  }
0xac: {  	[dreg:$0x1] =	wrdreg $0xFFFFFFFF  }
0xad: {  	[dreg:$0x0] =	wrdreg $0x60  }
0xae: {  	[dreg:$0x2] =	wrdreg s24  }
0xaf: {  	[dreg:$0x3] =	wrdreg s2  }
0xb0: {  	[dreg:$0x4] =	wrdreg $0x9  }
0xb1: {  	_ =	task.clear_ibuf [dreg:s7], $0x5FFFF;
	_ =	strace $0x90000046  }
0xb2: {  	s29 =	simm.s32 $0x9;
	_ =	strace $0x80000048  }
0xb3: {  	_ =	swait.ge [sflag:s29], $0x1  }
0xb4: {  	[sflag:s29] =	ssyncadd.s32 $0xFFFFFFFF  }
0xb5: {  	_ =	strace $0x90000048  }
0xb6: {  	_ =	sfence  }
0xb7: {  	s30 =	sld [smem:$0x0];
	_ =	sdelay $0x2  }
0xb8: {  	s31 =	sshll.u32 s1, $0xD;
	s1 =	sshrl.u32 s1, $0x2  }
0xb9: {  	s3 =	sand.u32 $0x4000, s31;
	s1 =	sadd.s32 s1, s30  }
0xba: {  	s0 =	sor.u32 s3, s0;
	s1 =	sshll.u32 s1, $0x11  }
0xbb: {  	s0 =	sor.u32 s1, s0  }
0xbc: {  	s0 =	sadd.s32 $0x8F2B, s0  }
0xbd: {  	[sflag:s0] =	ssyncadd.remote.s32 $0x1  }
0xbe: {  	_ =	sfence.sel $0xFFFF  }
0xbf: {  	[dreg:$0x0] =	wrdreg $0xFFFFFFFF;
	(pc) =	sbr.abs _section_cstart, $3  }
0xc0: {  	[dreg:$0x1] =	wrdreg $0xFFFFFFFF  }
0xc1: {  	_ =	task.clear_ibuf [dreg:s7], $0x2FFFF;
	_ =	strace $0x9FFFFFFF  }
0xc2: {  	(tm) =	ssettm $0x7FFFFFFF  }
0xc3: {  	_ =	shalt  }
tec
execute0_lowered:
.L_overlay_start_1:
0x0: {  	(tag) =	ssettag $0x1  }
0x1: {  	s4 =	rddreg [dreg:$0x0]  }
0x2: {  	s3 =	rddreg [dreg:$0x1];
	s0 =	srdreg.scid  }
0x3: {  	s9 =	simm.s32 $0x0;
	s8 =	stileid.u32;
	s11 =	simm.s32 $0x1  }
0x4: {  	s14 =	simm.s32 $0x10080;
	s21 =	simm.s32 $0x0;
	s0 =	sand.u32 $0x1, s0  }
0x5: {  	[smem:$0x7FF] =	sst s9;
	s2 =	sshll.u32 s0, $0x4;
	s0 =	ssub.s32 $0x2, s0  }
0x6: {  	s1 =	sshll.u32 s8, $0x5;
	s31 =	sshll.u32 s8, $0x6;
	s30 =	sshrl.u32 s0, $0x1  }
.Ltmp0:
0x7: {  	s5 =	sor.u32 s2, s1;
	s0 =	ssub.s32 s0, s30;
	(pc) =	sbr.rel .LBB2_1-.Ltmp0, $4  }
0x8: {  	s1 =	sshll.u32 s5, $0x6;
	s2 =	smax.u32 s0, $0x1;
	s0 =	sor.u32 $0x1C01, s31  }
0x9: {  	_ =	strace $0x80000047;
	s1 =	sadd.s32 s1, s4;
	[dreg:$0x5] =	wrdreg s0  }
0xa: {  	s6 =	sadd.s32 $0x2000, s4;
	s1 =	sadd.s32 $0x2C00, s1;
	[dreg:$0x4] =	wrdreg s2  }
0xb: {  	v0 =	vlaneseq.u32;
	s7 =	sadd.s32 $0x10, s5;
	s10 =	ssub.s32 $0x0, s5;
	[dreg:$0x3] =	wrdreg s1  }
.LBB2_9:
0xc: {  	s1 =	rddreg [dreg:$0x3]  }
0xd: {  	s14 =	simm.s32 $0x10080;
	s0 =	simm.s32 $0x2000;
	s2 =	simm.s32 $0x40000  }
0xe: {  	[hbm4b:s1+s0] =	stream.strided.scatter [tilespmem:s14], [sflag:$0x1], $0x6000, s2, s0, $0x38;
	[tilespmem:$0x1C080] =	vst v63  }
0xf: {  	_ =	swait.ge [sflag:s11], $0x6000  }
0x10: {  	[sflag:s11] =	ssyncset.done $0x0  }
0x11: {  	s2 =	rddreg [dreg:$0x4];
	[sflag:s11] =	ssyncadd.s32 $0xFFFFA000  }
0x12: {  	s9 =	simm.s32 $0x0;
	s4 =	rddreg [dreg:$0x0]  }
.LBB2_10:
0x13: {  	s21 =	sadd.s32 $0x1, s21  }
0x14: {  	p0 =	sne.s32 s21, s2  }
.Ltmp1:
0x15: {  	_ = 	snop;
	(pc) =	sbr.rel @!p0 .LBB2_11-.Ltmp1, $1  }
0x16: {  	_ =	sdelay $0x3  }
.LBB2_1:
0x17: {  	[tilespmem:s9], [sflag:$0x1] =	stream.linear.gather [hbm4b:s4+s9], $0x80, $0x38;
	[tilespmem:$0x1C080] =	vst v63  }
0x18: {  	_ =	swait.ge [sflag:s11], $0x80  }
0x19: {  	[sflag:s11] =	ssyncset.done $0x0  }
0x1a: {  	[sflag:s11] =	ssyncadd.s32 $0xFFFFFF80  }
0x1b: {  	v1 =	vld [tilespmem:$0x0];
	_ =	sdelay $0x4  }
0x1c: {  	(v2sf) =	vpush v1, $0x3;
	_ =	sdelay $0xe  }
0x1d: {  	s22 =	spop (v2sf)  }
0x1e: {  	p0 =	sne.s32 s22, $0x0  }
.Ltmp2:
0x1f: {  	_ = 	snop;
	(pc) =	sbr.rel @!p0 .LBB2_2-.Ltmp2, $1  }
0x20: {  	_ =	sdelay $0x3  }
0x21: {  	p0 =	slt.s32 s22, $0x1  }
.Ltmp3:
0x22: {  	_ = 	snop;
	(pc) =	sbr.rel @p0 .LBB2_10-.Ltmp3, $1  }
0x23: {  	_ =	sdelay $0x3  }
0x24: {  	s23 =	simm.s32 $0x0;
	s0 =	simm.s32 $0x80  }
0x25: {  	[tilespmem:s0], [sflag:$0x1] =	stream.linear.gather [hbm4b:s4+s23], $0x10000, $0x38;
	[tilespmem:$0x1C080] =	vst v63  }
0x26: {  	_ =	swait.ge [sflag:s11], $0x10000  }
0x27: {  	[sflag:s11] =	ssyncset.done $0x0  }
0x28: {  	[sflag:s11] =	ssyncadd.s32 $0xFFFF0000  }
0x29: {  	[tilespmem:s14], [sflag:$0x1] =	stream.linear.gather [hbm4b:s6+s23], $0x6000, $0x38;
	[tilespmem:$0x1C080] =	vst v63  }
0x2a: {  	_ =	swait.ge [sflag:s11], $0x6000  }
0x2b: {  	[sflag:s11] =	ssyncset.done $0x0  }
.Ltmp4:
0x2c: {  	s31 =	simm.s32 $0x16080;
	[sflag:s11] =	ssyncadd.s32 $0xFFFFA000;
	(pc) =	sbr.rel .LBB2_5-.Ltmp4, $4  }
0x2d: {  	[tilespmem:s31], [sflag:$0x1] =	stream.linear.gather [hbm4b:s6+s23], $0x2000, $0x38;
	[tilespmem:$0x1C080] =	vst v63  }
0x2e: {  	_ =	swait.ge [sflag:s11], $0x2000  }
0x2f: {  	[sflag:s11] =	ssyncset.done $0x0  }
0x30: {  	[sflag:s11] =	ssyncadd.s32 $0xFFFFE000  }
.LBB2_8:
0x31: {  	s23 =	sadd.s32 $0x1, s23  }
0x32: {  	p0 =	sne.s32 s23, s22  }
.Ltmp5:
0x33: {  	_ = 	snop;
	(pc) =	sbr.rel @!p0 .LBB2_9-.Ltmp5, $1  }
0x34: {  	_ =	sdelay $0x3  }
.LBB2_5:
0x35: {  	s0 =	sshll.u32 s23, $0x9  }
0x36: {  	s0 =	sshra.s32 s0, $0x2  }
0x37: {  	v1 =	vld [tilespmem:s0+$0x80];
	_ =	sdelay $0x4  }
0x38: {  	(v2sf) =	vpush v1, $0x0;
	_ =	sdelay $0xe  }
0x39: {  	s4 =	spop (v2sf)  }
0x3a: {  	s1 =	smov.u32 s5;
	s0 =	sadd.s32 $0x40, s4  }
0x3b: {  	s12 =	smov.u32 s7;
	p0 =	sgt.s32 s4, s5;
	p1 =	slt.s32 s0, s7  }
0x3c: {  	s1 =	smov.u32 @p0 s4;
	s12 =	smov.u32 @p1 s0  }
0x3d: {  	p0 =	sle.s32 s12, s1  }
0x3e: {  	(v2sf) =	vpush @!p0 v1, $0x1  }
0x3f: {  	(v2sf) =	vpush @!p0 v1, $0x2;
	_ =	sdelay $0xd  }
0x40: {  	s0 =	spop @!p0 (v2sf)  }
0x41: {  	s2 =	spop @!p0 (v2sf)  }
0x42: {  	s13 =	sshll.u32 @!p0 s2, $0xE;
	s2 =	sshll.u32 @!p0 s2, $0x7  }
0x43: {  	s13 =	sand.u32 @!p0 $0xFFFE0000, s13;
	s2 =	sand.u32 @!p0 $0x380, s2  }
0x44: {  	s14 =	simm.s32 @!p0 $0x400;
	s24 =	ssub.s32 @!p0 s12, s1;
	s2 =	sor.u32 @!p0 s2, s13  }
0x45: {  	s15 =	simm.s32 @!p0 $0x18080;
	p1 =	slt.s32 @!p0 s24, $0x1;
	s2 =	sshrl.u32 @!p0 s2, $0x3  }
0x46: {  	p1 =	por p0, p1;
	s13 =	simm.s32 @!p0 $0x80;
	s2 =	sadd.s32 @!p0 s3, s2  }
0x47: {  	[tilespmem:s15], [sflag:$0x1] =	stream.strided.gather @!p0 [hbm4b:s2+s13], $0x4000, s14, s13, $0x38;
	[tilespmem:$0x1C080] =	vst v63  }
.Ltmp6:
0x48: {  	_ = 	snop;
	(pc) =	sbr.rel @p1 .LBB2_8-.Ltmp6, $4  }
0x49: {  	s2 =	simm.s32 @!p0 $0x1  }
0x4a: {  	_ =	swait.ge @!p0 [sflag:s2], $0x4000  }
0x4b: {  	[sflag:s2] =	ssyncset.done @!p0 $0x0  }
0x4c: {  	[sflag:s2] =	ssyncadd.s32 @!p0 $0xFFFFC000  }
0x4d: {  	s12 =	sand.u32 @!p0 $0xF, s0  }
0x4e: {  	p1 =	slt.s32 @!p0 s0, $0x1;
	p2 =	sne.s32 @!p0 s12, $0x0  }
0x4f: {  	s12 =	sshra.s32 @!p0 s0, $0x1F;
	p1 =	por @!p0 !p1, !p2  }
0x50: {  	s12 =	sshrl.u32 @!p0 s12, $0x1C;
	p1 =	por @!p0 !p1, !p1  }
0x51: {  	s12 =	sadd.s32 @!p0 s12, s0;
	p1 =	por !p1, p0  }
0x52: {  	s12 =	sshrl.u32 @!p0 s12, $0x4;
	s2 =	simm.s32 @p1 $0x0  }
0x53: {  	s2 =	ssub.s32 @!p0 s12, s2  }
0x54: {  	s2 =	sshll.u32 @!p0 s2, $0x4  }
0x55: {  	p1 =	slt.s32 @!p0 s2, $0x1B0  }
0x56: {  	p1 =	por !p1, p0  }
0x57: {  	s2 =	simm.s32 @p1 $0x1B0  }
0x58: {  	s18 =	sadd.s32 s1, s10;
	s12 =	ssub.s32 @!p0 s0, s2;
	s25 =	sand.u32 $0x70, s2  }
0x59: {  	s14 =	sshll.u32 s2, $0x3;
	s15 =	sadd.s32 $0x10, s2;
	s8 =	sadd.s32 $0x20, s2  }
0x5a: {  	s9 =	sadd.s32 $0x30, s2;
	s17 =	sadd.s32 $0x40, s2;
	s0 =	ssub.s32 @!p0 $0x10, s12  }
0x5b: {  	v1 =	vlaneseq.u32 @!p0;
	s13 =	ssub.s32 $0x0, s12;
	v3 =	vmov @!p0 s12;
	s26 =	sand.u32 $0xFFFFFC00, s14;
	s28 =	sand.u32 $0x70, s15  }
0x5c: {  	s20 =	ssub.s32 $0x20, s12;
	s16 =	ssub.s32 $0x30, s12;
	s12 =	ssub.s32 $0x40, s12;
	v4 =	vadd.s32 @!p0 s0, v1;
	v1 =	vsub.s32 @!p0 v1, v3  }
0x5d: {  	s19 =	sshll.u32 s15, $0x3;
	s30 =	sand.u32 $0x70, s8;
	s15 =	sshll.u32 s9, $0x3;
	v6 =	vadd.s32 s16, v0;
	v7 =	vadd.s32 s12, v0;
	v8 =	vadd.s32 s20, v0  }
0x5e: {  	s29 =	sand.u32 $0xFFFFFC00, s19;
	s0 =	sshll.u32 s8, $0x3;
	s2 =	sand.u32 $0xFFFFFC00, s15;
	vm5 =	vgt.s32 v3, v0;
	vm0 =	vgt.s32 @!p0 v4, $0x0;
	vm1 =	vgt.s32 @!p0 v1, $0x0  }
0x5f: {  	s15 =	sshll.u32 s17, $0x3;
	s16 =	sshll.u32 s1, $0x8;
	s19 =	sshll.u32 s1, $0x6;
	v3 =	vmov s25;
	v2 =	vnsel @!p0 vm0, $0x0, v4;
	v5 =	vnsel @!p0 vm1, $0x0, v1  }
0x60: {  	s20 =	sshll.u32 s4, $0x6;
	v1 =	vmin.u32 @!p0 v2, $0xF;
	v2 =	vmin.u32 @!p0 v5, $0xF;
	v5 =	vadd.s32 s13, v0;
	s13 =	sand.u32 $0x70, s17;
	s17 =	sshll.u32 s4, $0x8  }
0x61: {  	s31 =	sand.u32 $0xFFFFFC00, s0;
	s0 =	sand.u32 $0x70, s9;
	vm2 =	vlt.u32 v8, $0x40;
	vm3 =	vlt.u32 v4, $0x40;
	vm0 =	vlt.u32 v7, $0x40;
	s12 =	ssub.s32 s16, s17  }
0x62: {  	s14 =	sand.u32 $0xFFFFFC00, s15;
	s15 =	sshll.u32 s1, $0x7;
	vm1 =	vlt.u32 v6, $0x40;
	v4 =	vmov s28;
	v6 =	vmov s0;
	s12 =	sshra.s32 s12, $0x2  }
0x63: {  	vm4 =	vlt.u32 v5, $0x40;
	s16 =	sshll.u32 s18, $0x9;
	s18 =	ssub.s32 s19, s20;
	v5 =	vmov s30;
	v7 =	vmov s13;
	s19 =	sadd.s32 $0x1A090, s12  }
.LBB2_7:
0x64: {  	s1 =	sand.u32 $0xFFFFFFC0, s18  }
0x65: {  	v8 =	vld [tilespmem:s1+$0x1B080];
	_ =	sdelay $0x1  }
0x66: {  	s12 =	sand.u32 $0xFFFFF000, s16  }
0x67: {  	s20 =	sand.u32 $0x380, s15;
	s4 =	sadd.s32 s26, s12  }
0x68: {  	s4 =	sor.u32 s20, s4  }
0x69: {  	s8 =	sor.u32 s25, s4;
	v9 =	vperm.xlane v8, v1;
	v8 =	vperm.xlane v8, v2  }
0x6a: {  	v10 =	vld [tilespmem:s8+$0x16080]  }
0x6b: {  	v8 =	vsel vm5, v9, v8  }
0x6c: {  	v8 =	vnsel vm4, $0x0, v8  }
0x6d: {  	v47 =	vsub.f32 $1.000000000e+00, v8;
	_ =	sdelay $0x1  }
0x6e: {  	v9 =	vmul.f32 v47, v10;
	_ =	sdelay $0x1  }
0x6f: {  	v12 =	vld [tilespmem:s19+$0xFFFFDFF0];
	v11 =	vadd.f32 v9, v8;
	_ =	sdelay $0x1  }
0x70: {  	(erf) = vrcp.f32 v11  }
0x71: {  	v13 =	vld [tilespmem:s8+$0x10080];
	_ =	sdelay $0x1  }
0x72: {  	v14 =	vperm.xlane v12, v1;
	v12 =	vperm.xlane v12, v2;
	_ =	sdelay $0x1  }
0x73: {  	v12 =	vsel vm5, v14, v12  }
0x74: {  	v12 =	vmul.f32 v12, v8;
	v48 =	vmul.f32 v13, v9;
	_ =	sdelay $0x1  }
0x75: {  	v12 =	vadd.f32 v48, v12  }
0x76: {  	v49 =	vpop (erf)  }
0x77: {  	v12 =	vmul.f32 v12, v49;
	_ =	sdelay $0x1  }
0x78: {  	v12 =	vsel vm4, v12, v13  }
0x79: {  	[tilespmem:s8+$0x10080] =	vst v12  }
0x7a: {  	s17 =	sadd.s32 $0x12080, s12;
	v12 =	vld [tilespmem:s1+$0x19080]  }
0x7b: {  	s9 =	sadd.s32 s26, s17  }
0x7c: {  	s4 =	sadd.s32 s20, s9  }
0x7d: {  	v50 =	vld.idx.msk [tilespmem:v3+s4+$0x0 ss:$0x1], $0xffff;
	_ =	sdelay $0x1  }
0x7e: {  	v15 =	vperm.xlane v12, v1;
	v12 =	vperm.xlane v12, v2;
	_ =	sdelay $0x1  }
0x7f: {  	v12 =	vsel vm5, v15, v12  }
0x80: {  	v51 =	vmul.f32 v50, v9;
	v12 =	vmul.f32 v12, v8;
	_ =	sdelay $0x1  }
0x81: {  	v12 =	vadd.f32 v51, v12;
	_ =	sdelay $0x1  }
0x82: {  	v12 =	vmul.f32 v12, v49;
	_ =	sdelay $0x1  }
0x83: {  	v12 =	vsel vm4, v12, v50  }
0x84: {  	[tilespmem:v3+s4+$0x0 ss:$0x1] =	vst.idx.msk $0xffff, v12  }
0x85: {  	s4 =	sadd.s32 $0x14080, s12;
	v12 =	vld [tilespmem:s1+$0x1A080]  }
0x86: {  	s9 =	sadd.s32 s26, s4  }
0x87: {  	s9 =	sadd.s32 s20, s9  }
0x88: {  	v52 =	vld.idx.msk [tilespmem:v3+s9+$0x0 ss:$0x1], $0xffff;
	_ =	sdelay $0x1  }
0x89: {  	v53 =	vperm.xlane v12, v1;
	v12 =	vperm.xlane v12, v2;
	_ =	sdelay $0x1  }
0x8a: {  	v12 =	vsel vm5, v53, v12  }
0x8b: {  	v9 =	vmul.f32 v52, v9;
	v8 =	vmul.f32 v12, v8;
	_ =	sdelay $0x1  }
0x8c: {  	v8 =	vadd.f32 v9, v8;
	_ =	sdelay $0x1  }
0x8d: {  	v8 =	vmul.f32 v8, v49;
	_ =	sdelay $0x1  }
0x8e: {  	v8 =	vsel vm4, v8, v52  }
0x8f: {  	[tilespmem:v3+s9+$0x0 ss:$0x1] =	vst.idx.msk $0xffff, v8;
	v8 =	vsel vm4, v11, v10  }
0x90: {  	[tilespmem:s8+$0x16080] =	vst v8  }
0x91: {  	v8 =	vld [tilespmem:s1+$0x1B080]  }
0x92: {  	v54 =	vld [tilespmem:s19+$0x1000];
	_ =	sdelay $0x2  }
0x93: {  	s9 =	sadd.s32 s29, s12  }
0x94: {  	s8 =	sor.u32 s20, s9  }
0x95: {  	s8 =	sor.u32 s28, s8;
	v8 =	vperm.xlane v8, v1;
	v9 =	vperm.xlane v54, v2  }
0x96: {  	v55 =	vld [tilespmem:s8+$0x16080]  }
0x97: {  	v8 =	vsel vm5, v8, v9  }
0x98: {  	v8 =	vnsel vm3, $0x0, v8  }
0x99: {  	v56 =	vsub.f32 $1.000000000e+00, v8;
	_ =	sdelay $0x1  }
0x9a: {  	v9 =	vmul.f32 v56, v55  }
0x9b: {  	v57 =	vld [tilespmem:s19+$0xFFFFDFF0]  }
0x9c: {  	v59 =	vld [tilespmem:s19+$0xFFFFE000];
	v58 =	vadd.f32 v9, v8;
	_ =	sdelay $0x1  }
0x9d: {  	(erf) = vrcp.f32 v58  }
0x9e: {  	v60 =	vld [tilespmem:s8+$0x10080];
	_ =	sdelay $0x1  }
0x9f: {  	v11 =	vperm.xlane v57, v1;
	v13 =	vperm.xlane v59, v2;
	_ =	sdelay $0x1  }
0xa0: {  	v11 =	vsel vm5, v11, v13  }
0xa1: {  	v11 =	vmul.f32 v11, v8;
	v61 =	vmul.f32 v60, v9;
	_ =	sdelay $0x1  }
0xa2: {  	v11 =	vadd.f32 v61, v11  }
0xa3: {  	v62 =	vpop (erf)  }
0xa4: {  	v11 =	vmul.f32 v11, v62;
	_ =	sdelay $0x1  }
0xa5: {  	v11 =	vsel vm3, v11, v60  }
0xa6: {  	[tilespmem:s8+$0x10080] =	vst v11  }
0xa7: {  	v11 =	vld [tilespmem:s1+$0x19080]  }
0xa8: {  	v63 =	vld [tilespmem:s19+$0xFFFFF000]  }
0xa9: {  	s9 =	sadd.s32 s29, s17  }
0xaa: {  	s9 =	sadd.s32 s20, s9  }
0xab: {  	v18 =	vld.idx.msk [tilespmem:v4+s9+$0x0 ss:$0x1], $0xffff;
	_ =	sdelay $0x1  }
0xac: {  	v11 =	vperm.xlane v11, v1;
	v14 =	vperm.xlane v63, v2;
	_ =	sdelay $0x1  }
0xad: {  	v11 =	vsel vm5, v11, v14  }
0xae: {  	v19 =	vmul.f32 v18, v9;
	v11 =	vmul.f32 v11, v8;
	_ =	sdelay $0x1  }
0xaf: {  	v11 =	vadd.f32 v19, v11;
	_ =	sdelay $0x1  }
0xb0: {  	v11 =	vmul.f32 v11, v62;
	_ =	sdelay $0x1  }
0xb1: {  	v11 =	vsel vm3, v11, v18  }
0xb2: {  	[tilespmem:v4+s9+$0x0 ss:$0x1] =	vst.idx.msk $0xffff, v11  }
0xb3: {  	v11 =	vld [tilespmem:s1+$0x1A080]  }
0xb4: {  	v20 =	vld [tilespmem:s19+$0x0]  }
0xb5: {  	s9 =	sadd.s32 s29, s4  }
0xb6: {  	s1 =	sadd.s32 s20, s9  }
0xb7: {  	v21 =	vld.idx.msk [tilespmem:v4+s1+$0x0 ss:$0x1], $0xffff;
	_ =	sdelay $0x1  }
0xb8: {  	v11 =	vperm.xlane v11, v1;
	v14 =	vperm.xlane v20, v2;
	_ =	sdelay $0x1  }
0xb9: {  	v11 =	vsel vm5, v11, v14  }
0xba: {  	v9 =	vmul.f32 v21, v9;
	v8 =	vmul.f32 v11, v8;
	_ =	sdelay $0x1  }
0xbb: {  	v8 =	vadd.f32 v9, v8;
	_ =	sdelay $0x1  }
0xbc: {  	v8 =	vmul.f32 v8, v62;
	_ =	sdelay $0x1  }
0xbd: {  	v8 =	vsel vm3, v8, v21  }
0xbe: {  	[tilespmem:v4+s1+$0x0 ss:$0x1] =	vst.idx.msk $0xffff, v8;
	v8 =	vsel vm3, v58, v55  }
0xbf: {  	[tilespmem:s8+$0x16080] =	vst v8  }
0xc0: {  	v8 =	vld [tilespmem:s19+$0x1000]  }
0xc1: {  	v22 =	vld [tilespmem:s19+$0x1010];
	_ =	sdelay $0x2  }
0xc2: {  	s8 =	sadd.s32 s31, s12  }
0xc3: {  	s1 =	sor.u32 s20, s8  }
0xc4: {  	s1 =	sor.u32 s30, s1;
	v8 =	vperm.xlane v8, v1;
	v9 =	vperm.xlane v22, v2  }
0xc5: {  	v23 =	vld [tilespmem:s1+$0x16080]  }
0xc6: {  	v8 =	vsel vm5, v8, v9  }
0xc7: {  	v8 =	vnsel vm2, $0x0, v8  }
0xc8: {  	v24 =	vsub.f32 $1.000000000e+00, v8;
	_ =	sdelay $0x1  }
0xc9: {  	v9 =	vmul.f32 v24, v23  }
0xca: {  	v25 =	vld [tilespmem:s19+$0xFFFFE000]  }
0xcb: {  	v27 =	vld [tilespmem:s19+$0xFFFFE010];
	v26 =	vadd.f32 v9, v8;
	_ =	sdelay $0x1  }
0xcc: {  	(erf) = vrcp.f32 v26  }
0xcd: {  	v28 =	vld [tilespmem:s1+$0x10080];
	_ =	sdelay $0x1  }
0xce: {  	v11 =	vperm.xlane v25, v1;
	v13 =	vperm.xlane v27, v2;
	_ =	sdelay $0x1  }
0xcf: {  	v11 =	vsel vm5, v11, v13  }
0xd0: {  	v11 =	vmul.f32 v11, v8;
	v29 =	vmul.f32 v28, v9;
	_ =	sdelay $0x1  }
0xd1: {  	v11 =	vadd.f32 v29, v11  }
0xd2: {  	v30 =	vpop (erf)  }
0xd3: {  	v11 =	vmul.f32 v11, v30;
	_ =	sdelay $0x1  }
0xd4: {  	v11 =	vsel vm2, v11, v28  }
0xd5: {  	[tilespmem:s1+$0x10080] =	vst v11  }
0xd6: {  	v11 =	vld [tilespmem:s19+$0xFFFFF000]  }
0xd7: {  	v31 =	vld [tilespmem:s19+$0xFFFFF010]  }
0xd8: {  	s9 =	sadd.s32 s31, s17  }
0xd9: {  	s8 =	sadd.s32 s20, s9  }
0xda: {  	v32 =	vld.idx.msk [tilespmem:v5+s8+$0x0 ss:$0x1], $0xffff;
	_ =	sdelay $0x1  }
0xdb: {  	v11 =	vperm.xlane v11, v1;
	v14 =	vperm.xlane v31, v2;
	_ =	sdelay $0x1  }
0xdc: {  	v11 =	vsel vm5, v11, v14  }
0xdd: {  	v33 =	vmul.f32 v32, v9;
	v11 =	vmul.f32 v11, v8;
	_ =	sdelay $0x1  }
0xde: {  	v11 =	vadd.f32 v33, v11;
	_ =	sdelay $0x1  }
0xdf: {  	v11 =	vmul.f32 v11, v30;
	_ =	sdelay $0x1  }
0xe0: {  	v11 =	vsel vm2, v11, v32  }
0xe1: {  	[tilespmem:v5+s8+$0x0 ss:$0x1] =	vst.idx.msk $0xffff, v11  }
0xe2: {  	v11 =	vld [tilespmem:s19+$0x0]  }
0xe3: {  	v34 =	vld [tilespmem:s19+$0x10]  }
0xe4: {  	s9 =	sadd.s32 s31, s4  }
0xe5: {  	s8 =	sadd.s32 s20, s9  }
0xe6: {  	v35 =	vld.idx.msk [tilespmem:v5+s8+$0x0 ss:$0x1], $0xffff;
	_ =	sdelay $0x1  }
0xe7: {  	v11 =	vperm.xlane v11, v1;
	v14 =	vperm.xlane v34, v2;
	_ =	sdelay $0x1  }
0xe8: {  	v11 =	vsel vm5, v11, v14  }
0xe9: {  	v9 =	vmul.f32 v35, v9;
	v8 =	vmul.f32 v11, v8;
	_ =	sdelay $0x1  }
0xea: {  	v8 =	vadd.f32 v9, v8;
	_ =	sdelay $0x1  }
0xeb: {  	v8 =	vmul.f32 v8, v30;
	_ =	sdelay $0x1  }
0xec: {  	v8 =	vsel vm2, v8, v35  }
0xed: {  	[tilespmem:v5+s8+$0x0 ss:$0x1] =	vst.idx.msk $0xffff, v8;
	v8 =	vsel vm2, v26, v23  }
0xee: {  	[tilespmem:s1+$0x16080] =	vst v8  }
0xef: {  	v8 =	vld [tilespmem:s19+$0x1010]  }
0xf0: {  	v36 =	vld [tilespmem:s19+$0x1020];
	_ =	sdelay $0x2  }
0xf1: {  	s8 =	sadd.s32 s2, s12  }
0xf2: {  	s1 =	sor.u32 s20, s8  }
0xf3: {  	s1 =	sor.u32 s0, s1;
	v8 =	vperm.xlane v8, v1;
	v9 =	vperm.xlane v36, v2  }
0xf4: {  	v37 =	vld [tilespmem:s1+$0x16080]  }
0xf5: {  	v8 =	vsel vm5, v8, v9  }
0xf6: {  	v8 =	vnsel vm1, $0x0, v8  }
0xf7: {  	v38 =	vsub.f32 $1.000000000e+00, v8;
	_ =	sdelay $0x1  }
0xf8: {  	v9 =	vmul.f32 v38, v37  }
0xf9: {  	v39 =	vld [tilespmem:s19+$0xFFFFE010]  }
0xfa: {  	v41 =	vld [tilespmem:s19+$0xFFFFE020];
	v40 =	vadd.f32 v9, v8;
	_ =	sdelay $0x1  }
0xfb: {  	(erf) = vrcp.f32 v40  }
0xfc: {  	v42 =	vld [tilespmem:s1+$0x10080];
	_ =	sdelay $0x1  }
0xfd: {  	v11 =	vperm.xlane v39, v1;
	v13 =	vperm.xlane v41, v2;
	_ =	sdelay $0x1  }
0xfe: {  	v11 =	vsel vm5, v11, v13  }
0xff: {  	v11 =	vmul.f32 v11, v8;
	v43 =	vmul.f32 v42, v9;
	_ =	sdelay $0x1  }
0x100: {  	v11 =	vadd.f32 v43, v11  }
0x101: {  	v44 =	vpop (erf)  }
0x102: {  	v11 =	vmul.f32 v11, v44;
	_ =	sdelay $0x1  }
0x103: {  	v11 =	vsel vm1, v11, v42  }
0x104: {  	[tilespmem:s1+$0x10080] =	vst v11  }
0x105: {  	v11 =	vld [tilespmem:s19+$0xFFFFF010]  }
0x106: {  	v45 =	vld [tilespmem:s19+$0xFFFFF020]  }
0x107: {  	s9 =	sadd.s32 s2, s17  }
0x108: {  	s8 =	sadd.s32 s20, s9  }
0x109: {  	v46 =	vld.idx.msk [tilespmem:v6+s8+$0x0 ss:$0x1], $0xffff;
	_ =	sdelay $0x1  }
0x10a: {  	v11 =	vperm.xlane v11, v1;
	v14 =	vperm.xlane v45, v2;
	_ =	sdelay $0x1  }
0x10b: {  	v11 =	vsel vm5, v11, v14  }
0x10c: {  	v47 =	vmul.f32 v46, v9;
	v11 =	vmul.f32 v11, v8;
	_ =	sdelay $0x1  }
0x10d: {  	v11 =	vadd.f32 v47, v11;
	_ =	sdelay $0x1  }
0x10e: {  	v11 =	vmul.f32 v11, v44;
	_ =	sdelay $0x1  }
0x10f: {  	v11 =	vsel vm1, v11, v46  }
0x110: {  	[tilespmem:v6+s8+$0x0 ss:$0x1] =	vst.idx.msk $0xffff, v11  }
0x111: {  	v11 =	vld [tilespmem:s19+$0x10]  }
0x112: {  	v48 =	vld [tilespmem:s19+$0x20]  }
0x113: {  	s9 =	sadd.s32 s2, s4  }
0x114: {  	s8 =	sadd.s32 s20, s9  }
0x115: {  	v49 =	vld.idx.msk [tilespmem:v6+s8+$0x0 ss:$0x1], $0xffff;
	_ =	sdelay $0x1  }
0x116: {  	v11 =	vperm.xlane v11, v1;
	v14 =	vperm.xlane v48, v2;
	_ =	sdelay $0x1  }
0x117: {  	v11 =	vsel vm5, v11, v14  }
0x118: {  	v9 =	vmul.f32 v49, v9;
	v8 =	vmul.f32 v11, v8;
	_ =	sdelay $0x1  }
0x119: {  	v8 =	vadd.f32 v9, v8;
	_ =	sdelay $0x1  }
0x11a: {  	v8 =	vmul.f32 v8, v44;
	_ =	sdelay $0x1  }
0x11b: {  	v8 =	vsel vm1, v8, v49  }
0x11c: {  	[tilespmem:v6+s8+$0x0 ss:$0x1] =	vst.idx.msk $0xffff, v8;
	v8 =	vsel vm1, v40, v37  }
0x11d: {  	[tilespmem:s1+$0x16080] =	vst v8  }
0x11e: {  	v8 =	vld [tilespmem:s19+$0x1020];
	_ =	sdelay $0x2  }
0x11f: {  	s12 =	sadd.s32 s14, s12  }
0x120: {  	s1 =	sor.u32 s20, s12  }
0x121: {  	s1 =	sor.u32 s13, s1;
	v50 =	vperm.xlane v8, v1;
	v8 =	vperm.xlane v8, v2  }
0x122: {  	v51 =	vld [tilespmem:s1+$0x16080]  }
0x123: {  	v8 =	vsel vm5, v50, v8  }
0x124: {  	v8 =	vnsel vm0, $0x0, v8  }
0x125: {  	v52 =	vsub.f32 $1.000000000e+00, v8;
	_ =	sdelay $0x1  }
0x126: {  	v9 =	vmul.f32 v52, v51;
	_ =	sdelay $0x1  }
0x127: {  	v54 =	vld [tilespmem:s19+$0xFFFFE020];
	v53 =	vadd.f32 v9, v8;
	_ =	sdelay $0x1  }
0x128: {  	(erf) = vrcp.f32 v53  }
0x129: {  	v55 =	vld [tilespmem:s1+$0x10080];
	_ =	sdelay $0x1  }
0x12a: {  	v56 =	vperm.xlane v54, v1;
	v12 =	vperm.xlane v54, v2;
	_ =	sdelay $0x1  }
0x12b: {  	v12 =	vsel vm5, v56, v12  }
0x12c: {  	v12 =	vmul.f32 v12, v8;
	v57 =	vmul.f32 v55, v9;
	_ =	sdelay $0x1  }
0x12d: {  	v12 =	vadd.f32 v57, v12  }
0x12e: {  	v58 =	vpop (erf)  }
0x12f: {  	v12 =	vmul.f32 v12, v58;
	_ =	sdelay $0x1  }
0x130: {  	v12 =	vsel vm0, v12, v55  }
0x131: {  	[tilespmem:s1+$0x10080] =	vst v12  }
0x132: {  	v12 =	vld [tilespmem:s19+$0xFFFFF020]  }
0x133: {  	s17 =	sadd.s32 s14, s17  }
0x134: {  	s8 =	sadd.s32 s20, s17  }
0x135: {  	v59 =	vld.idx.msk [tilespmem:v7+s8+$0x0 ss:$0x1], $0xffff;
	_ =	sdelay $0x1  }
0x136: {  	v60 =	vperm.xlane v12, v1;
	v12 =	vperm.xlane v12, v2;
	_ =	sdelay $0x1  }
0x137: {  	v12 =	vsel vm5, v60, v12  }
0x138: {  	v61 =	vmul.f32 v59, v9;
	v12 =	vmul.f32 v12, v8;
	_ =	sdelay $0x1  }
0x139: {  	v12 =	vadd.f32 v61, v12;
	_ =	sdelay $0x1  }
0x13a: {  	v12 =	vmul.f32 v12, v58;
	_ =	sdelay $0x1  }
0x13b: {  	v12 =	vsel vm0, v12, v59  }
0x13c: {  	[tilespmem:v7+s8+$0x0 ss:$0x1] =	vst.idx.msk $0xffff, v12  }
0x13d: {  	v12 =	vld [tilespmem:s19+$0x20]  }
0x13e: {  	s4 =	sadd.s32 s14, s4  }
0x13f: {  	s4 =	sadd.s32 s20, s4  }
0x140: {  	v62 =	vld.idx.msk [tilespmem:v7+s4+$0x0 ss:$0x1], $0xffff;
	_ =	sdelay $0x1  }
0x141: {  	v63 =	vperm.xlane v12, v1;
	v12 =	vperm.xlane v12, v2;
	_ =	sdelay $0x1  }
0x142: {  	v12 =	vsel vm5, v63, v12  }
0x143: {  	v9 =	vmul.f32 v62, v9;
	v8 =	vmul.f32 v12, v8;
	_ =	sdelay $0x1  }
0x144: {  	v8 =	vadd.f32 v9, v8  }
0x145: {  	p0 =	sne.s32 s24, $0x1  }
.Ltmp7:
0x146: {  	v8 =	vmul.f32 v8, v58;
	(pc) =	sbr.rel @p0 .LBB2_7-.Ltmp7, $4  }
0x147: {  	_ = 	snop  }
0x148: {  	v8 =	vsel vm0, v8, v62  }
0x149: {  	s15 =	sadd.s32 $0x80, s15;
	s16 =	sadd.s32 $0x200, s16;
	[tilespmem:v7+s4+$0x0 ss:$0x1] =	vst.idx.msk $0xffff, v8;
	v8 =	vsel vm0, v53, v51  }
0x14a: {  	s18 =	sadd.s32 $0x40, s18;
	s24 =	sadd.s32 $0xFFFFFFFF, s24;
	s19 =	sadd.s32 $0x40, s19;
	[tilespmem:s1+$0x16080] =	vst v8  }
.Ltmp8:
0x14b: {  	_ = 	snop;
	(pc) =	sbr.rel .LBB2_8-.Ltmp8, $1  }
0x14c: {  	_ =	sdelay $0x3  }
.LBB2_2:
0x14d: {  	s0 =	rddreg [dreg:$0x5];
	s8 =	simm.s32 $0x40  }
.Ltmp9:
0x14e: {  	s12 =	simm.s32 $0x8000;
	s13 =	simm.s32 $0x400;
	(pc) =	sbr.rel .LBB2_10-.Ltmp9, $4  }
0x14f: {  	[hbm:s1@s12], [sflag:s0] =	dma.strided [hbm:s6@s13], $0xC00, s8, $0x10   }
0x150: {  	_ =	swait.ge [sflag:s11], $0xC00  }
0x151: {  	[sflag:s11] =	ssyncset.done $0x0  }
0x152: {  	[sflag:s11] =	ssyncadd.s32 $0xFFFFF400  }
.LBB2_11:
0x153: {  	_ =	sfence.sel $0x180000  }
0x154: {  	[bflag:$0x0] =	sbarrier.arrive $0xFFFF  }
0x155: {  	_ =	strace $0x90000047  }
0x156: {  	s0 =	stileid.u32;
	[bflag:$0x2] =	sbarrier.arrive $0xFFFF  }
0x157: {  	p0 =	sne.s32 s0, $0x0;
	s0 =	rddreg [dreg:$0x2]  }
0x158: {  	s0 =	sadd.s32 @!p0 $0x100000, s0  }
0x159: {  	[sflag:s0] =	ssyncadd.tile.s32 @!p0 $0x1;
	_ =	shalt  }
.Lfunc_end2:
_tile_overlayer_lowered:
.L_overlay_start_2:
0x15a: {  	(tag) =	ssettag $0x2  }
0x15b: {  	s0 =	rddreg [dreg:$0x0];
	s2 =	stileid.u32  }
0x15c: {  	s1 =	rddreg [dreg:$0x1];
	p0 =	sne.s32 s2, $0x0  }
0x15d: {  	s3 =	rddreg [dreg:$0x2];
	[bflag:$0x3] =	sbarrier.arrive $0xFFFF;
	s2 =	simm.s32 @!p0 $0x1C01  }
0x15e: {  	[timem:s3], [sflag:s2] =	dma.local @!p0 [hbm:s0], s1  }
0x15f: {  	s0 =	simm.s32 @!p0 $0x1  }
0x160: {  	_ =	swait.ge @!p0 [sflag:s0], s1  }
0x161: {  	s1 =	ssub.s32 @!p0 $0x0, s1;
	[sflag:s0] =	ssyncset.done @!p0 $0x0  }
0x162: {  	[sflag:s0] =	ssyncadd.s32 @!p0 s1  }
0x163: {  	[bflag:$0x3] =	sbarrier.arrive $0xFFFF  }
0x164: {  	_ =	shalt  }

</sc_bundles>
